<compile_context>
chip_gen: v7x
topology: tpu7x:2x2x1
jax: 0.10.2.dev20260603
libtpu: 0.0.44.dev20260713+nightly
codegen_flags: <defaults>
</compile_context>

<pallas_src>
import functools

import jax
import jax.numpy as jnp
from jax import lax
from jax.experimental import pallas as pl
from jax.experimental.pallas import tpu as pltpu
from jax.experimental.pallas import tpu_sc as plsc

NUM_CLASSES = 1000
NUM_EXAMPLES = 4096
NUM_FEATURES = 26
NUM_WORKERS = 32
EB = NUM_EXAMPLES // NUM_WORKERS
NBUF = 5
CW = NUM_CLASSES // NBUF
LANES = 16

_mesh = plsc.VectorSubcoreMesh(core_axis_name="c", subcore_axis_name="s")


@functools.partial(
    pl.kernel,
    out_type=jax.ShapeDtypeStruct(
        (NUM_FEATURES, NUM_CLASSES, NUM_EXAMPLES), jnp.int32),
    mesh=_mesh,
    compiler_params=pltpu.CompilerParams(needs_layout_passes=False),
    scratch_types=[
        pltpu.VMEM((3, EB), jnp.int32),
        pltpu.VMEM((CW, EB), jnp.int32),
        pltpu.VMEM((CW, EB), jnp.int32),
        pltpu.VMEM((CW, EB), jnp.int32),
        pltpu.VMEM((CW, EB), jnp.int32),
        pltpu.VMEM((CW, EB), jnp.int32),
        pltpu.SemaphoreType.DMA,
        pltpu.SemaphoreType.DMA,
        pltpu.SemaphoreType.DMA,
        pltpu.SemaphoreType.DMA,
        pltpu.SemaphoreType.DMA,
        pltpu.SemaphoreType.DMA,
    ],
)
def _onehot_sc(idx_hbm, out_hbm, idxrow, b0, b1, b2, b3, b4,
               s0, s1, s2, s3, s4, si):
    wid = lax.axis_index("s") * 2 + lax.axis_index("c")
    e0 = wid * EB

    zeros16 = jnp.zeros((LANES,), jnp.int32)
    ones16 = jnp.ones((LANES,), jnp.int32)
    lane = lax.iota(jnp.int32, LANES)

    bufs = (b0, b1, b2, b3, b4)
    sems = (s0, s1, s2, s3, s4)
    groups = EB // LANES

    def row_copy(f, slot):
        return pltpu.make_async_copy(
            idx_hbm.at[f, pl.ds(e0, EB)], idxrow.at[slot], si)

    def scatter(slot, h, buf, val):
        c0 = h * CW
        for g in range(groups):
            idxv = idxrow[slot, pl.ds(g * LANES, LANES)]
            crel = idxv - c0
            mask = (crel >= 0) & (crel < CW)
            erel = lane + g * LANES
            plsc.store_scatter(buf, [crel, erel], val, mask=mask)

    def out_copy(f, h, buf, sem):
        return pltpu.make_async_copy(
            buf, out_hbm.at[f, pl.ds(h * CW, CW), pl.ds(e0, EB)], sem)

    row_copy(0, 0).start()

    def memset(buf):
        def step(i, carry):
            r = i // groups
            c = (i % groups) * LANES
            buf[r, pl.ds(c, LANES)] = zeros16
            return carry
        lax.fori_loop(0, CW * groups, step, 0, unroll=8)

    for b in range(NBUF):
        memset(bufs[b])
        if b == 0:
            row_copy(0, 0).wait()
        scatter(0, b, bufs[b], ones16)
        out_copy(0, b, bufs[b], sems[b]).start()
    row_copy(1, 1).start()

    def outer(f, carry):
        slot = lax.rem(f, 3)
        slot_prev = lax.rem(f - 1, 3)

        @pl.when(f < NUM_FEATURES - 1)
        def _():
            row_copy(f + 1, lax.rem(f + 1, 3)).start()

        row_copy(f, slot).wait()
        for b in range(NBUF):
            out_copy(f - 1, b, bufs[b], sems[b]).wait()
            scatter(slot_prev, b, bufs[b], zeros16)
            scatter(slot, b, bufs[b], ones16)
            out_copy(f, b, bufs[b], sems[b]).start()
        return carry

    lax.fori_loop(1, NUM_FEATURES, outer, 0)

    for b in range(NBUF):
        out_copy(NUM_FEATURES - 1, b, bufs[b], sems[b]).wait()


def kernel(inputs):
    out_t = _onehot_sc(inputs.T)
    return jnp.transpose(out_t, (2, 0, 1))

# --- scband reference (transcript-rebuilt; emitter-appended) ---
"""Pipeline reference for scband-one-hot-encoder-31645319037391 (READ-ONLY COPY).

The authoritative reference and input builder live on the scoring server;
editing this copy changes nothing except your own understanding.
"""

import jax, jax.numpy as jnp
import numpy as np

NUM_OUTPUTS = 1000


def setup_inputs(seed: int = 0) -> dict:
    key = jax.random.key(seed)
    inputs = jax.random.randint(key, (4096, 26), 0, NUM_OUTPUTS, dtype=jnp.int32)
    return {"inputs": inputs}


def reference(inputs):
    # Faithful to tf.cast(tf.one_hot(inputs, num_outputs, axis=-1), tf.int32)
    # one_hot is a scatter/gather-style op: each index selects one position
    # in a depth-NUM_OUTPUTS vector set to 1, rest 0.
    oh = jax.nn.one_hot(inputs, NUM_OUTPUTS, axis=-1, dtype=jnp.float32)
    return oh.astype(jnp.int32)

if __name__ == "__main__":
    import jax
    _d = setup_inputs()
    print(jax.jit(kernel)(*tuple(_d.values())))

</pallas_src>

<mosaic_0001>
#map = affine_map<(d0, d1) -> (0, 0)>
#map1 = affine_map<(d0, d1) -> (0, 0, 0)>
module attributes {stable_mosaic.version = 14 : i64} {
  func.func @_onehot_sc(%arg0: i32, %arg1: i32, %arg2: memref<26x4096xi32, #tpu.memory_space<hbm>>, %arg3: memref<26x1000x4096xi32, #tpu.memory_space<hbm>>, %arg4: memref<3x128xi32, #tpu.memory_space<vmem>>, %arg5: memref<200x128xi32, #tpu.memory_space<vmem>>, %arg6: memref<200x128xi32, #tpu.memory_space<vmem>>, %arg7: memref<200x128xi32, #tpu.memory_space<vmem>>, %arg8: memref<200x128xi32, #tpu.memory_space<vmem>>, %arg9: memref<200x128xi32, #tpu.memory_space<vmem>>, %arg10: memref<!tpu.dma_semaphore, #tpu.memory_space<semaphore_mem>>, %arg11: memref<!tpu.dma_semaphore, #tpu.memory_space<semaphore_mem>>, %arg12: memref<!tpu.dma_semaphore, #tpu.memory_space<semaphore_mem>>, %arg13: memref<!tpu.dma_semaphore, #tpu.memory_space<semaphore_mem>>, %arg14: memref<!tpu.dma_semaphore, #tpu.memory_space<semaphore_mem>>, %arg15: memref<!tpu.dma_semaphore, #tpu.memory_space<semaphore_mem>>) attributes {dimension_semantics = [#tpu.dimension_semantics<core_parallel>, #tpu.dimension_semantics<subcore_parallel>], iteration_bounds = array<i64: 2, 16>, scalar_prefetch = 0 : i64, scratch_operands = 12 : i64, tpu.core_type = #tpu.core_type<sc_vector_subcore>, window_params = [{transform_indices = #map}, {transform_indices = #map1}]} {
    %mul3A = arith.constant 2 : i32
    %mul3A_0 = arith.muli %arg1, %mul3A : i32
    %add3A = arith.addi %mul3A_0, %arg0 : i32
    %mul3A_1 = arith.constant 128 : i32
    %mul3A_2 = arith.muli %add3A, %mul3A_1 : i32
    %broadcast_in_dim3A = arith.constant 0 : i32
    %broadcast_in_dim3A_3 = vector.broadcast %broadcast_in_dim3A : i32 to vector<16xi32>
    %broadcast_in_dim3A_4 = arith.constant 1 : i32
    %broadcast_in_dim3A_5 = vector.broadcast %broadcast_in_dim3A_4 : i32 to vector<16xi32>
    %iota3A = tpu.iota {dimensions = array<i32: 0>} : vector<16xi32>
    %dma_start3A = arith.constant 0 : i32
    %dma_start3A_6 = arith.constant 0 : i32
    %dma_start3A_7 = arith.constant 0 : i32
    %dma_start3A_8 = tpu.memref_slice %arg4[%dma_start3A_6, %dma_start3A_7] : memref<3x128xi32, #tpu.memory_space<vmem>> -> memref<1x128xi32, #tpu.memory_space<vmem>>
    %dma_start3A_9 = tpu.memref_squeeze %dma_start3A_8 : memref<1x128xi32, #tpu.memory_space<vmem>> -> memref<128xi32, #tpu.memory_space<vmem>>
    %dma_start3A_10 = tpu.memref_slice %arg2[%dma_start3A, %mul3A_2] : memref<26x4096xi32, #tpu.memory_space<hbm>> -> memref<1x128xi32, #tpu.memory_space<hbm>>
    %dma_start3A_11 = tpu.memref_squeeze %dma_start3A_10 : memref<1x128xi32, #tpu.memory_space<hbm>> -> memref<128xi32, #tpu.memory_space<hbm>>
    %dma_start3A_12 = arith.constant 0 : i32
    %dma_start3A_13 = tpu.memref_slice %arg4[%dma_start3A_6, %dma_start3A_12] : memref<3x128xi32, #tpu.memory_space<vmem>> -> memref<1x128xi32, #tpu.memory_space<vmem>>
    %dma_start3A_14 = tpu.memref_squeeze %dma_start3A_13 : memref<1x128xi32, #tpu.memory_space<vmem>> -> memref<128xi32, #tpu.memory_space<vmem>>
    %dma_start3A_15 = tpu.memref_slice %arg2[%dma_start3A, %mul3A_2] : memref<26x4096xi32, #tpu.memory_space<hbm>> -> memref<1x128xi32, #tpu.memory_space<hbm>>
    %dma_start3A_16 = tpu.memref_squeeze %dma_start3A_15 : memref<1x128xi32, #tpu.memory_space<hbm>> -> memref<128xi32, #tpu.memory_space<hbm>>
    tpu.enqueue_dma source(%dma_start3A_16 : memref<128xi32, #tpu.memory_space<hbm>>) target(%dma_start3A_14 : memref<128xi32, #tpu.memory_space<vmem>>) target_semaphore(%arg15 : memref<!tpu.dma_semaphore, #tpu.memory_space<semaphore_mem>>)
    %scan3A = arith.constant 0 : i32
    %scan3A_17 = arith.constant 0 : i32
    %scan3A_18 = arith.constant 1600 : i32
    %scan3A_19 = arith.addi %scan3A_17, %scan3A_18 : i32
    %scan3A_20 = arith.constant 8 : i32
    scf.for %scan3A_820 = %scan3A_17 to %scan3A_19 step %scan3A_20  : i32 {
      %jit3A = arith.constant 8 : i32
      %div3A = arith.divsi %scan3A_820, %jit3A : i32
      %sign3A = arith.constant 0 : i32
      %sign3A_821 = arith.cmpi sgt, %scan3A_820, %sign3A : i32
      %sign3A_822 = arith.extui %sign3A_821 : i1 to i32
      %sign3A_823 = arith.constant 0 : i32
      %sign3A_824 = arith.cmpi slt, %scan3A_820, %sign3A_823 : i32
      %sign3A_825 = arith.extui %sign3A_824 : i1 to i32
      %sign3A_826 = arith.subi %sign3A_822, %sign3A_825 : i32
      %sign3A_827 = arith.constant 0 : i32
      %sign3A_828 = arith.cmpi sgt, %jit3A, %sign3A_827 : i32
      %sign3A_829 = arith.extui %sign3A_828 : i1 to i32
      %sign3A_830 = arith.constant 0 : i32
      %sign3A_831 = arith.cmpi slt, %jit3A, %sign3A_830 : i32
      %sign3A_832 = arith.extui %sign3A_831 : i1 to i32
      %sign3A_833 = arith.subi %sign3A_829, %sign3A_832 : i32
      %ne3A = arith.cmpi ne, %sign3A_826, %sign3A_833 : i32
      %rem3A = arith.remsi %scan3A_820, %jit3A : i32
      %ne3A_834 = arith.constant 0 : i32
      %ne3A_835 = arith.cmpi ne, %rem3A, %ne3A_834 : i32
      %and3A_836 = arith.andi %ne3A, %ne3A_835 : i1
      %sub3A_837 = arith.constant 1 : i32
      %sub3A_838 = arith.subi %div3A, %sub3A_837 : i32
      %select_n3A = arith.select %and3A_836, %sub3A_838, %div3A : i32
      %jit3A_839 = arith.constant 8 : i32
      %eq3A = arith.constant 0 : i32
      %eq3A_840 = arith.cmpi eq, %jit3A_839, %eq3A : i32
      %jit3A_841 = arith.constant 1 : i32
      %select_n3A_842 = arith.select %eq3A_840, %jit3A_841, %jit3A_839 : i32
      %rem3A_843 = arith.remsi %scan3A_820, %select_n3A_842 : i32
      %ne3A_844 = arith.constant 0 : i32
      %ne3A_845 = arith.cmpi ne, %rem3A_843, %ne3A_844 : i32
      %lt3A_846 = arith.constant 0 : i32
      %lt3A_847 = arith.cmpi slt, %rem3A_843, %lt3A_846 : i32
      %lt3A_848 = arith.constant 0 : i32
      %lt3A_849 = arith.cmpi slt, %select_n3A_842, %lt3A_848 : i32
      %ne3A_850 = arith.xori %lt3A_847, %lt3A_849 : i1
      %and3A_851 = arith.andi %ne3A_850, %ne3A_845 : i1
      %add3A_852 = arith.addi %rem3A_843, %select_n3A_842 : i32
      %select_n3A_853 = arith.select %and3A_851, %add3A_852, %rem3A_843 : i32
      %mul3A_854 = arith.constant 16 : i32
      %mul3A_855 = arith.muli %select_n3A_853, %mul3A_854 : i32
      %swap3A = arith.index_cast %select_n3A : i32 to index
      %swap3A_856 = arith.index_cast %mul3A_855 : i32 to index
      %swap3A_857 = tpu.vector_load %arg5[%swap3A, %swap3A_856] {strides = array<i32>} : memref<200x128xi32, #tpu.memory_space<vmem>>, vector<16xi32>,
      tpu.vector_store %arg5[%swap3A, %swap3A_856], %broadcast_in_dim3A_3 {strides = array<i32>} : memref<200x128xi32, #tpu.memory_space<vmem>>, vector<16xi32>,
      %scan3A_858 = arith.constant 1 : i32
      %scan3A_859 = arith.addi %scan3A_820, %scan3A_858 : i32
      %jit3A_860 = arith.constant 8 : i32
      %div3A_861 = arith.divsi %scan3A_859, %jit3A_860 : i32
      %sign3A_862 = arith.constant 0 : i32
      %sign3A_863 = arith.cmpi sgt, %scan3A_859, %sign3A_862 : i32
      %sign3A_864 = arith.extui %sign3A_863 : i1 to i32
      %sign3A_865 = arith.constant 0 : i32
      %sign3A_866 = arith.cmpi slt, %scan3A_859, %sign3A_865 : i32
      %sign3A_867 = arith.extui %sign3A_866 : i1 to i32
      %sign3A_868 = arith.subi %sign3A_864, %sign3A_867 : i32
      %sign3A_869 = arith.constant 0 : i32
      %sign3A_870 = arith.cmpi sgt, %jit3A_860, %sign3A_869 : i32
      %sign3A_871 = arith.extui %sign3A_870 : i1 to i32
      %sign3A_872 = arith.constant 0 : i32
      %sign3A_873 = arith.cmpi slt, %jit3A_860, %sign3A_872 : i32
      %sign3A_874 = arith.extui %sign3A_873 : i1 to i32
      %sign3A_875 = arith.subi %sign3A_871, %sign3A_874 : i32
      %ne3A_876 = arith.cmpi ne, %sign3A_868, %sign3A_875 : i32
      %rem3A_877 = arith.remsi %scan3A_859, %jit3A_860 : i32
      %ne3A_878 = arith.constant 0 : i32
      %ne3A_879 = arith.cmpi ne, %rem3A_877, %ne3A_878 : i32
      %and3A_880 = arith.andi %ne3A_876, %ne3A_879 : i1
      %sub3A_881 = arith.constant 1 : i32
      %sub3A_882 = arith.subi %div3A_861, %sub3A_881 : i32
      %select_n3A_883 = arith.select %and3A_880, %sub3A_882, %div3A_861 : i32
      %jit3A_884 = arith.constant 8 : i32
      %eq3A_885 = arith.constant 0 : i32
      %eq3A_886 = arith.cmpi eq, %jit3A_884, %eq3A_885 : i32
      %jit3A_887 = arith.constant 1 : i32
      %select_n3A_888 = arith.select %eq3A_886, %jit3A_887, %jit3A_884 : i32
      %rem3A_889 = arith.remsi %scan3A_859, %select_n3A_888 : i32
      %ne3A_890 = arith.constant 0 : i32
      %ne3A_891 = arith.cmpi ne, %rem3A_889, %ne3A_890 : i32
      %lt3A_892 = arith.constant 0 : i32
      %lt3A_893 = arith.cmpi slt, %rem3A_889, %lt3A_892 : i32
      %lt3A_894 = arith.constant 0 : i32
      %lt3A_895 = arith.cmpi slt, %select_n3A_888, %lt3A_894 : i32
      %ne3A_896 = arith.xori %lt3A_893, %lt3A_895 : i1
      %and3A_897 = arith.andi %ne3A_896, %ne3A_891 : i1
      %add3A_898 = arith.addi %rem3A_889, %select_n3A_888 : i32
      %select_n3A_899 = arith.select %and3A_897, %add3A_898, %rem3A_889 : i32
      %mul3A_900 = arith.constant 16 : i32
      %mul3A_901 = arith.muli %select_n3A_899, %mul3A_900 : i32
      %swap3A_902 = arith.index_cast %select_n3A_883 : i32 to index
      %swap3A_903 = arith.index_cast %mul3A_901 : i32 to index
      %swap3A_904 = tpu.vector_load %arg5[%swap3A_902, %swap3A_903] {strides = array<i32>} : memref<200x128xi32, #tpu.memory_space<vmem>>, vector<16xi32>,
      tpu.vector_store %arg5[%swap3A_902, %swap3A_903], %broadcast_in_dim3A_3 {strides = array<i32>} : memref<200x128xi32, #tpu.memory_space<vmem>>, vector<16xi32>,
      %scan3A_905 = arith.constant 2 : i32
      %scan3A_906 = arith.addi %scan3A_820, %scan3A_905 : i32
      %jit3A_907 = arith.constant 8 : i32
      %div3A_908 = arith.divsi %scan3A_906, %jit3A_907 : i32
      %sign3A_909 = arith.constant 0 : i32
      %sign3A_910 = arith.cmpi sgt, %scan3A_906, %sign3A_909 : i32
      %sign3A_911 = arith.extui %sign3A_910 : i1 to i32
      %sign3A_912 = arith.constant 0 : i32
      %sign3A_913 = arith.cmpi slt, %scan3A_906, %sign3A_912 : i32
      %sign3A_914 = arith.extui %sign3A_913 : i1 to i32
      %sign3A_915 = arith.subi %sign3A_911, %sign3A_914 : i32
      %sign3A_916 = arith.constant 0 : i32
      %sign3A_917 = arith.cmpi sgt, %jit3A_907, %sign3A_916 : i32
      %sign3A_918 = arith.extui %sign3A_917 : i1 to i32
      %sign3A_919 = arith.constant 0 : i32
      %sign3A_920 = arith.cmpi slt, %jit3A_907, %sign3A_919 : i32
      %sign3A_921 = arith.extui %sign3A_920 : i1 to i32
      %sign3A_922 = arith.subi %sign3A_918, %sign3A_921 : i32
      %ne3A_923 = arith.cmpi ne, %sign3A_915, %sign3A_922 : i32
      %rem3A_924 = arith.remsi %scan3A_906, %jit3A_907 : i32
      %ne3A_925 = arith.constant 0 : i32
      %ne3A_926 = arith.cmpi ne, %rem3A_924, %ne3A_925 : i32
      %and3A_927 = arith.andi %ne3A_923, %ne3A_926 : i1
      %sub3A_928 = arith.constant 1 : i32
      %sub3A_929 = arith.subi %div3A_908, %sub3A_928 : i32
      %select_n3A_930 = arith.select %and3A_927, %sub3A_929, %div3A_908 : i32
      %jit3A_931 = arith.constant 8 : i32
      %eq3A_932 = arith.constant 0 : i32
      %eq3A_933 = arith.cmpi eq, %jit3A_931, %eq3A_932 : i32
      %jit3A_934 = arith.constant 1 : i32
      %select_n3A_935 = arith.select %eq3A_933, %jit3A_934, %jit3A_931 : i32
      %rem3A_936 = arith.remsi %scan3A_906, %select_n3A_935 : i32
      %ne3A_937 = arith.constant 0 : i32
      %ne3A_938 = arith.cmpi ne, %rem3A_936, %ne3A_937 : i32
      %lt3A_939 = arith.constant 0 : i32
      %lt3A_940 = arith.cmpi slt, %rem3A_936, %lt3A_939 : i32
      %lt3A_941 = arith.constant 0 : i32
      %lt3A_942 = arith.cmpi slt, %select_n3A_935, %lt3A_941 : i32
      %ne3A_943 = arith.xori %lt3A_940, %lt3A_942 : i1
      %and3A_944 = arith.andi %ne3A_943, %ne3A_938 : i1
      %add3A_945 = arith.addi %rem3A_936, %select_n3A_935 : i32
      %select_n3A_946 = arith.select %and3A_944, %add3A_945, %rem3A_936 : i32
      %mul3A_947 = arith.constant 16 : i32
      %mul3A_948 = arith.muli %select_n3A_946, %mul3A_947 : i32
      %swap3A_949 = arith.index_cast %select_n3A_930 : i32 to index
      %swap3A_950 = arith.index_cast %mul3A_948 : i32 to index
      %swap3A_951 = tpu.vector_load %arg5[%swap3A_949, %swap3A_950] {strides = array<i32>} : memref<200x128xi32, #tpu.memory_space<vmem>>, vector<16xi32>,
      tpu.vector_store %arg5[%swap3A_949, %swap3A_950], %broadcast_in_dim3A_3 {strides = array<i32>} : memref<200x128xi32, #tpu.memory_space<vmem>>, vector<16xi32>,
      %scan3A_952 = arith.constant 3 : i32
      %scan3A_953 = arith.addi %scan3A_820, %scan3A_952 : i32
      %jit3A_954 = arith.constant 8 : i32
      %div3A_955 = arith.divsi %scan3A_953, %jit3A_954 : i32
      %sign3A_956 = arith.constant 0 : i32
      %sign3A_957 = arith.cmpi sgt, %scan3A_953, %sign3A_956 : i32
      %sign3A_958 = arith.extui %sign3A_957 : i1 to i32
      %sign3A_959 = arith.constant 0 : i32
      %sign3A_960 = arith.cmpi slt, %scan3A_953, %sign3A_959 : i32
      %sign3A_961 = arith.extui %sign3A_960 : i1 to i32
      %sign3A_962 = arith.subi %sign3A_958, %sign3A_961 : i32
      %sign3A_963 = arith.constant 0 : i32
      %sign3A_964 = arith.cmpi sgt, %jit3A_954, %sign3A_963 : i32
      %sign3A_965 = arith.extui %sign3A_964 : i1 to i32
      %sign3A_966 = arith.constant 0 : i32
      %sign3A_967 = arith.cmpi slt, %jit3A_954, %sign3A_966 : i32
      %sign3A_968 = arith.extui %sign3A_967 : i1 to i32
      %sign3A_969 = arith.subi %sign3A_965, %sign3A_968 : i32
      %ne3A_970 = arith.cmpi ne, %sign3A_962, %sign3A_969 : i32
      %rem3A_971 = arith.remsi %scan3A_953, %jit3A_954 : i32
      %ne3A_972 = arith.constant 0 : i32
      %ne3A_973 = arith.cmpi ne, %rem3A_971, %ne3A_972 : i32
      %and3A_974 = arith.andi %ne3A_970, %ne3A_973 : i1
      %sub3A_975 = arith.constant 1 : i32
      %sub3A_976 = arith.subi %div3A_955, %sub3A_975 : i32
      %select_n3A_977 = arith.select %and3A_974, %sub3A_976, %div3A_955 : i32
      %jit3A_978 = arith.constant 8 : i32
      %eq3A_979 = arith.constant 0 : i32
      %eq3A_980 = arith.cmpi eq, %jit3A_978, %eq3A_979 : i32
      %jit3A_981 = arith.constant 1 : i32
      %select_n3A_982 = arith.select %eq3A_980, %jit3A_981, %jit3A_978 : i32
      %rem3A_983 = arith.remsi %scan3A_953, %select_n3A_982 : i32
      %ne3A_984 = arith.constant 0 : i32
      %ne3A_985 = arith.cmpi ne, %rem3A_983, %ne3A_984 : i32
      %lt3A_986 = arith.constant 0 : i32
      %lt3A_987 = arith.cmpi slt, %rem3A_983, %lt3A_986 : i32
      %lt3A_988 = arith.constant 0 : i32
      %lt3A_989 = arith.cmpi slt, %select_n3A_982, %lt3A_988 : i32
      %ne3A_990 = arith.xori %lt3A_987, %lt3A_989 : i1
      %and3A_991 = arith.andi %ne3A_990, %ne3A_985 : i1
      %add3A_992 = arith.addi %rem3A_983, %select_n3A_982 : i32
      %select_n3A_993 = arith.select %and3A_991, %add3A_992, %rem3A_983 : i32
      %mul3A_994 = arith.constant 16 : i32
      %mul3A_995 = arith.muli %select_n3A_993, %mul3A_994 : i32
      %swap3A_996 = arith.index_cast %select_n3A_977 : i32 to index
      %swap3A_997 = arith.index_cast %mul3A_995 : i32 to index
      %swap3A_998 = tpu.vector_load %arg5[%swap3A_996, %swap3A_997] {strides = array<i32>} : memref<200x128xi32, #tpu.memory_space<vmem>>, vector<16xi32>,
      tpu.vector_store %arg5[%swap3A_996, %swap3A_997], %broadcast_in_dim3A_3 {strides = array<i32>} : memref<200x128xi32, #tpu.memory_space<vmem>>, vector<16xi32>,
      %scan3A_999 = arith.constant 4 : i32
      %scan3A_1000 = arith.addi %scan3A_820, %scan3A_999 : i32
      %jit3A_1001 = arith.constant 8 : i32
      %div3A_1002 = arith.divsi %scan3A_1000, %jit3A_1001 : i32
      %sign3A_1003 = arith.constant 0 : i32
      %sign3A_1004 = arith.cmpi sgt, %scan3A_1000, %sign3A_1003 : i32
      %sign3A_1005 = arith.extui %sign3A_1004 : i1 to i32
      %sign3A_1006 = arith.constant 0 : i32
      %sign3A_1007 = arith.cmpi slt, %scan3A_1000, %sign3A_1006 : i32
      %sign3A_1008 = arith.extui %sign3A_1007 : i1 to i32
      %sign3A_1009 = arith.subi %sign3A_1005, %sign3A_1008 : i32
      %sign3A_1010 = arith.constant 0 : i32
      %sign3A_1011 = arith.cmpi sgt, %jit3A_1001, %sign3A_1010 : i32
      %sign3A_1012 = arith.extui %sign3A_1011 : i1 to i32
      %sign3A_1013 = arith.constant 0 : i32
      %sign3A_1014 = arith.cmpi slt, %jit3A_1001, %sign3A_1013 : i32
      %sign3A_1015 = arith.extui %sign3A_1014 : i1 to i32
      %sign3A_1016 = arith.subi %sign3A_1012, %sign3A_1015 : i32
      %ne3A_1017 = arith.cmpi ne, %sign3A_1009, %sign3A_1016 : i32
      %rem3A_1018 = arith.remsi %scan3A_1000, %jit3A_1001 : i32
      %ne3A_1019 = arith.constant 0 : i32
      %ne3A_1020 = arith.cmpi ne, %rem3A_1018, %ne3A_1019 : i32
      %and3A_1021 = arith.andi %ne3A_1017, %ne3A_1020 : i1
      %sub3A_1022 = arith.constant 1 : i32
      %sub3A_1023 = arith.subi %div3A_1002, %sub3A_1022 : i32
      %select_n3A_1024 = arith.select %and3A_1021, %sub3A_1023, %div3A_1002 : i32
      %jit3A_1025 = arith.constant 8 : i32
      %eq3A_1026 = arith.constant 0 : i32
      %eq3A_1027 = arith.cmpi eq, %jit3A_1025, %eq3A_1026 : i32
      %jit3A_1028 = arith.constant 1 : i32
      %select_n3A_1029 = arith.select %eq3A_1027, %jit3A_1028, %jit3A_1025 : i32
      %rem3A_1030 = arith.remsi %scan3A_1000, %select_n3A_1029 : i32
      %ne3A_1031 = arith.constant 0 : i32
      %ne3A_1032 = arith.cmpi ne, %rem3A_1030, %ne3A_1031 : i32
      %lt3A_1033 = arith.constant 0 : i32
      %lt3A_1034 = arith.cmpi slt, %rem3A_1030, %lt3A_1033 : i32
      %lt3A_1035 = arith.constant 0 : i32
      %lt3A_1036 = arith.cmpi slt, %select_n3A_1029, %lt3A_1035 : i32
      %ne3A_1037 = arith.xori %lt3A_1034, %lt3A_1036 : i1
      %and3A_1038 = arith.andi %ne3A_1037, %ne3A_1032 : i1
      %add3A_1039 = arith.addi %rem3A_1030, %select_n3A_1029 : i32
      %select_n3A_1040 = arith.select %and3A_1038, %add3A_1039, %rem3A_1030 : i32
      %mul3A_1041 = arith.constant 16 : i32
      %mul3A_1042 = arith.muli %select_n3A_1040, %mul3A_1041 : i32
      %swap3A_1043 = arith.index_cast %select_n3A_1024 : i32 to index
      %swap3A_1044 = arith.index_cast %mul3A_1042 : i32 to index
      %swap3A_1045 = tpu.vector_load %arg5[%swap3A_1043, %swap3A_1044] {strides = array<i32>} : memref<200x128xi32, #tpu.memory_space<vmem>>, vector<16xi32>,
      tpu.vector_store %arg5[%swap3A_1043, %swap3A_1044], %broadcast_in_dim3A_3 {strides = array<i32>} : memref<200x128xi32, #tpu.memory_space<vmem>>, vector<16xi32>,
      %scan3A_1046 = arith.constant 5 : i32
      %scan3A_1047 = arith.addi %scan3A_820, %scan3A_1046 : i32
      %jit3A_1048 = arith.constant 8 : i32
      %div3A_1049 = arith.divsi %scan3A_1047, %jit3A_1048 : i32
      %sign3A_1050 = arith.constant 0 : i32
      %sign3A_1051 = arith.cmpi sgt, %scan3A_1047, %sign3A_1050 : i32
      %sign3A_1052 = arith.extui %sign3A_1051 : i1 to i32
      %sign3A_1053 = arith.constant 0 : i32
      %sign3A_1054 = arith.cmpi slt, %scan3A_1047, %sign3A_1053 : i32
      %sign3A_1055 = arith.extui %sign3A_1054 : i1 to i32
      %sign3A_1056 = arith.subi %sign3A_1052, %sign3A_1055 : i32
      %sign3A_1057 = arith.constant 0 : i32
      %sign3A_1058 = arith.cmpi sgt, %jit3A_1048, %sign3A_1057 : i32
      %sign3A_1059 = arith.extui %sign3A_1058 : i1 to i32
      %sign3A_1060 = arith.constant 0 : i32
      %sign3A_1061 = arith.cmpi slt, %jit3A_1048, %sign3A_1060 : i32
      %sign3A_1062 = arith.extui %sign3A_1061 : i1 to i32
      %sign3A_1063 = arith.subi %sign3A_1059, %sign3A_1062 : i32
      %ne3A_1064 = arith.cmpi ne, %sign3A_1056, %sign3A_1063 : i32
      %rem3A_1065 = arith.remsi %scan3A_1047, %jit3A_1048 : i32
      %ne3A_1066 = arith.constant 0 : i32
      %ne3A_1067 = arith.cmpi ne, %rem3A_1065, %ne3A_1066 : i32
      %and3A_1068 = arith.andi %ne3A_1064, %ne3A_1067 : i1
      %sub3A_1069 = arith.constant 1 : i32
      %sub3A_1070 = arith.subi %div3A_1049, %sub3A_1069 : i32
      %select_n3A_1071 = arith.select %and3A_1068, %sub3A_1070, %div3A_1049 : i32
      %jit3A_1072 = arith.constant 8 : i32
      %eq3A_1073 = arith.constant 0 : i32
      %eq3A_1074 = arith.cmpi eq, %jit3A_1072, %eq3A_1073 : i32
      %jit3A_1075 = arith.constant 1 : i32
      %select_n3A_1076 = arith.select %eq3A_1074, %jit3A_1075, %jit3A_1072 : i32
      %rem3A_1077 = arith.remsi %scan3A_1047, %select_n3A_1076 : i32
      %ne3A_1078 = arith.constant 0 : i32
      %ne3A_1079 = arith.cmpi ne, %rem3A_1077, %ne3A_1078 : i32
      %lt3A_1080 = arith.constant 0 : i32
      %lt3A_1081 = arith.cmpi slt, %rem3A_1077, %lt3A_1080 : i32
      %lt3A_1082 = arith.constant 0 : i32
      %lt3A_1083 = arith.cmpi slt, %select_n3A_1076, %lt3A_1082 : i32
      %ne3A_1084 = arith.xori %lt3A_1081, %lt3A_1083 : i1
      %and3A_1085 = arith.andi %ne3A_1084, %ne3A_1079 : i1
      %add3A_1086 = arith.addi %rem3A_1077, %select_n3A_1076 : i32
      %select_n3A_1087 = arith.select %and3A_1085, %add3A_1086, %rem3A_1077 : i32
      %mul3A_1088 = arith.constant 16 : i32
      %mul3A_1089 = arith.muli %select_n3A_1087, %mul3A_1088 : i32
      %swap3A_1090 = arith.index_cast %select_n3A_1071 : i32 to index
      %swap3A_1091 = arith.index_cast %mul3A_1089 : i32 to index
      %swap3A_1092 = tpu.vector_load %arg5[%swap3A_1090, %swap3A_1091] {strides = array<i32>} : memref<200x128xi32, #tpu.memory_space<vmem>>, vector<16xi32>,
      tpu.vector_store %arg5[%swap3A_1090, %swap3A_1091], %broadcast_in_dim3A_3 {strides = array<i32>} : memref<200x128xi32, #tpu.memory_space<vmem>>, vector<16xi32>,
      %scan3A_1093 = arith.constant 6 : i32
      %scan3A_1094 = arith.addi %scan3A_820, %scan3A_1093 : i32
      %jit3A_1095 = arith.constant 8 : i32
      %div3A_1096 = arith.divsi %scan3A_1094, %jit3A_1095 : i32
      %sign3A_1097 = arith.constant 0 : i32
      %sign3A_1098 = arith.cmpi sgt, %scan3A_1094, %sign3A_1097 : i32
      %sign3A_1099 = arith.extui %sign3A_1098 : i1 to i32
      %sign3A_1100 = arith.constant 0 : i32
      %sign3A_1101 = arith.cmpi slt, %scan3A_1094, %sign3A_1100 : i32
      %sign3A_1102 = arith.extui %sign3A_1101 : i1 to i32
      %sign3A_1103 = arith.subi %sign3A_1099, %sign3A_1102 : i32
      %sign3A_1104 = arith.constant 0 : i32
      %sign3A_1105 = arith.cmpi sgt, %jit3A_1095, %sign3A_1104 : i32
      %sign3A_1106 = arith.extui %sign3A_1105 : i1 to i32
      %sign3A_1107 = arith.constant 0 : i32
      %sign3A_1108 = arith.cmpi slt, %jit3A_1095, %sign3A_1107 : i32
      %sign3A_1109 = arith.extui %sign3A_1108 : i1 to i32
      %sign3A_1110 = arith.subi %sign3A_1106, %sign3A_1109 : i32
      %ne3A_1111 = arith.cmpi ne, %sign3A_1103, %sign3A_1110 : i32
      %rem3A_1112 = arith.remsi %scan3A_1094, %jit3A_1095 : i32
      %ne3A_1113 = arith.constant 0 : i32
      %ne3A_1114 = arith.cmpi ne, %rem3A_1112, %ne3A_1113 : i32
      %and3A_1115 = arith.andi %ne3A_1111, %ne3A_1114 : i1
      %sub3A_1116 = arith.constant 1 : i32
      %sub3A_1117 = arith.subi %div3A_1096, %sub3A_1116 : i32
      %select_n3A_1118 = arith.select %and3A_1115, %sub3A_1117, %div3A_1096 : i32
      %jit3A_1119 = arith.constant 8 : i32
      %eq3A_1120 = arith.constant 0 : i32
      %eq3A_1121 = arith.cmpi eq, %jit3A_1119, %eq3A_1120 : i32
      %jit3A_1122 = arith.constant 1 : i32
      %select_n3A_1123 = arith.select %eq3A_1121, %jit3A_1122, %jit3A_1119 : i32
      %rem3A_1124 = arith.remsi %scan3A_1094, %select_n3A_1123 : i32
      %ne3A_1125 = arith.constant 0 : i32
      %ne3A_1126 = arith.cmpi ne, %rem3A_1124, %ne3A_1125 : i32
      %lt3A_1127 = arith.constant 0 : i32
      %lt3A_1128 = arith.cmpi slt, %rem3A_1124, %lt3A_1127 : i32
      %lt3A_1129 = arith.constant 0 : i32
      %lt3A_1130 = arith.cmpi slt, %select_n3A_1123, %lt3A_1129 : i32
      %ne3A_1131 = arith.xori %lt3A_1128, %lt3A_1130 : i1
      %and3A_1132 = arith.andi %ne3A_1131, %ne3A_1126 : i1
      %add3A_1133 = arith.addi %rem3A_1124, %select_n3A_1123 : i32
      %select_n3A_1134 = arith.select %and3A_1132, %add3A_1133, %rem3A_1124 : i32
      %mul3A_1135 = arith.constant 16 : i32
      %mul3A_1136 = arith.muli %select_n3A_1134, %mul3A_1135 : i32
      %swap3A_1137 = arith.index_cast %select_n3A_1118 : i32 to index
      %swap3A_1138 = arith.index_cast %mul3A_1136 : i32 to index
      %swap3A_1139 = tpu.vector_load %arg5[%swap3A_1137, %swap3A_1138] {strides = array<i32>} : memref<200x128xi32, #tpu.memory_space<vmem>>, vector<16xi32>,
      tpu.vector_store %arg5[%swap3A_1137, %swap3A_1138], %broadcast_in_dim3A_3 {strides = array<i32>} : memref<200x128xi32, #tpu.memory_space<vmem>>, vector<16xi32>,
      %scan3A_1140 = arith.constant 7 : i32
      %scan3A_1141 = arith.addi %scan3A_820, %scan3A_1140 : i32
      %jit3A_1142 = arith.constant 8 : i32
      %div3A_1143 = arith.divsi %scan3A_1141, %jit3A_1142 : i32
      %sign3A_1144 = arith.constant 0 : i32
      %sign3A_1145 = arith.cmpi sgt, %scan3A_1141, %sign3A_1144 : i32
      %sign3A_1146 = arith.extui %sign3A_1145 : i1 to i32
      %sign3A_1147 = arith.constant 0 : i32
      %sign3A_1148 = arith.cmpi slt, %scan3A_1141, %sign3A_1147 : i32
      %sign3A_1149 = arith.extui %sign3A_1148 : i1 to i32
      %sign3A_1150 = arith.subi %sign3A_1146, %sign3A_1149 : i32
      %sign3A_1151 = arith.constant 0 : i32
      %sign3A_1152 = arith.cmpi sgt, %jit3A_1142, %sign3A_1151 : i32
      %sign3A_1153 = arith.extui %sign3A_1152 : i1 to i32
      %sign3A_1154 = arith.constant 0 : i32
      %sign3A_1155 = arith.cmpi slt, %jit3A_1142, %sign3A_1154 : i32
      %sign3A_1156 = arith.extui %sign3A_1155 : i1 to i32
      %sign3A_1157 = arith.subi %sign3A_1153, %sign3A_1156 : i32
      %ne3A_1158 = arith.cmpi ne, %sign3A_1150, %sign3A_1157 : i32
      %rem3A_1159 = arith.remsi %scan3A_1141, %jit3A_1142 : i32
      %ne3A_1160 = arith.constant 0 : i32
      %ne3A_1161 = arith.cmpi ne, %rem3A_1159, %ne3A_1160 : i32
      %and3A_1162 = arith.andi %ne3A_1158, %ne3A_1161 : i1
      %sub3A_1163 = arith.constant 1 : i32
      %sub3A_1164 = arith.subi %div3A_1143, %sub3A_1163 : i32
      %select_n3A_1165 = arith.select %and3A_1162, %sub3A_1164, %div3A_1143 : i32
      %jit3A_1166 = arith.constant 8 : i32
      %eq3A_1167 = arith.constant 0 : i32
      %eq3A_1168 = arith.cmpi eq, %jit3A_1166, %eq3A_1167 : i32
      %jit3A_1169 = arith.constant 1 : i32
      %select_n3A_1170 = arith.select %eq3A_1168, %jit3A_1169, %jit3A_1166 : i32
      %rem3A_1171 = arith.remsi %scan3A_1141, %select_n3A_1170 : i32
      %ne3A_1172 = arith.constant 0 : i32
      %ne3A_1173 = arith.cmpi ne, %rem3A_1171, %ne3A_1172 : i32
      %lt3A_1174 = arith.constant 0 : i32
      %lt3A_1175 = arith.cmpi slt, %rem3A_1171, %lt3A_1174 : i32
      %lt3A_1176 = arith.constant 0 : i32
      %lt3A_1177 = arith.cmpi slt, %select_n3A_1170, %lt3A_1176 : i32
      %ne3A_1178 = arith.xori %lt3A_1175, %lt3A_1177 : i1
      %and3A_1179 = arith.andi %ne3A_1178, %ne3A_1173 : i1
      %add3A_1180 = arith.addi %rem3A_1171, %select_n3A_1170 : i32
      %select_n3A_1181 = arith.select %and3A_1179, %add3A_1180, %rem3A_1171 : i32
      %mul3A_1182 = arith.constant 16 : i32
      %mul3A_1183 = arith.muli %select_n3A_1181, %mul3A_1182 : i32
      %swap3A_1184 = arith.index_cast %select_n3A_1165 : i32 to index
      %swap3A_1185 = arith.index_cast %mul3A_1183 : i32 to index
      %swap3A_1186 = tpu.vector_load %arg5[%swap3A_1184, %swap3A_1185] {strides = array<i32>} : memref<200x128xi32, #tpu.memory_space<vmem>>, vector<16xi32>,
      tpu.vector_store %arg5[%swap3A_1184, %swap3A_1185], %broadcast_in_dim3A_3 {strides = array<i32>} : memref<200x128xi32, #tpu.memory_space<vmem>>, vector<16xi32>,
    }
    %scan3A_21 = arith.constant 1600 : i32
    %dma_wait3A = arith.constant 0 : i32
    %dma_wait3A_22 = arith.constant 0 : i32
    %dma_wait3A_23 = arith.constant 0 : i32
    %dma_wait3A_24 = tpu.memref_slice %arg4[%dma_wait3A_22, %dma_wait3A_23] : memref<3x128xi32, #tpu.memory_space<vmem>> -> memref<1x128xi32, #tpu.memory_space<vmem>>
    %dma_wait3A_25 = tpu.memref_squeeze %dma_wait3A_24 : memref<1x128xi32, #tpu.memory_space<vmem>> -> memref<128xi32, #tpu.memory_space<vmem>>
    %dma_wait3A_26 = tpu.memref_slice %arg2[%dma_wait3A, %mul3A_2] : memref<26x4096xi32, #tpu.memory_space<hbm>> -> memref<1x128xi32, #tpu.memory_space<hbm>>
    %dma_wait3A_27 = tpu.memref_squeeze %dma_wait3A_26 : memref<1x128xi32, #tpu.memory_space<hbm>> -> memref<128xi32, #tpu.memory_space<hbm>>
    %dma_wait3A_28 = arith.constant 0 : i32
    %dma_wait3A_29 = tpu.memref_slice %arg4[%dma_wait3A_22, %dma_wait3A_28] : memref<3x128xi32, #tpu.memory_space<vmem>> -> memref<1x128xi32, #tpu.memory_space<vmem>>
    %dma_wait3A_30 = tpu.memref_squeeze %dma_wait3A_29 : memref<1x128xi32, #tpu.memory_space<vmem>> -> memref<128xi32, #tpu.memory_space<vmem>>
    %dma_wait3A_31 = tpu.memref_slice %arg2[%dma_wait3A, %mul3A_2] : memref<26x4096xi32, #tpu.memory_space<hbm>> -> memref<1x128xi32, #tpu.memory_space<hbm>>
    %dma_wait3A_32 = tpu.memref_squeeze %dma_wait3A_31 : memref<1x128xi32, #tpu.memory_space<hbm>> -> memref<128xi32, #tpu.memory_space<hbm>>
    tpu.wait_dma2 semaphore(%arg15 : memref<!tpu.dma_semaphore, #tpu.memory_space<semaphore_mem>>) src(%dma_wait3A_32 : memref<128xi32, #tpu.memory_space<hbm>>) dst(%dma_wait3A_30 : memref<128xi32, #tpu.memory_space<vmem>>)
    %get3A = arith.constant 0 : i32
    %get3A_33 = arith.index_cast %get3A : i32 to index
    %get3A_34 = arith.constant 0 : index
    %get3A_35 = tpu.vector_load %arg4[%get3A_33, %get3A_34] {strides = array<i32>} : memref<3x128xi32, #tpu.memory_space<vmem>>, vector<16xi32>,
    %sub3A = arith.constant 0 : i32
    %sub3A_36 = vector.broadcast %sub3A : i32 to vector<16xi32>
    %sub3A_37 = arith.subi %get3A_35, %sub3A_36 : vector<16xi32>
    %ge3A = arith.constant 0 : i32
    %ge3A_38 = vector.broadcast %ge3A : i32 to vector<16xi32>
    %ge3A_39 = arith.cmpi sge, %sub3A_37, %ge3A_38 : vector<16xi32>
    %lt3A = arith.constant 200 : i32
    %lt3A_40 = vector.broadcast %lt3A : i32 to vector<16xi32>
    %lt3A_41 = arith.cmpi slt, %sub3A_37, %lt3A_40 : vector<16xi32>
    %and3A = arith.andi %ge3A_39, %lt3A_41 : vector<16xi1>
    %add3A_42 = arith.constant 0 : i32
    %add3A_43 = vector.broadcast %add3A_42 : i32 to vector<16xi32>
    %add3A_44 = arith.addi %iota3A, %add3A_43 : vector<16xi32>
    tpu.vector_store_idx %arg5[%sub3A_37, %add3A_44], %broadcast_in_dim3A_5 masked %and3A : memref<200x128xi32, #tpu.memory_space<vmem>>[vector<16xi32>, vector<16xi32>], vector<16xi32>, vector<16xi1>
    %get3A_45 = arith.constant 0 : i32
    %get3A_46 = arith.index_cast %get3A_45 : i32 to index
    %get3A_47 = arith.constant 16 : index
    %get3A_48 = tpu.vector_load %arg4[%get3A_46, %get3A_47] {strides = array<i32>} : memref<3x128xi32, #tpu.memory_space<vmem>>, vector<16xi32>,
    %sub3A_49 = arith.constant 0 : i32
    %sub3A_50 = vector.broadcast %sub3A_49 : i32 to vector<16xi32>
    %sub3A_51 = arith.subi %get3A_48, %sub3A_50 : vector<16xi32>
    %ge3A_52 = arith.constant 0 : i32
    %ge3A_53 = vector.broadcast %ge3A_52 : i32 to vector<16xi32>
    %ge3A_54 = arith.cmpi sge, %sub3A_51, %ge3A_53 : vector<16xi32>
    %lt3A_55 = arith.constant 200 : i32
    %lt3A_56 = vector.broadcast %lt3A_55 : i32 to vector<16xi32>
    %lt3A_57 = arith.cmpi slt, %sub3A_51, %lt3A_56 : vector<16xi32>
    %and3A_58 = arith.andi %ge3A_54, %lt3A_57 : vector<16xi1>
    %add3A_59 = arith.constant 16 : i32
    %add3A_60 = vector.broadcast %add3A_59 : i32 to vector<16xi32>
    %add3A_61 = arith.addi %iota3A, %add3A_60 : vector<16xi32>
    tpu.vector_store_idx %arg5[%sub3A_51, %add3A_61], %broadcast_in_dim3A_5 masked %and3A_58 : memref<200x128xi32, #tpu.memory_space<vmem>>[vector<16xi32>, vector<16xi32>], vector<16xi32>, vector<16xi1>
    %get3A_62 = arith.constant 0 : i32
    %get3A_63 = arith.index_cast %get3A_62 : i32 to index
    %get3A_64 = arith.constant 32 : index
    %get3A_65 = tpu.vector_load %arg4[%get3A_63, %get3A_64] {strides = array<i32>} : memref<3x128xi32, #tpu.memory_space<vmem>>, vector<16xi32>,
    %sub3A_66 = arith.constant 0 : i32
    %sub3A_67 = vector.broadcast %sub3A_66 : i32 to vector<16xi32>
    %sub3A_68 = arith.subi %get3A_65, %sub3A_67 : vector<16xi32>
    %ge3A_69 = arith.constant 0 : i32
    %ge3A_70 = vector.broadcast %ge3A_69 : i32 to vector<16xi32>
    %ge3A_71 = arith.cmpi sge, %sub3A_68, %ge3A_70 : vector<16xi32>
    %lt3A_72 = arith.constant 200 : i32
    %lt3A_73 = vector.broadcast %lt3A_72 : i32 to vector<16xi32>
    %lt3A_74 = arith.cmpi slt, %sub3A_68, %lt3A_73 : vector<16xi32>
    %and3A_75 = arith.andi %ge3A_71, %lt3A_74 : vector<16xi1>
    %add3A_76 = arith.constant 32 : i32
    %add3A_77 = vector.broadcast %add3A_76 : i32 to vector<16xi32>
    %add3A_78 = arith.addi %iota3A, %add3A_77 : vector<16xi32>
    tpu.vector_store_idx %arg5[%sub3A_68, %add3A_78], %broadcast_in_dim3A_5 masked %and3A_75 : memref<200x128xi32, #tpu.memory_space<vmem>>[vector<16xi32>, vector<16xi32>], vector<16xi32>, vector<16xi1>
    %get3A_79 = arith.constant 0 : i32
    %get3A_80 = arith.index_cast %get3A_79 : i32 to index
    %get3A_81 = arith.constant 48 : index
    %get3A_82 = tpu.vector_load %arg4[%get3A_80, %get3A_81] {strides = array<i32>} : memref<3x128xi32, #tpu.memory_space<vmem>>, vector<16xi32>,
    %sub3A_83 = arith.constant 0 : i32
    %sub3A_84 = vector.broadcast %sub3A_83 : i32 to vector<16xi32>
    %sub3A_85 = arith.subi %get3A_82, %sub3A_84 : vector<16xi32>
    %ge3A_86 = arith.constant 0 : i32
    %ge3A_87 = vector.broadcast %ge3A_86 : i32 to vector<16xi32>
    %ge3A_88 = arith.cmpi sge, %sub3A_85, %ge3A_87 : vector<16xi32>
    %lt3A_89 = arith.constant 200 : i32
    %lt3A_90 = vector.broadcast %lt3A_89 : i32 to vector<16xi32>
    %lt3A_91 = arith.cmpi slt, %sub3A_85, %lt3A_90 : vector<16xi32>
    %and3A_92 = arith.andi %ge3A_88, %lt3A_91 : vector<16xi1>
    %add3A_93 = arith.constant 48 : i32
    %add3A_94 = vector.broadcast %add3A_93 : i32 to vector<16xi32>
    %add3A_95 = arith.addi %iota3A, %add3A_94 : vector<16xi32>
    tpu.vector_store_idx %arg5[%sub3A_85, %add3A_95], %broadcast_in_dim3A_5 masked %and3A_92 : memref<200x128xi32, #tpu.memory_space<vmem>>[vector<16xi32>, vector<16xi32>], vector<16xi32>, vector<16xi1>
    %get3A_96 = arith.constant 0 : i32
    %get3A_97 = arith.index_cast %get3A_96 : i32 to index
    %get3A_98 = arith.constant 64 : index
    %get3A_99 = tpu.vector_load %arg4[%get3A_97, %get3A_98] {strides = array<i32>} : memref<3x128xi32, #tpu.memory_space<vmem>>, vector<16xi32>,
    %sub3A_100 = arith.constant 0 : i32
    %sub3A_101 = vector.broadcast %sub3A_100 : i32 to vector<16xi32>
    %sub3A_102 = arith.subi %get3A_99, %sub3A_101 : vector<16xi32>
    %ge3A_103 = arith.constant 0 : i32
    %ge3A_104 = vector.broadcast %ge3A_103 : i32 to vector<16xi32>
    %ge3A_105 = arith.cmpi sge, %sub3A_102, %ge3A_104 : vector<16xi32>
    %lt3A_106 = arith.constant 200 : i32
    %lt3A_107 = vector.broadcast %lt3A_106 : i32 to vector<16xi32>
    %lt3A_108 = arith.cmpi slt, %sub3A_102, %lt3A_107 : vector<16xi32>
    %and3A_109 = arith.andi %ge3A_105, %lt3A_108 : vector<16xi1>
    %add3A_110 = arith.constant 64 : i32
    %add3A_111 = vector.broadcast %add3A_110 : i32 to vector<16xi32>
    %add3A_112 = arith.addi %iota3A, %add3A_111 : vector<16xi32>
    tpu.vector_store_idx %arg5[%sub3A_102, %add3A_112], %broadcast_in_dim3A_5 masked %and3A_109 : memref<200x128xi32, #tpu.memory_space<vmem>>[vector<16xi32>, vector<16xi32>], vector<16xi32>, vector<16xi1>
    %get3A_113 = arith.constant 0 : i32
    %get3A_114 = arith.index_cast %get3A_113 : i32 to index
    %get3A_115 = arith.constant 80 : index
    %get3A_116 = tpu.vector_load %arg4[%get3A_114, %get3A_115] {strides = array<i32>} : memref<3x128xi32, #tpu.memory_space<vmem>>, vector<16xi32>,
    %sub3A_117 = arith.constant 0 : i32
    %sub3A_118 = vector.broadcast %sub3A_117 : i32 to vector<16xi32>
    %sub3A_119 = arith.subi %get3A_116, %sub3A_118 : vector<16xi32>
    %ge3A_120 = arith.constant 0 : i32
    %ge3A_121 = vector.broadcast %ge3A_120 : i32 to vector<16xi32>
    %ge3A_122 = arith.cmpi sge, %sub3A_119, %ge3A_121 : vector<16xi32>
    %lt3A_123 = arith.constant 200 : i32
    %lt3A_124 = vector.broadcast %lt3A_123 : i32 to vector<16xi32>
    %lt3A_125 = arith.cmpi slt, %sub3A_119, %lt3A_124 : vector<16xi32>
    %and3A_126 = arith.andi %ge3A_122, %lt3A_125 : vector<16xi1>
    %add3A_127 = arith.constant 80 : i32
    %add3A_128 = vector.broadcast %add3A_127 : i32 to vector<16xi32>
    %add3A_129 = arith.addi %iota3A, %add3A_128 : vector<16xi32>
    tpu.vector_store_idx %arg5[%sub3A_119, %add3A_129], %broadcast_in_dim3A_5 masked %and3A_126 : memref<200x128xi32, #tpu.memory_space<vmem>>[vector<16xi32>, vector<16xi32>], vector<16xi32>, vector<16xi1>
    %get3A_130 = arith.constant 0 : i32
    %get3A_131 = arith.index_cast %get3A_130 : i32 to index
    %get3A_132 = arith.constant 96 : index
    %get3A_133 = tpu.vector_load %arg4[%get3A_131, %get3A_132] {strides = array<i32>} : memref<3x128xi32, #tpu.memory_space<vmem>>, vector<16xi32>,
    %sub3A_134 = arith.constant 0 : i32
    %sub3A_135 = vector.broadcast %sub3A_134 : i32 to vector<16xi32>
    %sub3A_136 = arith.subi %get3A_133, %sub3A_135 : vector<16xi32>
    %ge3A_137 = arith.constant 0 : i32
    %ge3A_138 = vector.broadcast %ge3A_137 : i32 to vector<16xi32>
    %ge3A_139 = arith.cmpi sge, %sub3A_136, %ge3A_138 : vector<16xi32>
    %lt3A_140 = arith.constant 200 : i32
    %lt3A_141 = vector.broadcast %lt3A_140 : i32 to vector<16xi32>
    %lt3A_142 = arith.cmpi slt, %sub3A_136, %lt3A_141 : vector<16xi32>
    %and3A_143 = arith.andi %ge3A_139, %lt3A_142 : vector<16xi1>
    %add3A_144 = arith.constant 96 : i32
    %add3A_145 = vector.broadcast %add3A_144 : i32 to vector<16xi32>
    %add3A_146 = arith.addi %iota3A, %add3A_145 : vector<16xi32>
    tpu.vector_store_idx %arg5[%sub3A_136, %add3A_146], %broadcast_in_dim3A_5 masked %and3A_143 : memref<200x128xi32, #tpu.memory_space<vmem>>[vector<16xi32>, vector<16xi32>], vector<16xi32>, vector<16xi1>
    %get3A_147 = arith.constant 0 : i32
    %get3A_148 = arith.index_cast %get3A_147 : i32 to index
    %get3A_149 = arith.constant 112 : index
    %get3A_150 = tpu.vector_load %arg4[%get3A_148, %get3A_149] {strides = array<i32>} : memref<3x128xi32, #tpu.memory_space<vmem>>, vector<16xi32>,
    %sub3A_151 = arith.constant 0 : i32
    %sub3A_152 = vector.broadcast %sub3A_151 : i32 to vector<16xi32>
    %sub3A_153 = arith.subi %get3A_150, %sub3A_152 : vector<16xi32>
    %ge3A_154 = arith.constant 0 : i32
    %ge3A_155 = vector.broadcast %ge3A_154 : i32 to vector<16xi32>
    %ge3A_156 = arith.cmpi sge, %sub3A_153, %ge3A_155 : vector<16xi32>
    %lt3A_157 = arith.constant 200 : i32
    %lt3A_158 = vector.broadcast %lt3A_157 : i32 to vector<16xi32>
    %lt3A_159 = arith.cmpi slt, %sub3A_153, %lt3A_158 : vector<16xi32>
    %and3A_160 = arith.andi %ge3A_156, %lt3A_159 : vector<16xi1>
    %add3A_161 = arith.constant 112 : i32
    %add3A_162 = vector.broadcast %add3A_161 : i32 to vector<16xi32>
    %add3A_163 = arith.addi %iota3A, %add3A_162 : vector<16xi32>
    tpu.vector_store_idx %arg5[%sub3A_153, %add3A_163], %broadcast_in_dim3A_5 masked %and3A_160 : memref<200x128xi32, #tpu.memory_space<vmem>>[vector<16xi32>, vector<16xi32>], vector<16xi32>, vector<16xi1>
    %dma_start3A_164 = arith.constant 0 : i32
    %dma_start3A_165 = arith.constant 0 : i32
    %dma_start3A_166 = tpu.memref_slice %arg3[%dma_start3A_164, %dma_start3A_165, %mul3A_2] : memref<26x1000x4096xi32, #tpu.memory_space<hbm>> -> memref<1x200x128xi32, #tpu.memory_space<hbm>>
    %dma_start3A_167 = tpu.memref_squeeze %dma_start3A_166 : memref<1x200x128xi32, #tpu.memory_space<hbm>> -> memref<200x128xi32, #tpu.memory_space<hbm>>
    %dma_start3A_168 = arith.constant 0 : i32
    %dma_start3A_169 = tpu.memref_slice %arg3[%dma_start3A_164, %dma_start3A_168, %mul3A_2] : memref<26x1000x4096xi32, #tpu.memory_space<hbm>> -> memref<1x200x128xi32, #tpu.memory_space<hbm>>
    %dma_start3A_170 = tpu.memref_squeeze %dma_start3A_169 : memref<1x200x128xi32, #tpu.memory_space<hbm>> -> memref<200x128xi32, #tpu.memory_space<hbm>>
    tpu.enqueue_dma source(%arg5 : memref<200x128xi32, #tpu.memory_space<vmem>>) target(%dma_start3A_170 : memref<200x128xi32, #tpu.memory_space<hbm>>) target_semaphore(%arg10 : memref<!tpu.dma_semaphore, #tpu.memory_space<semaphore_mem>>)
    %scan3A_171 = arith.constant 0 : i32
    %scan3A_172 = arith.constant 0 : i32
    %scan3A_173 = arith.constant 1600 : i32
    %scan3A_174 = arith.addi %scan3A_172, %scan3A_173 : i32
    %scan3A_175 = arith.constant 8 : i32
    scf.for %scan3A_820 = %scan3A_172 to %scan3A_174 step %scan3A_175  : i32 {
      %jit3A = arith.constant 8 : i32
      %div3A = arith.divsi %scan3A_820, %jit3A : i32
      %sign3A = arith.constant 0 : i32
      %sign3A_821 = arith.cmpi sgt, %scan3A_820, %sign3A : i32
      %sign3A_822 = arith.extui %sign3A_821 : i1 to i32
      %sign3A_823 = arith.constant 0 : i32
      %sign3A_824 = arith.cmpi slt, %scan3A_820, %sign3A_823 : i32
      %sign3A_825 = arith.extui %sign3A_824 : i1 to i32
      %sign3A_826 = arith.subi %sign3A_822, %sign3A_825 : i32
      %sign3A_827 = arith.constant 0 : i32
      %sign3A_828 = arith.cmpi sgt, %jit3A, %sign3A_827 : i32
      %sign3A_829 = arith.extui %sign3A_828 : i1 to i32
      %sign3A_830 = arith.constant 0 : i32
      %sign3A_831 = arith.cmpi slt, %jit3A, %sign3A_830 : i32
      %sign3A_832 = arith.extui %sign3A_831 : i1 to i32
      %sign3A_833 = arith.subi %sign3A_829, %sign3A_832 : i32
      %ne3A = arith.cmpi ne, %sign3A_826, %sign3A_833 : i32
      %rem3A = arith.remsi %scan3A_820, %jit3A : i32
      %ne3A_834 = arith.constant 0 : i32
      %ne3A_835 = arith.cmpi ne, %rem3A, %ne3A_834 : i32
      %and3A_836 = arith.andi %ne3A, %ne3A_835 : i1
      %sub3A_837 = arith.constant 1 : i32
      %sub3A_838 = arith.subi %div3A, %sub3A_837 : i32
      %select_n3A = arith.select %and3A_836, %sub3A_838, %div3A : i32
      %jit3A_839 = arith.constant 8 : i32
      %eq3A = arith.constant 0 : i32
      %eq3A_840 = arith.cmpi eq, %jit3A_839, %eq3A : i32
      %jit3A_841 = arith.constant 1 : i32
      %select_n3A_842 = arith.select %eq3A_840, %jit3A_841, %jit3A_839 : i32
      %rem3A_843 = arith.remsi %scan3A_820, %select_n3A_842 : i32
      %ne3A_844 = arith.constant 0 : i32
      %ne3A_845 = arith.cmpi ne, %rem3A_843, %ne3A_844 : i32
      %lt3A_846 = arith.constant 0 : i32
      %lt3A_847 = arith.cmpi slt, %rem3A_843, %lt3A_846 : i32
      %lt3A_848 = arith.constant 0 : i32
      %lt3A_849 = arith.cmpi slt, %select_n3A_842, %lt3A_848 : i32
      %ne3A_850 = arith.xori %lt3A_847, %lt3A_849 : i1
      %and3A_851 = arith.andi %ne3A_850, %ne3A_845 : i1
      %add3A_852 = arith.addi %rem3A_843, %select_n3A_842 : i32
      %select_n3A_853 = arith.select %and3A_851, %add3A_852, %rem3A_843 : i32
      %mul3A_854 = arith.constant 16 : i32
      %mul3A_855 = arith.muli %select_n3A_853, %mul3A_854 : i32
      %swap3A = arith.index_cast %select_n3A : i32 to index
      %swap3A_856 = arith.index_cast %mul3A_855 : i32 to index
      %swap3A_857 = tpu.vector_load %arg6[%swap3A, %swap3A_856] {strides = array<i32>} : memref<200x128xi32, #tpu.memory_space<vmem>>, vector<16xi32>,
      tpu.vector_store %arg6[%swap3A, %swap3A_856], %broadcast_in_dim3A_3 {strides = array<i32>} : memref<200x128xi32, #tpu.memory_space<vmem>>, vector<16xi32>,
      %scan3A_858 = arith.constant 1 : i32
      %scan3A_859 = arith.addi %scan3A_820, %scan3A_858 : i32
      %jit3A_860 = arith.constant 8 : i32
      %div3A_861 = arith.divsi %scan3A_859, %jit3A_860 : i32
      %sign3A_862 = arith.constant 0 : i32
      %sign3A_863 = arith.cmpi sgt, %scan3A_859, %sign3A_862 : i32
      %sign3A_864 = arith.extui %sign3A_863 : i1 to i32
      %sign3A_865 = arith.constant 0 : i32
      %sign3A_866 = arith.cmpi slt, %scan3A_859, %sign3A_865 : i32
      %sign3A_867 = arith.extui %sign3A_866 : i1 to i32
      %sign3A_868 = arith.subi %sign3A_864, %sign3A_867 : i32
      %sign3A_869 = arith.constant 0 : i32
      %sign3A_870 = arith.cmpi sgt, %jit3A_860, %sign3A_869 : i32
      %sign3A_871 = arith.extui %sign3A_870 : i1 to i32
      %sign3A_872 = arith.constant 0 : i32
      %sign3A_873 = arith.cmpi slt, %jit3A_860, %sign3A_872 : i32
      %sign3A_874 = arith.extui %sign3A_873 : i1 to i32
      %sign3A_875 = arith.subi %sign3A_871, %sign3A_874 : i32
      %ne3A_876 = arith.cmpi ne, %sign3A_868, %sign3A_875 : i32
      %rem3A_877 = arith.remsi %scan3A_859, %jit3A_860 : i32
      %ne3A_878 = arith.constant 0 : i32
      %ne3A_879 = arith.cmpi ne, %rem3A_877, %ne3A_878 : i32
      %and3A_880 = arith.andi %ne3A_876, %ne3A_879 : i1
      %sub3A_881 = arith.constant 1 : i32
      %sub3A_882 = arith.subi %div3A_861, %sub3A_881 : i32
      %select_n3A_883 = arith.select %and3A_880, %sub3A_882, %div3A_861 : i32
      %jit3A_884 = arith.constant 8 : i32
      %eq3A_885 = arith.constant 0 : i32
      %eq3A_886 = arith.cmpi eq, %jit3A_884, %eq3A_885 : i32
      %jit3A_887 = arith.constant 1 : i32
      %select_n3A_888 = arith.select %eq3A_886, %jit3A_887, %jit3A_884 : i32
      %rem3A_889 = arith.remsi %scan3A_859, %select_n3A_888 : i32
      %ne3A_890 = arith.constant 0 : i32
      %ne3A_891 = arith.cmpi ne, %rem3A_889, %ne3A_890 : i32
      %lt3A_892 = arith.constant 0 : i32
      %lt3A_893 = arith.cmpi slt, %rem3A_889, %lt3A_892 : i32
      %lt3A_894 = arith.constant 0 : i32
      %lt3A_895 = arith.cmpi slt, %select_n3A_888, %lt3A_894 : i32
      %ne3A_896 = arith.xori %lt3A_893, %lt3A_895 : i1
      %and3A_897 = arith.andi %ne3A_896, %ne3A_891 : i1
      %add3A_898 = arith.addi %rem3A_889, %select_n3A_888 : i32
      %select_n3A_899 = arith.select %and3A_897, %add3A_898, %rem3A_889 : i32
      %mul3A_900 = arith.constant 16 : i32
      %mul3A_901 = arith.muli %select_n3A_899, %mul3A_900 : i32
      %swap3A_902 = arith.index_cast %select_n3A_883 : i32 to index
      %swap3A_903 = arith.index_cast %mul3A_901 : i32 to index
      %swap3A_904 = tpu.vector_load %arg6[%swap3A_902, %swap3A_903] {strides = array<i32>} : memref<200x128xi32, #tpu.memory_space<vmem>>, vector<16xi32>,
      tpu.vector_store %arg6[%swap3A_902, %swap3A_903], %broadcast_in_dim3A_3 {strides = array<i32>} : memref<200x128xi32, #tpu.memory_space<vmem>>, vector<16xi32>,
      %scan3A_905 = arith.constant 2 : i32
      %scan3A_906 = arith.addi %scan3A_820, %scan3A_905 : i32
      %jit3A_907 = arith.constant 8 : i32
      %div3A_908 = arith.divsi %scan3A_906, %jit3A_907 : i32
      %sign3A_909 = arith.constant 0 : i32
      %sign3A_910 = arith.cmpi sgt, %scan3A_906, %sign3A_909 : i32
      %sign3A_911 = arith.extui %sign3A_910 : i1 to i32
      %sign3A_912 = arith.constant 0 : i32
      %sign3A_913 = arith.cmpi slt, %scan3A_906, %sign3A_912 : i32
      %sign3A_914 = arith.extui %sign3A_913 : i1 to i32
      %sign3A_915 = arith.subi %sign3A_911, %sign3A_914 : i32
      %sign3A_916 = arith.constant 0 : i32
      %sign3A_917 = arith.cmpi sgt, %jit3A_907, %sign3A_916 : i32
      %sign3A_918 = arith.extui %sign3A_917 : i1 to i32
      %sign3A_919 = arith.constant 0 : i32
      %sign3A_920 = arith.cmpi slt, %jit3A_907, %sign3A_919 : i32
      %sign3A_921 = arith.extui %sign3A_920 : i1 to i32
      %sign3A_922 = arith.subi %sign3A_918, %sign3A_921 : i32
      %ne3A_923 = arith.cmpi ne, %sign3A_915, %sign3A_922 : i32
      %rem3A_924 = arith.remsi %scan3A_906, %jit3A_907 : i32
      %ne3A_925 = arith.constant 0 : i32
      %ne3A_926 = arith.cmpi ne, %rem3A_924, %ne3A_925 : i32
      %and3A_927 = arith.andi %ne3A_923, %ne3A_926 : i1
      %sub3A_928 = arith.constant 1 : i32
      %sub3A_929 = arith.subi %div3A_908, %sub3A_928 : i32
      %select_n3A_930 = arith.select %and3A_927, %sub3A_929, %div3A_908 : i32
      %jit3A_931 = arith.constant 8 : i32
      %eq3A_932 = arith.constant 0 : i32
      %eq3A_933 = arith.cmpi eq, %jit3A_931, %eq3A_932 : i32
      %jit3A_934 = arith.constant 1 : i32
      %select_n3A_935 = arith.select %eq3A_933, %jit3A_934, %jit3A_931 : i32
      %rem3A_936 = arith.remsi %scan3A_906, %select_n3A_935 : i32
      %ne3A_937 = arith.constant 0 : i32
      %ne3A_938 = arith.cmpi ne, %rem3A_936, %ne3A_937 : i32
      %lt3A_939 = arith.constant 0 : i32
      %lt3A_940 = arith.cmpi slt, %rem3A_936, %lt3A_939 : i32
      %lt3A_941 = arith.constant 0 : i32
      %lt3A_942 = arith.cmpi slt, %select_n3A_935, %lt3A_941 : i32
      %ne3A_943 = arith.xori %lt3A_940, %lt3A_942 : i1
      %and3A_944 = arith.andi %ne3A_943, %ne3A_938 : i1
      %add3A_945 = arith.addi %rem3A_936, %select_n3A_935 : i32
      %select_n3A_946 = arith.select %and3A_944, %add3A_945, %rem3A_936 : i32
      %mul3A_947 = arith.constant 16 : i32
      %mul3A_948 = arith.muli %select_n3A_946, %mul3A_947 : i32
      %swap3A_949 = arith.index_cast %select_n3A_930 : i32 to index
      %swap3A_950 = arith.index_cast %mul3A_948 : i32 to index
      %swap3A_951 = tpu.vector_load %arg6[%swap3A_949, %swap3A_950] {strides = array<i32>} : memref<200x128xi32, #tpu.memory_space<vmem>>, vector<16xi32>,
      tpu.vector_store %arg6[%swap3A_949, %swap3A_950], %broadcast_in_dim3A_3 {strides = array<i32>} : memref<200x128xi32, #tpu.memory_space<vmem>>, vector<16xi32>,
      %scan3A_952 = arith.constant 3 : i32
      %scan3A_953 = arith.addi %scan3A_820, %scan3A_952 : i32
      %jit3A_954 = arith.constant 8 : i32
      %div3A_955 = arith.divsi %scan3A_953, %jit3A_954 : i32
      %sign3A_956 = arith.constant 0 : i32
      %sign3A_957 = arith.cmpi sgt, %scan3A_953, %sign3A_956 : i32
      %sign3A_958 = arith.extui %sign3A_957 : i1 to i32
      %sign3A_959 = arith.constant 0 : i32
      %sign3A_960 = arith.cmpi slt, %scan3A_953, %sign3A_959 : i32
      %sign3A_961 = arith.extui %sign3A_960 : i1 to i32
      %sign3A_962 = arith.subi %sign3A_958, %sign3A_961 : i32
      %sign3A_963 = arith.constant 0 : i32
      %sign3A_964 = arith.cmpi sgt, %jit3A_954, %sign3A_963 : i32
      %sign3A_965 = arith.extui %sign3A_964 : i1 to i32
      %sign3A_966 = arith.constant 0 : i32
      %sign3A_967 = arith.cmpi slt, %jit3A_954, %sign3A_966 : i32
      %sign3A_968 = arith.extui %sign3A_967 : i1 to i32
      %sign3A_969 = arith.subi %sign3A_965, %sign3A_968 : i32
      %ne3A_970 = arith.cmpi ne, %sign3A_962, %sign3A_969 : i32
      %rem3A_971 = arith.remsi %scan3A_953, %jit3A_954 : i32
      %ne3A_972 = arith.constant 0 : i32
      %ne3A_973 = arith.cmpi ne, %rem3A_971, %ne3A_972 : i32
      %and3A_974 = arith.andi %ne3A_970, %ne3A_973 : i1
      %sub3A_975 = arith.constant 1 : i32
      %sub3A_976 = arith.subi %div3A_955, %sub3A_975 : i32
      %select_n3A_977 = arith.select %and3A_974, %sub3A_976, %div3A_955 : i32
      %jit3A_978 = arith.constant 8 : i32
      %eq3A_979 = arith.constant 0 : i32
      %eq3A_980 = arith.cmpi eq, %jit3A_978, %eq3A_979 : i32
      %jit3A_981 = arith.constant 1 : i32
      %select_n3A_982 = arith.select %eq3A_980, %jit3A_981, %jit3A_978 : i32
      %rem3A_983 = arith.remsi %scan3A_953, %select_n3A_982 : i32
      %ne3A_984 = arith.constant 0 : i32
      %ne3A_985 = arith.cmpi ne, %rem3A_983, %ne3A_984 : i32
      %lt3A_986 = arith.constant 0 : i32
      %lt3A_987 = arith.cmpi slt, %rem3A_983, %lt3A_986 : i32
      %lt3A_988 = arith.constant 0 : i32
      %lt3A_989 = arith.cmpi slt, %select_n3A_982, %lt3A_988 : i32
      %ne3A_990 = arith.xori %lt3A_987, %lt3A_989 : i1
      %and3A_991 = arith.andi %ne3A_990, %ne3A_985 : i1
      %add3A_992 = arith.addi %rem3A_983, %select_n3A_982 : i32
      %select_n3A_993 = arith.select %and3A_991, %add3A_992, %rem3A_983 : i32
      %mul3A_994 = arith.constant 16 : i32
      %mul3A_995 = arith.muli %select_n3A_993, %mul3A_994 : i32
      %swap3A_996 = arith.index_cast %select_n3A_977 : i32 to index
      %swap3A_997 = arith.index_cast %mul3A_995 : i32 to index
      %swap3A_998 = tpu.vector_load %arg6[%swap3A_996, %swap3A_997] {strides = array<i32>} : memref<200x128xi32, #tpu.memory_space<vmem>>, vector<16xi32>,
      tpu.vector_store %arg6[%swap3A_996, %swap3A_997], %broadcast_in_dim3A_3 {strides = array<i32>} : memref<200x128xi32, #tpu.memory_space<vmem>>, vector<16xi32>,
      %scan3A_999 = arith.constant 4 : i32
      %scan3A_1000 = arith.addi %scan3A_820, %scan3A_999 : i32
      %jit3A_1001 = arith.constant 8 : i32
      %div3A_1002 = arith.divsi %scan3A_1000, %jit3A_1001 : i32
      %sign3A_1003 = arith.constant 0 : i32
      %sign3A_1004 = arith.cmpi sgt, %scan3A_1000, %sign3A_1003 : i32
      %sign3A_1005 = arith.extui %sign3A_1004 : i1 to i32
      %sign3A_1006 = arith.constant 0 : i32
      %sign3A_1007 = arith.cmpi slt, %scan3A_1000, %sign3A_1006 : i32
      %sign3A_1008 = arith.extui %sign3A_1007 : i1 to i32
      %sign3A_1009 = arith.subi %sign3A_1005, %sign3A_1008 : i32
      %sign3A_1010 = arith.constant 0 : i32
      %sign3A_1011 = arith.cmpi sgt, %jit3A_1001, %sign3A_1010 : i32
      %sign3A_1012 = arith.extui %sign3A_1011 : i1 to i32
      %sign3A_1013 = arith.constant 0 : i32
      %sign3A_1014 = arith.cmpi slt, %jit3A_1001, %sign3A_1013 : i32
      %sign3A_1015 = arith.extui %sign3A_1014 : i1 to i32
      %sign3A_1016 = arith.subi %sign3A_1012, %sign3A_1015 : i32
      %ne3A_1017 = arith.cmpi ne, %sign3A_1009, %sign3A_1016 : i32
      %rem3A_1018 = arith.remsi %scan3A_1000, %jit3A_1001 : i32
      %ne3A_1019 = arith.constant 0 : i32
      %ne3A_1020 = arith.cmpi ne, %rem3A_1018, %ne3A_1019 : i32
      %and3A_1021 = arith.andi %ne3A_1017, %ne3A_1020 : i1
      %sub3A_1022 = arith.constant 1 : i32
      %sub3A_1023 = arith.subi %div3A_1002, %sub3A_1022 : i32
      %select_n3A_1024 = arith.select %and3A_1021, %sub3A_1023, %div3A_1002 : i32
      %jit3A_1025 = arith.constant 8 : i32
      %eq3A_1026 = arith.constant 0 : i32
      %eq3A_1027 = arith.cmpi eq, %jit3A_1025, %eq3A_1026 : i32
      %jit3A_1028 = arith.constant 1 : i32
      %select_n3A_1029 = arith.select %eq3A_1027, %jit3A_1028, %jit3A_1025 : i32
      %rem3A_1030 = arith.remsi %scan3A_1000, %select_n3A_1029 : i32
      %ne3A_1031 = arith.constant 0 : i32
      %ne3A_1032 = arith.cmpi ne, %rem3A_1030, %ne3A_1031 : i32
      %lt3A_1033 = arith.constant 0 : i32
      %lt3A_1034 = arith.cmpi slt, %rem3A_1030, %lt3A_1033 : i32
      %lt3A_1035 = arith.constant 0 : i32
      %lt3A_1036 = arith.cmpi slt, %select_n3A_1029, %lt3A_1035 : i32
      %ne3A_1037 = arith.xori %lt3A_1034, %lt3A_1036 : i1
      %and3A_1038 = arith.andi %ne3A_1037, %ne3A_1032 : i1
      %add3A_1039 = arith.addi %rem3A_1030, %select_n3A_1029 : i32
      %select_n3A_1040 = arith.select %and3A_1038, %add3A_1039, %rem3A_1030 : i32
      %mul3A_1041 = arith.constant 16 : i32
      %mul3A_1042 = arith.muli %select_n3A_1040, %mul3A_1041 : i32
      %swap3A_1043 = arith.index_cast %select_n3A_1024 : i32 to index
      %swap3A_1044 = arith.index_cast %mul3A_1042 : i32 to index
      %swap3A_1045 = tpu.vector_load %arg6[%swap3A_1043, %swap3A_1044] {strides = array<i32>} : memref<200x128xi32, #tpu.memory_space<vmem>>, vector<16xi32>,
      tpu.vector_store %arg6[%swap3A_1043, %swap3A_1044], %broadcast_in_dim3A_3 {strides = array<i32>} : memref<200x128xi32, #tpu.memory_space<vmem>>, vector<16xi32>,
      %scan3A_1046 = arith.constant 5 : i32
      %scan3A_1047 = arith.addi %scan3A_820, %scan3A_1046 : i32
      %jit3A_1048 = arith.constant 8 : i32
      %div3A_1049 = arith.divsi %scan3A_1047, %jit3A_1048 : i32
      %sign3A_1050 = arith.constant 0 : i32
      %sign3A_1051 = arith.cmpi sgt, %scan3A_1047, %sign3A_1050 : i32
      %sign3A_1052 = arith.extui %sign3A_1051 : i1 to i32
      %sign3A_1053 = arith.constant 0 : i32
      %sign3A_1054 = arith.cmpi slt, %scan3A_1047, %sign3A_1053 : i32
      %sign3A_1055 = arith.extui %sign3A_1054 : i1 to i32
      %sign3A_1056 = arith.subi %sign3A_1052, %sign3A_1055 : i32
      %sign3A_1057 = arith.constant 0 : i32
      %sign3A_1058 = arith.cmpi sgt, %jit3A_1048, %sign3A_1057 : i32
      %sign3A_1059 = arith.extui %sign3A_1058 : i1 to i32
      %sign3A_1060 = arith.constant 0 : i32
      %sign3A_1061 = arith.cmpi slt, %jit3A_1048, %sign3A_1060 : i32
      %sign3A_1062 = arith.extui %sign3A_1061 : i1 to i32
      %sign3A_1063 = arith.subi %sign3A_1059, %sign3A_1062 : i32
      %ne3A_1064 = arith.cmpi ne, %sign3A_1056, %sign3A_1063 : i32
      %rem3A_1065 = arith.remsi %scan3A_1047, %jit3A_1048 : i32
      %ne3A_1066 = arith.constant 0 : i32
      %ne3A_1067 = arith.cmpi ne, %rem3A_1065, %ne3A_1066 : i32
      %and3A_1068 = arith.andi %ne3A_1064, %ne3A_1067 : i1
      %sub3A_1069 = arith.constant 1 : i32
      %sub3A_1070 = arith.subi %div3A_1049, %sub3A_1069 : i32
      %select_n3A_1071 = arith.select %and3A_1068, %sub3A_1070, %div3A_1049 : i32
      %jit3A_1072 = arith.constant 8 : i32
      %eq3A_1073 = arith.constant 0 : i32
      %eq3A_1074 = arith.cmpi eq, %jit3A_1072, %eq3A_1073 : i32
      %jit3A_1075 = arith.constant 1 : i32
      %select_n3A_1076 = arith.select %eq3A_1074, %jit3A_1075, %jit3A_1072 : i32
      %rem3A_1077 = arith.remsi %scan3A_1047, %select_n3A_1076 : i32
      %ne3A_1078 = arith.constant 0 : i32
      %ne3A_1079 = arith.cmpi ne, %rem3A_1077, %ne3A_1078 : i32
      %lt3A_1080 = arith.constant 0 : i32
      %lt3A_1081 = arith.cmpi slt, %rem3A_1077, %lt3A_1080 : i32
      %lt3A_1082 = arith.constant 0 : i32
      %lt3A_1083 = arith.cmpi slt, %select_n3A_1076, %lt3A_1082 : i32
      %ne3A_1084 = arith.xori %lt3A_1081, %lt3A_1083 : i1
      %and3A_1085 = arith.andi %ne3A_1084, %ne3A_1079 : i1
      %add3A_1086 = arith.addi %rem3A_1077, %select_n3A_1076 : i32
      %select_n3A_1087 = arith.select %and3A_1085, %add3A_1086, %rem3A_1077 : i32
      %mul3A_1088 = arith.constant 16 : i32
      %mul3A_1089 = arith.muli %select_n3A_1087, %mul3A_1088 : i32
      %swap3A_1090 = arith.index_cast %select_n3A_1071 : i32 to index
      %swap3A_1091 = arith.index_cast %mul3A_1089 : i32 to index
      %swap3A_1092 = tpu.vector_load %arg6[%swap3A_1090, %swap3A_1091] {strides = array<i32>} : memref<200x128xi32, #tpu.memory_space<vmem>>, vector<16xi32>,
      tpu.vector_store %arg6[%swap3A_1090, %swap3A_1091], %broadcast_in_dim3A_3 {strides = array<i32>} : memref<200x128xi32, #tpu.memory_space<vmem>>, vector<16xi32>,
      %scan3A_1093 = arith.constant 6 : i32
      %scan3A_1094 = arith.addi %scan3A_820, %scan3A_1093 : i32
      %jit3A_1095 = arith.constant 8 : i32
      %div3A_1096 = arith.divsi %scan3A_1094, %jit3A_1095 : i32
      %sign3A_1097 = arith.constant 0 : i32
      %sign3A_1098 = arith.cmpi sgt, %scan3A_1094, %sign3A_1097 : i32
      %sign3A_1099 = arith.extui %sign3A_1098 : i1 to i32
      %sign3A_1100 = arith.constant 0 : i32
      %sign3A_1101 = arith.cmpi slt, %scan3A_1094, %sign3A_1100 : i32
      %sign3A_1102 = arith.extui %sign3A_1101 : i1 to i32
      %sign3A_1103 = arith.subi %sign3A_1099, %sign3A_1102 : i32
      %sign3A_1104 = arith.constant 0 : i32
      %sign3A_1105 = arith.cmpi sgt, %jit3A_1095, %sign3A_1104 : i32
      %sign3A_1106 = arith.extui %sign3A_1105 : i1 to i32
      %sign3A_1107 = arith.constant 0 : i32
      %sign3A_1108 = arith.cmpi slt, %jit3A_1095, %sign3A_1107 : i32
      %sign3A_1109 = arith.extui %sign3A_1108 : i1 to i32
      %sign3A_1110 = arith.subi %sign3A_1106, %sign3A_1109 : i32
      %ne3A_1111 = arith.cmpi ne, %sign3A_1103, %sign3A_1110 : i32
      %rem3A_1112 = arith.remsi %scan3A_1094, %jit3A_1095 : i32
      %ne3A_1113 = arith.constant 0 : i32
      %ne3A_1114 = arith.cmpi ne, %rem3A_1112, %ne3A_1113 : i32
      %and3A_1115 = arith.andi %ne3A_1111, %ne3A_1114 : i1
      %sub3A_1116 = arith.constant 1 : i32
      %sub3A_1117 = arith.subi %div3A_1096, %sub3A_1116 : i32
      %select_n3A_1118 = arith.select %and3A_1115, %sub3A_1117, %div3A_1096 : i32
      %jit3A_1119 = arith.constant 8 : i32
      %eq3A_1120 = arith.constant 0 : i32
      %eq3A_1121 = arith.cmpi eq, %jit3A_1119, %eq3A_1120 : i32
      %jit3A_1122 = arith.constant 1 : i32
      %select_n3A_1123 = arith.select %eq3A_1121, %jit3A_1122, %jit3A_1119 : i32
      %rem3A_1124 = arith.remsi %scan3A_1094, %select_n3A_1123 : i32
      %ne3A_1125 = arith.constant 0 : i32
      %ne3A_1126 = arith.cmpi ne, %rem3A_1124, %ne3A_1125 : i32
      %lt3A_1127 = arith.constant 0 : i32
      %lt3A_1128 = arith.cmpi slt, %rem3A_1124, %lt3A_1127 : i32
      %lt3A_1129 = arith.constant 0 : i32
      %lt3A_1130 = arith.cmpi slt, %select_n3A_1123, %lt3A_1129 : i32
      %ne3A_1131 = arith.xori %lt3A_1128, %lt3A_1130 : i1
      %and3A_1132 = arith.andi %ne3A_1131, %ne3A_1126 : i1
      %add3A_1133 = arith.addi %rem3A_1124, %select_n3A_1123 : i32
      %select_n3A_1134 = arith.select %and3A_1132, %add3A_1133, %rem3A_1124 : i32
      %mul3A_1135 = arith.constant 16 : i32
      %mul3A_1136 = arith.muli %select_n3A_1134, %mul3A_1135 : i32
      %swap3A_1137 = arith.index_cast %select_n3A_1118 : i32 to index
      %swap3A_1138 = arith.index_cast %mul3A_1136 : i32 to index
      %swap3A_1139 = tpu.vector_load %arg6[%swap3A_1137, %swap3A_1138] {strides = array<i32>} : memref<200x128xi32, #tpu.memory_space<vmem>>, vector<16xi32>,
      tpu.vector_store %arg6[%swap3A_1137, %swap3A_1138], %broadcast_in_dim3A_3 {strides = array<i32>} : memref<200x128xi32, #tpu.memory_space<vmem>>, vector<16xi32>,
      %scan3A_1140 = arith.constant 7 : i32
      %scan3A_1141 = arith.addi %scan3A_820, %scan3A_1140 : i32
      %jit3A_1142 = arith.constant 8 : i32
      %div3A_1143 = arith.divsi %scan3A_1141, %jit3A_1142 : i32
      %sign3A_1144 = arith.constant 0 : i32
      %sign3A_1145 = arith.cmpi sgt, %scan3A_1141, %sign3A_1144 : i32
      %sign3A_1146 = arith.extui %sign3A_1145 : i1 to i32
      %sign3A_1147 = arith.constant 0 : i32
      %sign3A_1148 = arith.cmpi slt, %scan3A_1141, %sign3A_1147 : i32
      %sign3A_1149 = arith.extui %sign3A_1148 : i1 to i32
      %sign3A_1150 = arith.subi %sign3A_1146, %sign3A_1149 : i32
      %sign3A_1151 = arith.constant 0 : i32
      %sign3A_1152 = arith.cmpi sgt, %jit3A_1142, %sign3A_1151 : i32
      %sign3A_1153 = arith.extui %sign3A_1152 : i1 to i32
      %sign3A_1154 = arith.constant 0 : i32
      %sign3A_1155 = arith.cmpi slt, %jit3A_1142, %sign3A_1154 : i32
      %sign3A_1156 = arith.extui %sign3A_1155 : i1 to i32
      %sign3A_1157 = arith.subi %sign3A_1153, %sign3A_1156 : i32
      %ne3A_1158 = arith.cmpi ne, %sign3A_1150, %sign3A_1157 : i32
      %rem3A_1159 = arith.remsi %scan3A_1141, %jit3A_1142 : i32
      %ne3A_1160 = arith.constant 0 : i32
      %ne3A_1161 = arith.cmpi ne, %rem3A_1159, %ne3A_1160 : i32
      %and3A_1162 = arith.andi %ne3A_1158, %ne3A_1161 : i1
      %sub3A_1163 = arith.constant 1 : i32
      %sub3A_1164 = arith.subi %div3A_1143, %sub3A_1163 : i32
      %select_n3A_1165 = arith.select %and3A_1162, %sub3A_1164, %div3A_1143 : i32
      %jit3A_1166 = arith.constant 8 : i32
      %eq3A_1167 = arith.constant 0 : i32
      %eq3A_1168 = arith.cmpi eq, %jit3A_1166, %eq3A_1167 : i32
      %jit3A_1169 = arith.constant 1 : i32
      %select_n3A_1170 = arith.select %eq3A_1168, %jit3A_1169, %jit3A_1166 : i32
      %rem3A_1171 = arith.remsi %scan3A_1141, %select_n3A_1170 : i32
      %ne3A_1172 = arith.constant 0 : i32
      %ne3A_1173 = arith.cmpi ne, %rem3A_1171, %ne3A_1172 : i32
      %lt3A_1174 = arith.constant 0 : i32
      %lt3A_1175 = arith.cmpi slt, %rem3A_1171, %lt3A_1174 : i32
      %lt3A_1176 = arith.constant 0 : i32
      %lt3A_1177 = arith.cmpi slt, %select_n3A_1170, %lt3A_1176 : i32
      %ne3A_1178 = arith.xori %lt3A_1175, %lt3A_1177 : i1
      %and3A_1179 = arith.andi %ne3A_1178, %ne3A_1173 : i1
      %add3A_1180 = arith.addi %rem3A_1171, %select_n3A_1170 : i32
      %select_n3A_1181 = arith.select %and3A_1179, %add3A_1180, %rem3A_1171 : i32
      %mul3A_1182 = arith.constant 16 : i32
      %mul3A_1183 = arith.muli %select_n3A_1181, %mul3A_1182 : i32
      %swap3A_1184 = arith.index_cast %select_n3A_1165 : i32 to index
      %swap3A_1185 = arith.index_cast %mul3A_1183 : i32 to index
      %swap3A_1186 = tpu.vector_load %arg6[%swap3A_1184, %swap3A_1185] {strides = array<i32>} : memref<200x128xi32, #tpu.memory_space<vmem>>, vector<16xi32>,
      tpu.vector_store %arg6[%swap3A_1184, %swap3A_1185], %broadcast_in_dim3A_3 {strides = array<i32>} : memref<200x128xi32, #tpu.memory_space<vmem>>, vector<16xi32>,
    }
    %scan3A_176 = arith.constant 1600 : i32
    %get3A_177 = arith.constant 0 : i32
    %get3A_178 = arith.index_cast %get3A_177 : i32 to index
    %get3A_179 = arith.constant 0 : index
    %get3A_180 = tpu.vector_load %arg4[%get3A_178, %get3A_179] {strides = array<i32>} : memref<3x128xi32, #tpu.memory_space<vmem>>, vector<16xi32>,
    %sub3A_181 = arith.constant 200 : i32
    %sub3A_182 = vector.broadcast %sub3A_181 : i32 to vector<16xi32>
    %sub3A_183 = arith.subi %get3A_180, %sub3A_182 : vector<16xi32>
    %ge3A_184 = arith.constant 0 : i32
    %ge3A_185 = vector.broadcast %ge3A_184 : i32 to vector<16xi32>
    %ge3A_186 = arith.cmpi sge, %sub3A_183, %ge3A_185 : vector<16xi32>
    %lt3A_187 = arith.constant 200 : i32
    %lt3A_188 = vector.broadcast %lt3A_187 : i32 to vector<16xi32>
    %lt3A_189 = arith.cmpi slt, %sub3A_183, %lt3A_188 : vector<16xi32>
    %and3A_190 = arith.andi %ge3A_186, %lt3A_189 : vector<16xi1>
    %add3A_191 = arith.constant 0 : i32
    %add3A_192 = vector.broadcast %add3A_191 : i32 to vector<16xi32>
    %add3A_193 = arith.addi %iota3A, %add3A_192 : vector<16xi32>
    tpu.vector_store_idx %arg6[%sub3A_183, %add3A_193], %broadcast_in_dim3A_5 masked %and3A_190 : memref<200x128xi32, #tpu.memory_space<vmem>>[vector<16xi32>, vector<16xi32>], vector<16xi32>, vector<16xi1>
    %get3A_194 = arith.constant 0 : i32
    %get3A_195 = arith.index_cast %get3A_194 : i32 to index
    %get3A_196 = arith.constant 16 : index
    %get3A_197 = tpu.vector_load %arg4[%get3A_195, %get3A_196] {strides = array<i32>} : memref<3x128xi32, #tpu.memory_space<vmem>>, vector<16xi32>,
    %sub3A_198 = arith.constant 200 : i32
    %sub3A_199 = vector.broadcast %sub3A_198 : i32 to vector<16xi32>
    %sub3A_200 = arith.subi %get3A_197, %sub3A_199 : vector<16xi32>
    %ge3A_201 = arith.constant 0 : i32
    %ge3A_202 = vector.broadcast %ge3A_201 : i32 to vector<16xi32>
    %ge3A_203 = arith.cmpi sge, %sub3A_200, %ge3A_202 : vector<16xi32>
    %lt3A_204 = arith.constant 200 : i32
    %lt3A_205 = vector.broadcast %lt3A_204 : i32 to vector<16xi32>
    %lt3A_206 = arith.cmpi slt, %sub3A_200, %lt3A_205 : vector<16xi32>
    %and3A_207 = arith.andi %ge3A_203, %lt3A_206 : vector<16xi1>
    %add3A_208 = arith.constant 16 : i32
    %add3A_209 = vector.broadcast %add3A_208 : i32 to vector<16xi32>
    %add3A_210 = arith.addi %iota3A, %add3A_209 : vector<16xi32>
    tpu.vector_store_idx %arg6[%sub3A_200, %add3A_210], %broadcast_in_dim3A_5 masked %and3A_207 : memref<200x128xi32, #tpu.memory_space<vmem>>[vector<16xi32>, vector<16xi32>], vector<16xi32>, vector<16xi1>
    %get3A_211 = arith.constant 0 : i32
    %get3A_212 = arith.index_cast %get3A_211 : i32 to index
    %get3A_213 = arith.constant 32 : index
    %get3A_214 = tpu.vector_load %arg4[%get3A_212, %get3A_213] {strides = array<i32>} : memref<3x128xi32, #tpu.memory_space<vmem>>, vector<16xi32>,
    %sub3A_215 = arith.constant 200 : i32
    %sub3A_216 = vector.broadcast %sub3A_215 : i32 to vector<16xi32>
    %sub3A_217 = arith.subi %get3A_214, %sub3A_216 : vector<16xi32>
    %ge3A_218 = arith.constant 0 : i32
    %ge3A_219 = vector.broadcast %ge3A_218 : i32 to vector<16xi32>
    %ge3A_220 = arith.cmpi sge, %sub3A_217, %ge3A_219 : vector<16xi32>
    %lt3A_221 = arith.constant 200 : i32
    %lt3A_222 = vector.broadcast %lt3A_221 : i32 to vector<16xi32>
    %lt3A_223 = arith.cmpi slt, %sub3A_217, %lt3A_222 : vector<16xi32>
    %and3A_224 = arith.andi %ge3A_220, %lt3A_223 : vector<16xi1>
    %add3A_225 = arith.constant 32 : i32
    %add3A_226 = vector.broadcast %add3A_225 : i32 to vector<16xi32>
    %add3A_227 = arith.addi %iota3A, %add3A_226 : vector<16xi32>
    tpu.vector_store_idx %arg6[%sub3A_217, %add3A_227], %broadcast_in_dim3A_5 masked %and3A_224 : memref<200x128xi32, #tpu.memory_space<vmem>>[vector<16xi32>, vector<16xi32>], vector<16xi32>, vector<16xi1>
    %get3A_228 = arith.constant 0 : i32
    %get3A_229 = arith.index_cast %get3A_228 : i32 to index
    %get3A_230 = arith.constant 48 : index
    %get3A_231 = tpu.vector_load %arg4[%get3A_229, %get3A_230] {strides = array<i32>} : memref<3x128xi32, #tpu.memory_space<vmem>>, vector<16xi32>,
    %sub3A_232 = arith.constant 200 : i32
    %sub3A_233 = vector.broadcast %sub3A_232 : i32 to vector<16xi32>
    %sub3A_234 = arith.subi %get3A_231, %sub3A_233 : vector<16xi32>
    %ge3A_235 = arith.constant 0 : i32
    %ge3A_236 = vector.broadcast %ge3A_235 : i32 to vector<16xi32>
    %ge3A_237 = arith.cmpi sge, %sub3A_234, %ge3A_236 : vector<16xi32>
    %lt3A_238 = arith.constant 200 : i32
    %lt3A_239 = vector.broadcast %lt3A_238 : i32 to vector<16xi32>
    %lt3A_240 = arith.cmpi slt, %sub3A_234, %lt3A_239 : vector<16xi32>
    %and3A_241 = arith.andi %ge3A_237, %lt3A_240 : vector<16xi1>
    %add3A_242 = arith.constant 48 : i32
    %add3A_243 = vector.broadcast %add3A_242 : i32 to vector<16xi32>
    %add3A_244 = arith.addi %iota3A, %add3A_243 : vector<16xi32>
    tpu.vector_store_idx %arg6[%sub3A_234, %add3A_244], %broadcast_in_dim3A_5 masked %and3A_241 : memref<200x128xi32, #tpu.memory_space<vmem>>[vector<16xi32>, vector<16xi32>], vector<16xi32>, vector<16xi1>
    %get3A_245 = arith.constant 0 : i32
    %get3A_246 = arith.index_cast %get3A_245 : i32 to index
    %get3A_247 = arith.constant 64 : index
    %get3A_248 = tpu.vector_load %arg4[%get3A_246, %get3A_247] {strides = array<i32>} : memref<3x128xi32, #tpu.memory_space<vmem>>, vector<16xi32>,
    %sub3A_249 = arith.constant 200 : i32
    %sub3A_250 = vector.broadcast %sub3A_249 : i32 to vector<16xi32>
    %sub3A_251 = arith.subi %get3A_248, %sub3A_250 : vector<16xi32>
    %ge3A_252 = arith.constant 0 : i32
    %ge3A_253 = vector.broadcast %ge3A_252 : i32 to vector<16xi32>
    %ge3A_254 = arith.cmpi sge, %sub3A_251, %ge3A_253 : vector<16xi32>
    %lt3A_255 = arith.constant 200 : i32
    %lt3A_256 = vector.broadcast %lt3A_255 : i32 to vector<16xi32>
    %lt3A_257 = arith.cmpi slt, %sub3A_251, %lt3A_256 : vector<16xi32>
    %and3A_258 = arith.andi %ge3A_254, %lt3A_257 : vector<16xi1>
    %add3A_259 = arith.constant 64 : i32
    %add3A_260 = vector.broadcast %add3A_259 : i32 to vector<16xi32>
    %add3A_261 = arith.addi %iota3A, %add3A_260 : vector<16xi32>
    tpu.vector_store_idx %arg6[%sub3A_251, %add3A_261], %broadcast_in_dim3A_5 masked %and3A_258 : memref<200x128xi32, #tpu.memory_space<vmem>>[vector<16xi32>, vector<16xi32>], vector<16xi32>, vector<16xi1>
    %get3A_262 = arith.constant 0 : i32
    %get3A_263 = arith.index_cast %get3A_262 : i32 to index
    %get3A_264 = arith.constant 80 : index
    %get3A_265 = tpu.vector_load %arg4[%get3A_263, %get3A_264] {strides = array<i32>} : memref<3x128xi32, #tpu.memory_space<vmem>>, vector<16xi32>,
    %sub3A_266 = arith.constant 200 : i32
    %sub3A_267 = vector.broadcast %sub3A_266 : i32 to vector<16xi32>
    %sub3A_268 = arith.subi %get3A_265, %sub3A_267 : vector<16xi32>
    %ge3A_269 = arith.constant 0 : i32
    %ge3A_270 = vector.broadcast %ge3A_269 : i32 to vector<16xi32>
    %ge3A_271 = arith.cmpi sge, %sub3A_268, %ge3A_270 : vector<16xi32>
    %lt3A_272 = arith.constant 200 : i32
    %lt3A_273 = vector.broadcast %lt3A_272 : i32 to vector<16xi32>
    %lt3A_274 = arith.cmpi slt, %sub3A_268, %lt3A_273 : vector<16xi32>
    %and3A_275 = arith.andi %ge3A_271, %lt3A_274 : vector<16xi1>
    %add3A_276 = arith.constant 80 : i32
    %add3A_277 = vector.broadcast %add3A_276 : i32 to vector<16xi32>
    %add3A_278 = arith.addi %iota3A, %add3A_277 : vector<16xi32>
    tpu.vector_store_idx %arg6[%sub3A_268, %add3A_278], %broadcast_in_dim3A_5 masked %and3A_275 : memref<200x128xi32, #tpu.memory_space<vmem>>[vector<16xi32>, vector<16xi32>], vector<16xi32>, vector<16xi1>
    %get3A_279 = arith.constant 0 : i32
    %get3A_280 = arith.index_cast %get3A_279 : i32 to index
    %get3A_281 = arith.constant 96 : index
    %get3A_282 = tpu.vector_load %arg4[%get3A_280, %get3A_281] {strides = array<i32>} : memref<3x128xi32, #tpu.memory_space<vmem>>, vector<16xi32>,
    %sub3A_283 = arith.constant 200 : i32
    %sub3A_284 = vector.broadcast %sub3A_283 : i32 to vector<16xi32>
    %sub3A_285 = arith.subi %get3A_282, %sub3A_284 : vector<16xi32>
    %ge3A_286 = arith.constant 0 : i32
    %ge3A_287 = vector.broadcast %ge3A_286 : i32 to vector<16xi32>
    %ge3A_288 = arith.cmpi sge, %sub3A_285, %ge3A_287 : vector<16xi32>
    %lt3A_289 = arith.constant 200 : i32
    %lt3A_290 = vector.broadcast %lt3A_289 : i32 to vector<16xi32>
    %lt3A_291 = arith.cmpi slt, %sub3A_285, %lt3A_290 : vector<16xi32>
    %and3A_292 = arith.andi %ge3A_288, %lt3A_291 : vector<16xi1>
    %add3A_293 = arith.constant 96 : i32
    %add3A_294 = vector.broadcast %add3A_293 : i32 to vector<16xi32>
    %add3A_295 = arith.addi %iota3A, %add3A_294 : vector<16xi32>
    tpu.vector_store_idx %arg6[%sub3A_285, %add3A_295], %broadcast_in_dim3A_5 masked %and3A_292 : memref<200x128xi32, #tpu.memory_space<vmem>>[vector<16xi32>, vector<16xi32>], vector<16xi32>, vector<16xi1>
    %get3A_296 = arith.constant 0 : i32
    %get3A_297 = arith.index_cast %get3A_296 : i32 to index
    %get3A_298 = arith.constant 112 : index
    %get3A_299 = tpu.vector_load %arg4[%get3A_297, %get3A_298] {strides = array<i32>} : memref<3x128xi32, #tpu.memory_space<vmem>>, vector<16xi32>,
    %sub3A_300 = arith.constant 200 : i32
    %sub3A_301 = vector.broadcast %sub3A_300 : i32 to vector<16xi32>
    %sub3A_302 = arith.subi %get3A_299, %sub3A_301 : vector<16xi32>
    %ge3A_303 = arith.constant 0 : i32
    %ge3A_304 = vector.broadcast %ge3A_303 : i32 to vector<16xi32>
    %ge3A_305 = arith.cmpi sge, %sub3A_302, %ge3A_304 : vector<16xi32>
    %lt3A_306 = arith.constant 200 : i32
    %lt3A_307 = vector.broadcast %lt3A_306 : i32 to vector<16xi32>
    %lt3A_308 = arith.cmpi slt, %sub3A_302, %lt3A_307 : vector<16xi32>
    %and3A_309 = arith.andi %ge3A_305, %lt3A_308 : vector<16xi1>
    %add3A_310 = arith.constant 112 : i32
    %add3A_311 = vector.broadcast %add3A_310 : i32 to vector<16xi32>
    %add3A_312 = arith.addi %iota3A, %add3A_311 : vector<16xi32>
    tpu.vector_store_idx %arg6[%sub3A_302, %add3A_312], %broadcast_in_dim3A_5 masked %and3A_309 : memref<200x128xi32, #tpu.memory_space<vmem>>[vector<16xi32>, vector<16xi32>], vector<16xi32>, vector<16xi1>
    %dma_start3A_313 = arith.constant 0 : i32
    %dma_start3A_314 = arith.constant 200 : i32
    %dma_start3A_315 = tpu.memref_slice %arg3[%dma_start3A_313, %dma_start3A_314, %mul3A_2] : memref<26x1000x4096xi32, #tpu.memory_space<hbm>> -> memref<1x200x128xi32, #tpu.memory_space<hbm>>
    %dma_start3A_316 = tpu.memref_squeeze %dma_start3A_315 : memref<1x200x128xi32, #tpu.memory_space<hbm>> -> memref<200x128xi32, #tpu.memory_space<hbm>>
    %dma_start3A_317 = arith.constant 200 : i32
    %dma_start3A_318 = tpu.memref_slice %arg3[%dma_start3A_313, %dma_start3A_317, %mul3A_2] : memref<26x1000x4096xi32, #tpu.memory_space<hbm>> -> memref<1x200x128xi32, #tpu.memory_space<hbm>>
    %dma_start3A_319 = tpu.memref_squeeze %dma_start3A_318 : memref<1x200x128xi32, #tpu.memory_space<hbm>> -> memref<200x128xi32, #tpu.memory_space<hbm>>
    tpu.enqueue_dma source(%arg6 : memref<200x128xi32, #tpu.memory_space<vmem>>) target(%dma_start3A_319 : memref<200x128xi32, #tpu.memory_space<hbm>>) target_semaphore(%arg11 : memref<!tpu.dma_semaphore, #tpu.memory_space<semaphore_mem>>)
    %scan3A_320 = arith.constant 0 : i32
    %scan3A_321 = arith.constant 0 : i32
    %scan3A_322 = arith.constant 1600 : i32
    %scan3A_323 = arith.addi %scan3A_321, %scan3A_322 : i32
    %scan3A_324 = arith.constant 8 : i32
    scf.for %scan3A_820 = %scan3A_321 to %scan3A_323 step %scan3A_324  : i32 {
      %jit3A = arith.constant 8 : i32
      %div3A = arith.divsi %scan3A_820, %jit3A : i32
      %sign3A = arith.constant 0 : i32
      %sign3A_821 = arith.cmpi sgt, %scan3A_820, %sign3A : i32
      %sign3A_822 = arith.extui %sign3A_821 : i1 to i32
      %sign3A_823 = arith.constant 0 : i32
      %sign3A_824 = arith.cmpi slt, %scan3A_820, %sign3A_823 : i32
      %sign3A_825 = arith.extui %sign3A_824 : i1 to i32
      %sign3A_826 = arith.subi %sign3A_822, %sign3A_825 : i32
      %sign3A_827 = arith.constant 0 : i32
      %sign3A_828 = arith.cmpi sgt, %jit3A, %sign3A_827 : i32
      %sign3A_829 = arith.extui %sign3A_828 : i1 to i32
      %sign3A_830 = arith.constant 0 : i32
      %sign3A_831 = arith.cmpi slt, %jit3A, %sign3A_830 : i32
      %sign3A_832 = arith.extui %sign3A_831 : i1 to i32
      %sign3A_833 = arith.subi %sign3A_829, %sign3A_832 : i32
      %ne3A = arith.cmpi ne, %sign3A_826, %sign3A_833 : i32
      %rem3A = arith.remsi %scan3A_820, %jit3A : i32
      %ne3A_834 = arith.constant 0 : i32
      %ne3A_835 = arith.cmpi ne, %rem3A, %ne3A_834 : i32
      %and3A_836 = arith.andi %ne3A, %ne3A_835 : i1
      %sub3A_837 = arith.constant 1 : i32
      %sub3A_838 = arith.subi %div3A, %sub3A_837 : i32
      %select_n3A = arith.select %and3A_836, %sub3A_838, %div3A : i32
      %jit3A_839 = arith.constant 8 : i32
      %eq3A = arith.constant 0 : i32
      %eq3A_840 = arith.cmpi eq, %jit3A_839, %eq3A : i32
      %jit3A_841 = arith.constant 1 : i32
      %select_n3A_842 = arith.select %eq3A_840, %jit3A_841, %jit3A_839 : i32
      %rem3A_843 = arith.remsi %scan3A_820, %select_n3A_842 : i32
      %ne3A_844 = arith.constant 0 : i32
      %ne3A_845 = arith.cmpi ne, %rem3A_843, %ne3A_844 : i32
      %lt3A_846 = arith.constant 0 : i32
      %lt3A_847 = arith.cmpi slt, %rem3A_843, %lt3A_846 : i32
      %lt3A_848 = arith.constant 0 : i32
      %lt3A_849 = arith.cmpi slt, %select_n3A_842, %lt3A_848 : i32
      %ne3A_850 = arith.xori %lt3A_847, %lt3A_849 : i1
      %and3A_851 = arith.andi %ne3A_850, %ne3A_845 : i1
      %add3A_852 = arith.addi %rem3A_843, %select_n3A_842 : i32
      %select_n3A_853 = arith.select %and3A_851, %add3A_852, %rem3A_843 : i32
      %mul3A_854 = arith.constant 16 : i32
      %mul3A_855 = arith.muli %select_n3A_853, %mul3A_854 : i32
      %swap3A = arith.index_cast %select_n3A : i32 to index
      %swap3A_856 = arith.index_cast %mul3A_855 : i32 to index
      %swap3A_857 = tpu.vector_load %arg7[%swap3A, %swap3A_856] {strides = array<i32>} : memref<200x128xi32, #tpu.memory_space<vmem>>, vector<16xi32>,
      tpu.vector_store %arg7[%swap3A, %swap3A_856], %broadcast_in_dim3A_3 {strides = array<i32>} : memref<200x128xi32, #tpu.memory_space<vmem>>, vector<16xi32>,
      %scan3A_858 = arith.constant 1 : i32
      %scan3A_859 = arith.addi %scan3A_820, %scan3A_858 : i32
      %jit3A_860 = arith.constant 8 : i32
      %div3A_861 = arith.divsi %scan3A_859, %jit3A_860 : i32
      %sign3A_862 = arith.constant 0 : i32
      %sign3A_863 = arith.cmpi sgt, %scan3A_859, %sign3A_862 : i32
      %sign3A_864 = arith.extui %sign3A_863 : i1 to i32
      %sign3A_865 = arith.constant 0 : i32
      %sign3A_866 = arith.cmpi slt, %scan3A_859, %sign3A_865 : i32
      %sign3A_867 = arith.extui %sign3A_866 : i1 to i32
      %sign3A_868 = arith.subi %sign3A_864, %sign3A_867 : i32
      %sign3A_869 = arith.constant 0 : i32
      %sign3A_870 = arith.cmpi sgt, %jit3A_860, %sign3A_869 : i32
      %sign3A_871 = arith.extui %sign3A_870 : i1 to i32
      %sign3A_872 = arith.constant 0 : i32
      %sign3A_873 = arith.cmpi slt, %jit3A_860, %sign3A_872 : i32
      %sign3A_874 = arith.extui %sign3A_873 : i1 to i32
      %sign3A_875 = arith.subi %sign3A_871, %sign3A_874 : i32
      %ne3A_876 = arith.cmpi ne, %sign3A_868, %sign3A_875 : i32
      %rem3A_877 = arith.remsi %scan3A_859, %jit3A_860 : i32
      %ne3A_878 = arith.constant 0 : i32
      %ne3A_879 = arith.cmpi ne, %rem3A_877, %ne3A_878 : i32
      %and3A_880 = arith.andi %ne3A_876, %ne3A_879 : i1
      %sub3A_881 = arith.constant 1 : i32
      %sub3A_882 = arith.subi %div3A_861, %sub3A_881 : i32
      %select_n3A_883 = arith.select %and3A_880, %sub3A_882, %div3A_861 : i32
      %jit3A_884 = arith.constant 8 : i32
      %eq3A_885 = arith.constant 0 : i32
      %eq3A_886 = arith.cmpi eq, %jit3A_884, %eq3A_885 : i32
      %jit3A_887 = arith.constant 1 : i32
      %select_n3A_888 = arith.select %eq3A_886, %jit3A_887, %jit3A_884 : i32
      %rem3A_889 = arith.remsi %scan3A_859, %select_n3A_888 : i32
      %ne3A_890 = arith.constant 0 : i32
      %ne3A_891 = arith.cmpi ne, %rem3A_889, %ne3A_890 : i32
      %lt3A_892 = arith.constant 0 : i32
      %lt3A_893 = arith.cmpi slt, %rem3A_889, %lt3A_892 : i32
      %lt3A_894 = arith.constant 0 : i32
      %lt3A_895 = arith.cmpi slt, %select_n3A_888, %lt3A_894 : i32
      %ne3A_896 = arith.xori %lt3A_893, %lt3A_895 : i1
      %and3A_897 = arith.andi %ne3A_896, %ne3A_891 : i1
      %add3A_898 = arith.addi %rem3A_889, %select_n3A_888 : i32
      %select_n3A_899 = arith.select %and3A_897, %add3A_898, %rem3A_889 : i32
      %mul3A_900 = arith.constant 16 : i32
      %mul3A_901 = arith.muli %select_n3A_899, %mul3A_900 : i32
      %swap3A_902 = arith.index_cast %select_n3A_883 : i32 to index
      %swap3A_903 = arith.index_cast %mul3A_901 : i32 to index
      %swap3A_904 = tpu.vector_load %arg7[%swap3A_902, %swap3A_903] {strides = array<i32>} : memref<200x128xi32, #tpu.memory_space<vmem>>, vector<16xi32>,
      tpu.vector_store %arg7[%swap3A_902, %swap3A_903], %broadcast_in_dim3A_3 {strides = array<i32>} : memref<200x128xi32, #tpu.memory_space<vmem>>, vector<16xi32>,
      %scan3A_905 = arith.constant 2 : i32
      %scan3A_906 = arith.addi %scan3A_820, %scan3A_905 : i32
      %jit3A_907 = arith.constant 8 : i32
      %div3A_908 = arith.divsi %scan3A_906, %jit3A_907 : i32
      %sign3A_909 = arith.constant 0 : i32
      %sign3A_910 = arith.cmpi sgt, %scan3A_906, %sign3A_909 : i32
      %sign3A_911 = arith.extui %sign3A_910 : i1 to i32
      %sign3A_912 = arith.constant 0 : i32
      %sign3A_913 = arith.cmpi slt, %scan3A_906, %sign3A_912 : i32
      %sign3A_914 = arith.extui %sign3A_913 : i1 to i32
      %sign3A_915 = arith.subi %sign3A_911, %sign3A_914 : i32
      %sign3A_916 = arith.constant 0 : i32
      %sign3A_917 = arith.cmpi sgt, %jit3A_907, %sign3A_916 : i32
      %sign3A_918 = arith.extui %sign3A_917 : i1 to i32
      %sign3A_919 = arith.constant 0 : i32
      %sign3A_920 = arith.cmpi slt, %jit3A_907, %sign3A_919 : i32
      %sign3A_921 = arith.extui %sign3A_920 : i1 to i32
      %sign3A_922 = arith.subi %sign3A_918, %sign3A_921 : i32
      %ne3A_923 = arith.cmpi ne, %sign3A_915, %sign3A_922 : i32
      %rem3A_924 = arith.remsi %scan3A_906, %jit3A_907 : i32
      %ne3A_925 = arith.constant 0 : i32
      %ne3A_926 = arith.cmpi ne, %rem3A_924, %ne3A_925 : i32
      %and3A_927 = arith.andi %ne3A_923, %ne3A_926 : i1
      %sub3A_928 = arith.constant 1 : i32
      %sub3A_929 = arith.subi %div3A_908, %sub3A_928 : i32
      %select_n3A_930 = arith.select %and3A_927, %sub3A_929, %div3A_908 : i32
      %jit3A_931 = arith.constant 8 : i32
      %eq3A_932 = arith.constant 0 : i32
      %eq3A_933 = arith.cmpi eq, %jit3A_931, %eq3A_932 : i32
      %jit3A_934 = arith.constant 1 : i32
      %select_n3A_935 = arith.select %eq3A_933, %jit3A_934, %jit3A_931 : i32
      %rem3A_936 = arith.remsi %scan3A_906, %select_n3A_935 : i32
      %ne3A_937 = arith.constant 0 : i32
      %ne3A_938 = arith.cmpi ne, %rem3A_936, %ne3A_937 : i32
      %lt3A_939 = arith.constant 0 : i32
      %lt3A_940 = arith.cmpi slt, %rem3A_936, %lt3A_939 : i32
      %lt3A_941 = arith.constant 0 : i32
      %lt3A_942 = arith.cmpi slt, %select_n3A_935, %lt3A_941 : i32
      %ne3A_943 = arith.xori %lt3A_940, %lt3A_942 : i1
      %and3A_944 = arith.andi %ne3A_943, %ne3A_938 : i1
      %add3A_945 = arith.addi %rem3A_936, %select_n3A_935 : i32
      %select_n3A_946 = arith.select %and3A_944, %add3A_945, %rem3A_936 : i32
      %mul3A_947 = arith.constant 16 : i32
      %mul3A_948 = arith.muli %select_n3A_946, %mul3A_947 : i32
      %swap3A_949 = arith.index_cast %select_n3A_930 : i32 to index
      %swap3A_950 = arith.index_cast %mul3A_948 : i32 to index
      %swap3A_951 = tpu.vector_load %arg7[%swap3A_949, %swap3A_950] {strides = array<i32>} : memref<200x128xi32, #tpu.memory_space<vmem>>, vector<16xi32>,
      tpu.vector_store %arg7[%swap3A_949, %swap3A_950], %broadcast_in_dim3A_3 {strides = array<i32>} : memref<200x128xi32, #tpu.memory_space<vmem>>, vector<16xi32>,
      %scan3A_952 = arith.constant 3 : i32
      %scan3A_953 = arith.addi %scan3A_820, %scan3A_952 : i32
      %jit3A_954 = arith.constant 8 : i32
      %div3A_955 = arith.divsi %scan3A_953, %jit3A_954 : i32
      %sign3A_956 = arith.constant 0 : i32
      %sign3A_957 = arith.cmpi sgt, %scan3A_953, %sign3A_956 : i32
      %sign3A_958 = arith.extui %sign3A_957 : i1 to i32
      %sign3A_959 = arith.constant 0 : i32
      %sign3A_960 = arith.cmpi slt, %scan3A_953, %sign3A_959 : i32
      %sign3A_961 = arith.extui %sign3A_960 : i1 to i32
      %sign3A_962 = arith.subi %sign3A_958, %sign3A_961 : i32
      %sign3A_963 = arith.constant 0 : i32
      %sign3A_964 = arith.cmpi sgt, %jit3A_954, %sign3A_963 : i32
      %sign3A_965 = arith.extui %sign3A_964 : i1 to i32
      %sign3A_966 = arith.constant 0 : i32
      %sign3A_967 = arith.cmpi slt, %jit3A_954, %sign3A_966 : i32
      %sign3A_968 = arith.extui %sign3A_967 : i1 to i32
      %sign3A_969 = arith.subi %sign3A_965, %sign3A_968 : i32
      %ne3A_970 = arith.cmpi ne, %sign3A_962, %sign3A_969 : i32
      %rem3A_971 = arith.remsi %scan3A_953, %jit3A_954 : i32
      %ne3A_972 = arith.constant 0 : i32
      %ne3A_973 = arith.cmpi ne, %rem3A_971, %ne3A_972 : i32
      %and3A_974 = arith.andi %ne3A_970, %ne3A_973 : i1
      %sub3A_975 = arith.constant 1 : i32
      %sub3A_976 = arith.subi %div3A_955, %sub3A_975 : i32
      %select_n3A_977 = arith.select %and3A_974, %sub3A_976, %div3A_955 : i32
      %jit3A_978 = arith.constant 8 : i32
      %eq3A_979 = arith.constant 0 : i32
      %eq3A_980 = arith.cmpi eq, %jit3A_978, %eq3A_979 : i32
      %jit3A_981 = arith.constant 1 : i32
      %select_n3A_982 = arith.select %eq3A_980, %jit3A_981, %jit3A_978 : i32
      %rem3A_983 = arith.remsi %scan3A_953, %select_n3A_982 : i32
      %ne3A_984 = arith.constant 0 : i32
      %ne3A_985 = arith.cmpi ne, %rem3A_983, %ne3A_984 : i32
      %lt3A_986 = arith.constant 0 : i32
      %lt3A_987 = arith.cmpi slt, %rem3A_983, %lt3A_986 : i32
      %lt3A_988 = arith.constant 0 : i32
      %lt3A_989 = arith.cmpi slt, %select_n3A_982, %lt3A_988 : i32
      %ne3A_990 = arith.xori %lt3A_987, %lt3A_989 : i1
      %and3A_991 = arith.andi %ne3A_990, %ne3A_985 : i1
      %add3A_992 = arith.addi %rem3A_983, %select_n3A_982 : i32
      %select_n3A_993 = arith.select %and3A_991, %add3A_992, %rem3A_983 : i32
      %mul3A_994 = arith.constant 16 : i32
      %mul3A_995 = arith.muli %select_n3A_993, %mul3A_994 : i32
      %swap3A_996 = arith.index_cast %select_n3A_977 : i32 to index
      %swap3A_997 = arith.index_cast %mul3A_995 : i32 to index
      %swap3A_998 = tpu.vector_load %arg7[%swap3A_996, %swap3A_997] {strides = array<i32>} : memref<200x128xi32, #tpu.memory_space<vmem>>, vector<16xi32>,
      tpu.vector_store %arg7[%swap3A_996, %swap3A_997], %broadcast_in_dim3A_3 {strides = array<i32>} : memref<200x128xi32, #tpu.memory_space<vmem>>, vector<16xi32>,
      %scan3A_999 = arith.constant 4 : i32
      %scan3A_1000 = arith.addi %scan3A_820, %scan3A_999 : i32
      %jit3A_1001 = arith.constant 8 : i32
      %div3A_1002 = arith.divsi %scan3A_1000, %jit3A_1001 : i32
      %sign3A_1003 = arith.constant 0 : i32
      %sign3A_1004 = arith.cmpi sgt, %scan3A_1000, %sign3A_1003 : i32
      %sign3A_1005 = arith.extui %sign3A_1004 : i1 to i32
      %sign3A_1006 = arith.constant 0 : i32
      %sign3A_1007 = arith.cmpi slt, %scan3A_1000, %sign3A_1006 : i32
      %sign3A_1008 = arith.extui %sign3A_1007 : i1 to i32
      %sign3A_1009 = arith.subi %sign3A_1005, %sign3A_1008 : i32
      %sign3A_1010 = arith.constant 0 : i32
      %sign3A_1011 = arith.cmpi sgt, %jit3A_1001, %sign3A_1010 : i32
      %sign3A_1012 = arith.extui %sign3A_1011 : i1 to i32
      %sign3A_1013 = arith.constant 0 : i32
      %sign3A_1014 = arith.cmpi slt, %jit3A_1001, %sign3A_1013 : i32
      %sign3A_1015 = arith.extui %sign3A_1014 : i1 to i32
      %sign3A_1016 = arith.subi %sign3A_1012, %sign3A_1015 : i32
      %ne3A_1017 = arith.cmpi ne, %sign3A_1009, %sign3A_1016 : i32
      %rem3A_1018 = arith.remsi %scan3A_1000, %jit3A_1001 : i32
      %ne3A_1019 = arith.constant 0 : i32
      %ne3A_1020 = arith.cmpi ne, %rem3A_1018, %ne3A_1019 : i32
      %and3A_1021 = arith.andi %ne3A_1017, %ne3A_1020 : i1
      %sub3A_1022 = arith.constant 1 : i32
      %sub3A_1023 = arith.subi %div3A_1002, %sub3A_1022 : i32
      %select_n3A_1024 = arith.select %and3A_1021, %sub3A_1023, %div3A_1002 : i32
      %jit3A_1025 = arith.constant 8 : i32
      %eq3A_1026 = arith.constant 0 : i32
      %eq3A_1027 = arith.cmpi eq, %jit3A_1025, %eq3A_1026 : i32
      %jit3A_1028 = arith.constant 1 : i32
      %select_n3A_1029 = arith.select %eq3A_1027, %jit3A_1028, %jit3A_1025 : i32
      %rem3A_1030 = arith.remsi %scan3A_1000, %select_n3A_1029 : i32
      %ne3A_1031 = arith.constant 0 : i32
      %ne3A_1032 = arith.cmpi ne, %rem3A_1030, %ne3A_1031 : i32
      %lt3A_1033 = arith.constant 0 : i32
      %lt3A_1034 = arith.cmpi slt, %rem3A_1030, %lt3A_1033 : i32
      %lt3A_1035 = arith.constant 0 : i32
      %lt3A_1036 = arith.cmpi slt, %select_n3A_1029, %lt3A_1035 : i32
      %ne3A_1037 = arith.xori %lt3A_1034, %lt3A_1036 : i1
      %and3A_1038 = arith.andi %ne3A_1037, %ne3A_1032 : i1
      %add3A_1039 = arith.addi %rem3A_1030, %select_n3A_1029 : i32
      %select_n3A_1040 = arith.select %and3A_1038, %add3A_1039, %rem3A_1030 : i32
      %mul3A_1041 = arith.constant 16 : i32
      %mul3A_1042 = arith.muli %select_n3A_1040, %mul3A_1041 : i32
      %swap3A_1043 = arith.index_cast %select_n3A_1024 : i32 to index
      %swap3A_1044 = arith.index_cast %mul3A_1042 : i32 to index
      %swap3A_1045 = tpu.vector_load %arg7[%swap3A_1043, %swap3A_1044] {strides = array<i32>} : memref<200x128xi32, #tpu.memory_space<vmem>>, vector<16xi32>,
      tpu.vector_store %arg7[%swap3A_1043, %swap3A_1044], %broadcast_in_dim3A_3 {strides = array<i32>} : memref<200x128xi32, #tpu.memory_space<vmem>>, vector<16xi32>,
      %scan3A_1046 = arith.constant 5 : i32
      %scan3A_1047 = arith.addi %scan3A_820, %scan3A_1046 : i32
      %jit3A_1048 = arith.constant 8 : i32
      %div3A_1049 = arith.divsi %scan3A_1047, %jit3A_1048 : i32
      %sign3A_1050 = arith.constant 0 : i32
      %sign3A_1051 = arith.cmpi sgt, %scan3A_1047, %sign3A_1050 : i32
      %sign3A_1052 = arith.extui %sign3A_1051 : i1 to i32
      %sign3A_1053 = arith.constant 0 : i32
      %sign3A_1054 = arith.cmpi slt, %scan3A_1047, %sign3A_1053 : i32
      %sign3A_1055 = arith.extui %sign3A_1054 : i1 to i32
      %sign3A_1056 = arith.subi %sign3A_1052, %sign3A_1055 : i32
      %sign3A_1057 = arith.constant 0 : i32
      %sign3A_1058 = arith.cmpi sgt, %jit3A_1048, %sign3A_1057 : i32
      %sign3A_1059 = arith.extui %sign3A_1058 : i1 to i32
      %sign3A_1060 = arith.constant 0 : i32
      %sign3A_1061 = arith.cmpi slt, %jit3A_1048, %sign3A_1060 : i32
      %sign3A_1062 = arith.extui %sign3A_1061 : i1 to i32
      %sign3A_1063 = arith.subi %sign3A_1059, %sign3A_1062 : i32
      %ne3A_1064 = arith.cmpi ne, %sign3A_1056, %sign3A_1063 : i32
      %rem3A_1065 = arith.remsi %scan3A_1047, %jit3A_1048 : i32
      %ne3A_1066 = arith.constant 0 : i32
      %ne3A_1067 = arith.cmpi ne, %rem3A_1065, %ne3A_1066 : i32
      %and3A_1068 = arith.andi %ne3A_1064, %ne3A_1067 : i1
      %sub3A_1069 = arith.constant 1 : i32
      %sub3A_1070 = arith.subi %div3A_1049, %sub3A_1069 : i32
      %select_n3A_1071 = arith.select %and3A_1068, %sub3A_1070, %div3A_1049 : i32
      %jit3A_1072 = arith.constant 8 : i32
      %eq3A_1073 = arith.constant 0 : i32
      %eq3A_1074 = arith.cmpi eq, %jit3A_1072, %eq3A_1073 : i32
      %jit3A_1075 = arith.constant 1 : i32
      %select_n3A_1076 = arith.select %eq3A_1074, %jit3A_1075, %jit3A_1072 : i32
      %rem3A_1077 = arith.remsi %scan3A_1047, %select_n3A_1076 : i32
      %ne3A_1078 = arith.constant 0 : i32
      %ne3A_1079 = arith.cmpi ne, %rem3A_1077, %ne3A_1078 : i32
      %lt3A_1080 = arith.constant 0 : i32
      %lt3A_1081 = arith.cmpi slt, %rem3A_1077, %lt3A_1080 : i32
      %lt3A_1082 = arith.constant 0 : i32
      %lt3A_1083 = arith.cmpi slt, %select_n3A_1076, %lt3A_1082 : i32
      %ne3A_1084 = arith.xori %lt3A_1081, %lt3A_1083 : i1
      %and3A_1085 = arith.andi %ne3A_1084, %ne3A_1079 : i1
      %add3A_1086 = arith.addi %rem3A_1077, %select_n3A_1076 : i32
      %select_n3A_1087 = arith.select %and3A_1085, %add3A_1086, %rem3A_1077 : i32
      %mul3A_1088 = arith.constant 16 : i32
      %mul3A_1089 = arith.muli %select_n3A_1087, %mul3A_1088 : i32
      %swap3A_1090 = arith.index_cast %select_n3A_1071 : i32 to index
      %swap3A_1091 = arith.index_cast %mul3A_1089 : i32 to index
      %swap3A_1092 = tpu.vector_load %arg7[%swap3A_1090, %swap3A_1091] {strides = array<i32>} : memref<200x128xi32, #tpu.memory_space<vmem>>, vector<16xi32>,
      tpu.vector_store %arg7[%swap3A_1090, %swap3A_1091], %broadcast_in_dim3A_3 {strides = array<i32>} : memref<200x128xi32, #tpu.memory_space<vmem>>, vector<16xi32>,
      %scan3A_1093 = arith.constant 6 : i32
      %scan3A_1094 = arith.addi %scan3A_820, %scan3A_1093 : i32
      %jit3A_1095 = arith.constant 8 : i32
      %div3A_1096 = arith.divsi %scan3A_1094, %jit3A_1095 : i32
      %sign3A_1097 = arith.constant 0 : i32
      %sign3A_1098 = arith.cmpi sgt, %scan3A_1094, %sign3A_1097 : i32
      %sign3A_1099 = arith.extui %sign3A_1098 : i1 to i32
      %sign3A_1100 = arith.constant 0 : i32
      %sign3A_1101 = arith.cmpi slt, %scan3A_1094, %sign3A_1100 : i32
      %sign3A_1102 = arith.extui %sign3A_1101 : i1 to i32
      %sign3A_1103 = arith.subi %sign3A_1099, %sign3A_1102 : i32
      %sign3A_1104 = arith.constant 0 : i32
      %sign3A_1105 = arith.cmpi sgt, %jit3A_1095, %sign3A_1104 : i32
      %sign3A_1106 = arith.extui %sign3A_1105 : i1 to i32
      %sign3A_1107 = arith.constant 0 : i32
      %sign3A_1108 = arith.cmpi slt, %jit3A_1095, %sign3A_1107 : i32
      %sign3A_1109 = arith.extui %sign3A_1108 : i1 to i32
      %sign3A_1110 = arith.subi %sign3A_1106, %sign3A_1109 : i32
      %ne3A_1111 = arith.cmpi ne, %sign3A_1103, %sign3A_1110 : i32
      %rem3A_1112 = arith.remsi %scan3A_1094, %jit3A_1095 : i32
      %ne3A_1113 = arith.constant 0 : i32
      %ne3A_1114 = arith.cmpi ne, %rem3A_1112, %ne3A_1113 : i32
      %and3A_1115 = arith.andi %ne3A_1111, %ne3A_1114 : i1
      %sub3A_1116 = arith.constant 1 : i32
      %sub3A_1117 = arith.subi %div3A_1096, %sub3A_1116 : i32
      %select_n3A_1118 = arith.select %and3A_1115, %sub3A_1117, %div3A_1096 : i32
      %jit3A_1119 = arith.constant 8 : i32
      %eq3A_1120 = arith.constant 0 : i32
      %eq3A_1121 = arith.cmpi eq, %jit3A_1119, %eq3A_1120 : i32
      %jit3A_1122 = arith.constant 1 : i32
      %select_n3A_1123 = arith.select %eq3A_1121, %jit3A_1122, %jit3A_1119 : i32
      %rem3A_1124 = arith.remsi %scan3A_1094, %select_n3A_1123 : i32
      %ne3A_1125 = arith.constant 0 : i32
      %ne3A_1126 = arith.cmpi ne, %rem3A_1124, %ne3A_1125 : i32
      %lt3A_1127 = arith.constant 0 : i32
      %lt3A_1128 = arith.cmpi slt, %rem3A_1124, %lt3A_1127 : i32
      %lt3A_1129 = arith.constant 0 : i32
      %lt3A_1130 = arith.cmpi slt, %select_n3A_1123, %lt3A_1129 : i32
      %ne3A_1131 = arith.xori %lt3A_1128, %lt3A_1130 : i1
      %and3A_1132 = arith.andi %ne3A_1131, %ne3A_1126 : i1
      %add3A_1133 = arith.addi %rem3A_1124, %select_n3A_1123 : i32
      %select_n3A_1134 = arith.select %and3A_1132, %add3A_1133, %rem3A_1124 : i32
      %mul3A_1135 = arith.constant 16 : i32
      %mul3A_1136 = arith.muli %select_n3A_1134, %mul3A_1135 : i32
      %swap3A_1137 = arith.index_cast %select_n3A_1118 : i32 to index
      %swap3A_1138 = arith.index_cast %mul3A_1136 : i32 to index
      %swap3A_1139 = tpu.vector_load %arg7[%swap3A_1137, %swap3A_1138] {strides = array<i32>} : memref<200x128xi32, #tpu.memory_space<vmem>>, vector<16xi32>,
      tpu.vector_store %arg7[%swap3A_1137, %swap3A_1138], %broadcast_in_dim3A_3 {strides = array<i32>} : memref<200x128xi32, #tpu.memory_space<vmem>>, vector<16xi32>,
      %scan3A_1140 = arith.constant 7 : i32
      %scan3A_1141 = arith.addi %scan3A_820, %scan3A_1140 : i32
      %jit3A_1142 = arith.constant 8 : i32
      %div3A_1143 = arith.divsi %scan3A_1141, %jit3A_1142 : i32
      %sign3A_1144 = arith.constant 0 : i32
      %sign3A_1145 = arith.cmpi sgt, %scan3A_1141, %sign3A_1144 : i32
      %sign3A_1146 = arith.extui %sign3A_1145 : i1 to i32
      %sign3A_1147 = arith.constant 0 : i32
      %sign3A_1148 = arith.cmpi slt, %scan3A_1141, %sign3A_1147 : i32
      %sign3A_1149 = arith.extui %sign3A_1148 : i1 to i32
      %sign3A_1150 = arith.subi %sign3A_1146, %sign3A_1149 : i32
      %sign3A_1151 = arith.constant 0 : i32
      %sign3A_1152 = arith.cmpi sgt, %jit3A_1142, %sign3A_1151 : i32
      %sign3A_1153 = arith.extui %sign3A_1152 : i1 to i32
      %sign3A_1154 = arith.constant 0 : i32
      %sign3A_1155 = arith.cmpi slt, %jit3A_1142, %sign3A_1154 : i32
      %sign3A_1156 = arith.extui %sign3A_1155 : i1 to i32
      %sign3A_1157 = arith.subi %sign3A_1153, %sign3A_1156 : i32
      %ne3A_1158 = arith.cmpi ne, %sign3A_1150, %sign3A_1157 : i32
      %rem3A_1159 = arith.remsi %scan3A_1141, %jit3A_1142 : i32
      %ne3A_1160 = arith.constant 0 : i32
      %ne3A_1161 = arith.cmpi ne, %rem3A_1159, %ne3A_1160 : i32
      %and3A_1162 = arith.andi %ne3A_1158, %ne3A_1161 : i1
      %sub3A_1163 = arith.constant 1 : i32
      %sub3A_1164 = arith.subi %div3A_1143, %sub3A_1163 : i32
      %select_n3A_1165 = arith.select %and3A_1162, %sub3A_1164, %div3A_1143 : i32
      %jit3A_1166 = arith.constant 8 : i32
      %eq3A_1167 = arith.constant 0 : i32
      %eq3A_1168 = arith.cmpi eq, %jit3A_1166, %eq3A_1167 : i32
      %jit3A_1169 = arith.constant 1 : i32
      %select_n3A_1170 = arith.select %eq3A_1168, %jit3A_1169, %jit3A_1166 : i32
      %rem3A_1171 = arith.remsi %scan3A_1141, %select_n3A_1170 : i32
      %ne3A_1172 = arith.constant 0 : i32
      %ne3A_1173 = arith.cmpi ne, %rem3A_1171, %ne3A_1172 : i32
      %lt3A_1174 = arith.constant 0 : i32
      %lt3A_1175 = arith.cmpi slt, %rem3A_1171, %lt3A_1174 : i32
      %lt3A_1176 = arith.constant 0 : i32
      %lt3A_1177 = arith.cmpi slt, %select_n3A_1170, %lt3A_1176 : i32
      %ne3A_1178 = arith.xori %lt3A_1175, %lt3A_1177 : i1
      %and3A_1179 = arith.andi %ne3A_1178, %ne3A_1173 : i1
      %add3A_1180 = arith.addi %rem3A_1171, %select_n3A_1170 : i32
      %select_n3A_1181 = arith.select %and3A_1179, %add3A_1180, %rem3A_1171 : i32
      %mul3A_1182 = arith.constant 16 : i32
      %mul3A_1183 = arith.muli %select_n3A_1181, %mul3A_1182 : i32
      %swap3A_1184 = arith.index_cast %select_n3A_1165 : i32 to index
      %swap3A_1185 = arith.index_cast %mul3A_1183 : i32 to index
      %swap3A_1186 = tpu.vector_load %arg7[%swap3A_1184, %swap3A_1185] {strides = array<i32>} : memref<200x128xi32, #tpu.memory_space<vmem>>, vector<16xi32>,
      tpu.vector_store %arg7[%swap3A_1184, %swap3A_1185], %broadcast_in_dim3A_3 {strides = array<i32>} : memref<200x128xi32, #tpu.memory_space<vmem>>, vector<16xi32>,
    }
    %scan3A_325 = arith.constant 1600 : i32
    %get3A_326 = arith.constant 0 : i32
    %get3A_327 = arith.index_cast %get3A_326 : i32 to index
    %get3A_328 = arith.constant 0 : index
    %get3A_329 = tpu.vector_load %arg4[%get3A_327, %get3A_328] {strides = array<i32>} : memref<3x128xi32, #tpu.memory_space<vmem>>, vector<16xi32>,
    %sub3A_330 = arith.constant 400 : i32
    %sub3A_331 = vector.broadcast %sub3A_330 : i32 to vector<16xi32>
    %sub3A_332 = arith.subi %get3A_329, %sub3A_331 : vector<16xi32>
    %ge3A_333 = arith.constant 0 : i32
    %ge3A_334 = vector.broadcast %ge3A_333 : i32 to vector<16xi32>
    %ge3A_335 = arith.cmpi sge, %sub3A_332, %ge3A_334 : vector<16xi32>
    %lt3A_336 = arith.constant 200 : i32
    %lt3A_337 = vector.broadcast %lt3A_336 : i32 to vector<16xi32>
    %lt3A_338 = arith.cmpi slt, %sub3A_332, %lt3A_337 : vector<16xi32>
    %and3A_339 = arith.andi %ge3A_335, %lt3A_338 : vector<16xi1>
    %add3A_340 = arith.constant 0 : i32
    %add3A_341 = vector.broadcast %add3A_340 : i32 to vector<16xi32>
    %add3A_342 = arith.addi %iota3A, %add3A_341 : vector<16xi32>
    tpu.vector_store_idx %arg7[%sub3A_332, %add3A_342], %broadcast_in_dim3A_5 masked %and3A_339 : memref<200x128xi32, #tpu.memory_space<vmem>>[vector<16xi32>, vector<16xi32>], vector<16xi32>, vector<16xi1>
    %get3A_343 = arith.constant 0 : i32
    %get3A_344 = arith.index_cast %get3A_343 : i32 to index
    %get3A_345 = arith.constant 16 : index
    %get3A_346 = tpu.vector_load %arg4[%get3A_344, %get3A_345] {strides = array<i32>} : memref<3x128xi32, #tpu.memory_space<vmem>>, vector<16xi32>,
    %sub3A_347 = arith.constant 400 : i32
    %sub3A_348 = vector.broadcast %sub3A_347 : i32 to vector<16xi32>
    %sub3A_349 = arith.subi %get3A_346, %sub3A_348 : vector<16xi32>
    %ge3A_350 = arith.constant 0 : i32
    %ge3A_351 = vector.broadcast %ge3A_350 : i32 to vector<16xi32>
    %ge3A_352 = arith.cmpi sge, %sub3A_349, %ge3A_351 : vector<16xi32>
    %lt3A_353 = arith.constant 200 : i32
    %lt3A_354 = vector.broadcast %lt3A_353 : i32 to vector<16xi32>
    %lt3A_355 = arith.cmpi slt, %sub3A_349, %lt3A_354 : vector<16xi32>
    %and3A_356 = arith.andi %ge3A_352, %lt3A_355 : vector<16xi1>
    %add3A_357 = arith.constant 16 : i32
    %add3A_358 = vector.broadcast %add3A_357 : i32 to vector<16xi32>
    %add3A_359 = arith.addi %iota3A, %add3A_358 : vector<16xi32>
    tpu.vector_store_idx %arg7[%sub3A_349, %add3A_359], %broadcast_in_dim3A_5 masked %and3A_356 : memref<200x128xi32, #tpu.memory_space<vmem>>[vector<16xi32>, vector<16xi32>], vector<16xi32>, vector<16xi1>
    %get3A_360 = arith.constant 0 : i32
    %get3A_361 = arith.index_cast %get3A_360 : i32 to index
    %get3A_362 = arith.constant 32 : index
    %get3A_363 = tpu.vector_load %arg4[%get3A_361, %get3A_362] {strides = array<i32>} : memref<3x128xi32, #tpu.memory_space<vmem>>, vector<16xi32>,
    %sub3A_364 = arith.constant 400 : i32
    %sub3A_365 = vector.broadcast %sub3A_364 : i32 to vector<16xi32>
    %sub3A_366 = arith.subi %get3A_363, %sub3A_365 : vector<16xi32>
    %ge3A_367 = arith.constant 0 : i32
    %ge3A_368 = vector.broadcast %ge3A_367 : i32 to vector<16xi32>
    %ge3A_369 = arith.cmpi sge, %sub3A_366, %ge3A_368 : vector<16xi32>
    %lt3A_370 = arith.constant 200 : i32
    %lt3A_371 = vector.broadcast %lt3A_370 : i32 to vector<16xi32>
    %lt3A_372 = arith.cmpi slt, %sub3A_366, %lt3A_371 : vector<16xi32>
    %and3A_373 = arith.andi %ge3A_369, %lt3A_372 : vector<16xi1>
    %add3A_374 = arith.constant 32 : i32
    %add3A_375 = vector.broadcast %add3A_374 : i32 to vector<16xi32>
    %add3A_376 = arith.addi %iota3A, %add3A_375 : vector<16xi32>
    tpu.vector_store_idx %arg7[%sub3A_366, %add3A_376], %broadcast_in_dim3A_5 masked %and3A_373 : memref<200x128xi32, #tpu.memory_space<vmem>>[vector<16xi32>, vector<16xi32>], vector<16xi32>, vector<16xi1>
    %get3A_377 = arith.constant 0 : i32
    %get3A_378 = arith.index_cast %get3A_377 : i32 to index
    %get3A_379 = arith.constant 48 : index
    %get3A_380 = tpu.vector_load %arg4[%get3A_378, %get3A_379] {strides = array<i32>} : memref<3x128xi32, #tpu.memory_space<vmem>>, vector<16xi32>,
    %sub3A_381 = arith.constant 400 : i32
    %sub3A_382 = vector.broadcast %sub3A_381 : i32 to vector<16xi32>
    %sub3A_383 = arith.subi %get3A_380, %sub3A_382 : vector<16xi32>
    %ge3A_384 = arith.constant 0 : i32
    %ge3A_385 = vector.broadcast %ge3A_384 : i32 to vector<16xi32>
    %ge3A_386 = arith.cmpi sge, %sub3A_383, %ge3A_385 : vector<16xi32>
    %lt3A_387 = arith.constant 200 : i32
    %lt3A_388 = vector.broadcast %lt3A_387 : i32 to vector<16xi32>
    %lt3A_389 = arith.cmpi slt, %sub3A_383, %lt3A_388 : vector<16xi32>
    %and3A_390 = arith.andi %ge3A_386, %lt3A_389 : vector<16xi1>
    %add3A_391 = arith.constant 48 : i32
    %add3A_392 = vector.broadcast %add3A_391 : i32 to vector<16xi32>
    %add3A_393 = arith.addi %iota3A, %add3A_392 : vector<16xi32>
    tpu.vector_store_idx %arg7[%sub3A_383, %add3A_393], %broadcast_in_dim3A_5 masked %and3A_390 : memref<200x128xi32, #tpu.memory_space<vmem>>[vector<16xi32>, vector<16xi32>], vector<16xi32>, vector<16xi1>
    %get3A_394 = arith.constant 0 : i32
    %get3A_395 = arith.index_cast %get3A_394 : i32 to index
    %get3A_396 = arith.constant 64 : index
    %get3A_397 = tpu.vector_load %arg4[%get3A_395, %get3A_396] {strides = array<i32>} : memref<3x128xi32, #tpu.memory_space<vmem>>, vector<16xi32>,
    %sub3A_398 = arith.constant 400 : i32
    %sub3A_399 = vector.broadcast %sub3A_398 : i32 to vector<16xi32>
    %sub3A_400 = arith.subi %get3A_397, %sub3A_399 : vector<16xi32>
    %ge3A_401 = arith.constant 0 : i32
    %ge3A_402 = vector.broadcast %ge3A_401 : i32 to vector<16xi32>
    %ge3A_403 = arith.cmpi sge, %sub3A_400, %ge3A_402 : vector<16xi32>
    %lt3A_404 = arith.constant 200 : i32
    %lt3A_405 = vector.broadcast %lt3A_404 : i32 to vector<16xi32>
    %lt3A_406 = arith.cmpi slt, %sub3A_400, %lt3A_405 : vector<16xi32>
    %and3A_407 = arith.andi %ge3A_403, %lt3A_406 : vector<16xi1>
    %add3A_408 = arith.constant 64 : i32
    %add3A_409 = vector.broadcast %add3A_408 : i32 to vector<16xi32>
    %add3A_410 = arith.addi %iota3A, %add3A_409 : vector<16xi32>
    tpu.vector_store_idx %arg7[%sub3A_400, %add3A_410], %broadcast_in_dim3A_5 masked %and3A_407 : memref<200x128xi32, #tpu.memory_space<vmem>>[vector<16xi32>, vector<16xi32>], vector<16xi32>, vector<16xi1>
    %get3A_411 = arith.constant 0 : i32
    %get3A_412 = arith.index_cast %get3A_411 : i32 to index
    %get3A_413 = arith.constant 80 : index
    %get3A_414 = tpu.vector_load %arg4[%get3A_412, %get3A_413] {strides = array<i32>} : memref<3x128xi32, #tpu.memory_space<vmem>>, vector<16xi32>,
    %sub3A_415 = arith.constant 400 : i32
    %sub3A_416 = vector.broadcast %sub3A_415 : i32 to vector<16xi32>
    %sub3A_417 = arith.subi %get3A_414, %sub3A_416 : vector<16xi32>
    %ge3A_418 = arith.constant 0 : i32
    %ge3A_419 = vector.broadcast %ge3A_418 : i32 to vector<16xi32>
    %ge3A_420 = arith.cmpi sge, %sub3A_417, %ge3A_419 : vector<16xi32>
    %lt3A_421 = arith.constant 200 : i32
    %lt3A_422 = vector.broadcast %lt3A_421 : i32 to vector<16xi32>
    %lt3A_423 = arith.cmpi slt, %sub3A_417, %lt3A_422 : vector<16xi32>
    %and3A_424 = arith.andi %ge3A_420, %lt3A_423 : vector<16xi1>
    %add3A_425 = arith.constant 80 : i32
    %add3A_426 = vector.broadcast %add3A_425 : i32 to vector<16xi32>
    %add3A_427 = arith.addi %iota3A, %add3A_426 : vector<16xi32>
    tpu.vector_store_idx %arg7[%sub3A_417, %add3A_427], %broadcast_in_dim3A_5 masked %and3A_424 : memref<200x128xi32, #tpu.memory_space<vmem>>[vector<16xi32>, vector<16xi32>], vector<16xi32>, vector<16xi1>
    %get3A_428 = arith.constant 0 : i32
    %get3A_429 = arith.index_cast %get3A_428 : i32 to index
    %get3A_430 = arith.constant 96 : index
    %get3A_431 = tpu.vector_load %arg4[%get3A_429, %get3A_430] {strides = array<i32>} : memref<3x128xi32, #tpu.memory_space<vmem>>, vector<16xi32>,
    %sub3A_432 = arith.constant 400 : i32
    %sub3A_433 = vector.broadcast %sub3A_432 : i32 to vector<16xi32>
    %sub3A_434 = arith.subi %get3A_431, %sub3A_433 : vector<16xi32>
    %ge3A_435 = arith.constant 0 : i32
    %ge3A_436 = vector.broadcast %ge3A_435 : i32 to vector<16xi32>
    %ge3A_437 = arith.cmpi sge, %sub3A_434, %ge3A_436 : vector<16xi32>
    %lt3A_438 = arith.constant 200 : i32
    %lt3A_439 = vector.broadcast %lt3A_438 : i32 to vector<16xi32>
    %lt3A_440 = arith.cmpi slt, %sub3A_434, %lt3A_439 : vector<16xi32>
    %and3A_441 = arith.andi %ge3A_437, %lt3A_440 : vector<16xi1>
    %add3A_442 = arith.constant 96 : i32
    %add3A_443 = vector.broadcast %add3A_442 : i32 to vector<16xi32>
    %add3A_444 = arith.addi %iota3A, %add3A_443 : vector<16xi32>
    tpu.vector_store_idx %arg7[%sub3A_434, %add3A_444], %broadcast_in_dim3A_5 masked %and3A_441 : memref<200x128xi32, #tpu.memory_space<vmem>>[vector<16xi32>, vector<16xi32>], vector<16xi32>, vector<16xi1>
    %get3A_445 = arith.constant 0 : i32
    %get3A_446 = arith.index_cast %get3A_445 : i32 to index
    %get3A_447 = arith.constant 112 : index
    %get3A_448 = tpu.vector_load %arg4[%get3A_446, %get3A_447] {strides = array<i32>} : memref<3x128xi32, #tpu.memory_space<vmem>>, vector<16xi32>,
    %sub3A_449 = arith.constant 400 : i32
    %sub3A_450 = vector.broadcast %sub3A_449 : i32 to vector<16xi32>
    %sub3A_451 = arith.subi %get3A_448, %sub3A_450 : vector<16xi32>
    %ge3A_452 = arith.constant 0 : i32
    %ge3A_453 = vector.broadcast %ge3A_452 : i32 to vector<16xi32>
    %ge3A_454 = arith.cmpi sge, %sub3A_451, %ge3A_453 : vector<16xi32>
    %lt3A_455 = arith.constant 200 : i32
    %lt3A_456 = vector.broadcast %lt3A_455 : i32 to vector<16xi32>
    %lt3A_457 = arith.cmpi slt, %sub3A_451, %lt3A_456 : vector<16xi32>
    %and3A_458 = arith.andi %ge3A_454, %lt3A_457 : vector<16xi1>
    %add3A_459 = arith.constant 112 : i32
    %add3A_460 = vector.broadcast %add3A_459 : i32 to vector<16xi32>
    %add3A_461 = arith.addi %iota3A, %add3A_460 : vector<16xi32>
    tpu.vector_store_idx %arg7[%sub3A_451, %add3A_461], %broadcast_in_dim3A_5 masked %and3A_458 : memref<200x128xi32, #tpu.memory_space<vmem>>[vector<16xi32>, vector<16xi32>], vector<16xi32>, vector<16xi1>
    %dma_start3A_462 = arith.constant 0 : i32
    %dma_start3A_463 = arith.constant 400 : i32
    %dma_start3A_464 = tpu.memref_slice %arg3[%dma_start3A_462, %dma_start3A_463, %mul3A_2] : memref<26x1000x4096xi32, #tpu.memory_space<hbm>> -> memref<1x200x128xi32, #tpu.memory_space<hbm>>
    %dma_start3A_465 = tpu.memref_squeeze %dma_start3A_464 : memref<1x200x128xi32, #tpu.memory_space<hbm>> -> memref<200x128xi32, #tpu.memory_space<hbm>>
    %dma_start3A_466 = arith.constant 400 : i32
    %dma_start3A_467 = tpu.memref_slice %arg3[%dma_start3A_462, %dma_start3A_466, %mul3A_2] : memref<26x1000x4096xi32, #tpu.memory_space<hbm>> -> memref<1x200x128xi32, #tpu.memory_space<hbm>>
    %dma_start3A_468 = tpu.memref_squeeze %dma_start3A_467 : memref<1x200x128xi32, #tpu.memory_space<hbm>> -> memref<200x128xi32, #tpu.memory_space<hbm>>
    tpu.enqueue_dma source(%arg7 : memref<200x128xi32, #tpu.memory_space<vmem>>) target(%dma_start3A_468 : memref<200x128xi32, #tpu.memory_space<hbm>>) target_semaphore(%arg12 : memref<!tpu.dma_semaphore, #tpu.memory_space<semaphore_mem>>)
    %scan3A_469 = arith.constant 0 : i32
    %scan3A_470 = arith.constant 0 : i32
    %scan3A_471 = arith.constant 1600 : i32
    %scan3A_472 = arith.addi %scan3A_470, %scan3A_471 : i32
    %scan3A_473 = arith.constant 8 : i32
    scf.for %scan3A_820 = %scan3A_470 to %scan3A_472 step %scan3A_473  : i32 {
      %jit3A = arith.constant 8 : i32
      %div3A = arith.divsi %scan3A_820, %jit3A : i32
      %sign3A = arith.constant 0 : i32
      %sign3A_821 = arith.cmpi sgt, %scan3A_820, %sign3A : i32
      %sign3A_822 = arith.extui %sign3A_821 : i1 to i32
      %sign3A_823 = arith.constant 0 : i32
      %sign3A_824 = arith.cmpi slt, %scan3A_820, %sign3A_823 : i32
      %sign3A_825 = arith.extui %sign3A_824 : i1 to i32
      %sign3A_826 = arith.subi %sign3A_822, %sign3A_825 : i32
      %sign3A_827 = arith.constant 0 : i32
      %sign3A_828 = arith.cmpi sgt, %jit3A, %sign3A_827 : i32
      %sign3A_829 = arith.extui %sign3A_828 : i1 to i32
      %sign3A_830 = arith.constant 0 : i32
      %sign3A_831 = arith.cmpi slt, %jit3A, %sign3A_830 : i32
      %sign3A_832 = arith.extui %sign3A_831 : i1 to i32
      %sign3A_833 = arith.subi %sign3A_829, %sign3A_832 : i32
      %ne3A = arith.cmpi ne, %sign3A_826, %sign3A_833 : i32
      %rem3A = arith.remsi %scan3A_820, %jit3A : i32
      %ne3A_834 = arith.constant 0 : i32
      %ne3A_835 = arith.cmpi ne, %rem3A, %ne3A_834 : i32
      %and3A_836 = arith.andi %ne3A, %ne3A_835 : i1
      %sub3A_837 = arith.constant 1 : i32
      %sub3A_838 = arith.subi %div3A, %sub3A_837 : i32
      %select_n3A = arith.select %and3A_836, %sub3A_838, %div3A : i32
      %jit3A_839 = arith.constant 8 : i32
      %eq3A = arith.constant 0 : i32
      %eq3A_840 = arith.cmpi eq, %jit3A_839, %eq3A : i32
      %jit3A_841 = arith.constant 1 : i32
      %select_n3A_842 = arith.select %eq3A_840, %jit3A_841, %jit3A_839 : i32
      %rem3A_843 = arith.remsi %scan3A_820, %select_n3A_842 : i32
      %ne3A_844 = arith.constant 0 : i32
      %ne3A_845 = arith.cmpi ne, %rem3A_843, %ne3A_844 : i32
      %lt3A_846 = arith.constant 0 : i32
      %lt3A_847 = arith.cmpi slt, %rem3A_843, %lt3A_846 : i32
      %lt3A_848 = arith.constant 0 : i32
      %lt3A_849 = arith.cmpi slt, %select_n3A_842, %lt3A_848 : i32
      %ne3A_850 = arith.xori %lt3A_847, %lt3A_849 : i1
      %and3A_851 = arith.andi %ne3A_850, %ne3A_845 : i1
      %add3A_852 = arith.addi %rem3A_843, %select_n3A_842 : i32
      %select_n3A_853 = arith.select %and3A_851, %add3A_852, %rem3A_843 : i32
      %mul3A_854 = arith.constant 16 : i32
      %mul3A_855 = arith.muli %select_n3A_853, %mul3A_854 : i32
      %swap3A = arith.index_cast %select_n3A : i32 to index
      %swap3A_856 = arith.index_cast %mul3A_855 : i32 to index
      %swap3A_857 = tpu.vector_load %arg8[%swap3A, %swap3A_856] {strides = array<i32>} : memref<200x128xi32, #tpu.memory_space<vmem>>, vector<16xi32>,
      tpu.vector_store %arg8[%swap3A, %swap3A_856], %broadcast_in_dim3A_3 {strides = array<i32>} : memref<200x128xi32, #tpu.memory_space<vmem>>, vector<16xi32>,
      %scan3A_858 = arith.constant 1 : i32
      %scan3A_859 = arith.addi %scan3A_820, %scan3A_858 : i32
      %jit3A_860 = arith.constant 8 : i32
      %div3A_861 = arith.divsi %scan3A_859, %jit3A_860 : i32
      %sign3A_862 = arith.constant 0 : i32
      %sign3A_863 = arith.cmpi sgt, %scan3A_859, %sign3A_862 : i32
      %sign3A_864 = arith.extui %sign3A_863 : i1 to i32
      %sign3A_865 = arith.constant 0 : i32
      %sign3A_866 = arith.cmpi slt, %scan3A_859, %sign3A_865 : i32
      %sign3A_867 = arith.extui %sign3A_866 : i1 to i32
      %sign3A_868 = arith.subi %sign3A_864, %sign3A_867 : i32
      %sign3A_869 = arith.constant 0 : i32
      %sign3A_870 = arith.cmpi sgt, %jit3A_860, %sign3A_869 : i32
      %sign3A_871 = arith.extui %sign3A_870 : i1 to i32
      %sign3A_872 = arith.constant 0 : i32
      %sign3A_873 = arith.cmpi slt, %jit3A_860, %sign3A_872 : i32
      %sign3A_874 = arith.extui %sign3A_873 : i1 to i32
      %sign3A_875 = arith.subi %sign3A_871, %sign3A_874 : i32
      %ne3A_876 = arith.cmpi ne, %sign3A_868, %sign3A_875 : i32
      %rem3A_877 = arith.remsi %scan3A_859, %jit3A_860 : i32
      %ne3A_878 = arith.constant 0 : i32
      %ne3A_879 = arith.cmpi ne, %rem3A_877, %ne3A_878 : i32
      %and3A_880 = arith.andi %ne3A_876, %ne3A_879 : i1
      %sub3A_881 = arith.constant 1 : i32
      %sub3A_882 = arith.subi %div3A_861, %sub3A_881 : i32
      %select_n3A_883 = arith.select %and3A_880, %sub3A_882, %div3A_861 : i32
      %jit3A_884 = arith.constant 8 : i32
      %eq3A_885 = arith.constant 0 : i32
      %eq3A_886 = arith.cmpi eq, %jit3A_884, %eq3A_885 : i32
      %jit3A_887 = arith.constant 1 : i32
      %select_n3A_888 = arith.select %eq3A_886, %jit3A_887, %jit3A_884 : i32
      %rem3A_889 = arith.remsi %scan3A_859, %select_n3A_888 : i32
      %ne3A_890 = arith.constant 0 : i32
      %ne3A_891 = arith.cmpi ne, %rem3A_889, %ne3A_890 : i32
      %lt3A_892 = arith.constant 0 : i32
      %lt3A_893 = arith.cmpi slt, %rem3A_889, %lt3A_892 : i32
      %lt3A_894 = arith.constant 0 : i32
      %lt3A_895 = arith.cmpi slt, %select_n3A_888, %lt3A_894 : i32
      %ne3A_896 = arith.xori %lt3A_893, %lt3A_895 : i1
      %and3A_897 = arith.andi %ne3A_896, %ne3A_891 : i1
      %add3A_898 = arith.addi %rem3A_889, %select_n3A_888 : i32
      %select_n3A_899 = arith.select %and3A_897, %add3A_898, %rem3A_889 : i32
      %mul3A_900 = arith.constant 16 : i32
      %mul3A_901 = arith.muli %select_n3A_899, %mul3A_900 : i32
      %swap3A_902 = arith.index_cast %select_n3A_883 : i32 to index
      %swap3A_903 = arith.index_cast %mul3A_901 : i32 to index
      %swap3A_904 = tpu.vector_load %arg8[%swap3A_902, %swap3A_903] {strides = array<i32>} : memref<200x128xi32, #tpu.memory_space<vmem>>, vector<16xi32>,
      tpu.vector_store %arg8[%swap3A_902, %swap3A_903], %broadcast_in_dim3A_3 {strides = array<i32>} : memref<200x128xi32, #tpu.memory_space<vmem>>, vector<16xi32>,
      %scan3A_905 = arith.constant 2 : i32
      %scan3A_906 = arith.addi %scan3A_820, %scan3A_905 : i32
      %jit3A_907 = arith.constant 8 : i32
      %div3A_908 = arith.divsi %scan3A_906, %jit3A_907 : i32
      %sign3A_909 = arith.constant 0 : i32
      %sign3A_910 = arith.cmpi sgt, %scan3A_906, %sign3A_909 : i32
      %sign3A_911 = arith.extui %sign3A_910 : i1 to i32
      %sign3A_912 = arith.constant 0 : i32
      %sign3A_913 = arith.cmpi slt, %scan3A_906, %sign3A_912 : i32
      %sign3A_914 = arith.extui %sign3A_913 : i1 to i32
      %sign3A_915 = arith.subi %sign3A_911, %sign3A_914 : i32
      %sign3A_916 = arith.constant 0 : i32
      %sign3A_917 = arith.cmpi sgt, %jit3A_907, %sign3A_916 : i32
      %sign3A_918 = arith.extui %sign3A_917 : i1 to i32
      %sign3A_919 = arith.constant 0 : i32
      %sign3A_920 = arith.cmpi slt, %jit3A_907, %sign3A_919 : i32
      %sign3A_921 = arith.extui %sign3A_920 : i1 to i32
      %sign3A_922 = arith.subi %sign3A_918, %sign3A_921 : i32
      %ne3A_923 = arith.cmpi ne, %sign3A_915, %sign3A_922 : i32
      %rem3A_924 = arith.remsi %scan3A_906, %jit3A_907 : i32
      %ne3A_925 = arith.constant 0 : i32
      %ne3A_926 = arith.cmpi ne, %rem3A_924, %ne3A_925 : i32
      %and3A_927 = arith.andi %ne3A_923, %ne3A_926 : i1
      %sub3A_928 = arith.constant 1 : i32
      %sub3A_929 = arith.subi %div3A_908, %sub3A_928 : i32
      %select_n3A_930 = arith.select %and3A_927, %sub3A_929, %div3A_908 : i32
      %jit3A_931 = arith.constant 8 : i32
      %eq3A_932 = arith.constant 0 : i32
      %eq3A_933 = arith.cmpi eq, %jit3A_931, %eq3A_932 : i32
      %jit3A_934 = arith.constant 1 : i32
      %select_n3A_935 = arith.select %eq3A_933, %jit3A_934, %jit3A_931 : i32
      %rem3A_936 = arith.remsi %scan3A_906, %select_n3A_935 : i32
      %ne3A_937 = arith.constant 0 : i32
      %ne3A_938 = arith.cmpi ne, %rem3A_936, %ne3A_937 : i32
      %lt3A_939 = arith.constant 0 : i32
      %lt3A_940 = arith.cmpi slt, %rem3A_936, %lt3A_939 : i32
      %lt3A_941 = arith.constant 0 : i32
      %lt3A_942 = arith.cmpi slt, %select_n3A_935, %lt3A_941 : i32
      %ne3A_943 = arith.xori %lt3A_940, %lt3A_942 : i1
      %and3A_944 = arith.andi %ne3A_943, %ne3A_938 : i1
      %add3A_945 = arith.addi %rem3A_936, %select_n3A_935 : i32
      %select_n3A_946 = arith.select %and3A_944, %add3A_945, %rem3A_936 : i32
      %mul3A_947 = arith.constant 16 : i32
      %mul3A_948 = arith.muli %select_n3A_946, %mul3A_947 : i32
      %swap3A_949 = arith.index_cast %select_n3A_930 : i32 to index
      %swap3A_950 = arith.index_cast %mul3A_948 : i32 to index
      %swap3A_951 = tpu.vector_load %arg8[%swap3A_949, %swap3A_950] {strides = array<i32>} : memref<200x128xi32, #tpu.memory_space<vmem>>, vector<16xi32>,
      tpu.vector_store %arg8[%swap3A_949, %swap3A_950], %broadcast_in_dim3A_3 {strides = array<i32>} : memref<200x128xi32, #tpu.memory_space<vmem>>, vector<16xi32>,
      %scan3A_952 = arith.constant 3 : i32
      %scan3A_953 = arith.addi %scan3A_820, %scan3A_952 : i32
      %jit3A_954 = arith.constant 8 : i32
      %div3A_955 = arith.divsi %scan3A_953, %jit3A_954 : i32
      %sign3A_956 = arith.constant 0 : i32
      %sign3A_957 = arith.cmpi sgt, %scan3A_953, %sign3A_956 : i32
      %sign3A_958 = arith.extui %sign3A_957 : i1 to i32
      %sign3A_959 = arith.constant 0 : i32
      %sign3A_960 = arith.cmpi slt, %scan3A_953, %sign3A_959 : i32
      %sign3A_961 = arith.extui %sign3A_960 : i1 to i32
      %sign3A_962 = arith.subi %sign3A_958, %sign3A_961 : i32
      %sign3A_963 = arith.constant 0 : i32
      %sign3A_964 = arith.cmpi sgt, %jit3A_954, %sign3A_963 : i32
      %sign3A_965 = arith.extui %sign3A_964 : i1 to i32
      %sign3A_966 = arith.constant 0 : i32
      %sign3A_967 = arith.cmpi slt, %jit3A_954, %sign3A_966 : i32
      %sign3A_968 = arith.extui %sign3A_967 : i1 to i32
      %sign3A_969 = arith.subi %sign3A_965, %sign3A_968 : i32
      %ne3A_970 = arith.cmpi ne, %sign3A_962, %sign3A_969 : i32
      %rem3A_971 = arith.remsi %scan3A_953, %jit3A_954 : i32
      %ne3A_972 = arith.constant 0 : i32
      %ne3A_973 = arith.cmpi ne, %rem3A_971, %ne3A_972 : i32
      %and3A_974 = arith.andi %ne3A_970, %ne3A_973 : i1
      %sub3A_975 = arith.constant 1 : i32
      %sub3A_976 = arith.subi %div3A_955, %sub3A_975 : i32
      %select_n3A_977 = arith.select %and3A_974, %sub3A_976, %div3A_955 : i32
      %jit3A_978 = arith.constant 8 : i32
      %eq3A_979 = arith.constant 0 : i32
      %eq3A_980 = arith.cmpi eq, %jit3A_978, %eq3A_979 : i32
      %jit3A_981 = arith.constant 1 : i32
      %select_n3A_982 = arith.select %eq3A_980, %jit3A_981, %jit3A_978 : i32
      %rem3A_983 = arith.remsi %scan3A_953, %select_n3A_982 : i32
      %ne3A_984 = arith.constant 0 : i32
      %ne3A_985 = arith.cmpi ne, %rem3A_983, %ne3A_984 : i32
      %lt3A_986 = arith.constant 0 : i32
      %lt3A_987 = arith.cmpi slt, %rem3A_983, %lt3A_986 : i32
      %lt3A_988 = arith.constant 0 : i32
      %lt3A_989 = arith.cmpi slt, %select_n3A_982, %lt3A_988 : i32
      %ne3A_990 = arith.xori %lt3A_987, %lt3A_989 : i1
      %and3A_991 = arith.andi %ne3A_990, %ne3A_985 : i1
      %add3A_992 = arith.addi %rem3A_983, %select_n3A_982 : i32
      %select_n3A_993 = arith.select %and3A_991, %add3A_992, %rem3A_983 : i32
      %mul3A_994 = arith.constant 16 : i32
      %mul3A_995 = arith.muli %select_n3A_993, %mul3A_994 : i32
      %swap3A_996 = arith.index_cast %select_n3A_977 : i32 to index
      %swap3A_997 = arith.index_cast %mul3A_995 : i32 to index
      %swap3A_998 = tpu.vector_load %arg8[%swap3A_996, %swap3A_997] {strides = array<i32>} : memref<200x128xi32, #tpu.memory_space<vmem>>, vector<16xi32>,
      tpu.vector_store %arg8[%swap3A_996, %swap3A_997], %broadcast_in_dim3A_3 {strides = array<i32>} : memref<200x128xi32, #tpu.memory_space<vmem>>, vector<16xi32>,
      %scan3A_999 = arith.constant 4 : i32
      %scan3A_1000 = arith.addi %scan3A_820, %scan3A_999 : i32
      %jit3A_1001 = arith.constant 8 : i32
      %div3A_1002 = arith.divsi %scan3A_1000, %jit3A_1001 : i32
      %sign3A_1003 = arith.constant 0 : i32
      %sign3A_1004 = arith.cmpi sgt, %scan3A_1000, %sign3A_1003 : i32
      %sign3A_1005 = arith.extui %sign3A_1004 : i1 to i32
      %sign3A_1006 = arith.constant 0 : i32
      %sign3A_1007 = arith.cmpi slt, %scan3A_1000, %sign3A_1006 : i32
      %sign3A_1008 = arith.extui %sign3A_1007 : i1 to i32
      %sign3A_1009 = arith.subi %sign3A_1005, %sign3A_1008 : i32
      %sign3A_1010 = arith.constant 0 : i32
      %sign3A_1011 = arith.cmpi sgt, %jit3A_1001, %sign3A_1010 : i32
      %sign3A_1012 = arith.extui %sign3A_1011 : i1 to i32
      %sign3A_1013 = arith.constant 0 : i32
      %sign3A_1014 = arith.cmpi slt, %jit3A_1001, %sign3A_1013 : i32
      %sign3A_1015 = arith.extui %sign3A_1014 : i1 to i32
      %sign3A_1016 = arith.subi %sign3A_1012, %sign3A_1015 : i32
      %ne3A_1017 = arith.cmpi ne, %sign3A_1009, %sign3A_1016 : i32
      %rem3A_1018 = arith.remsi %scan3A_1000, %jit3A_1001 : i32
      %ne3A_1019 = arith.constant 0 : i32
      %ne3A_1020 = arith.cmpi ne, %rem3A_1018, %ne3A_1019 : i32
      %and3A_1021 = arith.andi %ne3A_1017, %ne3A_1020 : i1
      %sub3A_1022 = arith.constant 1 : i32
      %sub3A_1023 = arith.subi %div3A_1002, %sub3A_1022 : i32
      %select_n3A_1024 = arith.select %and3A_1021, %sub3A_1023, %div3A_1002 : i32
      %jit3A_1025 = arith.constant 8 : i32
      %eq3A_1026 = arith.constant 0 : i32
      %eq3A_1027 = arith.cmpi eq, %jit3A_1025, %eq3A_1026 : i32
      %jit3A_1028 = arith.constant 1 : i32
      %select_n3A_1029 = arith.select %eq3A_1027, %jit3A_1028, %jit3A_1025 : i32
      %rem3A_1030 = arith.remsi %scan3A_1000, %select_n3A_1029 : i32
      %ne3A_1031 = arith.constant 0 : i32
      %ne3A_1032 = arith.cmpi ne, %rem3A_1030, %ne3A_1031 : i32
      %lt3A_1033 = arith.constant 0 : i32
      %lt3A_1034 = arith.cmpi slt, %rem3A_1030, %lt3A_1033 : i32
      %lt3A_1035 = arith.constant 0 : i32
      %lt3A_1036 = arith.cmpi slt, %select_n3A_1029, %lt3A_1035 : i32
      %ne3A_1037 = arith.xori %lt3A_1034, %lt3A_1036 : i1
      %and3A_1038 = arith.andi %ne3A_1037, %ne3A_1032 : i1
      %add3A_1039 = arith.addi %rem3A_1030, %select_n3A_1029 : i32
      %select_n3A_1040 = arith.select %and3A_1038, %add3A_1039, %rem3A_1030 : i32
      %mul3A_1041 = arith.constant 16 : i32
      %mul3A_1042 = arith.muli %select_n3A_1040, %mul3A_1041 : i32
      %swap3A_1043 = arith.index_cast %select_n3A_1024 : i32 to index
      %swap3A_1044 = arith.index_cast %mul3A_1042 : i32 to index
      %swap3A_1045 = tpu.vector_load %arg8[%swap3A_1043, %swap3A_1044] {strides = array<i32>} : memref<200x128xi32, #tpu.memory_space<vmem>>, vector<16xi32>,
      tpu.vector_store %arg8[%swap3A_1043, %swap3A_1044], %broadcast_in_dim3A_3 {strides = array<i32>} : memref<200x128xi32, #tpu.memory_space<vmem>>, vector<16xi32>,
      %scan3A_1046 = arith.constant 5 : i32
      %scan3A_1047 = arith.addi %scan3A_820, %scan3A_1046 : i32
      %jit3A_1048 = arith.constant 8 : i32
      %div3A_1049 = arith.divsi %scan3A_1047, %jit3A_1048 : i32
      %sign3A_1050 = arith.constant 0 : i32
      %sign3A_1051 = arith.cmpi sgt, %scan3A_1047, %sign3A_1050 : i32
      %sign3A_1052 = arith.extui %sign3A_1051 : i1 to i32
      %sign3A_1053 = arith.constant 0 : i32
      %sign3A_1054 = arith.cmpi slt, %scan3A_1047, %sign3A_1053 : i32
      %sign3A_1055 = arith.extui %sign3A_1054 : i1 to i32
      %sign3A_1056 = arith.subi %sign3A_1052, %sign3A_1055 : i32
      %sign3A_1057 = arith.constant 0 : i32
      %sign3A_1058 = arith.cmpi sgt, %jit3A_1048, %sign3A_1057 : i32
      %sign3A_1059 = arith.extui %sign3A_1058 : i1 to i32
      %sign3A_1060 = arith.constant 0 : i32
      %sign3A_1061 = arith.cmpi slt, %jit3A_1048, %sign3A_1060 : i32
      %sign3A_1062 = arith.extui %sign3A_1061 : i1 to i32
      %sign3A_1063 = arith.subi %sign3A_1059, %sign3A_1062 : i32
      %ne3A_1064 = arith.cmpi ne, %sign3A_1056, %sign3A_1063 : i32
      %rem3A_1065 = arith.remsi %scan3A_1047, %jit3A_1048 : i32
      %ne3A_1066 = arith.constant 0 : i32
      %ne3A_1067 = arith.cmpi ne, %rem3A_1065, %ne3A_1066 : i32
      %and3A_1068 = arith.andi %ne3A_1064, %ne3A_1067 : i1
      %sub3A_1069 = arith.constant 1 : i32
      %sub3A_1070 = arith.subi %div3A_1049, %sub3A_1069 : i32
      %select_n3A_1071 = arith.select %and3A_1068, %sub3A_1070, %div3A_1049 : i32
      %jit3A_1072 = arith.constant 8 : i32
      %eq3A_1073 = arith.constant 0 : i32
      %eq3A_1074 = arith.cmpi eq, %jit3A_1072, %eq3A_1073 : i32
      %jit3A_1075 = arith.constant 1 : i32
      %select_n3A_1076 = arith.select %eq3A_1074, %jit3A_1075, %jit3A_1072 : i32
      %rem3A_1077 = arith.remsi %scan3A_1047, %select_n3A_1076 : i32
      %ne3A_1078 = arith.constant 0 : i32
      %ne3A_1079 = arith.cmpi ne, %rem3A_1077, %ne3A_1078 : i32
      %lt3A_1080 = arith.constant 0 : i32
      %lt3A_1081 = arith.cmpi slt, %rem3A_1077, %lt3A_1080 : i32
      %lt3A_1082 = arith.constant 0 : i32
      %lt3A_1083 = arith.cmpi slt, %select_n3A_1076, %lt3A_1082 : i32
      %ne3A_1084 = arith.xori %lt3A_1081, %lt3A_1083 : i1
      %and3A_1085 = arith.andi %ne3A_1084, %ne3A_1079 : i1
      %add3A_1086 = arith.addi %rem3A_1077, %select_n3A_1076 : i32
      %select_n3A_1087 = arith.select %and3A_1085, %add3A_1086, %rem3A_1077 : i32
      %mul3A_1088 = arith.constant 16 : i32
      %mul3A_1089 = arith.muli %select_n3A_1087, %mul3A_1088 : i32
      %swap3A_1090 = arith.index_cast %select_n3A_1071 : i32 to index
      %swap3A_1091 = arith.index_cast %mul3A_1089 : i32 to index
      %swap3A_1092 = tpu.vector_load %arg8[%swap3A_1090, %swap3A_1091] {strides = array<i32>} : memref<200x128xi32, #tpu.memory_space<vmem>>, vector<16xi32>,
      tpu.vector_store %arg8[%swap3A_1090, %swap3A_1091], %broadcast_in_dim3A_3 {strides = array<i32>} : memref<200x128xi32, #tpu.memory_space<vmem>>, vector<16xi32>,
      %scan3A_1093 = arith.constant 6 : i32
      %scan3A_1094 = arith.addi %scan3A_820, %scan3A_1093 : i32
      %jit3A_1095 = arith.constant 8 : i32
      %div3A_1096 = arith.divsi %scan3A_1094, %jit3A_1095 : i32
      %sign3A_1097 = arith.constant 0 : i32
      %sign3A_1098 = arith.cmpi sgt, %scan3A_1094, %sign3A_1097 : i32
      %sign3A_1099 = arith.extui %sign3A_1098 : i1 to i32
      %sign3A_1100 = arith.constant 0 : i32
      %sign3A_1101 = arith.cmpi slt, %scan3A_1094, %sign3A_1100 : i32
      %sign3A_1102 = arith.extui %sign3A_1101 : i1 to i32
      %sign3A_1103 = arith.subi %sign3A_1099, %sign3A_1102 : i32
      %sign3A_1104 = arith.constant 0 : i32
      %sign3A_1105 = arith.cmpi sgt, %jit3A_1095, %sign3A_1104 : i32
      %sign3A_1106 = arith.extui %sign3A_1105 : i1 to i32
      %sign3A_1107 = arith.constant 0 : i32
      %sign3A_1108 = arith.cmpi slt, %jit3A_1095, %sign3A_1107 : i32
      %sign3A_1109 = arith.extui %sign3A_1108 : i1 to i32
      %sign3A_1110 = arith.subi %sign3A_1106, %sign3A_1109 : i32
      %ne3A_1111 = arith.cmpi ne, %sign3A_1103, %sign3A_1110 : i32
      %rem3A_1112 = arith.remsi %scan3A_1094, %jit3A_1095 : i32
      %ne3A_1113 = arith.constant 0 : i32
      %ne3A_1114 = arith.cmpi ne, %rem3A_1112, %ne3A_1113 : i32
      %and3A_1115 = arith.andi %ne3A_1111, %ne3A_1114 : i1
      %sub3A_1116 = arith.constant 1 : i32
      %sub3A_1117 = arith.subi %div3A_1096, %sub3A_1116 : i32
      %select_n3A_1118 = arith.select %and3A_1115, %sub3A_1117, %div3A_1096 : i32
      %jit3A_1119 = arith.constant 8 : i32
      %eq3A_1120 = arith.constant 0 : i32
      %eq3A_1121 = arith.cmpi eq, %jit3A_1119, %eq3A_1120 : i32
      %jit3A_1122 = arith.constant 1 : i32
      %select_n3A_1123 = arith.select %eq3A_1121, %jit3A_1122, %jit3A_1119 : i32
      %rem3A_1124 = arith.remsi %scan3A_1094, %select_n3A_1123 : i32
      %ne3A_1125 = arith.constant 0 : i32
      %ne3A_1126 = arith.cmpi ne, %rem3A_1124, %ne3A_1125 : i32
      %lt3A_1127 = arith.constant 0 : i32
      %lt3A_1128 = arith.cmpi slt, %rem3A_1124, %lt3A_1127 : i32
      %lt3A_1129 = arith.constant 0 : i32
      %lt3A_1130 = arith.cmpi slt, %select_n3A_1123, %lt3A_1129 : i32
      %ne3A_1131 = arith.xori %lt3A_1128, %lt3A_1130 : i1
      %and3A_1132 = arith.andi %ne3A_1131, %ne3A_1126 : i1
      %add3A_1133 = arith.addi %rem3A_1124, %select_n3A_1123 : i32
      %select_n3A_1134 = arith.select %and3A_1132, %add3A_1133, %rem3A_1124 : i32
      %mul3A_1135 = arith.constant 16 : i32
      %mul3A_1136 = arith.muli %select_n3A_1134, %mul3A_1135 : i32
      %swap3A_1137 = arith.index_cast %select_n3A_1118 : i32 to index
      %swap3A_1138 = arith.index_cast %mul3A_1136 : i32 to index
      %swap3A_1139 = tpu.vector_load %arg8[%swap3A_1137, %swap3A_1138] {strides = array<i32>} : memref<200x128xi32, #tpu.memory_space<vmem>>, vector<16xi32>,
      tpu.vector_store %arg8[%swap3A_1137, %swap3A_1138], %broadcast_in_dim3A_3 {strides = array<i32>} : memref<200x128xi32, #tpu.memory_space<vmem>>, vector<16xi32>,
      %scan3A_1140 = arith.constant 7 : i32
      %scan3A_1141 = arith.addi %scan3A_820, %scan3A_1140 : i32
      %jit3A_1142 = arith.constant 8 : i32
      %div3A_1143 = arith.divsi %scan3A_1141, %jit3A_1142 : i32
      %sign3A_1144 = arith.constant 0 : i32
      %sign3A_1145 = arith.cmpi sgt, %scan3A_1141, %sign3A_1144 : i32
      %sign3A_1146 = arith.extui %sign3A_1145 : i1 to i32
      %sign3A_1147 = arith.constant 0 : i32
      %sign3A_1148 = arith.cmpi slt, %scan3A_1141, %sign3A_1147 : i32
      %sign3A_1149 = arith.extui %sign3A_1148 : i1 to i32
      %sign3A_1150 = arith.subi %sign3A_1146, %sign3A_1149 : i32
      %sign3A_1151 = arith.constant 0 : i32
      %sign3A_1152 = arith.cmpi sgt, %jit3A_1142, %sign3A_1151 : i32
      %sign3A_1153 = arith.extui %sign3A_1152 : i1 to i32
      %sign3A_1154 = arith.constant 0 : i32
      %sign3A_1155 = arith.cmpi slt, %jit3A_1142, %sign3A_1154 : i32
      %sign3A_1156 = arith.extui %sign3A_1155 : i1 to i32
      %sign3A_1157 = arith.subi %sign3A_1153, %sign3A_1156 : i32
      %ne3A_1158 = arith.cmpi ne, %sign3A_1150, %sign3A_1157 : i32
      %rem3A_1159 = arith.remsi %scan3A_1141, %jit3A_1142 : i32
      %ne3A_1160 = arith.constant 0 : i32
      %ne3A_1161 = arith.cmpi ne, %rem3A_1159, %ne3A_1160 : i32
      %and3A_1162 = arith.andi %ne3A_1158, %ne3A_1161 : i1
      %sub3A_1163 = arith.constant 1 : i32
      %sub3A_1164 = arith.subi %div3A_1143, %sub3A_1163 : i32
      %select_n3A_1165 = arith.select %and3A_1162, %sub3A_1164, %div3A_1143 : i32
      %jit3A_1166 = arith.constant 8 : i32
      %eq3A_1167 = arith.constant 0 : i32
      %eq3A_1168 = arith.cmpi eq, %jit3A_1166, %eq3A_1167 : i32
      %jit3A_1169 = arith.constant 1 : i32
      %select_n3A_1170 = arith.select %eq3A_1168, %jit3A_1169, %jit3A_1166 : i32
      %rem3A_1171 = arith.remsi %scan3A_1141, %select_n3A_1170 : i32
      %ne3A_1172 = arith.constant 0 : i32
      %ne3A_1173 = arith.cmpi ne, %rem3A_1171, %ne3A_1172 : i32
      %lt3A_1174 = arith.constant 0 : i32
      %lt3A_1175 = arith.cmpi slt, %rem3A_1171, %lt3A_1174 : i32
      %lt3A_1176 = arith.constant 0 : i32
      %lt3A_1177 = arith.cmpi slt, %select_n3A_1170, %lt3A_1176 : i32
      %ne3A_1178 = arith.xori %lt3A_1175, %lt3A_1177 : i1
      %and3A_1179 = arith.andi %ne3A_1178, %ne3A_1173 : i1
      %add3A_1180 = arith.addi %rem3A_1171, %select_n3A_1170 : i32
      %select_n3A_1181 = arith.select %and3A_1179, %add3A_1180, %rem3A_1171 : i32
      %mul3A_1182 = arith.constant 16 : i32
      %mul3A_1183 = arith.muli %select_n3A_1181, %mul3A_1182 : i32
      %swap3A_1184 = arith.index_cast %select_n3A_1165 : i32 to index
      %swap3A_1185 = arith.index_cast %mul3A_1183 : i32 to index
      %swap3A_1186 = tpu.vector_load %arg8[%swap3A_1184, %swap3A_1185] {strides = array<i32>} : memref<200x128xi32, #tpu.memory_space<vmem>>, vector<16xi32>,
      tpu.vector_store %arg8[%swap3A_1184, %swap3A_1185], %broadcast_in_dim3A_3 {strides = array<i32>} : memref<200x128xi32, #tpu.memory_space<vmem>>, vector<16xi32>,
    }
    %scan3A_474 = arith.constant 1600 : i32
    %get3A_475 = arith.constant 0 : i32
    %get3A_476 = arith.index_cast %get3A_475 : i32 to index
    %get3A_477 = arith.constant 0 : index
    %get3A_478 = tpu.vector_load %arg4[%get3A_476, %get3A_477] {strides = array<i32>} : memref<3x128xi32, #tpu.memory_space<vmem>>, vector<16xi32>,
    %sub3A_479 = arith.constant 600 : i32
    %sub3A_480 = vector.broadcast %sub3A_479 : i32 to vector<16xi32>
    %sub3A_481 = arith.subi %get3A_478, %sub3A_480 : vector<16xi32>
    %ge3A_482 = arith.constant 0 : i32
    %ge3A_483 = vector.broadcast %ge3A_482 : i32 to vector<16xi32>
    %ge3A_484 = arith.cmpi sge, %sub3A_481, %ge3A_483 : vector<16xi32>
    %lt3A_485 = arith.constant 200 : i32
    %lt3A_486 = vector.broadcast %lt3A_485 : i32 to vector<16xi32>
    %lt3A_487 = arith.cmpi slt, %sub3A_481, %lt3A_486 : vector<16xi32>
    %and3A_488 = arith.andi %ge3A_484, %lt3A_487 : vector<16xi1>
    %add3A_489 = arith.constant 0 : i32
    %add3A_490 = vector.broadcast %add3A_489 : i32 to vector<16xi32>
    %add3A_491 = arith.addi %iota3A, %add3A_490 : vector<16xi32>
    tpu.vector_store_idx %arg8[%sub3A_481, %add3A_491], %broadcast_in_dim3A_5 masked %and3A_488 : memref<200x128xi32, #tpu.memory_space<vmem>>[vector<16xi32>, vector<16xi32>], vector<16xi32>, vector<16xi1>
    %get3A_492 = arith.constant 0 : i32
    %get3A_493 = arith.index_cast %get3A_492 : i32 to index
    %get3A_494 = arith.constant 16 : index
    %get3A_495 = tpu.vector_load %arg4[%get3A_493, %get3A_494] {strides = array<i32>} : memref<3x128xi32, #tpu.memory_space<vmem>>, vector<16xi32>,
    %sub3A_496 = arith.constant 600 : i32
    %sub3A_497 = vector.broadcast %sub3A_496 : i32 to vector<16xi32>
    %sub3A_498 = arith.subi %get3A_495, %sub3A_497 : vector<16xi32>
    %ge3A_499 = arith.constant 0 : i32
    %ge3A_500 = vector.broadcast %ge3A_499 : i32 to vector<16xi32>
    %ge3A_501 = arith.cmpi sge, %sub3A_498, %ge3A_500 : vector<16xi32>
    %lt3A_502 = arith.constant 200 : i32
    %lt3A_503 = vector.broadcast %lt3A_502 : i32 to vector<16xi32>
    %lt3A_504 = arith.cmpi slt, %sub3A_498, %lt3A_503 : vector<16xi32>
    %and3A_505 = arith.andi %ge3A_501, %lt3A_504 : vector<16xi1>
    %add3A_506 = arith.constant 16 : i32
    %add3A_507 = vector.broadcast %add3A_506 : i32 to vector<16xi32>
    %add3A_508 = arith.addi %iota3A, %add3A_507 : vector<16xi32>
    tpu.vector_store_idx %arg8[%sub3A_498, %add3A_508], %broadcast_in_dim3A_5 masked %and3A_505 : memref<200x128xi32, #tpu.memory_space<vmem>>[vector<16xi32>, vector<16xi32>], vector<16xi32>, vector<16xi1>
    %get3A_509 = arith.constant 0 : i32
    %get3A_510 = arith.index_cast %get3A_509 : i32 to index
    %get3A_511 = arith.constant 32 : index
    %get3A_512 = tpu.vector_load %arg4[%get3A_510, %get3A_511] {strides = array<i32>} : memref<3x128xi32, #tpu.memory_space<vmem>>, vector<16xi32>,
    %sub3A_513 = arith.constant 600 : i32
    %sub3A_514 = vector.broadcast %sub3A_513 : i32 to vector<16xi32>
    %sub3A_515 = arith.subi %get3A_512, %sub3A_514 : vector<16xi32>
    %ge3A_516 = arith.constant 0 : i32
    %ge3A_517 = vector.broadcast %ge3A_516 : i32 to vector<16xi32>
    %ge3A_518 = arith.cmpi sge, %sub3A_515, %ge3A_517 : vector<16xi32>
    %lt3A_519 = arith.constant 200 : i32
    %lt3A_520 = vector.broadcast %lt3A_519 : i32 to vector<16xi32>
    %lt3A_521 = arith.cmpi slt, %sub3A_515, %lt3A_520 : vector<16xi32>
    %and3A_522 = arith.andi %ge3A_518, %lt3A_521 : vector<16xi1>
    %add3A_523 = arith.constant 32 : i32
    %add3A_524 = vector.broadcast %add3A_523 : i32 to vector<16xi32>
    %add3A_525 = arith.addi %iota3A, %add3A_524 : vector<16xi32>
    tpu.vector_store_idx %arg8[%sub3A_515, %add3A_525], %broadcast_in_dim3A_5 masked %and3A_522 : memref<200x128xi32, #tpu.memory_space<vmem>>[vector<16xi32>, vector<16xi32>], vector<16xi32>, vector<16xi1>
    %get3A_526 = arith.constant 0 : i32
    %get3A_527 = arith.index_cast %get3A_526 : i32 to index
    %get3A_528 = arith.constant 48 : index
    %get3A_529 = tpu.vector_load %arg4[%get3A_527, %get3A_528] {strides = array<i32>} : memref<3x128xi32, #tpu.memory_space<vmem>>, vector<16xi32>,
    %sub3A_530 = arith.constant 600 : i32
    %sub3A_531 = vector.broadcast %sub3A_530 : i32 to vector<16xi32>
    %sub3A_532 = arith.subi %get3A_529, %sub3A_531 : vector<16xi32>
    %ge3A_533 = arith.constant 0 : i32
    %ge3A_534 = vector.broadcast %ge3A_533 : i32 to vector<16xi32>
    %ge3A_535 = arith.cmpi sge, %sub3A_532, %ge3A_534 : vector<16xi32>
    %lt3A_536 = arith.constant 200 : i32
    %lt3A_537 = vector.broadcast %lt3A_536 : i32 to vector<16xi32>
    %lt3A_538 = arith.cmpi slt, %sub3A_532, %lt3A_537 : vector<16xi32>
    %and3A_539 = arith.andi %ge3A_535, %lt3A_538 : vector<16xi1>
    %add3A_540 = arith.constant 48 : i32
    %add3A_541 = vector.broadcast %add3A_540 : i32 to vector<16xi32>
    %add3A_542 = arith.addi %iota3A, %add3A_541 : vector<16xi32>
    tpu.vector_store_idx %arg8[%sub3A_532, %add3A_542], %broadcast_in_dim3A_5 masked %and3A_539 : memref<200x128xi32, #tpu.memory_space<vmem>>[vector<16xi32>, vector<16xi32>], vector<16xi32>, vector<16xi1>
    %get3A_543 = arith.constant 0 : i32
    %get3A_544 = arith.index_cast %get3A_543 : i32 to index
    %get3A_545 = arith.constant 64 : index
    %get3A_546 = tpu.vector_load %arg4[%get3A_544, %get3A_545] {strides = array<i32>} : memref<3x128xi32, #tpu.memory_space<vmem>>, vector<16xi32>,
    %sub3A_547 = arith.constant 600 : i32
    %sub3A_548 = vector.broadcast %sub3A_547 : i32 to vector<16xi32>
    %sub3A_549 = arith.subi %get3A_546, %sub3A_548 : vector<16xi32>
    %ge3A_550 = arith.constant 0 : i32
    %ge3A_551 = vector.broadcast %ge3A_550 : i32 to vector<16xi32>
    %ge3A_552 = arith.cmpi sge, %sub3A_549, %ge3A_551 : vector<16xi32>
    %lt3A_553 = arith.constant 200 : i32
    %lt3A_554 = vector.broadcast %lt3A_553 : i32 to vector<16xi32>
    %lt3A_555 = arith.cmpi slt, %sub3A_549, %lt3A_554 : vector<16xi32>
    %and3A_556 = arith.andi %ge3A_552, %lt3A_555 : vector<16xi1>
    %add3A_557 = arith.constant 64 : i32
    %add3A_558 = vector.broadcast %add3A_557 : i32 to vector<16xi32>
    %add3A_559 = arith.addi %iota3A, %add3A_558 : vector<16xi32>
    tpu.vector_store_idx %arg8[%sub3A_549, %add3A_559], %broadcast_in_dim3A_5 masked %and3A_556 : memref<200x128xi32, #tpu.memory_space<vmem>>[vector<16xi32>, vector<16xi32>], vector<16xi32>, vector<16xi1>
    %get3A_560 = arith.constant 0 : i32
    %get3A_561 = arith.index_cast %get3A_560 : i32 to index
    %get3A_562 = arith.constant 80 : index
    %get3A_563 = tpu.vector_load %arg4[%get3A_561, %get3A_562] {strides = array<i32>} : memref<3x128xi32, #tpu.memory_space<vmem>>, vector<16xi32>,
    %sub3A_564 = arith.constant 600 : i32
    %sub3A_565 = vector.broadcast %sub3A_564 : i32 to vector<16xi32>
    %sub3A_566 = arith.subi %get3A_563, %sub3A_565 : vector<16xi32>
    %ge3A_567 = arith.constant 0 : i32
    %ge3A_568 = vector.broadcast %ge3A_567 : i32 to vector<16xi32>
    %ge3A_569 = arith.cmpi sge, %sub3A_566, %ge3A_568 : vector<16xi32>
    %lt3A_570 = arith.constant 200 : i32
    %lt3A_571 = vector.broadcast %lt3A_570 : i32 to vector<16xi32>
    %lt3A_572 = arith.cmpi slt, %sub3A_566, %lt3A_571 : vector<16xi32>
    %and3A_573 = arith.andi %ge3A_569, %lt3A_572 : vector<16xi1>
    %add3A_574 = arith.constant 80 : i32
    %add3A_575 = vector.broadcast %add3A_574 : i32 to vector<16xi32>
    %add3A_576 = arith.addi %iota3A, %add3A_575 : vector<16xi32>
    tpu.vector_store_idx %arg8[%sub3A_566, %add3A_576], %broadcast_in_dim3A_5 masked %and3A_573 : memref<200x128xi32, #tpu.memory_space<vmem>>[vector<16xi32>, vector<16xi32>], vector<16xi32>, vector<16xi1>
    %get3A_577 = arith.constant 0 : i32
    %get3A_578 = arith.index_cast %get3A_577 : i32 to index
    %get3A_579 = arith.constant 96 : index
    %get3A_580 = tpu.vector_load %arg4[%get3A_578, %get3A_579] {strides = array<i32>} : memref<3x128xi32, #tpu.memory_space<vmem>>, vector<16xi32>,
    %sub3A_581 = arith.constant 600 : i32
    %sub3A_582 = vector.broadcast %sub3A_581 : i32 to vector<16xi32>
    %sub3A_583 = arith.subi %get3A_580, %sub3A_582 : vector<16xi32>
    %ge3A_584 = arith.constant 0 : i32
    %ge3A_585 = vector.broadcast %ge3A_584 : i32 to vector<16xi32>
    %ge3A_586 = arith.cmpi sge, %sub3A_583, %ge3A_585 : vector<16xi32>
    %lt3A_587 = arith.constant 200 : i32
    %lt3A_588 = vector.broadcast %lt3A_587 : i32 to vector<16xi32>
    %lt3A_589 = arith.cmpi slt, %sub3A_583, %lt3A_588 : vector<16xi32>
    %and3A_590 = arith.andi %ge3A_586, %lt3A_589 : vector<16xi1>
    %add3A_591 = arith.constant 96 : i32
    %add3A_592 = vector.broadcast %add3A_591 : i32 to vector<16xi32>
    %add3A_593 = arith.addi %iota3A, %add3A_592 : vector<16xi32>
    tpu.vector_store_idx %arg8[%sub3A_583, %add3A_593], %broadcast_in_dim3A_5 masked %and3A_590 : memref<200x128xi32, #tpu.memory_space<vmem>>[vector<16xi32>, vector<16xi32>], vector<16xi32>, vector<16xi1>
    %get3A_594 = arith.constant 0 : i32
    %get3A_595 = arith.index_cast %get3A_594 : i32 to index
    %get3A_596 = arith.constant 112 : index
    %get3A_597 = tpu.vector_load %arg4[%get3A_595, %get3A_596] {strides = array<i32>} : memref<3x128xi32, #tpu.memory_space<vmem>>, vector<16xi32>,
    %sub3A_598 = arith.constant 600 : i32
    %sub3A_599 = vector.broadcast %sub3A_598 : i32 to vector<16xi32>
    %sub3A_600 = arith.subi %get3A_597, %sub3A_599 : vector<16xi32>
    %ge3A_601 = arith.constant 0 : i32
    %ge3A_602 = vector.broadcast %ge3A_601 : i32 to vector<16xi32>
    %ge3A_603 = arith.cmpi sge, %sub3A_600, %ge3A_602 : vector<16xi32>
    %lt3A_604 = arith.constant 200 : i32
    %lt3A_605 = vector.broadcast %lt3A_604 : i32 to vector<16xi32>
    %lt3A_606 = arith.cmpi slt, %sub3A_600, %lt3A_605 : vector<16xi32>
    %and3A_607 = arith.andi %ge3A_603, %lt3A_606 : vector<16xi1>
    %add3A_608 = arith.constant 112 : i32
    %add3A_609 = vector.broadcast %add3A_608 : i32 to vector<16xi32>
    %add3A_610 = arith.addi %iota3A, %add3A_609 : vector<16xi32>
    tpu.vector_store_idx %arg8[%sub3A_600, %add3A_610], %broadcast_in_dim3A_5 masked %and3A_607 : memref<200x128xi32, #tpu.memory_space<vmem>>[vector<16xi32>, vector<16xi32>], vector<16xi32>, vector<16xi1>
    %dma_start3A_611 = arith.constant 0 : i32
    %dma_start3A_612 = arith.constant 600 : i32
    %dma_start3A_613 = tpu.memref_slice %arg3[%dma_start3A_611, %dma_start3A_612, %mul3A_2] : memref<26x1000x4096xi32, #tpu.memory_space<hbm>> -> memref<1x200x128xi32, #tpu.memory_space<hbm>>
    %dma_start3A_614 = tpu.memref_squeeze %dma_start3A_613 : memref<1x200x128xi32, #tpu.memory_space<hbm>> -> memref<200x128xi32, #tpu.memory_space<hbm>>
    %dma_start3A_615 = arith.constant 600 : i32
    %dma_start3A_616 = tpu.memref_slice %arg3[%dma_start3A_611, %dma_start3A_615, %mul3A_2] : memref<26x1000x4096xi32, #tpu.memory_space<hbm>> -> memref<1x200x128xi32, #tpu.memory_space<hbm>>
    %dma_start3A_617 = tpu.memref_squeeze %dma_start3A_616 : memref<1x200x128xi32, #tpu.memory_space<hbm>> -> memref<200x128xi32, #tpu.memory_space<hbm>>
    tpu.enqueue_dma source(%arg8 : memref<200x128xi32, #tpu.memory_space<vmem>>) target(%dma_start3A_617 : memref<200x128xi32, #tpu.memory_space<hbm>>) target_semaphore(%arg13 : memref<!tpu.dma_semaphore, #tpu.memory_space<semaphore_mem>>)
    %scan3A_618 = arith.constant 0 : i32
    %scan3A_619 = arith.constant 0 : i32
    %scan3A_620 = arith.constant 1600 : i32
    %scan3A_621 = arith.addi %scan3A_619, %scan3A_620 : i32
    %scan3A_622 = arith.constant 8 : i32
    scf.for %scan3A_820 = %scan3A_619 to %scan3A_621 step %scan3A_622  : i32 {
      %jit3A = arith.constant 8 : i32
      %div3A = arith.divsi %scan3A_820, %jit3A : i32
      %sign3A = arith.constant 0 : i32
      %sign3A_821 = arith.cmpi sgt, %scan3A_820, %sign3A : i32
      %sign3A_822 = arith.extui %sign3A_821 : i1 to i32
      %sign3A_823 = arith.constant 0 : i32
      %sign3A_824 = arith.cmpi slt, %scan3A_820, %sign3A_823 : i32
      %sign3A_825 = arith.extui %sign3A_824 : i1 to i32
      %sign3A_826 = arith.subi %sign3A_822, %sign3A_825 : i32
      %sign3A_827 = arith.constant 0 : i32
      %sign3A_828 = arith.cmpi sgt, %jit3A, %sign3A_827 : i32
      %sign3A_829 = arith.extui %sign3A_828 : i1 to i32
      %sign3A_830 = arith.constant 0 : i32
      %sign3A_831 = arith.cmpi slt, %jit3A, %sign3A_830 : i32
      %sign3A_832 = arith.extui %sign3A_831 : i1 to i32
      %sign3A_833 = arith.subi %sign3A_829, %sign3A_832 : i32
      %ne3A = arith.cmpi ne, %sign3A_826, %sign3A_833 : i32
      %rem3A = arith.remsi %scan3A_820, %jit3A : i32
      %ne3A_834 = arith.constant 0 : i32
      %ne3A_835 = arith.cmpi ne, %rem3A, %ne3A_834 : i32
      %and3A_836 = arith.andi %ne3A, %ne3A_835 : i1
      %sub3A_837 = arith.constant 1 : i32
      %sub3A_838 = arith.subi %div3A, %sub3A_837 : i32
      %select_n3A = arith.select %and3A_836, %sub3A_838, %div3A : i32
      %jit3A_839 = arith.constant 8 : i32
      %eq3A = arith.constant 0 : i32
      %eq3A_840 = arith.cmpi eq, %jit3A_839, %eq3A : i32
      %jit3A_841 = arith.constant 1 : i32
      %select_n3A_842 = arith.select %eq3A_840, %jit3A_841, %jit3A_839 : i32
      %rem3A_843 = arith.remsi %scan3A_820, %select_n3A_842 : i32
      %ne3A_844 = arith.constant 0 : i32
      %ne3A_845 = arith.cmpi ne, %rem3A_843, %ne3A_844 : i32
      %lt3A_846 = arith.constant 0 : i32
      %lt3A_847 = arith.cmpi slt, %rem3A_843, %lt3A_846 : i32
      %lt3A_848 = arith.constant 0 : i32
      %lt3A_849 = arith.cmpi slt, %select_n3A_842, %lt3A_848 : i32
      %ne3A_850 = arith.xori %lt3A_847, %lt3A_849 : i1
      %and3A_851 = arith.andi %ne3A_850, %ne3A_845 : i1
      %add3A_852 = arith.addi %rem3A_843, %select_n3A_842 : i32
      %select_n3A_853 = arith.select %and3A_851, %add3A_852, %rem3A_843 : i32
      %mul3A_854 = arith.constant 16 : i32
      %mul3A_855 = arith.muli %select_n3A_853, %mul3A_854 : i32
      %swap3A = arith.index_cast %select_n3A : i32 to index
      %swap3A_856 = arith.index_cast %mul3A_855 : i32 to index
      %swap3A_857 = tpu.vector_load %arg9[%swap3A, %swap3A_856] {strides = array<i32>} : memref<200x128xi32, #tpu.memory_space<vmem>>, vector<16xi32>,
      tpu.vector_store %arg9[%swap3A, %swap3A_856], %broadcast_in_dim3A_3 {strides = array<i32>} : memref<200x128xi32, #tpu.memory_space<vmem>>, vector<16xi32>,
      %scan3A_858 = arith.constant 1 : i32
      %scan3A_859 = arith.addi %scan3A_820, %scan3A_858 : i32
      %jit3A_860 = arith.constant 8 : i32
      %div3A_861 = arith.divsi %scan3A_859, %jit3A_860 : i32
      %sign3A_862 = arith.constant 0 : i32
      %sign3A_863 = arith.cmpi sgt, %scan3A_859, %sign3A_862 : i32
      %sign3A_864 = arith.extui %sign3A_863 : i1 to i32
      %sign3A_865 = arith.constant 0 : i32
      %sign3A_866 = arith.cmpi slt, %scan3A_859, %sign3A_865 : i32
      %sign3A_867 = arith.extui %sign3A_866 : i1 to i32
      %sign3A_868 = arith.subi %sign3A_864, %sign3A_867 : i32
      %sign3A_869 = arith.constant 0 : i32
      %sign3A_870 = arith.cmpi sgt, %jit3A_860, %sign3A_869 : i32
      %sign3A_871 = arith.extui %sign3A_870 : i1 to i32
      %sign3A_872 = arith.constant 0 : i32
      %sign3A_873 = arith.cmpi slt, %jit3A_860, %sign3A_872 : i32
      %sign3A_874 = arith.extui %sign3A_873 : i1 to i32
      %sign3A_875 = arith.subi %sign3A_871, %sign3A_874 : i32
      %ne3A_876 = arith.cmpi ne, %sign3A_868, %sign3A_875 : i32
      %rem3A_877 = arith.remsi %scan3A_859, %jit3A_860 : i32
      %ne3A_878 = arith.constant 0 : i32
      %ne3A_879 = arith.cmpi ne, %rem3A_877, %ne3A_878 : i32
      %and3A_880 = arith.andi %ne3A_876, %ne3A_879 : i1
      %sub3A_881 = arith.constant 1 : i32
      %sub3A_882 = arith.subi %div3A_861, %sub3A_881 : i32
      %select_n3A_883 = arith.select %and3A_880, %sub3A_882, %div3A_861 : i32
      %jit3A_884 = arith.constant 8 : i32
      %eq3A_885 = arith.constant 0 : i32
      %eq3A_886 = arith.cmpi eq, %jit3A_884, %eq3A_885 : i32
      %jit3A_887 = arith.constant 1 : i32
      %select_n3A_888 = arith.select %eq3A_886, %jit3A_887, %jit3A_884 : i32
      %rem3A_889 = arith.remsi %scan3A_859, %select_n3A_888 : i32
      %ne3A_890 = arith.constant 0 : i32
      %ne3A_891 = arith.cmpi ne, %rem3A_889, %ne3A_890 : i32
      %lt3A_892 = arith.constant 0 : i32
      %lt3A_893 = arith.cmpi slt, %rem3A_889, %lt3A_892 : i32
      %lt3A_894 = arith.constant 0 : i32
      %lt3A_895 = arith.cmpi slt, %select_n3A_888, %lt3A_894 : i32
      %ne3A_896 = arith.xori %lt3A_893, %lt3A_895 : i1
      %and3A_897 = arith.andi %ne3A_896, %ne3A_891 : i1
      %add3A_898 = arith.addi %rem3A_889, %select_n3A_888 : i32
      %select_n3A_899 = arith.select %and3A_897, %add3A_898, %rem3A_889 : i32
      %mul3A_900 = arith.constant 16 : i32
      %mul3A_901 = arith.muli %select_n3A_899, %mul3A_900 : i32
      %swap3A_902 = arith.index_cast %select_n3A_883 : i32 to index
      %swap3A_903 = arith.index_cast %mul3A_901 : i32 to index
      %swap3A_904 = tpu.vector_load %arg9[%swap3A_902, %swap3A_903] {strides = array<i32>} : memref<200x128xi32, #tpu.memory_space<vmem>>, vector<16xi32>,
      tpu.vector_store %arg9[%swap3A_902, %swap3A_903], %broadcast_in_dim3A_3 {strides = array<i32>} : memref<200x128xi32, #tpu.memory_space<vmem>>, vector<16xi32>,
      %scan3A_905 = arith.constant 2 : i32
      %scan3A_906 = arith.addi %scan3A_820, %scan3A_905 : i32
      %jit3A_907 = arith.constant 8 : i32
      %div3A_908 = arith.divsi %scan3A_906, %jit3A_907 : i32
      %sign3A_909 = arith.constant 0 : i32
      %sign3A_910 = arith.cmpi sgt, %scan3A_906, %sign3A_909 : i32
      %sign3A_911 = arith.extui %sign3A_910 : i1 to i32
      %sign3A_912 = arith.constant 0 : i32
      %sign3A_913 = arith.cmpi slt, %scan3A_906, %sign3A_912 : i32
      %sign3A_914 = arith.extui %sign3A_913 : i1 to i32
      %sign3A_915 = arith.subi %sign3A_911, %sign3A_914 : i32
      %sign3A_916 = arith.constant 0 : i32
      %sign3A_917 = arith.cmpi sgt, %jit3A_907, %sign3A_916 : i32
      %sign3A_918 = arith.extui %sign3A_917 : i1 to i32
      %sign3A_919 = arith.constant 0 : i32
      %sign3A_920 = arith.cmpi slt, %jit3A_907, %sign3A_919 : i32
      %sign3A_921 = arith.extui %sign3A_920 : i1 to i32
      %sign3A_922 = arith.subi %sign3A_918, %sign3A_921 : i32
      %ne3A_923 = arith.cmpi ne, %sign3A_915, %sign3A_922 : i32
      %rem3A_924 = arith.remsi %scan3A_906, %jit3A_907 : i32
      %ne3A_925 = arith.constant 0 : i32
      %ne3A_926 = arith.cmpi ne, %rem3A_924, %ne3A_925 : i32
      %and3A_927 = arith.andi %ne3A_923, %ne3A_926 : i1
      %sub3A_928 = arith.constant 1 : i32
      %sub3A_929 = arith.subi %div3A_908, %sub3A_928 : i32
      %select_n3A_930 = arith.select %and3A_927, %sub3A_929, %div3A_908 : i32
      %jit3A_931 = arith.constant 8 : i32
      %eq3A_932 = arith.constant 0 : i32
      %eq3A_933 = arith.cmpi eq, %jit3A_931, %eq3A_932 : i32
      %jit3A_934 = arith.constant 1 : i32
      %select_n3A_935 = arith.select %eq3A_933, %jit3A_934, %jit3A_931 : i32
      %rem3A_936 = arith.remsi %scan3A_906, %select_n3A_935 : i32
      %ne3A_937 = arith.constant 0 : i32
      %ne3A_938 = arith.cmpi ne, %rem3A_936, %ne3A_937 : i32
      %lt3A_939 = arith.constant 0 : i32
      %lt3A_940 = arith.cmpi slt, %rem3A_936, %lt3A_939 : i32
      %lt3A_941 = arith.constant 0 : i32
      %lt3A_942 = arith.cmpi slt, %select_n3A_935, %lt3A_941 : i32
      %ne3A_943 = arith.xori %lt3A_940, %lt3A_942 : i1
      %and3A_944 = arith.andi %ne3A_943, %ne3A_938 : i1
      %add3A_945 = arith.addi %rem3A_936, %select_n3A_935 : i32
      %select_n3A_946 = arith.select %and3A_944, %add3A_945, %rem3A_936 : i32
      %mul3A_947 = arith.constant 16 : i32
      %mul3A_948 = arith.muli %select_n3A_946, %mul3A_947 : i32
      %swap3A_949 = arith.index_cast %select_n3A_930 : i32 to index
      %swap3A_950 = arith.index_cast %mul3A_948 : i32 to index
      %swap3A_951 = tpu.vector_load %arg9[%swap3A_949, %swap3A_950] {strides = array<i32>} : memref<200x128xi32, #tpu.memory_space<vmem>>, vector<16xi32>,
      tpu.vector_store %arg9[%swap3A_949, %swap3A_950], %broadcast_in_dim3A_3 {strides = array<i32>} : memref<200x128xi32, #tpu.memory_space<vmem>>, vector<16xi32>,
      %scan3A_952 = arith.constant 3 : i32
      %scan3A_953 = arith.addi %scan3A_820, %scan3A_952 : i32
      %jit3A_954 = arith.constant 8 : i32
      %div3A_955 = arith.divsi %scan3A_953, %jit3A_954 : i32
      %sign3A_956 = arith.constant 0 : i32
      %sign3A_957 = arith.cmpi sgt, %scan3A_953, %sign3A_956 : i32
      %sign3A_958 = arith.extui %sign3A_957 : i1 to i32
      %sign3A_959 = arith.constant 0 : i32
      %sign3A_960 = arith.cmpi slt, %scan3A_953, %sign3A_959 : i32
      %sign3A_961 = arith.extui %sign3A_960 : i1 to i32
      %sign3A_962 = arith.subi %sign3A_958, %sign3A_961 : i32
      %sign3A_963 = arith.constant 0 : i32
      %sign3A_964 = arith.cmpi sgt, %jit3A_954, %sign3A_963 : i32
      %sign3A_965 = arith.extui %sign3A_964 : i1 to i32
      %sign3A_966 = arith.constant 0 : i32
      %sign3A_967 = arith.cmpi slt, %jit3A_954, %sign3A_966 : i32
      %sign3A_968 = arith.extui %sign3A_967 : i1 to i32
      %sign3A_969 = arith.subi %sign3A_965, %sign3A_968 : i32
      %ne3A_970 = arith.cmpi ne, %sign3A_962, %sign3A_969 : i32
      %rem3A_971 = arith.remsi %scan3A_953, %jit3A_954 : i32
      %ne3A_972 = arith.constant 0 : i32
      %ne3A_973 = arith.cmpi ne, %rem3A_971, %ne3A_972 : i32
      %and3A_974 = arith.andi %ne3A_970, %ne3A_973 : i1
      %sub3A_975 = arith.constant 1 : i32
      %sub3A_976 = arith.subi %div3A_955, %sub3A_975 : i32
      %select_n3A_977 = arith.select %and3A_974, %sub3A_976, %div3A_955 : i32
      %jit3A_978 = arith.constant 8 : i32
      %eq3A_979 = arith.constant 0 : i32
      %eq3A_980 = arith.cmpi eq, %jit3A_978, %eq3A_979 : i32
      %jit3A_981 = arith.constant 1 : i32
      %select_n3A_982 = arith.select %eq3A_980, %jit3A_981, %jit3A_978 : i32
      %rem3A_983 = arith.remsi %scan3A_953, %select_n3A_982 : i32
      %ne3A_984 = arith.constant 0 : i32
      %ne3A_985 = arith.cmpi ne, %rem3A_983, %ne3A_984 : i32
      %lt3A_986 = arith.constant 0 : i32
      %lt3A_987 = arith.cmpi slt, %rem3A_983, %lt3A_986 : i32
      %lt3A_988 = arith.constant 0 : i32
      %lt3A_989 = arith.cmpi slt, %select_n3A_982, %lt3A_988 : i32
      %ne3A_990 = arith.xori %lt3A_987, %lt3A_989 : i1
      %and3A_991 = arith.andi %ne3A_990, %ne3A_985 : i1
      %add3A_992 = arith.addi %rem3A_983, %select_n3A_982 : i32
      %select_n3A_993 = arith.select %and3A_991, %add3A_992, %rem3A_983 : i32
      %mul3A_994 = arith.constant 16 : i32
      %mul3A_995 = arith.muli %select_n3A_993, %mul3A_994 : i32
      %swap3A_996 = arith.index_cast %select_n3A_977 : i32 to index
      %swap3A_997 = arith.index_cast %mul3A_995 : i32 to index
      %swap3A_998 = tpu.vector_load %arg9[%swap3A_996, %swap3A_997] {strides = array<i32>} : memref<200x128xi32, #tpu.memory_space<vmem>>, vector<16xi32>,
      tpu.vector_store %arg9[%swap3A_996, %swap3A_997], %broadcast_in_dim3A_3 {strides = array<i32>} : memref<200x128xi32, #tpu.memory_space<vmem>>, vector<16xi32>,
      %scan3A_999 = arith.constant 4 : i32
      %scan3A_1000 = arith.addi %scan3A_820, %scan3A_999 : i32
      %jit3A_1001 = arith.constant 8 : i32
      %div3A_1002 = arith.divsi %scan3A_1000, %jit3A_1001 : i32
      %sign3A_1003 = arith.constant 0 : i32
      %sign3A_1004 = arith.cmpi sgt, %scan3A_1000, %sign3A_1003 : i32
      %sign3A_1005 = arith.extui %sign3A_1004 : i1 to i32
      %sign3A_1006 = arith.constant 0 : i32
      %sign3A_1007 = arith.cmpi slt, %scan3A_1000, %sign3A_1006 : i32
      %sign3A_1008 = arith.extui %sign3A_1007 : i1 to i32
      %sign3A_1009 = arith.subi %sign3A_1005, %sign3A_1008 : i32
      %sign3A_1010 = arith.constant 0 : i32
      %sign3A_1011 = arith.cmpi sgt, %jit3A_1001, %sign3A_1010 : i32
      %sign3A_1012 = arith.extui %sign3A_1011 : i1 to i32
      %sign3A_1013 = arith.constant 0 : i32
      %sign3A_1014 = arith.cmpi slt, %jit3A_1001, %sign3A_1013 : i32
      %sign3A_1015 = arith.extui %sign3A_1014 : i1 to i32
      %sign3A_1016 = arith.subi %sign3A_1012, %sign3A_1015 : i32
      %ne3A_1017 = arith.cmpi ne, %sign3A_1009, %sign3A_1016 : i32
      %rem3A_1018 = arith.remsi %scan3A_1000, %jit3A_1001 : i32
      %ne3A_1019 = arith.constant 0 : i32
      %ne3A_1020 = arith.cmpi ne, %rem3A_1018, %ne3A_1019 : i32
      %and3A_1021 = arith.andi %ne3A_1017, %ne3A_1020 : i1
      %sub3A_1022 = arith.constant 1 : i32
      %sub3A_1023 = arith.subi %div3A_1002, %sub3A_1022 : i32
      %select_n3A_1024 = arith.select %and3A_1021, %sub3A_1023, %div3A_1002 : i32
      %jit3A_1025 = arith.constant 8 : i32
      %eq3A_1026 = arith.constant 0 : i32
      %eq3A_1027 = arith.cmpi eq, %jit3A_1025, %eq3A_1026 : i32
      %jit3A_1028 = arith.constant 1 : i32
      %select_n3A_1029 = arith.select %eq3A_1027, %jit3A_1028, %jit3A_1025 : i32
      %rem3A_1030 = arith.remsi %scan3A_1000, %select_n3A_1029 : i32
      %ne3A_1031 = arith.constant 0 : i32
      %ne3A_1032 = arith.cmpi ne, %rem3A_1030, %ne3A_1031 : i32
      %lt3A_1033 = arith.constant 0 : i32
      %lt3A_1034 = arith.cmpi slt, %rem3A_1030, %lt3A_1033 : i32
      %lt3A_1035 = arith.constant 0 : i32
      %lt3A_1036 = arith.cmpi slt, %select_n3A_1029, %lt3A_1035 : i32
      %ne3A_1037 = arith.xori %lt3A_1034, %lt3A_1036 : i1
      %and3A_1038 = arith.andi %ne3A_1037, %ne3A_1032 : i1
      %add3A_1039 = arith.addi %rem3A_1030, %select_n3A_1029 : i32
      %select_n3A_1040 = arith.select %and3A_1038, %add3A_1039, %rem3A_1030 : i32
      %mul3A_1041 = arith.constant 16 : i32
      %mul3A_1042 = arith.muli %select_n3A_1040, %mul3A_1041 : i32
      %swap3A_1043 = arith.index_cast %select_n3A_1024 : i32 to index
      %swap3A_1044 = arith.index_cast %mul3A_1042 : i32 to index
      %swap3A_1045 = tpu.vector_load %arg9[%swap3A_1043, %swap3A_1044] {strides = array<i32>} : memref<200x128xi32, #tpu.memory_space<vmem>>, vector<16xi32>,
      tpu.vector_store %arg9[%swap3A_1043, %swap3A_1044], %broadcast_in_dim3A_3 {strides = array<i32>} : memref<200x128xi32, #tpu.memory_space<vmem>>, vector<16xi32>,
      %scan3A_1046 = arith.constant 5 : i32
      %scan3A_1047 = arith.addi %scan3A_820, %scan3A_1046 : i32
      %jit3A_1048 = arith.constant 8 : i32
      %div3A_1049 = arith.divsi %scan3A_1047, %jit3A_1048 : i32
      %sign3A_1050 = arith.constant 0 : i32
      %sign3A_1051 = arith.cmpi sgt, %scan3A_1047, %sign3A_1050 : i32
      %sign3A_1052 = arith.extui %sign3A_1051 : i1 to i32
      %sign3A_1053 = arith.constant 0 : i32
      %sign3A_1054 = arith.cmpi slt, %scan3A_1047, %sign3A_1053 : i32
      %sign3A_1055 = arith.extui %sign3A_1054 : i1 to i32
      %sign3A_1056 = arith.subi %sign3A_1052, %sign3A_1055 : i32
      %sign3A_1057 = arith.constant 0 : i32
      %sign3A_1058 = arith.cmpi sgt, %jit3A_1048, %sign3A_1057 : i32
      %sign3A_1059 = arith.extui %sign3A_1058 : i1 to i32
      %sign3A_1060 = arith.constant 0 : i32
      %sign3A_1061 = arith.cmpi slt, %jit3A_1048, %sign3A_1060 : i32
      %sign3A_1062 = arith.extui %sign3A_1061 : i1 to i32
      %sign3A_1063 = arith.subi %sign3A_1059, %sign3A_1062 : i32
      %ne3A_1064 = arith.cmpi ne, %sign3A_1056, %sign3A_1063 : i32
      %rem3A_1065 = arith.remsi %scan3A_1047, %jit3A_1048 : i32
      %ne3A_1066 = arith.constant 0 : i32
      %ne3A_1067 = arith.cmpi ne, %rem3A_1065, %ne3A_1066 : i32
      %and3A_1068 = arith.andi %ne3A_1064, %ne3A_1067 : i1
      %sub3A_1069 = arith.constant 1 : i32
      %sub3A_1070 = arith.subi %div3A_1049, %sub3A_1069 : i32
      %select_n3A_1071 = arith.select %and3A_1068, %sub3A_1070, %div3A_1049 : i32
      %jit3A_1072 = arith.constant 8 : i32
      %eq3A_1073 = arith.constant 0 : i32
      %eq3A_1074 = arith.cmpi eq, %jit3A_1072, %eq3A_1073 : i32
      %jit3A_1075 = arith.constant 1 : i32
      %select_n3A_1076 = arith.select %eq3A_1074, %jit3A_1075, %jit3A_1072 : i32
      %rem3A_1077 = arith.remsi %scan3A_1047, %select_n3A_1076 : i32
      %ne3A_1078 = arith.constant 0 : i32
      %ne3A_1079 = arith.cmpi ne, %rem3A_1077, %ne3A_1078 : i32
      %lt3A_1080 = arith.constant 0 : i32
      %lt3A_1081 = arith.cmpi slt, %rem3A_1077, %lt3A_1080 : i32
      %lt3A_1082 = arith.constant 0 : i32
      %lt3A_1083 = arith.cmpi slt, %select_n3A_1076, %lt3A_1082 : i32
      %ne3A_1084 = arith.xori %lt3A_1081, %lt3A_1083 : i1
      %and3A_1085 = arith.andi %ne3A_1084, %ne3A_1079 : i1
      %add3A_1086 = arith.addi %rem3A_1077, %select_n3A_1076 : i32
      %select_n3A_1087 = arith.select %and3A_1085, %add3A_1086, %rem3A_1077 : i32
      %mul3A_1088 = arith.constant 16 : i32
      %mul3A_1089 = arith.muli %select_n3A_1087, %mul3A_1088 : i32
      %swap3A_1090 = arith.index_cast %select_n3A_1071 : i32 to index
      %swap3A_1091 = arith.index_cast %mul3A_1089 : i32 to index
      %swap3A_1092 = tpu.vector_load %arg9[%swap3A_1090, %swap3A_1091] {strides = array<i32>} : memref<200x128xi32, #tpu.memory_space<vmem>>, vector<16xi32>,
      tpu.vector_store %arg9[%swap3A_1090, %swap3A_1091], %broadcast_in_dim3A_3 {strides = array<i32>} : memref<200x128xi32, #tpu.memory_space<vmem>>, vector<16xi32>,
      %scan3A_1093 = arith.constant 6 : i32
      %scan3A_1094 = arith.addi %scan3A_820, %scan3A_1093 : i32
      %jit3A_1095 = arith.constant 8 : i32
      %div3A_1096 = arith.divsi %scan3A_1094, %jit3A_1095 : i32
      %sign3A_1097 = arith.constant 0 : i32
      %sign3A_1098 = arith.cmpi sgt, %scan3A_1094, %sign3A_1097 : i32
      %sign3A_1099 = arith.extui %sign3A_1098 : i1 to i32
      %sign3A_1100 = arith.constant 0 : i32
      %sign3A_1101 = arith.cmpi slt, %scan3A_1094, %sign3A_1100 : i32
      %sign3A_1102 = arith.extui %sign3A_1101 : i1 to i32
      %sign3A_1103 = arith.subi %sign3A_1099, %sign3A_1102 : i32
      %sign3A_1104 = arith.constant 0 : i32
      %sign3A_1105 = arith.cmpi sgt, %jit3A_1095, %sign3A_1104 : i32
      %sign3A_1106 = arith.extui %sign3A_1105 : i1 to i32
      %sign3A_1107 = arith.constant 0 : i32
      %sign3A_1108 = arith.cmpi slt, %jit3A_1095, %sign3A_1107 : i32
      %sign3A_1109 = arith.extui %sign3A_1108 : i1 to i32
      %sign3A_1110 = arith.subi %sign3A_1106, %sign3A_1109 : i32
      %ne3A_1111 = arith.cmpi ne, %sign3A_1103, %sign3A_1110 : i32
      %rem3A_1112 = arith.remsi %scan3A_1094, %jit3A_1095 : i32
      %ne3A_1113 = arith.constant 0 : i32
      %ne3A_1114 = arith.cmpi ne, %rem3A_1112, %ne3A_1113 : i32
      %and3A_1115 = arith.andi %ne3A_1111, %ne3A_1114 : i1
      %sub3A_1116 = arith.constant 1 : i32
      %sub3A_1117 = arith.subi %div3A_1096, %sub3A_1116 : i32
      %select_n3A_1118 = arith.select %and3A_1115, %sub3A_1117, %div3A_1096 : i32
      %jit3A_1119 = arith.constant 8 : i32
      %eq3A_1120 = arith.constant 0 : i32
      %eq3A_1121 = arith.cmpi eq, %jit3A_1119, %eq3A_1120 : i32
      %jit3A_1122 = arith.constant 1 : i32
      %select_n3A_1123 = arith.select %eq3A_1121, %jit3A_1122, %jit3A_1119 : i32
      %rem3A_1124 = arith.remsi %scan3A_1094, %select_n3A_1123 : i32
      %ne3A_1125 = arith.constant 0 : i32
      %ne3A_1126 = arith.cmpi ne, %rem3A_1124, %ne3A_1125 : i32
      %lt3A_1127 = arith.constant 0 : i32
      %lt3A_1128 = arith.cmpi slt, %rem3A_1124, %lt3A_1127 : i32
      %lt3A_1129 = arith.constant 0 : i32
      %lt3A_1130 = arith.cmpi slt, %select_n3A_1123, %lt3A_1129 : i32
      %ne3A_1131 = arith.xori %lt3A_1128, %lt3A_1130 : i1
      %and3A_1132 = arith.andi %ne3A_1131, %ne3A_1126 : i1
      %add3A_1133 = arith.addi %rem3A_1124, %select_n3A_1123 : i32
      %select_n3A_1134 = arith.select %and3A_1132, %add3A_1133, %rem3A_1124 : i32
      %mul3A_1135 = arith.constant 16 : i32
      %mul3A_1136 = arith.muli %select_n3A_1134, %mul3A_1135 : i32
      %swap3A_1137 = arith.index_cast %select_n3A_1118 : i32 to index
      %swap3A_1138 = arith.index_cast %mul3A_1136 : i32 to index
      %swap3A_1139 = tpu.vector_load %arg9[%swap3A_1137, %swap3A_1138] {strides = array<i32>} : memref<200x128xi32, #tpu.memory_space<vmem>>, vector<16xi32>,
      tpu.vector_store %arg9[%swap3A_1137, %swap3A_1138], %broadcast_in_dim3A_3 {strides = array<i32>} : memref<200x128xi32, #tpu.memory_space<vmem>>, vector<16xi32>,
      %scan3A_1140 = arith.constant 7 : i32
      %scan3A_1141 = arith.addi %scan3A_820, %scan3A_1140 : i32
      %jit3A_1142 = arith.constant 8 : i32
      %div3A_1143 = arith.divsi %scan3A_1141, %jit3A_1142 : i32
      %sign3A_1144 = arith.constant 0 : i32
      %sign3A_1145 = arith.cmpi sgt, %scan3A_1141, %sign3A_1144 : i32
      %sign3A_1146 = arith.extui %sign3A_1145 : i1 to i32
      %sign3A_1147 = arith.constant 0 : i32
      %sign3A_1148 = arith.cmpi slt, %scan3A_1141, %sign3A_1147 : i32
      %sign3A_1149 = arith.extui %sign3A_1148 : i1 to i32
      %sign3A_1150 = arith.subi %sign3A_1146, %sign3A_1149 : i32
      %sign3A_1151 = arith.constant 0 : i32
      %sign3A_1152 = arith.cmpi sgt, %jit3A_1142, %sign3A_1151 : i32
      %sign3A_1153 = arith.extui %sign3A_1152 : i1 to i32
      %sign3A_1154 = arith.constant 0 : i32
      %sign3A_1155 = arith.cmpi slt, %jit3A_1142, %sign3A_1154 : i32
      %sign3A_1156 = arith.extui %sign3A_1155 : i1 to i32
      %sign3A_1157 = arith.subi %sign3A_1153, %sign3A_1156 : i32
      %ne3A_1158 = arith.cmpi ne, %sign3A_1150, %sign3A_1157 : i32
      %rem3A_1159 = arith.remsi %scan3A_1141, %jit3A_1142 : i32
      %ne3A_1160 = arith.constant 0 : i32
      %ne3A_1161 = arith.cmpi ne, %rem3A_1159, %ne3A_1160 : i32
      %and3A_1162 = arith.andi %ne3A_1158, %ne3A_1161 : i1
      %sub3A_1163 = arith.constant 1 : i32
      %sub3A_1164 = arith.subi %div3A_1143, %sub3A_1163 : i32
      %select_n3A_1165 = arith.select %and3A_1162, %sub3A_1164, %div3A_1143 : i32
      %jit3A_1166 = arith.constant 8 : i32
      %eq3A_1167 = arith.constant 0 : i32
      %eq3A_1168 = arith.cmpi eq, %jit3A_1166, %eq3A_1167 : i32
      %jit3A_1169 = arith.constant 1 : i32
      %select_n3A_1170 = arith.select %eq3A_1168, %jit3A_1169, %jit3A_1166 : i32
      %rem3A_1171 = arith.remsi %scan3A_1141, %select_n3A_1170 : i32
      %ne3A_1172 = arith.constant 0 : i32
      %ne3A_1173 = arith.cmpi ne, %rem3A_1171, %ne3A_1172 : i32
      %lt3A_1174 = arith.constant 0 : i32
      %lt3A_1175 = arith.cmpi slt, %rem3A_1171, %lt3A_1174 : i32
      %lt3A_1176 = arith.constant 0 : i32
      %lt3A_1177 = arith.cmpi slt, %select_n3A_1170, %lt3A_1176 : i32
      %ne3A_1178 = arith.xori %lt3A_1175, %lt3A_1177 : i1
      %and3A_1179 = arith.andi %ne3A_1178, %ne3A_1173 : i1
      %add3A_1180 = arith.addi %rem3A_1171, %select_n3A_1170 : i32
      %select_n3A_1181 = arith.select %and3A_1179, %add3A_1180, %rem3A_1171 : i32
      %mul3A_1182 = arith.constant 16 : i32
      %mul3A_1183 = arith.muli %select_n3A_1181, %mul3A_1182 : i32
      %swap3A_1184 = arith.index_cast %select_n3A_1165 : i32 to index
      %swap3A_1185 = arith.index_cast %mul3A_1183 : i32 to index
      %swap3A_1186 = tpu.vector_load %arg9[%swap3A_1184, %swap3A_1185] {strides = array<i32>} : memref<200x128xi32, #tpu.memory_space<vmem>>, vector<16xi32>,
      tpu.vector_store %arg9[%swap3A_1184, %swap3A_1185], %broadcast_in_dim3A_3 {strides = array<i32>} : memref<200x128xi32, #tpu.memory_space<vmem>>, vector<16xi32>,
    }
    %scan3A_623 = arith.constant 1600 : i32
    %get3A_624 = arith.constant 0 : i32
    %get3A_625 = arith.index_cast %get3A_624 : i32 to index
    %get3A_626 = arith.constant 0 : index
    %get3A_627 = tpu.vector_load %arg4[%get3A_625, %get3A_626] {strides = array<i32>} : memref<3x128xi32, #tpu.memory_space<vmem>>, vector<16xi32>,
    %sub3A_628 = arith.constant 800 : i32
    %sub3A_629 = vector.broadcast %sub3A_628 : i32 to vector<16xi32>
    %sub3A_630 = arith.subi %get3A_627, %sub3A_629 : vector<16xi32>
    %ge3A_631 = arith.constant 0 : i32
    %ge3A_632 = vector.broadcast %ge3A_631 : i32 to vector<16xi32>
    %ge3A_633 = arith.cmpi sge, %sub3A_630, %ge3A_632 : vector<16xi32>
    %lt3A_634 = arith.constant 200 : i32
    %lt3A_635 = vector.broadcast %lt3A_634 : i32 to vector<16xi32>
    %lt3A_636 = arith.cmpi slt, %sub3A_630, %lt3A_635 : vector<16xi32>
    %and3A_637 = arith.andi %ge3A_633, %lt3A_636 : vector<16xi1>
    %add3A_638 = arith.constant 0 : i32
    %add3A_639 = vector.broadcast %add3A_638 : i32 to vector<16xi32>
    %add3A_640 = arith.addi %iota3A, %add3A_639 : vector<16xi32>
    tpu.vector_store_idx %arg9[%sub3A_630, %add3A_640], %broadcast_in_dim3A_5 masked %and3A_637 : memref<200x128xi32, #tpu.memory_space<vmem>>[vector<16xi32>, vector<16xi32>], vector<16xi32>, vector<16xi1>
    %get3A_641 = arith.constant 0 : i32
    %get3A_642 = arith.index_cast %get3A_641 : i32 to index
    %get3A_643 = arith.constant 16 : index
    %get3A_644 = tpu.vector_load %arg4[%get3A_642, %get3A_643] {strides = array<i32>} : memref<3x128xi32, #tpu.memory_space<vmem>>, vector<16xi32>,
    %sub3A_645 = arith.constant 800 : i32
    %sub3A_646 = vector.broadcast %sub3A_645 : i32 to vector<16xi32>
    %sub3A_647 = arith.subi %get3A_644, %sub3A_646 : vector<16xi32>
    %ge3A_648 = arith.constant 0 : i32
    %ge3A_649 = vector.broadcast %ge3A_648 : i32 to vector<16xi32>
    %ge3A_650 = arith.cmpi sge, %sub3A_647, %ge3A_649 : vector<16xi32>
    %lt3A_651 = arith.constant 200 : i32
    %lt3A_652 = vector.broadcast %lt3A_651 : i32 to vector<16xi32>
    %lt3A_653 = arith.cmpi slt, %sub3A_647, %lt3A_652 : vector<16xi32>
    %and3A_654 = arith.andi %ge3A_650, %lt3A_653 : vector<16xi1>
    %add3A_655 = arith.constant 16 : i32
    %add3A_656 = vector.broadcast %add3A_655 : i32 to vector<16xi32>
    %add3A_657 = arith.addi %iota3A, %add3A_656 : vector<16xi32>
    tpu.vector_store_idx %arg9[%sub3A_647, %add3A_657], %broadcast_in_dim3A_5 masked %and3A_654 : memref<200x128xi32, #tpu.memory_space<vmem>>[vector<16xi32>, vector<16xi32>], vector<16xi32>, vector<16xi1>
    %get3A_658 = arith.constant 0 : i32
    %get3A_659 = arith.index_cast %get3A_658 : i32 to index
    %get3A_660 = arith.constant 32 : index
    %get3A_661 = tpu.vector_load %arg4[%get3A_659, %get3A_660] {strides = array<i32>} : memref<3x128xi32, #tpu.memory_space<vmem>>, vector<16xi32>,
    %sub3A_662 = arith.constant 800 : i32
    %sub3A_663 = vector.broadcast %sub3A_662 : i32 to vector<16xi32>
    %sub3A_664 = arith.subi %get3A_661, %sub3A_663 : vector<16xi32>
    %ge3A_665 = arith.constant 0 : i32
    %ge3A_666 = vector.broadcast %ge3A_665 : i32 to vector<16xi32>
    %ge3A_667 = arith.cmpi sge, %sub3A_664, %ge3A_666 : vector<16xi32>
    %lt3A_668 = arith.constant 200 : i32
    %lt3A_669 = vector.broadcast %lt3A_668 : i32 to vector<16xi32>
    %lt3A_670 = arith.cmpi slt, %sub3A_664, %lt3A_669 : vector<16xi32>
    %and3A_671 = arith.andi %ge3A_667, %lt3A_670 : vector<16xi1>
    %add3A_672 = arith.constant 32 : i32
    %add3A_673 = vector.broadcast %add3A_672 : i32 to vector<16xi32>
    %add3A_674 = arith.addi %iota3A, %add3A_673 : vector<16xi32>
    tpu.vector_store_idx %arg9[%sub3A_664, %add3A_674], %broadcast_in_dim3A_5 masked %and3A_671 : memref<200x128xi32, #tpu.memory_space<vmem>>[vector<16xi32>, vector<16xi32>], vector<16xi32>, vector<16xi1>
    %get3A_675 = arith.constant 0 : i32
    %get3A_676 = arith.index_cast %get3A_675 : i32 to index
    %get3A_677 = arith.constant 48 : index
    %get3A_678 = tpu.vector_load %arg4[%get3A_676, %get3A_677] {strides = array<i32>} : memref<3x128xi32, #tpu.memory_space<vmem>>, vector<16xi32>,
    %sub3A_679 = arith.constant 800 : i32
    %sub3A_680 = vector.broadcast %sub3A_679 : i32 to vector<16xi32>
    %sub3A_681 = arith.subi %get3A_678, %sub3A_680 : vector<16xi32>
    %ge3A_682 = arith.constant 0 : i32
    %ge3A_683 = vector.broadcast %ge3A_682 : i32 to vector<16xi32>
    %ge3A_684 = arith.cmpi sge, %sub3A_681, %ge3A_683 : vector<16xi32>
    %lt3A_685 = arith.constant 200 : i32
    %lt3A_686 = vector.broadcast %lt3A_685 : i32 to vector<16xi32>
    %lt3A_687 = arith.cmpi slt, %sub3A_681, %lt3A_686 : vector<16xi32>
    %and3A_688 = arith.andi %ge3A_684, %lt3A_687 : vector<16xi1>
    %add3A_689 = arith.constant 48 : i32
    %add3A_690 = vector.broadcast %add3A_689 : i32 to vector<16xi32>
    %add3A_691 = arith.addi %iota3A, %add3A_690 : vector<16xi32>
    tpu.vector_store_idx %arg9[%sub3A_681, %add3A_691], %broadcast_in_dim3A_5 masked %and3A_688 : memref<200x128xi32, #tpu.memory_space<vmem>>[vector<16xi32>, vector<16xi32>], vector<16xi32>, vector<16xi1>
    %get3A_692 = arith.constant 0 : i32
    %get3A_693 = arith.index_cast %get3A_692 : i32 to index
    %get3A_694 = arith.constant 64 : index
    %get3A_695 = tpu.vector_load %arg4[%get3A_693, %get3A_694] {strides = array<i32>} : memref<3x128xi32, #tpu.memory_space<vmem>>, vector<16xi32>,
    %sub3A_696 = arith.constant 800 : i32
    %sub3A_697 = vector.broadcast %sub3A_696 : i32 to vector<16xi32>
    %sub3A_698 = arith.subi %get3A_695, %sub3A_697 : vector<16xi32>
    %ge3A_699 = arith.constant 0 : i32
    %ge3A_700 = vector.broadcast %ge3A_699 : i32 to vector<16xi32>
    %ge3A_701 = arith.cmpi sge, %sub3A_698, %ge3A_700 : vector<16xi32>
    %lt3A_702 = arith.constant 200 : i32
    %lt3A_703 = vector.broadcast %lt3A_702 : i32 to vector<16xi32>
    %lt3A_704 = arith.cmpi slt, %sub3A_698, %lt3A_703 : vector<16xi32>
    %and3A_705 = arith.andi %ge3A_701, %lt3A_704 : vector<16xi1>
    %add3A_706 = arith.constant 64 : i32
    %add3A_707 = vector.broadcast %add3A_706 : i32 to vector<16xi32>
    %add3A_708 = arith.addi %iota3A, %add3A_707 : vector<16xi32>
    tpu.vector_store_idx %arg9[%sub3A_698, %add3A_708], %broadcast_in_dim3A_5 masked %and3A_705 : memref<200x128xi32, #tpu.memory_space<vmem>>[vector<16xi32>, vector<16xi32>], vector<16xi32>, vector<16xi1>
    %get3A_709 = arith.constant 0 : i32
    %get3A_710 = arith.index_cast %get3A_709 : i32 to index
    %get3A_711 = arith.constant 80 : index
    %get3A_712 = tpu.vector_load %arg4[%get3A_710, %get3A_711] {strides = array<i32>} : memref<3x128xi32, #tpu.memory_space<vmem>>, vector<16xi32>,
    %sub3A_713 = arith.constant 800 : i32
    %sub3A_714 = vector.broadcast %sub3A_713 : i32 to vector<16xi32>
    %sub3A_715 = arith.subi %get3A_712, %sub3A_714 : vector<16xi32>
    %ge3A_716 = arith.constant 0 : i32
    %ge3A_717 = vector.broadcast %ge3A_716 : i32 to vector<16xi32>
    %ge3A_718 = arith.cmpi sge, %sub3A_715, %ge3A_717 : vector<16xi32>
    %lt3A_719 = arith.constant 200 : i32
    %lt3A_720 = vector.broadcast %lt3A_719 : i32 to vector<16xi32>
    %lt3A_721 = arith.cmpi slt, %sub3A_715, %lt3A_720 : vector<16xi32>
    %and3A_722 = arith.andi %ge3A_718, %lt3A_721 : vector<16xi1>
    %add3A_723 = arith.constant 80 : i32
    %add3A_724 = vector.broadcast %add3A_723 : i32 to vector<16xi32>
    %add3A_725 = arith.addi %iota3A, %add3A_724 : vector<16xi32>
    tpu.vector_store_idx %arg9[%sub3A_715, %add3A_725], %broadcast_in_dim3A_5 masked %and3A_722 : memref<200x128xi32, #tpu.memory_space<vmem>>[vector<16xi32>, vector<16xi32>], vector<16xi32>, vector<16xi1>
    %get3A_726 = arith.constant 0 : i32
    %get3A_727 = arith.index_cast %get3A_726 : i32 to index
    %get3A_728 = arith.constant 96 : index
    %get3A_729 = tpu.vector_load %arg4[%get3A_727, %get3A_728] {strides = array<i32>} : memref<3x128xi32, #tpu.memory_space<vmem>>, vector<16xi32>,
    %sub3A_730 = arith.constant 800 : i32
    %sub3A_731 = vector.broadcast %sub3A_730 : i32 to vector<16xi32>
    %sub3A_732 = arith.subi %get3A_729, %sub3A_731 : vector<16xi32>
    %ge3A_733 = arith.constant 0 : i32
    %ge3A_734 = vector.broadcast %ge3A_733 : i32 to vector<16xi32>
    %ge3A_735 = arith.cmpi sge, %sub3A_732, %ge3A_734 : vector<16xi32>
    %lt3A_736 = arith.constant 200 : i32
    %lt3A_737 = vector.broadcast %lt3A_736 : i32 to vector<16xi32>
    %lt3A_738 = arith.cmpi slt, %sub3A_732, %lt3A_737 : vector<16xi32>
    %and3A_739 = arith.andi %ge3A_735, %lt3A_738 : vector<16xi1>
    %add3A_740 = arith.constant 96 : i32
    %add3A_741 = vector.broadcast %add3A_740 : i32 to vector<16xi32>
    %add3A_742 = arith.addi %iota3A, %add3A_741 : vector<16xi32>
    tpu.vector_store_idx %arg9[%sub3A_732, %add3A_742], %broadcast_in_dim3A_5 masked %and3A_739 : memref<200x128xi32, #tpu.memory_space<vmem>>[vector<16xi32>, vector<16xi32>], vector<16xi32>, vector<16xi1>
    %get3A_743 = arith.constant 0 : i32
    %get3A_744 = arith.index_cast %get3A_743 : i32 to index
    %get3A_745 = arith.constant 112 : index
    %get3A_746 = tpu.vector_load %arg4[%get3A_744, %get3A_745] {strides = array<i32>} : memref<3x128xi32, #tpu.memory_space<vmem>>, vector<16xi32>,
    %sub3A_747 = arith.constant 800 : i32
    %sub3A_748 = vector.broadcast %sub3A_747 : i32 to vector<16xi32>
    %sub3A_749 = arith.subi %get3A_746, %sub3A_748 : vector<16xi32>
    %ge3A_750 = arith.constant 0 : i32
    %ge3A_751 = vector.broadcast %ge3A_750 : i32 to vector<16xi32>
    %ge3A_752 = arith.cmpi sge, %sub3A_749, %ge3A_751 : vector<16xi32>
    %lt3A_753 = arith.constant 200 : i32
    %lt3A_754 = vector.broadcast %lt3A_753 : i32 to vector<16xi32>
    %lt3A_755 = arith.cmpi slt, %sub3A_749, %lt3A_754 : vector<16xi32>
    %and3A_756 = arith.andi %ge3A_752, %lt3A_755 : vector<16xi1>
    %add3A_757 = arith.constant 112 : i32
    %add3A_758 = vector.broadcast %add3A_757 : i32 to vector<16xi32>
    %add3A_759 = arith.addi %iota3A, %add3A_758 : vector<16xi32>
    tpu.vector_store_idx %arg9[%sub3A_749, %add3A_759], %broadcast_in_dim3A_5 masked %and3A_756 : memref<200x128xi32, #tpu.memory_space<vmem>>[vector<16xi32>, vector<16xi32>], vector<16xi32>, vector<16xi1>
    %dma_start3A_760 = arith.constant 0 : i32
    %dma_start3A_761 = arith.constant 800 : i32
    %dma_start3A_762 = tpu.memref_slice %arg3[%dma_start3A_760, %dma_start3A_761, %mul3A_2] : memref<26x1000x4096xi32, #tpu.memory_space<hbm>> -> memref<1x200x128xi32, #tpu.memory_space<hbm>>
    %dma_start3A_763 = tpu.memref_squeeze %dma_start3A_762 : memref<1x200x128xi32, #tpu.memory_space<hbm>> -> memref<200x128xi32, #tpu.memory_space<hbm>>
    %dma_start3A_764 = arith.constant 800 : i32
    %dma_start3A_765 = tpu.memref_slice %arg3[%dma_start3A_760, %dma_start3A_764, %mul3A_2] : memref<26x1000x4096xi32, #tpu.memory_space<hbm>> -> memref<1x200x128xi32, #tpu.memory_space<hbm>>
    %dma_start3A_766 = tpu.memref_squeeze %dma_start3A_765 : memref<1x200x128xi32, #tpu.memory_space<hbm>> -> memref<200x128xi32, #tpu.memory_space<hbm>>
    tpu.enqueue_dma source(%arg9 : memref<200x128xi32, #tpu.memory_space<vmem>>) target(%dma_start3A_766 : memref<200x128xi32, #tpu.memory_space<hbm>>) target_semaphore(%arg14 : memref<!tpu.dma_semaphore, #tpu.memory_space<semaphore_mem>>)
    %dma_start3A_767 = arith.constant 1 : i32
    %dma_start3A_768 = arith.constant 1 : i32
    %dma_start3A_769 = arith.constant 0 : i32
    %dma_start3A_770 = tpu.memref_slice %arg4[%dma_start3A_768, %dma_start3A_769] : memref<3x128xi32, #tpu.memory_space<vmem>> -> memref<1x128xi32, #tpu.memory_space<vmem>>
    %dma_start3A_771 = tpu.memref_squeeze %dma_start3A_770 : memref<1x128xi32, #tpu.memory_space<vmem>> -> memref<128xi32, #tpu.memory_space<vmem>>
    %dma_start3A_772 = tpu.memref_slice %arg2[%dma_start3A_767, %mul3A_2] : memref<26x4096xi32, #tpu.memory_space<hbm>> -> memref<1x128xi32, #tpu.memory_space<hbm>>
    %dma_start3A_773 = tpu.memref_squeeze %dma_start3A_772 : memref<1x128xi32, #tpu.memory_space<hbm>> -> memref<128xi32, #tpu.memory_space<hbm>>
    %dma_start3A_774 = arith.constant 0 : i32
    %dma_start3A_775 = tpu.memref_slice %arg4[%dma_start3A_768, %dma_start3A_774] : memref<3x128xi32, #tpu.memory_space<vmem>> -> memref<1x128xi32, #tpu.memory_space<vmem>>
    %dma_start3A_776 = tpu.memref_squeeze %dma_start3A_775 : memref<1x128xi32, #tpu.memory_space<vmem>> -> memref<128xi32, #tpu.memory_space<vmem>>
    %dma_start3A_777 = tpu.memref_slice %arg2[%dma_start3A_767, %mul3A_2] : memref<26x4096xi32, #tpu.memory_space<hbm>> -> memref<1x128xi32, #tpu.memory_space<hbm>>
    %dma_start3A_778 = tpu.memref_squeeze %dma_start3A_777 : memref<1x128xi32, #tpu.memory_space<hbm>> -> memref<128xi32, #tpu.memory_space<hbm>>
    tpu.enqueue_dma source(%dma_start3A_778 : memref<128xi32, #tpu.memory_space<hbm>>) target(%dma_start3A_776 : memref<128xi32, #tpu.memory_space<vmem>>) target_semaphore(%arg15 : memref<!tpu.dma_semaphore, #tpu.memory_space<semaphore_mem>>)
    %scan3A_779 = arith.constant 0 : i32
    %scan3A_780 = arith.constant 1 : i32
    %scan3A_781 = arith.constant 25 : i32
    %scan3A_782 = arith.addi %scan3A_780, %scan3A_781 : i32
    %scan3A_783 = arith.constant 1 : i32
    scf.for %scan3A_820 = %scan3A_780 to %scan3A_782 step %scan3A_783  : i32 {
      %rem3A = arith.constant 3 : i32
      %rem3A_821 = arith.remsi %scan3A_820, %rem3A : i32
      %sub3A_822 = arith.constant 1 : i32
      %sub3A_823 = arith.subi %scan3A_820, %sub3A_822 : i32
      %rem3A_824 = arith.constant 3 : i32
      %rem3A_825 = arith.remsi %sub3A_823, %rem3A_824 : i32
      %lt3A_826 = arith.constant 25 : i32
      %lt3A_827 = arith.cmpi slt, %scan3A_820, %lt3A_826 : i32
      %convert_element_type3A = arith.extui %lt3A_827 : i1 to i32
      %cond3A = arith.constant 0 : i32
      %cond3A_828 = arith.cmpi ne, %convert_element_type3A, %cond3A : i32
      scf.if %cond3A_828 {
        %add3A_2189 = arith.constant 1 : i32
        %add3A_2190 = arith.addi %scan3A_820, %add3A_2189 : i32
        %add3A_2191 = arith.constant 1 : i32
        %add3A_2192 = arith.addi %scan3A_820, %add3A_2191 : i32
        %rem3A_2193 = arith.constant 3 : i32
        %rem3A_2194 = arith.remsi %add3A_2192, %rem3A_2193 : i32
        %dma_start3A_2195 = arith.constant 0 : i32
        %dma_start3A_2196 = tpu.memref_slice %arg4[%rem3A_2194, %dma_start3A_2195] : memref<3x128xi32, #tpu.memory_space<vmem>> -> memref<1x128xi32, #tpu.memory_space<vmem>>
        %dma_start3A_2197 = tpu.memref_squeeze %dma_start3A_2196 : memref<1x128xi32, #tpu.memory_space<vmem>> -> memref<128xi32, #tpu.memory_space<vmem>>
        %dma_start3A_2198 = tpu.memref_slice %arg2[%add3A_2190, %mul3A_2] : memref<26x4096xi32, #tpu.memory_space<hbm>> -> memref<1x128xi32, #tpu.memory_space<hbm>>
        %dma_start3A_2199 = tpu.memref_squeeze %dma_start3A_2198 : memref<1x128xi32, #tpu.memory_space<hbm>> -> memref<128xi32, #tpu.memory_space<hbm>>
        %dma_start3A_2200 = arith.constant 0 : i32
        %dma_start3A_2201 = tpu.memref_slice %arg4[%rem3A_2194, %dma_start3A_2200] : memref<3x128xi32, #tpu.memory_space<vmem>> -> memref<1x128xi32, #tpu.memory_space<vmem>>
        %dma_start3A_2202 = tpu.memref_squeeze %dma_start3A_2201 : memref<1x128xi32, #tpu.memory_space<vmem>> -> memref<128xi32, #tpu.memory_space<vmem>>
        %dma_start3A_2203 = tpu.memref_slice %arg2[%add3A_2190, %mul3A_2] : memref<26x4096xi32, #tpu.memory_space<hbm>> -> memref<1x128xi32, #tpu.memory_space<hbm>>
        %dma_start3A_2204 = tpu.memref_squeeze %dma_start3A_2203 : memref<1x128xi32, #tpu.memory_space<hbm>> -> memref<128xi32, #tpu.memory_space<hbm>>
        tpu.enqueue_dma source(%dma_start3A_2204 : memref<128xi32, #tpu.memory_space<hbm>>) target(%dma_start3A_2202 : memref<128xi32, #tpu.memory_space<vmem>>) target_semaphore(%arg15 : memref<!tpu.dma_semaphore, #tpu.memory_space<semaphore_mem>>)
      } else {
      }
      %dma_wait3A_829 = arith.constant 0 : i32
      %dma_wait3A_830 = tpu.memref_slice %arg4[%rem3A_821, %dma_wait3A_829] : memref<3x128xi32, #tpu.memory_space<vmem>> -> memref<1x128xi32, #tpu.memory_space<vmem>>
      %dma_wait3A_831 = tpu.memref_squeeze %dma_wait3A_830 : memref<1x128xi32, #tpu.memory_space<vmem>> -> memref<128xi32, #tpu.memory_space<vmem>>
      %dma_wait3A_832 = tpu.memref_slice %arg2[%scan3A_820, %mul3A_2] : memref<26x4096xi32, #tpu.memory_space<hbm>> -> memref<1x128xi32, #tpu.memory_space<hbm>>
      %dma_wait3A_833 = tpu.memref_squeeze %dma_wait3A_832 : memref<1x128xi32, #tpu.memory_space<hbm>> -> memref<128xi32, #tpu.memory_space<hbm>>
      %dma_wait3A_834 = arith.constant 0 : i32
      %dma_wait3A_835 = tpu.memref_slice %arg4[%rem3A_821, %dma_wait3A_834] : memref<3x128xi32, #tpu.memory_space<vmem>> -> memref<1x128xi32, #tpu.memory_space<vmem>>
      %dma_wait3A_836 = tpu.memref_squeeze %dma_wait3A_835 : memref<1x128xi32, #tpu.memory_space<vmem>> -> memref<128xi32, #tpu.memory_space<vmem>>
      %dma_wait3A_837 = tpu.memref_slice %arg2[%scan3A_820, %mul3A_2] : memref<26x4096xi32, #tpu.memory_space<hbm>> -> memref<1x128xi32, #tpu.memory_space<hbm>>
      %dma_wait3A_838 = tpu.memref_squeeze %dma_wait3A_837 : memref<1x128xi32, #tpu.memory_space<hbm>> -> memref<128xi32, #tpu.memory_space<hbm>>
      tpu.wait_dma2 semaphore(%arg15 : memref<!tpu.dma_semaphore, #tpu.memory_space<semaphore_mem>>) src(%dma_wait3A_838 : memref<128xi32, #tpu.memory_space<hbm>>) dst(%dma_wait3A_836 : memref<128xi32, #tpu.memory_space<vmem>>)
      %sub3A_839 = arith.constant 1 : i32
      %sub3A_840 = arith.subi %scan3A_820, %sub3A_839 : i32
      %dma_wait3A_841 = arith.constant 0 : i32
      %dma_wait3A_842 = tpu.memref_slice %arg3[%sub3A_840, %dma_wait3A_841, %mul3A_2] : memref<26x1000x4096xi32, #tpu.memory_space<hbm>> -> memref<1x200x128xi32, #tpu.memory_space<hbm>>
      %dma_wait3A_843 = tpu.memref_squeeze %dma_wait3A_842 : memref<1x200x128xi32, #tpu.memory_space<hbm>> -> memref<200x128xi32, #tpu.memory_space<hbm>>
      %dma_wait3A_844 = arith.constant 0 : i32
      %dma_wait3A_845 = tpu.memref_slice %arg3[%sub3A_840, %dma_wait3A_844, %mul3A_2] : memref<26x1000x4096xi32, #tpu.memory_space<hbm>> -> memref<1x200x128xi32, #tpu.memory_space<hbm>>
      %dma_wait3A_846 = tpu.memref_squeeze %dma_wait3A_845 : memref<1x200x128xi32, #tpu.memory_space<hbm>> -> memref<200x128xi32, #tpu.memory_space<hbm>>
      tpu.wait_dma2 semaphore(%arg10 : memref<!tpu.dma_semaphore, #tpu.memory_space<semaphore_mem>>) src(%arg5 : memref<200x128xi32, #tpu.memory_space<vmem>>) dst(%dma_wait3A_846 : memref<200x128xi32, #tpu.memory_space<hbm>>)
      %get3A_847 = arith.index_cast %rem3A_825 : i32 to index
      %get3A_848 = arith.constant 0 : index
      %get3A_849 = tpu.vector_load %arg4[%get3A_847, %get3A_848] {strides = array<i32>} : memref<3x128xi32, #tpu.memory_space<vmem>>, vector<16xi32>,
      %sub3A_850 = arith.constant 0 : i32
      %sub3A_851 = vector.broadcast %sub3A_850 : i32 to vector<16xi32>
      %sub3A_852 = arith.subi %get3A_849, %sub3A_851 : vector<16xi32>
      %ge3A_853 = arith.constant 0 : i32
      %ge3A_854 = vector.broadcast %ge3A_853 : i32 to vector<16xi32>
      %ge3A_855 = arith.cmpi sge, %sub3A_852, %ge3A_854 : vector<16xi32>
      %lt3A_856 = arith.constant 200 : i32
      %lt3A_857 = vector.broadcast %lt3A_856 : i32 to vector<16xi32>
      %lt3A_858 = arith.cmpi slt, %sub3A_852, %lt3A_857 : vector<16xi32>
      %and3A_859 = arith.andi %ge3A_855, %lt3A_858 : vector<16xi1>
      %add3A_860 = arith.constant 0 : i32
      %add3A_861 = vector.broadcast %add3A_860 : i32 to vector<16xi32>
      %add3A_862 = arith.addi %iota3A, %add3A_861 : vector<16xi32>
      tpu.vector_store_idx %arg5[%sub3A_852, %add3A_862], %broadcast_in_dim3A_3 masked %and3A_859 : memref<200x128xi32, #tpu.memory_space<vmem>>[vector<16xi32>, vector<16xi32>], vector<16xi32>, vector<16xi1>
      %get3A_863 = arith.index_cast %rem3A_825 : i32 to index
      %get3A_864 = arith.constant 16 : index
      %get3A_865 = tpu.vector_load %arg4[%get3A_863, %get3A_864] {strides = array<i32>} : memref<3x128xi32, #tpu.memory_space<vmem>>, vector<16xi32>,
      %sub3A_866 = arith.constant 0 : i32
      %sub3A_867 = vector.broadcast %sub3A_866 : i32 to vector<16xi32>
      %sub3A_868 = arith.subi %get3A_865, %sub3A_867 : vector<16xi32>
      %ge3A_869 = arith.constant 0 : i32
      %ge3A_870 = vector.broadcast %ge3A_869 : i32 to vector<16xi32>
      %ge3A_871 = arith.cmpi sge, %sub3A_868, %ge3A_870 : vector<16xi32>
      %lt3A_872 = arith.constant 200 : i32
      %lt3A_873 = vector.broadcast %lt3A_872 : i32 to vector<16xi32>
      %lt3A_874 = arith.cmpi slt, %sub3A_868, %lt3A_873 : vector<16xi32>
      %and3A_875 = arith.andi %ge3A_871, %lt3A_874 : vector<16xi1>
      %add3A_876 = arith.constant 16 : i32
      %add3A_877 = vector.broadcast %add3A_876 : i32 to vector<16xi32>
      %add3A_878 = arith.addi %iota3A, %add3A_877 : vector<16xi32>
      tpu.vector_store_idx %arg5[%sub3A_868, %add3A_878], %broadcast_in_dim3A_3 masked %and3A_875 : memref<200x128xi32, #tpu.memory_space<vmem>>[vector<16xi32>, vector<16xi32>], vector<16xi32>, vector<16xi1>
      %get3A_879 = arith.index_cast %rem3A_825 : i32 to index
      %get3A_880 = arith.constant 32 : index
      %get3A_881 = tpu.vector_load %arg4[%get3A_879, %get3A_880] {strides = array<i32>} : memref<3x128xi32, #tpu.memory_space<vmem>>, vector<16xi32>,
      %sub3A_882 = arith.constant 0 : i32
      %sub3A_883 = vector.broadcast %sub3A_882 : i32 to vector<16xi32>
      %sub3A_884 = arith.subi %get3A_881, %sub3A_883 : vector<16xi32>
      %ge3A_885 = arith.constant 0 : i32
      %ge3A_886 = vector.broadcast %ge3A_885 : i32 to vector<16xi32>
      %ge3A_887 = arith.cmpi sge, %sub3A_884, %ge3A_886 : vector<16xi32>
      %lt3A_888 = arith.constant 200 : i32
      %lt3A_889 = vector.broadcast %lt3A_888 : i32 to vector<16xi32>
      %lt3A_890 = arith.cmpi slt, %sub3A_884, %lt3A_889 : vector<16xi32>
      %and3A_891 = arith.andi %ge3A_887, %lt3A_890 : vector<16xi1>
      %add3A_892 = arith.constant 32 : i32
      %add3A_893 = vector.broadcast %add3A_892 : i32 to vector<16xi32>
      %add3A_894 = arith.addi %iota3A, %add3A_893 : vector<16xi32>
      tpu.vector_store_idx %arg5[%sub3A_884, %add3A_894], %broadcast_in_dim3A_3 masked %and3A_891 : memref<200x128xi32, #tpu.memory_space<vmem>>[vector<16xi32>, vector<16xi32>], vector<16xi32>, vector<16xi1>
      %get3A_895 = arith.index_cast %rem3A_825 : i32 to index
      %get3A_896 = arith.constant 48 : index
      %get3A_897 = tpu.vector_load %arg4[%get3A_895, %get3A_896] {strides = array<i32>} : memref<3x128xi32, #tpu.memory_space<vmem>>, vector<16xi32>,
      %sub3A_898 = arith.constant 0 : i32
      %sub3A_899 = vector.broadcast %sub3A_898 : i32 to vector<16xi32>
      %sub3A_900 = arith.subi %get3A_897, %sub3A_899 : vector<16xi32>
      %ge3A_901 = arith.constant 0 : i32
      %ge3A_902 = vector.broadcast %ge3A_901 : i32 to vector<16xi32>
      %ge3A_903 = arith.cmpi sge, %sub3A_900, %ge3A_902 : vector<16xi32>
      %lt3A_904 = arith.constant 200 : i32
      %lt3A_905 = vector.broadcast %lt3A_904 : i32 to vector<16xi32>
      %lt3A_906 = arith.cmpi slt, %sub3A_900, %lt3A_905 : vector<16xi32>
      %and3A_907 = arith.andi %ge3A_903, %lt3A_906 : vector<16xi1>
      %add3A_908 = arith.constant 48 : i32
      %add3A_909 = vector.broadcast %add3A_908 : i32 to vector<16xi32>
      %add3A_910 = arith.addi %iota3A, %add3A_909 : vector<16xi32>
      tpu.vector_store_idx %arg5[%sub3A_900, %add3A_910], %broadcast_in_dim3A_3 masked %and3A_907 : memref<200x128xi32, #tpu.memory_space<vmem>>[vector<16xi32>, vector<16xi32>], vector<16xi32>, vector<16xi1>
      %get3A_911 = arith.index_cast %rem3A_825 : i32 to index
      %get3A_912 = arith.constant 64 : index
      %get3A_913 = tpu.vector_load %arg4[%get3A_911, %get3A_912] {strides = array<i32>} : memref<3x128xi32, #tpu.memory_space<vmem>>, vector<16xi32>,
      %sub3A_914 = arith.constant 0 : i32
      %sub3A_915 = vector.broadcast %sub3A_914 : i32 to vector<16xi32>
      %sub3A_916 = arith.subi %get3A_913, %sub3A_915 : vector<16xi32>
      %ge3A_917 = arith.constant 0 : i32
      %ge3A_918 = vector.broadcast %ge3A_917 : i32 to vector<16xi32>
      %ge3A_919 = arith.cmpi sge, %sub3A_916, %ge3A_918 : vector<16xi32>
      %lt3A_920 = arith.constant 200 : i32
      %lt3A_921 = vector.broadcast %lt3A_920 : i32 to vector<16xi32>
      %lt3A_922 = arith.cmpi slt, %sub3A_916, %lt3A_921 : vector<16xi32>
      %and3A_923 = arith.andi %ge3A_919, %lt3A_922 : vector<16xi1>
      %add3A_924 = arith.constant 64 : i32
      %add3A_925 = vector.broadcast %add3A_924 : i32 to vector<16xi32>
      %add3A_926 = arith.addi %iota3A, %add3A_925 : vector<16xi32>
      tpu.vector_store_idx %arg5[%sub3A_916, %add3A_926], %broadcast_in_dim3A_3 masked %and3A_923 : memref<200x128xi32, #tpu.memory_space<vmem>>[vector<16xi32>, vector<16xi32>], vector<16xi32>, vector<16xi1>
      %get3A_927 = arith.index_cast %rem3A_825 : i32 to index
      %get3A_928 = arith.constant 80 : index
      %get3A_929 = tpu.vector_load %arg4[%get3A_927, %get3A_928] {strides = array<i32>} : memref<3x128xi32, #tpu.memory_space<vmem>>, vector<16xi32>,
      %sub3A_930 = arith.constant 0 : i32
      %sub3A_931 = vector.broadcast %sub3A_930 : i32 to vector<16xi32>
      %sub3A_932 = arith.subi %get3A_929, %sub3A_931 : vector<16xi32>
      %ge3A_933 = arith.constant 0 : i32
      %ge3A_934 = vector.broadcast %ge3A_933 : i32 to vector<16xi32>
      %ge3A_935 = arith.cmpi sge, %sub3A_932, %ge3A_934 : vector<16xi32>
      %lt3A_936 = arith.constant 200 : i32
      %lt3A_937 = vector.broadcast %lt3A_936 : i32 to vector<16xi32>
      %lt3A_938 = arith.cmpi slt, %sub3A_932, %lt3A_937 : vector<16xi32>
      %and3A_939 = arith.andi %ge3A_935, %lt3A_938 : vector<16xi1>
      %add3A_940 = arith.constant 80 : i32
      %add3A_941 = vector.broadcast %add3A_940 : i32 to vector<16xi32>
      %add3A_942 = arith.addi %iota3A, %add3A_941 : vector<16xi32>
      tpu.vector_store_idx %arg5[%sub3A_932, %add3A_942], %broadcast_in_dim3A_3 masked %and3A_939 : memref<200x128xi32, #tpu.memory_space<vmem>>[vector<16xi32>, vector<16xi32>], vector<16xi32>, vector<16xi1>
      %get3A_943 = arith.index_cast %rem3A_825 : i32 to index
      %get3A_944 = arith.constant 96 : index
      %get3A_945 = tpu.vector_load %arg4[%get3A_943, %get3A_944] {strides = array<i32>} : memref<3x128xi32, #tpu.memory_space<vmem>>, vector<16xi32>,
      %sub3A_946 = arith.constant 0 : i32
      %sub3A_947 = vector.broadcast %sub3A_946 : i32 to vector<16xi32>
      %sub3A_948 = arith.subi %get3A_945, %sub3A_947 : vector<16xi32>
      %ge3A_949 = arith.constant 0 : i32
      %ge3A_950 = vector.broadcast %ge3A_949 : i32 to vector<16xi32>
      %ge3A_951 = arith.cmpi sge, %sub3A_948, %ge3A_950 : vector<16xi32>
      %lt3A_952 = arith.constant 200 : i32
      %lt3A_953 = vector.broadcast %lt3A_952 : i32 to vector<16xi32>
      %lt3A_954 = arith.cmpi slt, %sub3A_948, %lt3A_953 : vector<16xi32>
      %and3A_955 = arith.andi %ge3A_951, %lt3A_954 : vector<16xi1>
      %add3A_956 = arith.constant 96 : i32
      %add3A_957 = vector.broadcast %add3A_956 : i32 to vector<16xi32>
      %add3A_958 = arith.addi %iota3A, %add3A_957 : vector<16xi32>
      tpu.vector_store_idx %arg5[%sub3A_948, %add3A_958], %broadcast_in_dim3A_3 masked %and3A_955 : memref<200x128xi32, #tpu.memory_space<vmem>>[vector<16xi32>, vector<16xi32>], vector<16xi32>, vector<16xi1>
      %get3A_959 = arith.index_cast %rem3A_825 : i32 to index
      %get3A_960 = arith.constant 112 : index
      %get3A_961 = tpu.vector_load %arg4[%get3A_959, %get3A_960] {strides = array<i32>} : memref<3x128xi32, #tpu.memory_space<vmem>>, vector<16xi32>,
      %sub3A_962 = arith.constant 0 : i32
      %sub3A_963 = vector.broadcast %sub3A_962 : i32 to vector<16xi32>
      %sub3A_964 = arith.subi %get3A_961, %sub3A_963 : vector<16xi32>
      %ge3A_965 = arith.constant 0 : i32
      %ge3A_966 = vector.broadcast %ge3A_965 : i32 to vector<16xi32>
      %ge3A_967 = arith.cmpi sge, %sub3A_964, %ge3A_966 : vector<16xi32>
      %lt3A_968 = arith.constant 200 : i32
      %lt3A_969 = vector.broadcast %lt3A_968 : i32 to vector<16xi32>
      %lt3A_970 = arith.cmpi slt, %sub3A_964, %lt3A_969 : vector<16xi32>
      %and3A_971 = arith.andi %ge3A_967, %lt3A_970 : vector<16xi1>
      %add3A_972 = arith.constant 112 : i32
      %add3A_973 = vector.broadcast %add3A_972 : i32 to vector<16xi32>
      %add3A_974 = arith.addi %iota3A, %add3A_973 : vector<16xi32>
      tpu.vector_store_idx %arg5[%sub3A_964, %add3A_974], %broadcast_in_dim3A_3 masked %and3A_971 : memref<200x128xi32, #tpu.memory_space<vmem>>[vector<16xi32>, vector<16xi32>], vector<16xi32>, vector<16xi1>
      %get3A_975 = arith.index_cast %rem3A_821 : i32 to index
      %get3A_976 = arith.constant 0 : index
      %get3A_977 = tpu.vector_load %arg4[%get3A_975, %get3A_976] {strides = array<i32>} : memref<3x128xi32, #tpu.memory_space<vmem>>, vector<16xi32>,
      %sub3A_978 = arith.constant 0 : i32
      %sub3A_979 = vector.broadcast %sub3A_978 : i32 to vector<16xi32>
      %sub3A_980 = arith.subi %get3A_977, %sub3A_979 : vector<16xi32>
      %ge3A_981 = arith.constant 0 : i32
      %ge3A_982 = vector.broadcast %ge3A_981 : i32 to vector<16xi32>
      %ge3A_983 = arith.cmpi sge, %sub3A_980, %ge3A_982 : vector<16xi32>
      %lt3A_984 = arith.constant 200 : i32
      %lt3A_985 = vector.broadcast %lt3A_984 : i32 to vector<16xi32>
      %lt3A_986 = arith.cmpi slt, %sub3A_980, %lt3A_985 : vector<16xi32>
      %and3A_987 = arith.andi %ge3A_983, %lt3A_986 : vector<16xi1>
      %add3A_988 = arith.constant 0 : i32
      %add3A_989 = vector.broadcast %add3A_988 : i32 to vector<16xi32>
      %add3A_990 = arith.addi %iota3A, %add3A_989 : vector<16xi32>
      tpu.vector_store_idx %arg5[%sub3A_980, %add3A_990], %broadcast_in_dim3A_5 masked %and3A_987 : memref<200x128xi32, #tpu.memory_space<vmem>>[vector<16xi32>, vector<16xi32>], vector<16xi32>, vector<16xi1>
      %get3A_991 = arith.index_cast %rem3A_821 : i32 to index
      %get3A_992 = arith.constant 16 : index
      %get3A_993 = tpu.vector_load %arg4[%get3A_991, %get3A_992] {strides = array<i32>} : memref<3x128xi32, #tpu.memory_space<vmem>>, vector<16xi32>,
      %sub3A_994 = arith.constant 0 : i32
      %sub3A_995 = vector.broadcast %sub3A_994 : i32 to vector<16xi32>
      %sub3A_996 = arith.subi %get3A_993, %sub3A_995 : vector<16xi32>
      %ge3A_997 = arith.constant 0 : i32
      %ge3A_998 = vector.broadcast %ge3A_997 : i32 to vector<16xi32>
      %ge3A_999 = arith.cmpi sge, %sub3A_996, %ge3A_998 : vector<16xi32>
      %lt3A_1000 = arith.constant 200 : i32
      %lt3A_1001 = vector.broadcast %lt3A_1000 : i32 to vector<16xi32>
      %lt3A_1002 = arith.cmpi slt, %sub3A_996, %lt3A_1001 : vector<16xi32>
      %and3A_1003 = arith.andi %ge3A_999, %lt3A_1002 : vector<16xi1>
      %add3A_1004 = arith.constant 16 : i32
      %add3A_1005 = vector.broadcast %add3A_1004 : i32 to vector<16xi32>
      %add3A_1006 = arith.addi %iota3A, %add3A_1005 : vector<16xi32>
      tpu.vector_store_idx %arg5[%sub3A_996, %add3A_1006], %broadcast_in_dim3A_5 masked %and3A_1003 : memref<200x128xi32, #tpu.memory_space<vmem>>[vector<16xi32>, vector<16xi32>], vector<16xi32>, vector<16xi1>
      %get3A_1007 = arith.index_cast %rem3A_821 : i32 to index
      %get3A_1008 = arith.constant 32 : index
      %get3A_1009 = tpu.vector_load %arg4[%get3A_1007, %get3A_1008] {strides = array<i32>} : memref<3x128xi32, #tpu.memory_space<vmem>>, vector<16xi32>,
      %sub3A_1010 = arith.constant 0 : i32
      %sub3A_1011 = vector.broadcast %sub3A_1010 : i32 to vector<16xi32>
      %sub3A_1012 = arith.subi %get3A_1009, %sub3A_1011 : vector<16xi32>
      %ge3A_1013 = arith.constant 0 : i32
      %ge3A_1014 = vector.broadcast %ge3A_1013 : i32 to vector<16xi32>
      %ge3A_1015 = arith.cmpi sge, %sub3A_1012, %ge3A_1014 : vector<16xi32>
      %lt3A_1016 = arith.constant 200 : i32
      %lt3A_1017 = vector.broadcast %lt3A_1016 : i32 to vector<16xi32>
      %lt3A_1018 = arith.cmpi slt, %sub3A_1012, %lt3A_1017 : vector<16xi32>
      %and3A_1019 = arith.andi %ge3A_1015, %lt3A_1018 : vector<16xi1>
      %add3A_1020 = arith.constant 32 : i32
      %add3A_1021 = vector.broadcast %add3A_1020 : i32 to vector<16xi32>
      %add3A_1022 = arith.addi %iota3A, %add3A_1021 : vector<16xi32>
      tpu.vector_store_idx %arg5[%sub3A_1012, %add3A_1022], %broadcast_in_dim3A_5 masked %and3A_1019 : memref<200x128xi32, #tpu.memory_space<vmem>>[vector<16xi32>, vector<16xi32>], vector<16xi32>, vector<16xi1>
      %get3A_1023 = arith.index_cast %rem3A_821 : i32 to index
      %get3A_1024 = arith.constant 48 : index
      %get3A_1025 = tpu.vector_load %arg4[%get3A_1023, %get3A_1024] {strides = array<i32>} : memref<3x128xi32, #tpu.memory_space<vmem>>, vector<16xi32>,
      %sub3A_1026 = arith.constant 0 : i32
      %sub3A_1027 = vector.broadcast %sub3A_1026 : i32 to vector<16xi32>
      %sub3A_1028 = arith.subi %get3A_1025, %sub3A_1027 : vector<16xi32>
      %ge3A_1029 = arith.constant 0 : i32
      %ge3A_1030 = vector.broadcast %ge3A_1029 : i32 to vector<16xi32>
      %ge3A_1031 = arith.cmpi sge, %sub3A_1028, %ge3A_1030 : vector<16xi32>
      %lt3A_1032 = arith.constant 200 : i32
      %lt3A_1033 = vector.broadcast %lt3A_1032 : i32 to vector<16xi32>
      %lt3A_1034 = arith.cmpi slt, %sub3A_1028, %lt3A_1033 : vector<16xi32>
      %and3A_1035 = arith.andi %ge3A_1031, %lt3A_1034 : vector<16xi1>
      %add3A_1036 = arith.constant 48 : i32
      %add3A_1037 = vector.broadcast %add3A_1036 : i32 to vector<16xi32>
      %add3A_1038 = arith.addi %iota3A, %add3A_1037 : vector<16xi32>
      tpu.vector_store_idx %arg5[%sub3A_1028, %add3A_1038], %broadcast_in_dim3A_5 masked %and3A_1035 : memref<200x128xi32, #tpu.memory_space<vmem>>[vector<16xi32>, vector<16xi32>], vector<16xi32>, vector<16xi1>
      %get3A_1039 = arith.index_cast %rem3A_821 : i32 to index
      %get3A_1040 = arith.constant 64 : index
      %get3A_1041 = tpu.vector_load %arg4[%get3A_1039, %get3A_1040] {strides = array<i32>} : memref<3x128xi32, #tpu.memory_space<vmem>>, vector<16xi32>,
      %sub3A_1042 = arith.constant 0 : i32
      %sub3A_1043 = vector.broadcast %sub3A_1042 : i32 to vector<16xi32>
      %sub3A_1044 = arith.subi %get3A_1041, %sub3A_1043 : vector<16xi32>
      %ge3A_1045 = arith.constant 0 : i32
      %ge3A_1046 = vector.broadcast %ge3A_1045 : i32 to vector<16xi32>
      %ge3A_1047 = arith.cmpi sge, %sub3A_1044, %ge3A_1046 : vector<16xi32>
      %lt3A_1048 = arith.constant 200 : i32
      %lt3A_1049 = vector.broadcast %lt3A_1048 : i32 to vector<16xi32>
      %lt3A_1050 = arith.cmpi slt, %sub3A_1044, %lt3A_1049 : vector<16xi32>
      %and3A_1051 = arith.andi %ge3A_1047, %lt3A_1050 : vector<16xi1>
      %add3A_1052 = arith.constant 64 : i32
      %add3A_1053 = vector.broadcast %add3A_1052 : i32 to vector<16xi32>
      %add3A_1054 = arith.addi %iota3A, %add3A_1053 : vector<16xi32>
      tpu.vector_store_idx %arg5[%sub3A_1044, %add3A_1054], %broadcast_in_dim3A_5 masked %and3A_1051 : memref<200x128xi32, #tpu.memory_space<vmem>>[vector<16xi32>, vector<16xi32>], vector<16xi32>, vector<16xi1>
      %get3A_1055 = arith.index_cast %rem3A_821 : i32 to index
      %get3A_1056 = arith.constant 80 : index
      %get3A_1057 = tpu.vector_load %arg4[%get3A_1055, %get3A_1056] {strides = array<i32>} : memref<3x128xi32, #tpu.memory_space<vmem>>, vector<16xi32>,
      %sub3A_1058 = arith.constant 0 : i32
      %sub3A_1059 = vector.broadcast %sub3A_1058 : i32 to vector<16xi32>
      %sub3A_1060 = arith.subi %get3A_1057, %sub3A_1059 : vector<16xi32>
      %ge3A_1061 = arith.constant 0 : i32
      %ge3A_1062 = vector.broadcast %ge3A_1061 : i32 to vector<16xi32>
      %ge3A_1063 = arith.cmpi sge, %sub3A_1060, %ge3A_1062 : vector<16xi32>
      %lt3A_1064 = arith.constant 200 : i32
      %lt3A_1065 = vector.broadcast %lt3A_1064 : i32 to vector<16xi32>
      %lt3A_1066 = arith.cmpi slt, %sub3A_1060, %lt3A_1065 : vector<16xi32>
      %and3A_1067 = arith.andi %ge3A_1063, %lt3A_1066 : vector<16xi1>
      %add3A_1068 = arith.constant 80 : i32
      %add3A_1069 = vector.broadcast %add3A_1068 : i32 to vector<16xi32>
      %add3A_1070 = arith.addi %iota3A, %add3A_1069 : vector<16xi32>
      tpu.vector_store_idx %arg5[%sub3A_1060, %add3A_1070], %broadcast_in_dim3A_5 masked %and3A_1067 : memref<200x128xi32, #tpu.memory_space<vmem>>[vector<16xi32>, vector<16xi32>], vector<16xi32>, vector<16xi1>
      %get3A_1071 = arith.index_cast %rem3A_821 : i32 to index
      %get3A_1072 = arith.constant 96 : index
      %get3A_1073 = tpu.vector_load %arg4[%get3A_1071, %get3A_1072] {strides = array<i32>} : memref<3x128xi32, #tpu.memory_space<vmem>>, vector<16xi32>,
      %sub3A_1074 = arith.constant 0 : i32
      %sub3A_1075 = vector.broadcast %sub3A_1074 : i32 to vector<16xi32>
      %sub3A_1076 = arith.subi %get3A_1073, %sub3A_1075 : vector<16xi32>
      %ge3A_1077 = arith.constant 0 : i32
      %ge3A_1078 = vector.broadcast %ge3A_1077 : i32 to vector<16xi32>
      %ge3A_1079 = arith.cmpi sge, %sub3A_1076, %ge3A_1078 : vector<16xi32>
      %lt3A_1080 = arith.constant 200 : i32
      %lt3A_1081 = vector.broadcast %lt3A_1080 : i32 to vector<16xi32>
      %lt3A_1082 = arith.cmpi slt, %sub3A_1076, %lt3A_1081 : vector<16xi32>
      %and3A_1083 = arith.andi %ge3A_1079, %lt3A_1082 : vector<16xi1>
      %add3A_1084 = arith.constant 96 : i32
      %add3A_1085 = vector.broadcast %add3A_1084 : i32 to vector<16xi32>
      %add3A_1086 = arith.addi %iota3A, %add3A_1085 : vector<16xi32>
      tpu.vector_store_idx %arg5[%sub3A_1076, %add3A_1086], %broadcast_in_dim3A_5 masked %and3A_1083 : memref<200x128xi32, #tpu.memory_space<vmem>>[vector<16xi32>, vector<16xi32>], vector<16xi32>, vector<16xi1>
      %get3A_1087 = arith.index_cast %rem3A_821 : i32 to index
      %get3A_1088 = arith.constant 112 : index
      %get3A_1089 = tpu.vector_load %arg4[%get3A_1087, %get3A_1088] {strides = array<i32>} : memref<3x128xi32, #tpu.memory_space<vmem>>, vector<16xi32>,
      %sub3A_1090 = arith.constant 0 : i32
      %sub3A_1091 = vector.broadcast %sub3A_1090 : i32 to vector<16xi32>
      %sub3A_1092 = arith.subi %get3A_1089, %sub3A_1091 : vector<16xi32>
      %ge3A_1093 = arith.constant 0 : i32
      %ge3A_1094 = vector.broadcast %ge3A_1093 : i32 to vector<16xi32>
      %ge3A_1095 = arith.cmpi sge, %sub3A_1092, %ge3A_1094 : vector<16xi32>
      %lt3A_1096 = arith.constant 200 : i32
      %lt3A_1097 = vector.broadcast %lt3A_1096 : i32 to vector<16xi32>
      %lt3A_1098 = arith.cmpi slt, %sub3A_1092, %lt3A_1097 : vector<16xi32>
      %and3A_1099 = arith.andi %ge3A_1095, %lt3A_1098 : vector<16xi1>
      %add3A_1100 = arith.constant 112 : i32
      %add3A_1101 = vector.broadcast %add3A_1100 : i32 to vector<16xi32>
      %add3A_1102 = arith.addi %iota3A, %add3A_1101 : vector<16xi32>
      tpu.vector_store_idx %arg5[%sub3A_1092, %add3A_1102], %broadcast_in_dim3A_5 masked %and3A_1099 : memref<200x128xi32, #tpu.memory_space<vmem>>[vector<16xi32>, vector<16xi32>], vector<16xi32>, vector<16xi1>
      %dma_start3A_1103 = arith.constant 0 : i32
      %dma_start3A_1104 = tpu.memref_slice %arg3[%scan3A_820, %dma_start3A_1103, %mul3A_2] : memref<26x1000x4096xi32, #tpu.memory_space<hbm>> -> memref<1x200x128xi32, #tpu.memory_space<hbm>>
      %dma_start3A_1105 = tpu.memref_squeeze %dma_start3A_1104 : memref<1x200x128xi32, #tpu.memory_space<hbm>> -> memref<200x128xi32, #tpu.memory_space<hbm>>
      %dma_start3A_1106 = arith.constant 0 : i32
      %dma_start3A_1107 = tpu.memref_slice %arg3[%scan3A_820, %dma_start3A_1106, %mul3A_2] : memref<26x1000x4096xi32, #tpu.memory_space<hbm>> -> memref<1x200x128xi32, #tpu.memory_space<hbm>>
      %dma_start3A_1108 = tpu.memref_squeeze %dma_start3A_1107 : memref<1x200x128xi32, #tpu.memory_space<hbm>> -> memref<200x128xi32, #tpu.memory_space<hbm>>
      tpu.enqueue_dma source(%arg5 : memref<200x128xi32, #tpu.memory_space<vmem>>) target(%dma_start3A_1108 : memref<200x128xi32, #tpu.memory_space<hbm>>) target_semaphore(%arg10 : memref<!tpu.dma_semaphore, #tpu.memory_space<semaphore_mem>>)
      %sub3A_1109 = arith.constant 1 : i32
      %sub3A_1110 = arith.subi %scan3A_820, %sub3A_1109 : i32
      %dma_wait3A_1111 = arith.constant 200 : i32
      %dma_wait3A_1112 = tpu.memref_slice %arg3[%sub3A_1110, %dma_wait3A_1111, %mul3A_2] : memref<26x1000x4096xi32, #tpu.memory_space<hbm>> -> memref<1x200x128xi32, #tpu.memory_space<hbm>>
      %dma_wait3A_1113 = tpu.memref_squeeze %dma_wait3A_1112 : memref<1x200x128xi32, #tpu.memory_space<hbm>> -> memref<200x128xi32, #tpu.memory_space<hbm>>
      %dma_wait3A_1114 = arith.constant 200 : i32
      %dma_wait3A_1115 = tpu.memref_slice %arg3[%sub3A_1110, %dma_wait3A_1114, %mul3A_2] : memref<26x1000x4096xi32, #tpu.memory_space<hbm>> -> memref<1x200x128xi32, #tpu.memory_space<hbm>>
      %dma_wait3A_1116 = tpu.memref_squeeze %dma_wait3A_1115 : memref<1x200x128xi32, #tpu.memory_space<hbm>> -> memref<200x128xi32, #tpu.memory_space<hbm>>
      tpu.wait_dma2 semaphore(%arg11 : memref<!tpu.dma_semaphore, #tpu.memory_space<semaphore_mem>>) src(%arg6 : memref<200x128xi32, #tpu.memory_space<vmem>>) dst(%dma_wait3A_1116 : memref<200x128xi32, #tpu.memory_space<hbm>>)
      %get3A_1117 = arith.index_cast %rem3A_825 : i32 to index
      %get3A_1118 = arith.constant 0 : index
      %get3A_1119 = tpu.vector_load %arg4[%get3A_1117, %get3A_1118] {strides = array<i32>} : memref<3x128xi32, #tpu.memory_space<vmem>>, vector<16xi32>,
      %sub3A_1120 = arith.constant 200 : i32
      %sub3A_1121 = vector.broadcast %sub3A_1120 : i32 to vector<16xi32>
      %sub3A_1122 = arith.subi %get3A_1119, %sub3A_1121 : vector<16xi32>
      %ge3A_1123 = arith.constant 0 : i32
      %ge3A_1124 = vector.broadcast %ge3A_1123 : i32 to vector<16xi32>
      %ge3A_1125 = arith.cmpi sge, %sub3A_1122, %ge3A_1124 : vector<16xi32>
      %lt3A_1126 = arith.constant 200 : i32
      %lt3A_1127 = vector.broadcast %lt3A_1126 : i32 to vector<16xi32>
      %lt3A_1128 = arith.cmpi slt, %sub3A_1122, %lt3A_1127 : vector<16xi32>
      %and3A_1129 = arith.andi %ge3A_1125, %lt3A_1128 : vector<16xi1>
      %add3A_1130 = arith.constant 0 : i32
      %add3A_1131 = vector.broadcast %add3A_1130 : i32 to vector<16xi32>
      %add3A_1132 = arith.addi %iota3A, %add3A_1131 : vector<16xi32>
      tpu.vector_store_idx %arg6[%sub3A_1122, %add3A_1132], %broadcast_in_dim3A_3 masked %and3A_1129 : memref<200x128xi32, #tpu.memory_space<vmem>>[vector<16xi32>, vector<16xi32>], vector<16xi32>, vector<16xi1>
      %get3A_1133 = arith.index_cast %rem3A_825 : i32 to index
      %get3A_1134 = arith.constant 16 : index
      %get3A_1135 = tpu.vector_load %arg4[%get3A_1133, %get3A_1134] {strides = array<i32>} : memref<3x128xi32, #tpu.memory_space<vmem>>, vector<16xi32>,
      %sub3A_1136 = arith.constant 200 : i32
      %sub3A_1137 = vector.broadcast %sub3A_1136 : i32 to vector<16xi32>
      %sub3A_1138 = arith.subi %get3A_1135, %sub3A_1137 : vector<16xi32>
      %ge3A_1139 = arith.constant 0 : i32
      %ge3A_1140 = vector.broadcast %ge3A_1139 : i32 to vector<16xi32>
      %ge3A_1141 = arith.cmpi sge, %sub3A_1138, %ge3A_1140 : vector<16xi32>
      %lt3A_1142 = arith.constant 200 : i32
      %lt3A_1143 = vector.broadcast %lt3A_1142 : i32 to vector<16xi32>
      %lt3A_1144 = arith.cmpi slt, %sub3A_1138, %lt3A_1143 : vector<16xi32>
      %and3A_1145 = arith.andi %ge3A_1141, %lt3A_1144 : vector<16xi1>
      %add3A_1146 = arith.constant 16 : i32
      %add3A_1147 = vector.broadcast %add3A_1146 : i32 to vector<16xi32>
      %add3A_1148 = arith.addi %iota3A, %add3A_1147 : vector<16xi32>
      tpu.vector_store_idx %arg6[%sub3A_1138, %add3A_1148], %broadcast_in_dim3A_3 masked %and3A_1145 : memref<200x128xi32, #tpu.memory_space<vmem>>[vector<16xi32>, vector<16xi32>], vector<16xi32>, vector<16xi1>
      %get3A_1149 = arith.index_cast %rem3A_825 : i32 to index
      %get3A_1150 = arith.constant 32 : index
      %get3A_1151 = tpu.vector_load %arg4[%get3A_1149, %get3A_1150] {strides = array<i32>} : memref<3x128xi32, #tpu.memory_space<vmem>>, vector<16xi32>,
      %sub3A_1152 = arith.constant 200 : i32
      %sub3A_1153 = vector.broadcast %sub3A_1152 : i32 to vector<16xi32>
      %sub3A_1154 = arith.subi %get3A_1151, %sub3A_1153 : vector<16xi32>
      %ge3A_1155 = arith.constant 0 : i32
      %ge3A_1156 = vector.broadcast %ge3A_1155 : i32 to vector<16xi32>
      %ge3A_1157 = arith.cmpi sge, %sub3A_1154, %ge3A_1156 : vector<16xi32>
      %lt3A_1158 = arith.constant 200 : i32
      %lt3A_1159 = vector.broadcast %lt3A_1158 : i32 to vector<16xi32>
      %lt3A_1160 = arith.cmpi slt, %sub3A_1154, %lt3A_1159 : vector<16xi32>
      %and3A_1161 = arith.andi %ge3A_1157, %lt3A_1160 : vector<16xi1>
      %add3A_1162 = arith.constant 32 : i32
      %add3A_1163 = vector.broadcast %add3A_1162 : i32 to vector<16xi32>
      %add3A_1164 = arith.addi %iota3A, %add3A_1163 : vector<16xi32>
      tpu.vector_store_idx %arg6[%sub3A_1154, %add3A_1164], %broadcast_in_dim3A_3 masked %and3A_1161 : memref<200x128xi32, #tpu.memory_space<vmem>>[vector<16xi32>, vector<16xi32>], vector<16xi32>, vector<16xi1>
      %get3A_1165 = arith.index_cast %rem3A_825 : i32 to index
      %get3A_1166 = arith.constant 48 : index
      %get3A_1167 = tpu.vector_load %arg4[%get3A_1165, %get3A_1166] {strides = array<i32>} : memref<3x128xi32, #tpu.memory_space<vmem>>, vector<16xi32>,
      %sub3A_1168 = arith.constant 200 : i32
      %sub3A_1169 = vector.broadcast %sub3A_1168 : i32 to vector<16xi32>
      %sub3A_1170 = arith.subi %get3A_1167, %sub3A_1169 : vector<16xi32>
      %ge3A_1171 = arith.constant 0 : i32
      %ge3A_1172 = vector.broadcast %ge3A_1171 : i32 to vector<16xi32>
      %ge3A_1173 = arith.cmpi sge, %sub3A_1170, %ge3A_1172 : vector<16xi32>
      %lt3A_1174 = arith.constant 200 : i32
      %lt3A_1175 = vector.broadcast %lt3A_1174 : i32 to vector<16xi32>
      %lt3A_1176 = arith.cmpi slt, %sub3A_1170, %lt3A_1175 : vector<16xi32>
      %and3A_1177 = arith.andi %ge3A_1173, %lt3A_1176 : vector<16xi1>
      %add3A_1178 = arith.constant 48 : i32
      %add3A_1179 = vector.broadcast %add3A_1178 : i32 to vector<16xi32>
      %add3A_1180 = arith.addi %iota3A, %add3A_1179 : vector<16xi32>
      tpu.vector_store_idx %arg6[%sub3A_1170, %add3A_1180], %broadcast_in_dim3A_3 masked %and3A_1177 : memref<200x128xi32, #tpu.memory_space<vmem>>[vector<16xi32>, vector<16xi32>], vector<16xi32>, vector<16xi1>
      %get3A_1181 = arith.index_cast %rem3A_825 : i32 to index
      %get3A_1182 = arith.constant 64 : index
      %get3A_1183 = tpu.vector_load %arg4[%get3A_1181, %get3A_1182] {strides = array<i32>} : memref<3x128xi32, #tpu.memory_space<vmem>>, vector<16xi32>,
      %sub3A_1184 = arith.constant 200 : i32
      %sub3A_1185 = vector.broadcast %sub3A_1184 : i32 to vector<16xi32>
      %sub3A_1186 = arith.subi %get3A_1183, %sub3A_1185 : vector<16xi32>
      %ge3A_1187 = arith.constant 0 : i32
      %ge3A_1188 = vector.broadcast %ge3A_1187 : i32 to vector<16xi32>
      %ge3A_1189 = arith.cmpi sge, %sub3A_1186, %ge3A_1188 : vector<16xi32>
      %lt3A_1190 = arith.constant 200 : i32
      %lt3A_1191 = vector.broadcast %lt3A_1190 : i32 to vector<16xi32>
      %lt3A_1192 = arith.cmpi slt, %sub3A_1186, %lt3A_1191 : vector<16xi32>
      %and3A_1193 = arith.andi %ge3A_1189, %lt3A_1192 : vector<16xi1>
      %add3A_1194 = arith.constant 64 : i32
      %add3A_1195 = vector.broadcast %add3A_1194 : i32 to vector<16xi32>
      %add3A_1196 = arith.addi %iota3A, %add3A_1195 : vector<16xi32>
      tpu.vector_store_idx %arg6[%sub3A_1186, %add3A_1196], %broadcast_in_dim3A_3 masked %and3A_1193 : memref<200x128xi32, #tpu.memory_space<vmem>>[vector<16xi32>, vector<16xi32>], vector<16xi32>, vector<16xi1>
      %get3A_1197 = arith.index_cast %rem3A_825 : i32 to index
      %get3A_1198 = arith.constant 80 : index
      %get3A_1199 = tpu.vector_load %arg4[%get3A_1197, %get3A_1198] {strides = array<i32>} : memref<3x128xi32, #tpu.memory_space<vmem>>, vector<16xi32>,
      %sub3A_1200 = arith.constant 200 : i32
      %sub3A_1201 = vector.broadcast %sub3A_1200 : i32 to vector<16xi32>
      %sub3A_1202 = arith.subi %get3A_1199, %sub3A_1201 : vector<16xi32>
      %ge3A_1203 = arith.constant 0 : i32
      %ge3A_1204 = vector.broadcast %ge3A_1203 : i32 to vector<16xi32>
      %ge3A_1205 = arith.cmpi sge, %sub3A_1202, %ge3A_1204 : vector<16xi32>
      %lt3A_1206 = arith.constant 200 : i32
      %lt3A_1207 = vector.broadcast %lt3A_1206 : i32 to vector<16xi32>
      %lt3A_1208 = arith.cmpi slt, %sub3A_1202, %lt3A_1207 : vector<16xi32>
      %and3A_1209 = arith.andi %ge3A_1205, %lt3A_1208 : vector<16xi1>
      %add3A_1210 = arith.constant 80 : i32
      %add3A_1211 = vector.broadcast %add3A_1210 : i32 to vector<16xi32>
      %add3A_1212 = arith.addi %iota3A, %add3A_1211 : vector<16xi32>
      tpu.vector_store_idx %arg6[%sub3A_1202, %add3A_1212], %broadcast_in_dim3A_3 masked %and3A_1209 : memref<200x128xi32, #tpu.memory_space<vmem>>[vector<16xi32>, vector<16xi32>], vector<16xi32>, vector<16xi1>
      %get3A_1213 = arith.index_cast %rem3A_825 : i32 to index
      %get3A_1214 = arith.constant 96 : index
      %get3A_1215 = tpu.vector_load %arg4[%get3A_1213, %get3A_1214] {strides = array<i32>} : memref<3x128xi32, #tpu.memory_space<vmem>>, vector<16xi32>,
      %sub3A_1216 = arith.constant 200 : i32
      %sub3A_1217 = vector.broadcast %sub3A_1216 : i32 to vector<16xi32>
      %sub3A_1218 = arith.subi %get3A_1215, %sub3A_1217 : vector<16xi32>
      %ge3A_1219 = arith.constant 0 : i32
      %ge3A_1220 = vector.broadcast %ge3A_1219 : i32 to vector<16xi32>
      %ge3A_1221 = arith.cmpi sge, %sub3A_1218, %ge3A_1220 : vector<16xi32>
      %lt3A_1222 = arith.constant 200 : i32
      %lt3A_1223 = vector.broadcast %lt3A_1222 : i32 to vector<16xi32>
      %lt3A_1224 = arith.cmpi slt, %sub3A_1218, %lt3A_1223 : vector<16xi32>
      %and3A_1225 = arith.andi %ge3A_1221, %lt3A_1224 : vector<16xi1>
      %add3A_1226 = arith.constant 96 : i32
      %add3A_1227 = vector.broadcast %add3A_1226 : i32 to vector<16xi32>
      %add3A_1228 = arith.addi %iota3A, %add3A_1227 : vector<16xi32>
      tpu.vector_store_idx %arg6[%sub3A_1218, %add3A_1228], %broadcast_in_dim3A_3 masked %and3A_1225 : memref<200x128xi32, #tpu.memory_space<vmem>>[vector<16xi32>, vector<16xi32>], vector<16xi32>, vector<16xi1>
      %get3A_1229 = arith.index_cast %rem3A_825 : i32 to index
      %get3A_1230 = arith.constant 112 : index
      %get3A_1231 = tpu.vector_load %arg4[%get3A_1229, %get3A_1230] {strides = array<i32>} : memref<3x128xi32, #tpu.memory_space<vmem>>, vector<16xi32>,
      %sub3A_1232 = arith.constant 200 : i32
      %sub3A_1233 = vector.broadcast %sub3A_1232 : i32 to vector<16xi32>
      %sub3A_1234 = arith.subi %get3A_1231, %sub3A_1233 : vector<16xi32>
      %ge3A_1235 = arith.constant 0 : i32
      %ge3A_1236 = vector.broadcast %ge3A_1235 : i32 to vector<16xi32>
      %ge3A_1237 = arith.cmpi sge, %sub3A_1234, %ge3A_1236 : vector<16xi32>
      %lt3A_1238 = arith.constant 200 : i32
      %lt3A_1239 = vector.broadcast %lt3A_1238 : i32 to vector<16xi32>
      %lt3A_1240 = arith.cmpi slt, %sub3A_1234, %lt3A_1239 : vector<16xi32>
      %and3A_1241 = arith.andi %ge3A_1237, %lt3A_1240 : vector<16xi1>
      %add3A_1242 = arith.constant 112 : i32
      %add3A_1243 = vector.broadcast %add3A_1242 : i32 to vector<16xi32>
      %add3A_1244 = arith.addi %iota3A, %add3A_1243 : vector<16xi32>
      tpu.vector_store_idx %arg6[%sub3A_1234, %add3A_1244], %broadcast_in_dim3A_3 masked %and3A_1241 : memref<200x128xi32, #tpu.memory_space<vmem>>[vector<16xi32>, vector<16xi32>], vector<16xi32>, vector<16xi1>
      %get3A_1245 = arith.index_cast %rem3A_821 : i32 to index
      %get3A_1246 = arith.constant 0 : index
      %get3A_1247 = tpu.vector_load %arg4[%get3A_1245, %get3A_1246] {strides = array<i32>} : memref<3x128xi32, #tpu.memory_space<vmem>>, vector<16xi32>,
      %sub3A_1248 = arith.constant 200 : i32
      %sub3A_1249 = vector.broadcast %sub3A_1248 : i32 to vector<16xi32>
      %sub3A_1250 = arith.subi %get3A_1247, %sub3A_1249 : vector<16xi32>
      %ge3A_1251 = arith.constant 0 : i32
      %ge3A_1252 = vector.broadcast %ge3A_1251 : i32 to vector<16xi32>
      %ge3A_1253 = arith.cmpi sge, %sub3A_1250, %ge3A_1252 : vector<16xi32>
      %lt3A_1254 = arith.constant 200 : i32
      %lt3A_1255 = vector.broadcast %lt3A_1254 : i32 to vector<16xi32>
      %lt3A_1256 = arith.cmpi slt, %sub3A_1250, %lt3A_1255 : vector<16xi32>
      %and3A_1257 = arith.andi %ge3A_1253, %lt3A_1256 : vector<16xi1>
      %add3A_1258 = arith.constant 0 : i32
      %add3A_1259 = vector.broadcast %add3A_1258 : i32 to vector<16xi32>
      %add3A_1260 = arith.addi %iota3A, %add3A_1259 : vector<16xi32>
      tpu.vector_store_idx %arg6[%sub3A_1250, %add3A_1260], %broadcast_in_dim3A_5 masked %and3A_1257 : memref<200x128xi32, #tpu.memory_space<vmem>>[vector<16xi32>, vector<16xi32>], vector<16xi32>, vector<16xi1>
      %get3A_1261 = arith.index_cast %rem3A_821 : i32 to index
      %get3A_1262 = arith.constant 16 : index
      %get3A_1263 = tpu.vector_load %arg4[%get3A_1261, %get3A_1262] {strides = array<i32>} : memref<3x128xi32, #tpu.memory_space<vmem>>, vector<16xi32>,
      %sub3A_1264 = arith.constant 200 : i32
      %sub3A_1265 = vector.broadcast %sub3A_1264 : i32 to vector<16xi32>
      %sub3A_1266 = arith.subi %get3A_1263, %sub3A_1265 : vector<16xi32>
      %ge3A_1267 = arith.constant 0 : i32
      %ge3A_1268 = vector.broadcast %ge3A_1267 : i32 to vector<16xi32>
      %ge3A_1269 = arith.cmpi sge, %sub3A_1266, %ge3A_1268 : vector<16xi32>
      %lt3A_1270 = arith.constant 200 : i32
      %lt3A_1271 = vector.broadcast %lt3A_1270 : i32 to vector<16xi32>
      %lt3A_1272 = arith.cmpi slt, %sub3A_1266, %lt3A_1271 : vector<16xi32>
      %and3A_1273 = arith.andi %ge3A_1269, %lt3A_1272 : vector<16xi1>
      %add3A_1274 = arith.constant 16 : i32
      %add3A_1275 = vector.broadcast %add3A_1274 : i32 to vector<16xi32>
      %add3A_1276 = arith.addi %iota3A, %add3A_1275 : vector<16xi32>
      tpu.vector_store_idx %arg6[%sub3A_1266, %add3A_1276], %broadcast_in_dim3A_5 masked %and3A_1273 : memref<200x128xi32, #tpu.memory_space<vmem>>[vector<16xi32>, vector<16xi32>], vector<16xi32>, vector<16xi1>
      %get3A_1277 = arith.index_cast %rem3A_821 : i32 to index
      %get3A_1278 = arith.constant 32 : index
      %get3A_1279 = tpu.vector_load %arg4[%get3A_1277, %get3A_1278] {strides = array<i32>} : memref<3x128xi32, #tpu.memory_space<vmem>>, vector<16xi32>,
      %sub3A_1280 = arith.constant 200 : i32
      %sub3A_1281 = vector.broadcast %sub3A_1280 : i32 to vector<16xi32>
      %sub3A_1282 = arith.subi %get3A_1279, %sub3A_1281 : vector<16xi32>
      %ge3A_1283 = arith.constant 0 : i32
      %ge3A_1284 = vector.broadcast %ge3A_1283 : i32 to vector<16xi32>
      %ge3A_1285 = arith.cmpi sge, %sub3A_1282, %ge3A_1284 : vector<16xi32>
      %lt3A_1286 = arith.constant 200 : i32
      %lt3A_1287 = vector.broadcast %lt3A_1286 : i32 to vector<16xi32>
      %lt3A_1288 = arith.cmpi slt, %sub3A_1282, %lt3A_1287 : vector<16xi32>
      %and3A_1289 = arith.andi %ge3A_1285, %lt3A_1288 : vector<16xi1>
      %add3A_1290 = arith.constant 32 : i32
      %add3A_1291 = vector.broadcast %add3A_1290 : i32 to vector<16xi32>
      %add3A_1292 = arith.addi %iota3A, %add3A_1291 : vector<16xi32>
      tpu.vector_store_idx %arg6[%sub3A_1282, %add3A_1292], %broadcast_in_dim3A_5 masked %and3A_1289 : memref<200x128xi32, #tpu.memory_space<vmem>>[vector<16xi32>, vector<16xi32>], vector<16xi32>, vector<16xi1>
      %get3A_1293 = arith.index_cast %rem3A_821 : i32 to index
      %get3A_1294 = arith.constant 48 : index
      %get3A_1295 = tpu.vector_load %arg4[%get3A_1293, %get3A_1294] {strides = array<i32>} : memref<3x128xi32, #tpu.memory_space<vmem>>, vector<16xi32>,
      %sub3A_1296 = arith.constant 200 : i32
      %sub3A_1297 = vector.broadcast %sub3A_1296 : i32 to vector<16xi32>
      %sub3A_1298 = arith.subi %get3A_1295, %sub3A_1297 : vector<16xi32>
      %ge3A_1299 = arith.constant 0 : i32
      %ge3A_1300 = vector.broadcast %ge3A_1299 : i32 to vector<16xi32>
      %ge3A_1301 = arith.cmpi sge, %sub3A_1298, %ge3A_1300 : vector<16xi32>
      %lt3A_1302 = arith.constant 200 : i32
      %lt3A_1303 = vector.broadcast %lt3A_1302 : i32 to vector<16xi32>
      %lt3A_1304 = arith.cmpi slt, %sub3A_1298, %lt3A_1303 : vector<16xi32>
      %and3A_1305 = arith.andi %ge3A_1301, %lt3A_1304 : vector<16xi1>
      %add3A_1306 = arith.constant 48 : i32
      %add3A_1307 = vector.broadcast %add3A_1306 : i32 to vector<16xi32>
      %add3A_1308 = arith.addi %iota3A, %add3A_1307 : vector<16xi32>
      tpu.vector_store_idx %arg6[%sub3A_1298, %add3A_1308], %broadcast_in_dim3A_5 masked %and3A_1305 : memref<200x128xi32, #tpu.memory_space<vmem>>[vector<16xi32>, vector<16xi32>], vector<16xi32>, vector<16xi1>
      %get3A_1309 = arith.index_cast %rem3A_821 : i32 to index
      %get3A_1310 = arith.constant 64 : index
      %get3A_1311 = tpu.vector_load %arg4[%get3A_1309, %get3A_1310] {strides = array<i32>} : memref<3x128xi32, #tpu.memory_space<vmem>>, vector<16xi32>,
      %sub3A_1312 = arith.constant 200 : i32
      %sub3A_1313 = vector.broadcast %sub3A_1312 : i32 to vector<16xi32>
      %sub3A_1314 = arith.subi %get3A_1311, %sub3A_1313 : vector<16xi32>
      %ge3A_1315 = arith.constant 0 : i32
      %ge3A_1316 = vector.broadcast %ge3A_1315 : i32 to vector<16xi32>
      %ge3A_1317 = arith.cmpi sge, %sub3A_1314, %ge3A_1316 : vector<16xi32>
      %lt3A_1318 = arith.constant 200 : i32
      %lt3A_1319 = vector.broadcast %lt3A_1318 : i32 to vector<16xi32>
      %lt3A_1320 = arith.cmpi slt, %sub3A_1314, %lt3A_1319 : vector<16xi32>
      %and3A_1321 = arith.andi %ge3A_1317, %lt3A_1320 : vector<16xi1>
      %add3A_1322 = arith.constant 64 : i32
      %add3A_1323 = vector.broadcast %add3A_1322 : i32 to vector<16xi32>
      %add3A_1324 = arith.addi %iota3A, %add3A_1323 : vector<16xi32>
      tpu.vector_store_idx %arg6[%sub3A_1314, %add3A_1324], %broadcast_in_dim3A_5 masked %and3A_1321 : memref<200x128xi32, #tpu.memory_space<vmem>>[vector<16xi32>, vector<16xi32>], vector<16xi32>, vector<16xi1>
      %get3A_1325 = arith.index_cast %rem3A_821 : i32 to index
      %get3A_1326 = arith.constant 80 : index
      %get3A_1327 = tpu.vector_load %arg4[%get3A_1325, %get3A_1326] {strides = array<i32>} : memref<3x128xi32, #tpu.memory_space<vmem>>, vector<16xi32>,
      %sub3A_1328 = arith.constant 200 : i32
      %sub3A_1329 = vector.broadcast %sub3A_1328 : i32 to vector<16xi32>
      %sub3A_1330 = arith.subi %get3A_1327, %sub3A_1329 : vector<16xi32>
      %ge3A_1331 = arith.constant 0 : i32
      %ge3A_1332 = vector.broadcast %ge3A_1331 : i32 to vector<16xi32>
      %ge3A_1333 = arith.cmpi sge, %sub3A_1330, %ge3A_1332 : vector<16xi32>
      %lt3A_1334 = arith.constant 200 : i32
      %lt3A_1335 = vector.broadcast %lt3A_1334 : i32 to vector<16xi32>
      %lt3A_1336 = arith.cmpi slt, %sub3A_1330, %lt3A_1335 : vector<16xi32>
      %and3A_1337 = arith.andi %ge3A_1333, %lt3A_1336 : vector<16xi1>
      %add3A_1338 = arith.constant 80 : i32
      %add3A_1339 = vector.broadcast %add3A_1338 : i32 to vector<16xi32>
      %add3A_1340 = arith.addi %iota3A, %add3A_1339 : vector<16xi32>
      tpu.vector_store_idx %arg6[%sub3A_1330, %add3A_1340], %broadcast_in_dim3A_5 masked %and3A_1337 : memref<200x128xi32, #tpu.memory_space<vmem>>[vector<16xi32>, vector<16xi32>], vector<16xi32>, vector<16xi1>
      %get3A_1341 = arith.index_cast %rem3A_821 : i32 to index
      %get3A_1342 = arith.constant 96 : index
      %get3A_1343 = tpu.vector_load %arg4[%get3A_1341, %get3A_1342] {strides = array<i32>} : memref<3x128xi32, #tpu.memory_space<vmem>>, vector<16xi32>,
      %sub3A_1344 = arith.constant 200 : i32
      %sub3A_1345 = vector.broadcast %sub3A_1344 : i32 to vector<16xi32>
      %sub3A_1346 = arith.subi %get3A_1343, %sub3A_1345 : vector<16xi32>
      %ge3A_1347 = arith.constant 0 : i32
      %ge3A_1348 = vector.broadcast %ge3A_1347 : i32 to vector<16xi32>
      %ge3A_1349 = arith.cmpi sge, %sub3A_1346, %ge3A_1348 : vector<16xi32>
      %lt3A_1350 = arith.constant 200 : i32
      %lt3A_1351 = vector.broadcast %lt3A_1350 : i32 to vector<16xi32>
      %lt3A_1352 = arith.cmpi slt, %sub3A_1346, %lt3A_1351 : vector<16xi32>
      %and3A_1353 = arith.andi %ge3A_1349, %lt3A_1352 : vector<16xi1>
      %add3A_1354 = arith.constant 96 : i32
      %add3A_1355 = vector.broadcast %add3A_1354 : i32 to vector<16xi32>
      %add3A_1356 = arith.addi %iota3A, %add3A_1355 : vector<16xi32>
      tpu.vector_store_idx %arg6[%sub3A_1346, %add3A_1356], %broadcast_in_dim3A_5 masked %and3A_1353 : memref<200x128xi32, #tpu.memory_space<vmem>>[vector<16xi32>, vector<16xi32>], vector<16xi32>, vector<16xi1>
      %get3A_1357 = arith.index_cast %rem3A_821 : i32 to index
      %get3A_1358 = arith.constant 112 : index
      %get3A_1359 = tpu.vector_load %arg4[%get3A_1357, %get3A_1358] {strides = array<i32>} : memref<3x128xi32, #tpu.memory_space<vmem>>, vector<16xi32>,
      %sub3A_1360 = arith.constant 200 : i32
      %sub3A_1361 = vector.broadcast %sub3A_1360 : i32 to vector<16xi32>
      %sub3A_1362 = arith.subi %get3A_1359, %sub3A_1361 : vector<16xi32>
      %ge3A_1363 = arith.constant 0 : i32
      %ge3A_1364 = vector.broadcast %ge3A_1363 : i32 to vector<16xi32>
      %ge3A_1365 = arith.cmpi sge, %sub3A_1362, %ge3A_1364 : vector<16xi32>
      %lt3A_1366 = arith.constant 200 : i32
      %lt3A_1367 = vector.broadcast %lt3A_1366 : i32 to vector<16xi32>
      %lt3A_1368 = arith.cmpi slt, %sub3A_1362, %lt3A_1367 : vector<16xi32>
      %and3A_1369 = arith.andi %ge3A_1365, %lt3A_1368 : vector<16xi1>
      %add3A_1370 = arith.constant 112 : i32
      %add3A_1371 = vector.broadcast %add3A_1370 : i32 to vector<16xi32>
      %add3A_1372 = arith.addi %iota3A, %add3A_1371 : vector<16xi32>
      tpu.vector_store_idx %arg6[%sub3A_1362, %add3A_1372], %broadcast_in_dim3A_5 masked %and3A_1369 : memref<200x128xi32, #tpu.memory_space<vmem>>[vector<16xi32>, vector<16xi32>], vector<16xi32>, vector<16xi1>
      %dma_start3A_1373 = arith.constant 200 : i32
      %dma_start3A_1374 = tpu.memref_slice %arg3[%scan3A_820, %dma_start3A_1373, %mul3A_2] : memref<26x1000x4096xi32, #tpu.memory_space<hbm>> -> memref<1x200x128xi32, #tpu.memory_space<hbm>>
      %dma_start3A_1375 = tpu.memref_squeeze %dma_start3A_1374 : memref<1x200x128xi32, #tpu.memory_space<hbm>> -> memref<200x128xi32, #tpu.memory_space<hbm>>
      %dma_start3A_1376 = arith.constant 200 : i32
      %dma_start3A_1377 = tpu.memref_slice %arg3[%scan3A_820, %dma_start3A_1376, %mul3A_2] : memref<26x1000x4096xi32, #tpu.memory_space<hbm>> -> memref<1x200x128xi32, #tpu.memory_space<hbm>>
      %dma_start3A_1378 = tpu.memref_squeeze %dma_start3A_1377 : memref<1x200x128xi32, #tpu.memory_space<hbm>> -> memref<200x128xi32, #tpu.memory_space<hbm>>
      tpu.enqueue_dma source(%arg6 : memref<200x128xi32, #tpu.memory_space<vmem>>) target(%dma_start3A_1378 : memref<200x128xi32, #tpu.memory_space<hbm>>) target_semaphore(%arg11 : memref<!tpu.dma_semaphore, #tpu.memory_space<semaphore_mem>>)
      %sub3A_1379 = arith.constant 1 : i32
      %sub3A_1380 = arith.subi %scan3A_820, %sub3A_1379 : i32
      %dma_wait3A_1381 = arith.constant 400 : i32
      %dma_wait3A_1382 = tpu.memref_slice %arg3[%sub3A_1380, %dma_wait3A_1381, %mul3A_2] : memref<26x1000x4096xi32, #tpu.memory_space<hbm>> -> memref<1x200x128xi32, #tpu.memory_space<hbm>>
      %dma_wait3A_1383 = tpu.memref_squeeze %dma_wait3A_1382 : memref<1x200x128xi32, #tpu.memory_space<hbm>> -> memref<200x128xi32, #tpu.memory_space<hbm>>
      %dma_wait3A_1384 = arith.constant 400 : i32
      %dma_wait3A_1385 = tpu.memref_slice %arg3[%sub3A_1380, %dma_wait3A_1384, %mul3A_2] : memref<26x1000x4096xi32, #tpu.memory_space<hbm>> -> memref<1x200x128xi32, #tpu.memory_space<hbm>>
      %dma_wait3A_1386 = tpu.memref_squeeze %dma_wait3A_1385 : memref<1x200x128xi32, #tpu.memory_space<hbm>> -> memref<200x128xi32, #tpu.memory_space<hbm>>
      tpu.wait_dma2 semaphore(%arg12 : memref<!tpu.dma_semaphore, #tpu.memory_space<semaphore_mem>>) src(%arg7 : memref<200x128xi32, #tpu.memory_space<vmem>>) dst(%dma_wait3A_1386 : memref<200x128xi32, #tpu.memory_space<hbm>>)
      %get3A_1387 = arith.index_cast %rem3A_825 : i32 to index
      %get3A_1388 = arith.constant 0 : index
      %get3A_1389 = tpu.vector_load %arg4[%get3A_1387, %get3A_1388] {strides = array<i32>} : memref<3x128xi32, #tpu.memory_space<vmem>>, vector<16xi32>,
      %sub3A_1390 = arith.constant 400 : i32
      %sub3A_1391 = vector.broadcast %sub3A_1390 : i32 to vector<16xi32>
      %sub3A_1392 = arith.subi %get3A_1389, %sub3A_1391 : vector<16xi32>
      %ge3A_1393 = arith.constant 0 : i32
      %ge3A_1394 = vector.broadcast %ge3A_1393 : i32 to vector<16xi32>
      %ge3A_1395 = arith.cmpi sge, %sub3A_1392, %ge3A_1394 : vector<16xi32>
      %lt3A_1396 = arith.constant 200 : i32
      %lt3A_1397 = vector.broadcast %lt3A_1396 : i32 to vector<16xi32>
      %lt3A_1398 = arith.cmpi slt, %sub3A_1392, %lt3A_1397 : vector<16xi32>
      %and3A_1399 = arith.andi %ge3A_1395, %lt3A_1398 : vector<16xi1>
      %add3A_1400 = arith.constant 0 : i32
      %add3A_1401 = vector.broadcast %add3A_1400 : i32 to vector<16xi32>
      %add3A_1402 = arith.addi %iota3A, %add3A_1401 : vector<16xi32>
      tpu.vector_store_idx %arg7[%sub3A_1392, %add3A_1402], %broadcast_in_dim3A_3 masked %and3A_1399 : memref<200x128xi32, #tpu.memory_space<vmem>>[vector<16xi32>, vector<16xi32>], vector<16xi32>, vector<16xi1>
      %get3A_1403 = arith.index_cast %rem3A_825 : i32 to index
      %get3A_1404 = arith.constant 16 : index
      %get3A_1405 = tpu.vector_load %arg4[%get3A_1403, %get3A_1404] {strides = array<i32>} : memref<3x128xi32, #tpu.memory_space<vmem>>, vector<16xi32>,
      %sub3A_1406 = arith.constant 400 : i32
      %sub3A_1407 = vector.broadcast %sub3A_1406 : i32 to vector<16xi32>
      %sub3A_1408 = arith.subi %get3A_1405, %sub3A_1407 : vector<16xi32>
      %ge3A_1409 = arith.constant 0 : i32
      %ge3A_1410 = vector.broadcast %ge3A_1409 : i32 to vector<16xi32>
      %ge3A_1411 = arith.cmpi sge, %sub3A_1408, %ge3A_1410 : vector<16xi32>
      %lt3A_1412 = arith.constant 200 : i32
      %lt3A_1413 = vector.broadcast %lt3A_1412 : i32 to vector<16xi32>
      %lt3A_1414 = arith.cmpi slt, %sub3A_1408, %lt3A_1413 : vector<16xi32>
      %and3A_1415 = arith.andi %ge3A_1411, %lt3A_1414 : vector<16xi1>
      %add3A_1416 = arith.constant 16 : i32
      %add3A_1417 = vector.broadcast %add3A_1416 : i32 to vector<16xi32>
      %add3A_1418 = arith.addi %iota3A, %add3A_1417 : vector<16xi32>
      tpu.vector_store_idx %arg7[%sub3A_1408, %add3A_1418], %broadcast_in_dim3A_3 masked %and3A_1415 : memref<200x128xi32, #tpu.memory_space<vmem>>[vector<16xi32>, vector<16xi32>], vector<16xi32>, vector<16xi1>
      %get3A_1419 = arith.index_cast %rem3A_825 : i32 to index
      %get3A_1420 = arith.constant 32 : index
      %get3A_1421 = tpu.vector_load %arg4[%get3A_1419, %get3A_1420] {strides = array<i32>} : memref<3x128xi32, #tpu.memory_space<vmem>>, vector<16xi32>,
      %sub3A_1422 = arith.constant 400 : i32
      %sub3A_1423 = vector.broadcast %sub3A_1422 : i32 to vector<16xi32>
      %sub3A_1424 = arith.subi %get3A_1421, %sub3A_1423 : vector<16xi32>
      %ge3A_1425 = arith.constant 0 : i32
      %ge3A_1426 = vector.broadcast %ge3A_1425 : i32 to vector<16xi32>
      %ge3A_1427 = arith.cmpi sge, %sub3A_1424, %ge3A_1426 : vector<16xi32>
      %lt3A_1428 = arith.constant 200 : i32
      %lt3A_1429 = vector.broadcast %lt3A_1428 : i32 to vector<16xi32>
      %lt3A_1430 = arith.cmpi slt, %sub3A_1424, %lt3A_1429 : vector<16xi32>
      %and3A_1431 = arith.andi %ge3A_1427, %lt3A_1430 : vector<16xi1>
      %add3A_1432 = arith.constant 32 : i32
      %add3A_1433 = vector.broadcast %add3A_1432 : i32 to vector<16xi32>
      %add3A_1434 = arith.addi %iota3A, %add3A_1433 : vector<16xi32>
      tpu.vector_store_idx %arg7[%sub3A_1424, %add3A_1434], %broadcast_in_dim3A_3 masked %and3A_1431 : memref<200x128xi32, #tpu.memory_space<vmem>>[vector<16xi32>, vector<16xi32>], vector<16xi32>, vector<16xi1>
      %get3A_1435 = arith.index_cast %rem3A_825 : i32 to index
      %get3A_1436 = arith.constant 48 : index
      %get3A_1437 = tpu.vector_load %arg4[%get3A_1435, %get3A_1436] {strides = array<i32>} : memref<3x128xi32, #tpu.memory_space<vmem>>, vector<16xi32>,
      %sub3A_1438 = arith.constant 400 : i32
      %sub3A_1439 = vector.broadcast %sub3A_1438 : i32 to vector<16xi32>
      %sub3A_1440 = arith.subi %get3A_1437, %sub3A_1439 : vector<16xi32>
      %ge3A_1441 = arith.constant 0 : i32
      %ge3A_1442 = vector.broadcast %ge3A_1441 : i32 to vector<16xi32>
      %ge3A_1443 = arith.cmpi sge, %sub3A_1440, %ge3A_1442 : vector<16xi32>
      %lt3A_1444 = arith.constant 200 : i32
      %lt3A_1445 = vector.broadcast %lt3A_1444 : i32 to vector<16xi32>
      %lt3A_1446 = arith.cmpi slt, %sub3A_1440, %lt3A_1445 : vector<16xi32>
      %and3A_1447 = arith.andi %ge3A_1443, %lt3A_1446 : vector<16xi1>
      %add3A_1448 = arith.constant 48 : i32
      %add3A_1449 = vector.broadcast %add3A_1448 : i32 to vector<16xi32>
      %add3A_1450 = arith.addi %iota3A, %add3A_1449 : vector<16xi32>
      tpu.vector_store_idx %arg7[%sub3A_1440, %add3A_1450], %broadcast_in_dim3A_3 masked %and3A_1447 : memref<200x128xi32, #tpu.memory_space<vmem>>[vector<16xi32>, vector<16xi32>], vector<16xi32>, vector<16xi1>
      %get3A_1451 = arith.index_cast %rem3A_825 : i32 to index
      %get3A_1452 = arith.constant 64 : index
      %get3A_1453 = tpu.vector_load %arg4[%get3A_1451, %get3A_1452] {strides = array<i32>} : memref<3x128xi32, #tpu.memory_space<vmem>>, vector<16xi32>,
      %sub3A_1454 = arith.constant 400 : i32
      %sub3A_1455 = vector.broadcast %sub3A_1454 : i32 to vector<16xi32>
      %sub3A_1456 = arith.subi %get3A_1453, %sub3A_1455 : vector<16xi32>
      %ge3A_1457 = arith.constant 0 : i32
      %ge3A_1458 = vector.broadcast %ge3A_1457 : i32 to vector<16xi32>
      %ge3A_1459 = arith.cmpi sge, %sub3A_1456, %ge3A_1458 : vector<16xi32>
      %lt3A_1460 = arith.constant 200 : i32
      %lt3A_1461 = vector.broadcast %lt3A_1460 : i32 to vector<16xi32>
      %lt3A_1462 = arith.cmpi slt, %sub3A_1456, %lt3A_1461 : vector<16xi32>
      %and3A_1463 = arith.andi %ge3A_1459, %lt3A_1462 : vector<16xi1>
      %add3A_1464 = arith.constant 64 : i32
      %add3A_1465 = vector.broadcast %add3A_1464 : i32 to vector<16xi32>
      %add3A_1466 = arith.addi %iota3A, %add3A_1465 : vector<16xi32>
      tpu.vector_store_idx %arg7[%sub3A_1456, %add3A_1466], %broadcast_in_dim3A_3 masked %and3A_1463 : memref<200x128xi32, #tpu.memory_space<vmem>>[vector<16xi32>, vector<16xi32>], vector<16xi32>, vector<16xi1>
      %get3A_1467 = arith.index_cast %rem3A_825 : i32 to index
      %get3A_1468 = arith.constant 80 : index
      %get3A_1469 = tpu.vector_load %arg4[%get3A_1467, %get3A_1468] {strides = array<i32>} : memref<3x128xi32, #tpu.memory_space<vmem>>, vector<16xi32>,
      %sub3A_1470 = arith.constant 400 : i32
      %sub3A_1471 = vector.broadcast %sub3A_1470 : i32 to vector<16xi32>
      %sub3A_1472 = arith.subi %get3A_1469, %sub3A_1471 : vector<16xi32>
      %ge3A_1473 = arith.constant 0 : i32
      %ge3A_1474 = vector.broadcast %ge3A_1473 : i32 to vector<16xi32>
      %ge3A_1475 = arith.cmpi sge, %sub3A_1472, %ge3A_1474 : vector<16xi32>
      %lt3A_1476 = arith.constant 200 : i32
      %lt3A_1477 = vector.broadcast %lt3A_1476 : i32 to vector<16xi32>
      %lt3A_1478 = arith.cmpi slt, %sub3A_1472, %lt3A_1477 : vector<16xi32>
      %and3A_1479 = arith.andi %ge3A_1475, %lt3A_1478 : vector<16xi1>
      %add3A_1480 = arith.constant 80 : i32
      %add3A_1481 = vector.broadcast %add3A_1480 : i32 to vector<16xi32>
      %add3A_1482 = arith.addi %iota3A, %add3A_1481 : vector<16xi32>
      tpu.vector_store_idx %arg7[%sub3A_1472, %add3A_1482], %broadcast_in_dim3A_3 masked %and3A_1479 : memref<200x128xi32, #tpu.memory_space<vmem>>[vector<16xi32>, vector<16xi32>], vector<16xi32>, vector<16xi1>
      %get3A_1483 = arith.index_cast %rem3A_825 : i32 to index
      %get3A_1484 = arith.constant 96 : index
      %get3A_1485 = tpu.vector_load %arg4[%get3A_1483, %get3A_1484] {strides = array<i32>} : memref<3x128xi32, #tpu.memory_space<vmem>>, vector<16xi32>,
      %sub3A_1486 = arith.constant 400 : i32
      %sub3A_1487 = vector.broadcast %sub3A_1486 : i32 to vector<16xi32>
      %sub3A_1488 = arith.subi %get3A_1485, %sub3A_1487 : vector<16xi32>
      %ge3A_1489 = arith.constant 0 : i32
      %ge3A_1490 = vector.broadcast %ge3A_1489 : i32 to vector<16xi32>
      %ge3A_1491 = arith.cmpi sge, %sub3A_1488, %ge3A_1490 : vector<16xi32>
      %lt3A_1492 = arith.constant 200 : i32
      %lt3A_1493 = vector.broadcast %lt3A_1492 : i32 to vector<16xi32>
      %lt3A_1494 = arith.cmpi slt, %sub3A_1488, %lt3A_1493 : vector<16xi32>
      %and3A_1495 = arith.andi %ge3A_1491, %lt3A_1494 : vector<16xi1>
      %add3A_1496 = arith.constant 96 : i32
      %add3A_1497 = vector.broadcast %add3A_1496 : i32 to vector<16xi32>
      %add3A_1498 = arith.addi %iota3A, %add3A_1497 : vector<16xi32>
      tpu.vector_store_idx %arg7[%sub3A_1488, %add3A_1498], %broadcast_in_dim3A_3 masked %and3A_1495 : memref<200x128xi32, #tpu.memory_space<vmem>>[vector<16xi32>, vector<16xi32>], vector<16xi32>, vector<16xi1>
      %get3A_1499 = arith.index_cast %rem3A_825 : i32 to index
      %get3A_1500 = arith.constant 112 : index
      %get3A_1501 = tpu.vector_load %arg4[%get3A_1499, %get3A_1500] {strides = array<i32>} : memref<3x128xi32, #tpu.memory_space<vmem>>, vector<16xi32>,
      %sub3A_1502 = arith.constant 400 : i32
      %sub3A_1503 = vector.broadcast %sub3A_1502 : i32 to vector<16xi32>
      %sub3A_1504 = arith.subi %get3A_1501, %sub3A_1503 : vector<16xi32>
      %ge3A_1505 = arith.constant 0 : i32
      %ge3A_1506 = vector.broadcast %ge3A_1505 : i32 to vector<16xi32>
      %ge3A_1507 = arith.cmpi sge, %sub3A_1504, %ge3A_1506 : vector<16xi32>
      %lt3A_1508 = arith.constant 200 : i32
      %lt3A_1509 = vector.broadcast %lt3A_1508 : i32 to vector<16xi32>
      %lt3A_1510 = arith.cmpi slt, %sub3A_1504, %lt3A_1509 : vector<16xi32>
      %and3A_1511 = arith.andi %ge3A_1507, %lt3A_1510 : vector<16xi1>
      %add3A_1512 = arith.constant 112 : i32
      %add3A_1513 = vector.broadcast %add3A_1512 : i32 to vector<16xi32>
      %add3A_1514 = arith.addi %iota3A, %add3A_1513 : vector<16xi32>
      tpu.vector_store_idx %arg7[%sub3A_1504, %add3A_1514], %broadcast_in_dim3A_3 masked %and3A_1511 : memref<200x128xi32, #tpu.memory_space<vmem>>[vector<16xi32>, vector<16xi32>], vector<16xi32>, vector<16xi1>
      %get3A_1515 = arith.index_cast %rem3A_821 : i32 to index
      %get3A_1516 = arith.constant 0 : index
      %get3A_1517 = tpu.vector_load %arg4[%get3A_1515, %get3A_1516] {strides = array<i32>} : memref<3x128xi32, #tpu.memory_space<vmem>>, vector<16xi32>,
      %sub3A_1518 = arith.constant 400 : i32
      %sub3A_1519 = vector.broadcast %sub3A_1518 : i32 to vector<16xi32>
      %sub3A_1520 = arith.subi %get3A_1517, %sub3A_1519 : vector<16xi32>
      %ge3A_1521 = arith.constant 0 : i32
      %ge3A_1522 = vector.broadcast %ge3A_1521 : i32 to vector<16xi32>
      %ge3A_1523 = arith.cmpi sge, %sub3A_1520, %ge3A_1522 : vector<16xi32>
      %lt3A_1524 = arith.constant 200 : i32
      %lt3A_1525 = vector.broadcast %lt3A_1524 : i32 to vector<16xi32>
      %lt3A_1526 = arith.cmpi slt, %sub3A_1520, %lt3A_1525 : vector<16xi32>
      %and3A_1527 = arith.andi %ge3A_1523, %lt3A_1526 : vector<16xi1>
      %add3A_1528 = arith.constant 0 : i32
      %add3A_1529 = vector.broadcast %add3A_1528 : i32 to vector<16xi32>
      %add3A_1530 = arith.addi %iota3A, %add3A_1529 : vector<16xi32>
      tpu.vector_store_idx %arg7[%sub3A_1520, %add3A_1530], %broadcast_in_dim3A_5 masked %and3A_1527 : memref<200x128xi32, #tpu.memory_space<vmem>>[vector<16xi32>, vector<16xi32>], vector<16xi32>, vector<16xi1>
      %get3A_1531 = arith.index_cast %rem3A_821 : i32 to index
      %get3A_1532 = arith.constant 16 : index
      %get3A_1533 = tpu.vector_load %arg4[%get3A_1531, %get3A_1532] {strides = array<i32>} : memref<3x128xi32, #tpu.memory_space<vmem>>, vector<16xi32>,
      %sub3A_1534 = arith.constant 400 : i32
      %sub3A_1535 = vector.broadcast %sub3A_1534 : i32 to vector<16xi32>
      %sub3A_1536 = arith.subi %get3A_1533, %sub3A_1535 : vector<16xi32>
      %ge3A_1537 = arith.constant 0 : i32
      %ge3A_1538 = vector.broadcast %ge3A_1537 : i32 to vector<16xi32>
      %ge3A_1539 = arith.cmpi sge, %sub3A_1536, %ge3A_1538 : vector<16xi32>
      %lt3A_1540 = arith.constant 200 : i32
      %lt3A_1541 = vector.broadcast %lt3A_1540 : i32 to vector<16xi32>
      %lt3A_1542 = arith.cmpi slt, %sub3A_1536, %lt3A_1541 : vector<16xi32>
      %and3A_1543 = arith.andi %ge3A_1539, %lt3A_1542 : vector<16xi1>
      %add3A_1544 = arith.constant 16 : i32
      %add3A_1545 = vector.broadcast %add3A_1544 : i32 to vector<16xi32>
      %add3A_1546 = arith.addi %iota3A, %add3A_1545 : vector<16xi32>
      tpu.vector_store_idx %arg7[%sub3A_1536, %add3A_1546], %broadcast_in_dim3A_5 masked %and3A_1543 : memref<200x128xi32, #tpu.memory_space<vmem>>[vector<16xi32>, vector<16xi32>], vector<16xi32>, vector<16xi1>
      %get3A_1547 = arith.index_cast %rem3A_821 : i32 to index
      %get3A_1548 = arith.constant 32 : index
      %get3A_1549 = tpu.vector_load %arg4[%get3A_1547, %get3A_1548] {strides = array<i32>} : memref<3x128xi32, #tpu.memory_space<vmem>>, vector<16xi32>,
      %sub3A_1550 = arith.constant 400 : i32
      %sub3A_1551 = vector.broadcast %sub3A_1550 : i32 to vector<16xi32>
      %sub3A_1552 = arith.subi %get3A_1549, %sub3A_1551 : vector<16xi32>
      %ge3A_1553 = arith.constant 0 : i32
      %ge3A_1554 = vector.broadcast %ge3A_1553 : i32 to vector<16xi32>
      %ge3A_1555 = arith.cmpi sge, %sub3A_1552, %ge3A_1554 : vector<16xi32>
      %lt3A_1556 = arith.constant 200 : i32
      %lt3A_1557 = vector.broadcast %lt3A_1556 : i32 to vector<16xi32>
      %lt3A_1558 = arith.cmpi slt, %sub3A_1552, %lt3A_1557 : vector<16xi32>
      %and3A_1559 = arith.andi %ge3A_1555, %lt3A_1558 : vector<16xi1>
      %add3A_1560 = arith.constant 32 : i32
      %add3A_1561 = vector.broadcast %add3A_1560 : i32 to vector<16xi32>
      %add3A_1562 = arith.addi %iota3A, %add3A_1561 : vector<16xi32>
      tpu.vector_store_idx %arg7[%sub3A_1552, %add3A_1562], %broadcast_in_dim3A_5 masked %and3A_1559 : memref<200x128xi32, #tpu.memory_space<vmem>>[vector<16xi32>, vector<16xi32>], vector<16xi32>, vector<16xi1>
      %get3A_1563 = arith.index_cast %rem3A_821 : i32 to index
      %get3A_1564 = arith.constant 48 : index
      %get3A_1565 = tpu.vector_load %arg4[%get3A_1563, %get3A_1564] {strides = array<i32>} : memref<3x128xi32, #tpu.memory_space<vmem>>, vector<16xi32>,
      %sub3A_1566 = arith.constant 400 : i32
      %sub3A_1567 = vector.broadcast %sub3A_1566 : i32 to vector<16xi32>
      %sub3A_1568 = arith.subi %get3A_1565, %sub3A_1567 : vector<16xi32>
      %ge3A_1569 = arith.constant 0 : i32
      %ge3A_1570 = vector.broadcast %ge3A_1569 : i32 to vector<16xi32>
      %ge3A_1571 = arith.cmpi sge, %sub3A_1568, %ge3A_1570 : vector<16xi32>
      %lt3A_1572 = arith.constant 200 : i32
      %lt3A_1573 = vector.broadcast %lt3A_1572 : i32 to vector<16xi32>
      %lt3A_1574 = arith.cmpi slt, %sub3A_1568, %lt3A_1573 : vector<16xi32>
      %and3A_1575 = arith.andi %ge3A_1571, %lt3A_1574 : vector<16xi1>
      %add3A_1576 = arith.constant 48 : i32
      %add3A_1577 = vector.broadcast %add3A_1576 : i32 to vector<16xi32>
      %add3A_1578 = arith.addi %iota3A, %add3A_1577 : vector<16xi32>
      tpu.vector_store_idx %arg7[%sub3A_1568, %add3A_1578], %broadcast_in_dim3A_5 masked %and3A_1575 : memref<200x128xi32, #tpu.memory_space<vmem>>[vector<16xi32>, vector<16xi32>], vector<16xi32>, vector<16xi1>
      %get3A_1579 = arith.index_cast %rem3A_821 : i32 to index
      %get3A_1580 = arith.constant 64 : index
      %get3A_1581 = tpu.vector_load %arg4[%get3A_1579, %get3A_1580] {strides = array<i32>} : memref<3x128xi32, #tpu.memory_space<vmem>>, vector<16xi32>,
      %sub3A_1582 = arith.constant 400 : i32
      %sub3A_1583 = vector.broadcast %sub3A_1582 : i32 to vector<16xi32>
      %sub3A_1584 = arith.subi %get3A_1581, %sub3A_1583 : vector<16xi32>
      %ge3A_1585 = arith.constant 0 : i32
      %ge3A_1586 = vector.broadcast %ge3A_1585 : i32 to vector<16xi32>
      %ge3A_1587 = arith.cmpi sge, %sub3A_1584, %ge3A_1586 : vector<16xi32>
      %lt3A_1588 = arith.constant 200 : i32
      %lt3A_1589 = vector.broadcast %lt3A_1588 : i32 to vector<16xi32>
      %lt3A_1590 = arith.cmpi slt, %sub3A_1584, %lt3A_1589 : vector<16xi32>
      %and3A_1591 = arith.andi %ge3A_1587, %lt3A_1590 : vector<16xi1>
      %add3A_1592 = arith.constant 64 : i32
      %add3A_1593 = vector.broadcast %add3A_1592 : i32 to vector<16xi32>
      %add3A_1594 = arith.addi %iota3A, %add3A_1593 : vector<16xi32>
      tpu.vector_store_idx %arg7[%sub3A_1584, %add3A_1594], %broadcast_in_dim3A_5 masked %and3A_1591 : memref<200x128xi32, #tpu.memory_space<vmem>>[vector<16xi32>, vector<16xi32>], vector<16xi32>, vector<16xi1>
      %get3A_1595 = arith.index_cast %rem3A_821 : i32 to index
      %get3A_1596 = arith.constant 80 : index
      %get3A_1597 = tpu.vector_load %arg4[%get3A_1595, %get3A_1596] {strides = array<i32>} : memref<3x128xi32, #tpu.memory_space<vmem>>, vector<16xi32>,
      %sub3A_1598 = arith.constant 400 : i32
      %sub3A_1599 = vector.broadcast %sub3A_1598 : i32 to vector<16xi32>
      %sub3A_1600 = arith.subi %get3A_1597, %sub3A_1599 : vector<16xi32>
      %ge3A_1601 = arith.constant 0 : i32
      %ge3A_1602 = vector.broadcast %ge3A_1601 : i32 to vector<16xi32>
      %ge3A_1603 = arith.cmpi sge, %sub3A_1600, %ge3A_1602 : vector<16xi32>
      %lt3A_1604 = arith.constant 200 : i32
      %lt3A_1605 = vector.broadcast %lt3A_1604 : i32 to vector<16xi32>
      %lt3A_1606 = arith.cmpi slt, %sub3A_1600, %lt3A_1605 : vector<16xi32>
      %and3A_1607 = arith.andi %ge3A_1603, %lt3A_1606 : vector<16xi1>
      %add3A_1608 = arith.constant 80 : i32
      %add3A_1609 = vector.broadcast %add3A_1608 : i32 to vector<16xi32>
      %add3A_1610 = arith.addi %iota3A, %add3A_1609 : vector<16xi32>
      tpu.vector_store_idx %arg7[%sub3A_1600, %add3A_1610], %broadcast_in_dim3A_5 masked %and3A_1607 : memref<200x128xi32, #tpu.memory_space<vmem>>[vector<16xi32>, vector<16xi32>], vector<16xi32>, vector<16xi1>
      %get3A_1611 = arith.index_cast %rem3A_821 : i32 to index
      %get3A_1612 = arith.constant 96 : index
      %get3A_1613 = tpu.vector_load %arg4[%get3A_1611, %get3A_1612] {strides = array<i32>} : memref<3x128xi32, #tpu.memory_space<vmem>>, vector<16xi32>,
      %sub3A_1614 = arith.constant 400 : i32
      %sub3A_1615 = vector.broadcast %sub3A_1614 : i32 to vector<16xi32>
      %sub3A_1616 = arith.subi %get3A_1613, %sub3A_1615 : vector<16xi32>
      %ge3A_1617 = arith.constant 0 : i32
      %ge3A_1618 = vector.broadcast %ge3A_1617 : i32 to vector<16xi32>
      %ge3A_1619 = arith.cmpi sge, %sub3A_1616, %ge3A_1618 : vector<16xi32>
      %lt3A_1620 = arith.constant 200 : i32
      %lt3A_1621 = vector.broadcast %lt3A_1620 : i32 to vector<16xi32>
      %lt3A_1622 = arith.cmpi slt, %sub3A_1616, %lt3A_1621 : vector<16xi32>
      %and3A_1623 = arith.andi %ge3A_1619, %lt3A_1622 : vector<16xi1>
      %add3A_1624 = arith.constant 96 : i32
      %add3A_1625 = vector.broadcast %add3A_1624 : i32 to vector<16xi32>
      %add3A_1626 = arith.addi %iota3A, %add3A_1625 : vector<16xi32>
      tpu.vector_store_idx %arg7[%sub3A_1616, %add3A_1626], %broadcast_in_dim3A_5 masked %and3A_1623 : memref<200x128xi32, #tpu.memory_space<vmem>>[vector<16xi32>, vector<16xi32>], vector<16xi32>, vector<16xi1>
      %get3A_1627 = arith.index_cast %rem3A_821 : i32 to index
      %get3A_1628 = arith.constant 112 : index
      %get3A_1629 = tpu.vector_load %arg4[%get3A_1627, %get3A_1628] {strides = array<i32>} : memref<3x128xi32, #tpu.memory_space<vmem>>, vector<16xi32>,
      %sub3A_1630 = arith.constant 400 : i32
      %sub3A_1631 = vector.broadcast %sub3A_1630 : i32 to vector<16xi32>
      %sub3A_1632 = arith.subi %get3A_1629, %sub3A_1631 : vector<16xi32>
      %ge3A_1633 = arith.constant 0 : i32
      %ge3A_1634 = vector.broadcast %ge3A_1633 : i32 to vector<16xi32>
      %ge3A_1635 = arith.cmpi sge, %sub3A_1632, %ge3A_1634 : vector<16xi32>
      %lt3A_1636 = arith.constant 200 : i32
      %lt3A_1637 = vector.broadcast %lt3A_1636 : i32 to vector<16xi32>
      %lt3A_1638 = arith.cmpi slt, %sub3A_1632, %lt3A_1637 : vector<16xi32>
      %and3A_1639 = arith.andi %ge3A_1635, %lt3A_1638 : vector<16xi1>
      %add3A_1640 = arith.constant 112 : i32
      %add3A_1641 = vector.broadcast %add3A_1640 : i32 to vector<16xi32>
      %add3A_1642 = arith.addi %iota3A, %add3A_1641 : vector<16xi32>
      tpu.vector_store_idx %arg7[%sub3A_1632, %add3A_1642], %broadcast_in_dim3A_5 masked %and3A_1639 : memref<200x128xi32, #tpu.memory_space<vmem>>[vector<16xi32>, vector<16xi32>], vector<16xi32>, vector<16xi1>
      %dma_start3A_1643 = arith.constant 400 : i32
      %dma_start3A_1644 = tpu.memref_slice %arg3[%scan3A_820, %dma_start3A_1643, %mul3A_2] : memref<26x1000x4096xi32, #tpu.memory_space<hbm>> -> memref<1x200x128xi32, #tpu.memory_space<hbm>>
      %dma_start3A_1645 = tpu.memref_squeeze %dma_start3A_1644 : memref<1x200x128xi32, #tpu.memory_space<hbm>> -> memref<200x128xi32, #tpu.memory_space<hbm>>
      %dma_start3A_1646 = arith.constant 400 : i32
      %dma_start3A_1647 = tpu.memref_slice %arg3[%scan3A_820, %dma_start3A_1646, %mul3A_2] : memref<26x1000x4096xi32, #tpu.memory_space<hbm>> -> memref<1x200x128xi32, #tpu.memory_space<hbm>>
      %dma_start3A_1648 = tpu.memref_squeeze %dma_start3A_1647 : memref<1x200x128xi32, #tpu.memory_space<hbm>> -> memref<200x128xi32, #tpu.memory_space<hbm>>
      tpu.enqueue_dma source(%arg7 : memref<200x128xi32, #tpu.memory_space<vmem>>) target(%dma_start3A_1648 : memref<200x128xi32, #tpu.memory_space<hbm>>) target_semaphore(%arg12 : memref<!tpu.dma_semaphore, #tpu.memory_space<semaphore_mem>>)
      %sub3A_1649 = arith.constant 1 : i32
      %sub3A_1650 = arith.subi %scan3A_820, %sub3A_1649 : i32
      %dma_wait3A_1651 = arith.constant 600 : i32
      %dma_wait3A_1652 = tpu.memref_slice %arg3[%sub3A_1650, %dma_wait3A_1651, %mul3A_2] : memref<26x1000x4096xi32, #tpu.memory_space<hbm>> -> memref<1x200x128xi32, #tpu.memory_space<hbm>>
      %dma_wait3A_1653 = tpu.memref_squeeze %dma_wait3A_1652 : memref<1x200x128xi32, #tpu.memory_space<hbm>> -> memref<200x128xi32, #tpu.memory_space<hbm>>
      %dma_wait3A_1654 = arith.constant 600 : i32
      %dma_wait3A_1655 = tpu.memref_slice %arg3[%sub3A_1650, %dma_wait3A_1654, %mul3A_2] : memref<26x1000x4096xi32, #tpu.memory_space<hbm>> -> memref<1x200x128xi32, #tpu.memory_space<hbm>>
      %dma_wait3A_1656 = tpu.memref_squeeze %dma_wait3A_1655 : memref<1x200x128xi32, #tpu.memory_space<hbm>> -> memref<200x128xi32, #tpu.memory_space<hbm>>
      tpu.wait_dma2 semaphore(%arg13 : memref<!tpu.dma_semaphore, #tpu.memory_space<semaphore_mem>>) src(%arg8 : memref<200x128xi32, #tpu.memory_space<vmem>>) dst(%dma_wait3A_1656 : memref<200x128xi32, #tpu.memory_space<hbm>>)
      %get3A_1657 = arith.index_cast %rem3A_825 : i32 to index
      %get3A_1658 = arith.constant 0 : index
      %get3A_1659 = tpu.vector_load %arg4[%get3A_1657, %get3A_1658] {strides = array<i32>} : memref<3x128xi32, #tpu.memory_space<vmem>>, vector<16xi32>,
      %sub3A_1660 = arith.constant 600 : i32
      %sub3A_1661 = vector.broadcast %sub3A_1660 : i32 to vector<16xi32>
      %sub3A_1662 = arith.subi %get3A_1659, %sub3A_1661 : vector<16xi32>
      %ge3A_1663 = arith.constant 0 : i32
      %ge3A_1664 = vector.broadcast %ge3A_1663 : i32 to vector<16xi32>
      %ge3A_1665 = arith.cmpi sge, %sub3A_1662, %ge3A_1664 : vector<16xi32>
      %lt3A_1666 = arith.constant 200 : i32
      %lt3A_1667 = vector.broadcast %lt3A_1666 : i32 to vector<16xi32>
      %lt3A_1668 = arith.cmpi slt, %sub3A_1662, %lt3A_1667 : vector<16xi32>
      %and3A_1669 = arith.andi %ge3A_1665, %lt3A_1668 : vector<16xi1>
      %add3A_1670 = arith.constant 0 : i32
      %add3A_1671 = vector.broadcast %add3A_1670 : i32 to vector<16xi32>
      %add3A_1672 = arith.addi %iota3A, %add3A_1671 : vector<16xi32>
      tpu.vector_store_idx %arg8[%sub3A_1662, %add3A_1672], %broadcast_in_dim3A_3 masked %and3A_1669 : memref<200x128xi32, #tpu.memory_space<vmem>>[vector<16xi32>, vector<16xi32>], vector<16xi32>, vector<16xi1>
      %get3A_1673 = arith.index_cast %rem3A_825 : i32 to index
      %get3A_1674 = arith.constant 16 : index
      %get3A_1675 = tpu.vector_load %arg4[%get3A_1673, %get3A_1674] {strides = array<i32>} : memref<3x128xi32, #tpu.memory_space<vmem>>, vector<16xi32>,
      %sub3A_1676 = arith.constant 600 : i32
      %sub3A_1677 = vector.broadcast %sub3A_1676 : i32 to vector<16xi32>
      %sub3A_1678 = arith.subi %get3A_1675, %sub3A_1677 : vector<16xi32>
      %ge3A_1679 = arith.constant 0 : i32
      %ge3A_1680 = vector.broadcast %ge3A_1679 : i32 to vector<16xi32>
      %ge3A_1681 = arith.cmpi sge, %sub3A_1678, %ge3A_1680 : vector<16xi32>
      %lt3A_1682 = arith.constant 200 : i32
      %lt3A_1683 = vector.broadcast %lt3A_1682 : i32 to vector<16xi32>
      %lt3A_1684 = arith.cmpi slt, %sub3A_1678, %lt3A_1683 : vector<16xi32>
      %and3A_1685 = arith.andi %ge3A_1681, %lt3A_1684 : vector<16xi1>
      %add3A_1686 = arith.constant 16 : i32
      %add3A_1687 = vector.broadcast %add3A_1686 : i32 to vector<16xi32>
      %add3A_1688 = arith.addi %iota3A, %add3A_1687 : vector<16xi32>
      tpu.vector_store_idx %arg8[%sub3A_1678, %add3A_1688], %broadcast_in_dim3A_3 masked %and3A_1685 : memref<200x128xi32, #tpu.memory_space<vmem>>[vector<16xi32>, vector<16xi32>], vector<16xi32>, vector<16xi1>
      %get3A_1689 = arith.index_cast %rem3A_825 : i32 to index
      %get3A_1690 = arith.constant 32 : index
      %get3A_1691 = tpu.vector_load %arg4[%get3A_1689, %get3A_1690] {strides = array<i32>} : memref<3x128xi32, #tpu.memory_space<vmem>>, vector<16xi32>,
      %sub3A_1692 = arith.constant 600 : i32
      %sub3A_1693 = vector.broadcast %sub3A_1692 : i32 to vector<16xi32>
      %sub3A_1694 = arith.subi %get3A_1691, %sub3A_1693 : vector<16xi32>
      %ge3A_1695 = arith.constant 0 : i32
      %ge3A_1696 = vector.broadcast %ge3A_1695 : i32 to vector<16xi32>
      %ge3A_1697 = arith.cmpi sge, %sub3A_1694, %ge3A_1696 : vector<16xi32>
      %lt3A_1698 = arith.constant 200 : i32
      %lt3A_1699 = vector.broadcast %lt3A_1698 : i32 to vector<16xi32>
      %lt3A_1700 = arith.cmpi slt, %sub3A_1694, %lt3A_1699 : vector<16xi32>
      %and3A_1701 = arith.andi %ge3A_1697, %lt3A_1700 : vector<16xi1>
      %add3A_1702 = arith.constant 32 : i32
      %add3A_1703 = vector.broadcast %add3A_1702 : i32 to vector<16xi32>
      %add3A_1704 = arith.addi %iota3A, %add3A_1703 : vector<16xi32>
      tpu.vector_store_idx %arg8[%sub3A_1694, %add3A_1704], %broadcast_in_dim3A_3 masked %and3A_1701 : memref<200x128xi32, #tpu.memory_space<vmem>>[vector<16xi32>, vector<16xi32>], vector<16xi32>, vector<16xi1>
      %get3A_1705 = arith.index_cast %rem3A_825 : i32 to index
      %get3A_1706 = arith.constant 48 : index
      %get3A_1707 = tpu.vector_load %arg4[%get3A_1705, %get3A_1706] {strides = array<i32>} : memref<3x128xi32, #tpu.memory_space<vmem>>, vector<16xi32>,
      %sub3A_1708 = arith.constant 600 : i32
      %sub3A_1709 = vector.broadcast %sub3A_1708 : i32 to vector<16xi32>
      %sub3A_1710 = arith.subi %get3A_1707, %sub3A_1709 : vector<16xi32>
      %ge3A_1711 = arith.constant 0 : i32
      %ge3A_1712 = vector.broadcast %ge3A_1711 : i32 to vector<16xi32>
      %ge3A_1713 = arith.cmpi sge, %sub3A_1710, %ge3A_1712 : vector<16xi32>
      %lt3A_1714 = arith.constant 200 : i32
      %lt3A_1715 = vector.broadcast %lt3A_1714 : i32 to vector<16xi32>
      %lt3A_1716 = arith.cmpi slt, %sub3A_1710, %lt3A_1715 : vector<16xi32>
      %and3A_1717 = arith.andi %ge3A_1713, %lt3A_1716 : vector<16xi1>
      %add3A_1718 = arith.constant 48 : i32
      %add3A_1719 = vector.broadcast %add3A_1718 : i32 to vector<16xi32>
      %add3A_1720 = arith.addi %iota3A, %add3A_1719 : vector<16xi32>
      tpu.vector_store_idx %arg8[%sub3A_1710, %add3A_1720], %broadcast_in_dim3A_3 masked %and3A_1717 : memref<200x128xi32, #tpu.memory_space<vmem>>[vector<16xi32>, vector<16xi32>], vector<16xi32>, vector<16xi1>
      %get3A_1721 = arith.index_cast %rem3A_825 : i32 to index
      %get3A_1722 = arith.constant 64 : index
      %get3A_1723 = tpu.vector_load %arg4[%get3A_1721, %get3A_1722] {strides = array<i32>} : memref<3x128xi32, #tpu.memory_space<vmem>>, vector<16xi32>,
      %sub3A_1724 = arith.constant 600 : i32
      %sub3A_1725 = vector.broadcast %sub3A_1724 : i32 to vector<16xi32>
      %sub3A_1726 = arith.subi %get3A_1723, %sub3A_1725 : vector<16xi32>
      %ge3A_1727 = arith.constant 0 : i32
      %ge3A_1728 = vector.broadcast %ge3A_1727 : i32 to vector<16xi32>
      %ge3A_1729 = arith.cmpi sge, %sub3A_1726, %ge3A_1728 : vector<16xi32>
      %lt3A_1730 = arith.constant 200 : i32
      %lt3A_1731 = vector.broadcast %lt3A_1730 : i32 to vector<16xi32>
      %lt3A_1732 = arith.cmpi slt, %sub3A_1726, %lt3A_1731 : vector<16xi32>
      %and3A_1733 = arith.andi %ge3A_1729, %lt3A_1732 : vector<16xi1>
      %add3A_1734 = arith.constant 64 : i32
      %add3A_1735 = vector.broadcast %add3A_1734 : i32 to vector<16xi32>
      %add3A_1736 = arith.addi %iota3A, %add3A_1735 : vector<16xi32>
      tpu.vector_store_idx %arg8[%sub3A_1726, %add3A_1736], %broadcast_in_dim3A_3 masked %and3A_1733 : memref<200x128xi32, #tpu.memory_space<vmem>>[vector<16xi32>, vector<16xi32>], vector<16xi32>, vector<16xi1>
      %get3A_1737 = arith.index_cast %rem3A_825 : i32 to index
      %get3A_1738 = arith.constant 80 : index
      %get3A_1739 = tpu.vector_load %arg4[%get3A_1737, %get3A_1738] {strides = array<i32>} : memref<3x128xi32, #tpu.memory_space<vmem>>, vector<16xi32>,
      %sub3A_1740 = arith.constant 600 : i32
      %sub3A_1741 = vector.broadcast %sub3A_1740 : i32 to vector<16xi32>
      %sub3A_1742 = arith.subi %get3A_1739, %sub3A_1741 : vector<16xi32>
      %ge3A_1743 = arith.constant 0 : i32
      %ge3A_1744 = vector.broadcast %ge3A_1743 : i32 to vector<16xi32>
      %ge3A_1745 = arith.cmpi sge, %sub3A_1742, %ge3A_1744 : vector<16xi32>
      %lt3A_1746 = arith.constant 200 : i32
      %lt3A_1747 = vector.broadcast %lt3A_1746 : i32 to vector<16xi32>
      %lt3A_1748 = arith.cmpi slt, %sub3A_1742, %lt3A_1747 : vector<16xi32>
      %and3A_1749 = arith.andi %ge3A_1745, %lt3A_1748 : vector<16xi1>
      %add3A_1750 = arith.constant 80 : i32
      %add3A_1751 = vector.broadcast %add3A_1750 : i32 to vector<16xi32>
      %add3A_1752 = arith.addi %iota3A, %add3A_1751 : vector<16xi32>
      tpu.vector_store_idx %arg8[%sub3A_1742, %add3A_1752], %broadcast_in_dim3A_3 masked %and3A_1749 : memref<200x128xi32, #tpu.memory_space<vmem>>[vector<16xi32>, vector<16xi32>], vector<16xi32>, vector<16xi1>
      %get3A_1753 = arith.index_cast %rem3A_825 : i32 to index
      %get3A_1754 = arith.constant 96 : index
      %get3A_1755 = tpu.vector_load %arg4[%get3A_1753, %get3A_1754] {strides = array<i32>} : memref<3x128xi32, #tpu.memory_space<vmem>>, vector<16xi32>,
      %sub3A_1756 = arith.constant 600 : i32
      %sub3A_1757 = vector.broadcast %sub3A_1756 : i32 to vector<16xi32>
      %sub3A_1758 = arith.subi %get3A_1755, %sub3A_1757 : vector<16xi32>
      %ge3A_1759 = arith.constant 0 : i32
      %ge3A_1760 = vector.broadcast %ge3A_1759 : i32 to vector<16xi32>
      %ge3A_1761 = arith.cmpi sge, %sub3A_1758, %ge3A_1760 : vector<16xi32>
      %lt3A_1762 = arith.constant 200 : i32
      %lt3A_1763 = vector.broadcast %lt3A_1762 : i32 to vector<16xi32>
      %lt3A_1764 = arith.cmpi slt, %sub3A_1758, %lt3A_1763 : vector<16xi32>
      %and3A_1765 = arith.andi %ge3A_1761, %lt3A_1764 : vector<16xi1>
      %add3A_1766 = arith.constant 96 : i32
      %add3A_1767 = vector.broadcast %add3A_1766 : i32 to vector<16xi32>
      %add3A_1768 = arith.addi %iota3A, %add3A_1767 : vector<16xi32>
      tpu.vector_store_idx %arg8[%sub3A_1758, %add3A_1768], %broadcast_in_dim3A_3 masked %and3A_1765 : memref<200x128xi32, #tpu.memory_space<vmem>>[vector<16xi32>, vector<16xi32>], vector<16xi32>, vector<16xi1>
      %get3A_1769 = arith.index_cast %rem3A_825 : i32 to index
      %get3A_1770 = arith.constant 112 : index
      %get3A_1771 = tpu.vector_load %arg4[%get3A_1769, %get3A_1770] {strides = array<i32>} : memref<3x128xi32, #tpu.memory_space<vmem>>, vector<16xi32>,
      %sub3A_1772 = arith.constant 600 : i32
      %sub3A_1773 = vector.broadcast %sub3A_1772 : i32 to vector<16xi32>
      %sub3A_1774 = arith.subi %get3A_1771, %sub3A_1773 : vector<16xi32>
      %ge3A_1775 = arith.constant 0 : i32
      %ge3A_1776 = vector.broadcast %ge3A_1775 : i32 to vector<16xi32>
      %ge3A_1777 = arith.cmpi sge, %sub3A_1774, %ge3A_1776 : vector<16xi32>
      %lt3A_1778 = arith.constant 200 : i32
      %lt3A_1779 = vector.broadcast %lt3A_1778 : i32 to vector<16xi32>
      %lt3A_1780 = arith.cmpi slt, %sub3A_1774, %lt3A_1779 : vector<16xi32>
      %and3A_1781 = arith.andi %ge3A_1777, %lt3A_1780 : vector<16xi1>
      %add3A_1782 = arith.constant 112 : i32
      %add3A_1783 = vector.broadcast %add3A_1782 : i32 to vector<16xi32>
      %add3A_1784 = arith.addi %iota3A, %add3A_1783 : vector<16xi32>
      tpu.vector_store_idx %arg8[%sub3A_1774, %add3A_1784], %broadcast_in_dim3A_3 masked %and3A_1781 : memref<200x128xi32, #tpu.memory_space<vmem>>[vector<16xi32>, vector<16xi32>], vector<16xi32>, vector<16xi1>
      %get3A_1785 = arith.index_cast %rem3A_821 : i32 to index
      %get3A_1786 = arith.constant 0 : index
      %get3A_1787 = tpu.vector_load %arg4[%get3A_1785, %get3A_1786] {strides = array<i32>} : memref<3x128xi32, #tpu.memory_space<vmem>>, vector<16xi32>,
      %sub3A_1788 = arith.constant 600 : i32
      %sub3A_1789 = vector.broadcast %sub3A_1788 : i32 to vector<16xi32>
      %sub3A_1790 = arith.subi %get3A_1787, %sub3A_1789 : vector<16xi32>
      %ge3A_1791 = arith.constant 0 : i32
      %ge3A_1792 = vector.broadcast %ge3A_1791 : i32 to vector<16xi32>
      %ge3A_1793 = arith.cmpi sge, %sub3A_1790, %ge3A_1792 : vector<16xi32>
      %lt3A_1794 = arith.constant 200 : i32
      %lt3A_1795 = vector.broadcast %lt3A_1794 : i32 to vector<16xi32>
      %lt3A_1796 = arith.cmpi slt, %sub3A_1790, %lt3A_1795 : vector<16xi32>
      %and3A_1797 = arith.andi %ge3A_1793, %lt3A_1796 : vector<16xi1>
      %add3A_1798 = arith.constant 0 : i32
      %add3A_1799 = vector.broadcast %add3A_1798 : i32 to vector<16xi32>
      %add3A_1800 = arith.addi %iota3A, %add3A_1799 : vector<16xi32>
      tpu.vector_store_idx %arg8[%sub3A_1790, %add3A_1800], %broadcast_in_dim3A_5 masked %and3A_1797 : memref<200x128xi32, #tpu.memory_space<vmem>>[vector<16xi32>, vector<16xi32>], vector<16xi32>, vector<16xi1>
      %get3A_1801 = arith.index_cast %rem3A_821 : i32 to index
      %get3A_1802 = arith.constant 16 : index
      %get3A_1803 = tpu.vector_load %arg4[%get3A_1801, %get3A_1802] {strides = array<i32>} : memref<3x128xi32, #tpu.memory_space<vmem>>, vector<16xi32>,
      %sub3A_1804 = arith.constant 600 : i32
      %sub3A_1805 = vector.broadcast %sub3A_1804 : i32 to vector<16xi32>
      %sub3A_1806 = arith.subi %get3A_1803, %sub3A_1805 : vector<16xi32>
      %ge3A_1807 = arith.constant 0 : i32
      %ge3A_1808 = vector.broadcast %ge3A_1807 : i32 to vector<16xi32>
      %ge3A_1809 = arith.cmpi sge, %sub3A_1806, %ge3A_1808 : vector<16xi32>
      %lt3A_1810 = arith.constant 200 : i32
      %lt3A_1811 = vector.broadcast %lt3A_1810 : i32 to vector<16xi32>
      %lt3A_1812 = arith.cmpi slt, %sub3A_1806, %lt3A_1811 : vector<16xi32>
      %and3A_1813 = arith.andi %ge3A_1809, %lt3A_1812 : vector<16xi1>
      %add3A_1814 = arith.constant 16 : i32
      %add3A_1815 = vector.broadcast %add3A_1814 : i32 to vector<16xi32>
      %add3A_1816 = arith.addi %iota3A, %add3A_1815 : vector<16xi32>
      tpu.vector_store_idx %arg8[%sub3A_1806, %add3A_1816], %broadcast_in_dim3A_5 masked %and3A_1813 : memref<200x128xi32, #tpu.memory_space<vmem>>[vector<16xi32>, vector<16xi32>], vector<16xi32>, vector<16xi1>
      %get3A_1817 = arith.index_cast %rem3A_821 : i32 to index
      %get3A_1818 = arith.constant 32 : index
      %get3A_1819 = tpu.vector_load %arg4[%get3A_1817, %get3A_1818] {strides = array<i32>} : memref<3x128xi32, #tpu.memory_space<vmem>>, vector<16xi32>,
      %sub3A_1820 = arith.constant 600 : i32
      %sub3A_1821 = vector.broadcast %sub3A_1820 : i32 to vector<16xi32>
      %sub3A_1822 = arith.subi %get3A_1819, %sub3A_1821 : vector<16xi32>
      %ge3A_1823 = arith.constant 0 : i32
      %ge3A_1824 = vector.broadcast %ge3A_1823 : i32 to vector<16xi32>
      %ge3A_1825 = arith.cmpi sge, %sub3A_1822, %ge3A_1824 : vector<16xi32>
      %lt3A_1826 = arith.constant 200 : i32
      %lt3A_1827 = vector.broadcast %lt3A_1826 : i32 to vector<16xi32>
      %lt3A_1828 = arith.cmpi slt, %sub3A_1822, %lt3A_1827 : vector<16xi32>
      %and3A_1829 = arith.andi %ge3A_1825, %lt3A_1828 : vector<16xi1>
      %add3A_1830 = arith.constant 32 : i32
      %add3A_1831 = vector.broadcast %add3A_1830 : i32 to vector<16xi32>
      %add3A_1832 = arith.addi %iota3A, %add3A_1831 : vector<16xi32>
      tpu.vector_store_idx %arg8[%sub3A_1822, %add3A_1832], %broadcast_in_dim3A_5 masked %and3A_1829 : memref<200x128xi32, #tpu.memory_space<vmem>>[vector<16xi32>, vector<16xi32>], vector<16xi32>, vector<16xi1>
      %get3A_1833 = arith.index_cast %rem3A_821 : i32 to index
      %get3A_1834 = arith.constant 48 : index
      %get3A_1835 = tpu.vector_load %arg4[%get3A_1833, %get3A_1834] {strides = array<i32>} : memref<3x128xi32, #tpu.memory_space<vmem>>, vector<16xi32>,
      %sub3A_1836 = arith.constant 600 : i32
      %sub3A_1837 = vector.broadcast %sub3A_1836 : i32 to vector<16xi32>
      %sub3A_1838 = arith.subi %get3A_1835, %sub3A_1837 : vector<16xi32>
      %ge3A_1839 = arith.constant 0 : i32
      %ge3A_1840 = vector.broadcast %ge3A_1839 : i32 to vector<16xi32>
      %ge3A_1841 = arith.cmpi sge, %sub3A_1838, %ge3A_1840 : vector<16xi32>
      %lt3A_1842 = arith.constant 200 : i32
      %lt3A_1843 = vector.broadcast %lt3A_1842 : i32 to vector<16xi32>
      %lt3A_1844 = arith.cmpi slt, %sub3A_1838, %lt3A_1843 : vector<16xi32>
      %and3A_1845 = arith.andi %ge3A_1841, %lt3A_1844 : vector<16xi1>
      %add3A_1846 = arith.constant 48 : i32
      %add3A_1847 = vector.broadcast %add3A_1846 : i32 to vector<16xi32>
      %add3A_1848 = arith.addi %iota3A, %add3A_1847 : vector<16xi32>
      tpu.vector_store_idx %arg8[%sub3A_1838, %add3A_1848], %broadcast_in_dim3A_5 masked %and3A_1845 : memref<200x128xi32, #tpu.memory_space<vmem>>[vector<16xi32>, vector<16xi32>], vector<16xi32>, vector<16xi1>
      %get3A_1849 = arith.index_cast %rem3A_821 : i32 to index
      %get3A_1850 = arith.constant 64 : index
      %get3A_1851 = tpu.vector_load %arg4[%get3A_1849, %get3A_1850] {strides = array<i32>} : memref<3x128xi32, #tpu.memory_space<vmem>>, vector<16xi32>,
      %sub3A_1852 = arith.constant 600 : i32
      %sub3A_1853 = vector.broadcast %sub3A_1852 : i32 to vector<16xi32>
      %sub3A_1854 = arith.subi %get3A_1851, %sub3A_1853 : vector<16xi32>
      %ge3A_1855 = arith.constant 0 : i32
      %ge3A_1856 = vector.broadcast %ge3A_1855 : i32 to vector<16xi32>
      %ge3A_1857 = arith.cmpi sge, %sub3A_1854, %ge3A_1856 : vector<16xi32>
      %lt3A_1858 = arith.constant 200 : i32
      %lt3A_1859 = vector.broadcast %lt3A_1858 : i32 to vector<16xi32>
      %lt3A_1860 = arith.cmpi slt, %sub3A_1854, %lt3A_1859 : vector<16xi32>
      %and3A_1861 = arith.andi %ge3A_1857, %lt3A_1860 : vector<16xi1>
      %add3A_1862 = arith.constant 64 : i32
      %add3A_1863 = vector.broadcast %add3A_1862 : i32 to vector<16xi32>
      %add3A_1864 = arith.addi %iota3A, %add3A_1863 : vector<16xi32>
      tpu.vector_store_idx %arg8[%sub3A_1854, %add3A_1864], %broadcast_in_dim3A_5 masked %and3A_1861 : memref<200x128xi32, #tpu.memory_space<vmem>>[vector<16xi32>, vector<16xi32>], vector<16xi32>, vector<16xi1>
      %get3A_1865 = arith.index_cast %rem3A_821 : i32 to index
      %get3A_1866 = arith.constant 80 : index
      %get3A_1867 = tpu.vector_load %arg4[%get3A_1865, %get3A_1866] {strides = array<i32>} : memref<3x128xi32, #tpu.memory_space<vmem>>, vector<16xi32>,
      %sub3A_1868 = arith.constant 600 : i32
      %sub3A_1869 = vector.broadcast %sub3A_1868 : i32 to vector<16xi32>
      %sub3A_1870 = arith.subi %get3A_1867, %sub3A_1869 : vector<16xi32>
      %ge3A_1871 = arith.constant 0 : i32
      %ge3A_1872 = vector.broadcast %ge3A_1871 : i32 to vector<16xi32>
      %ge3A_1873 = arith.cmpi sge, %sub3A_1870, %ge3A_1872 : vector<16xi32>
      %lt3A_1874 = arith.constant 200 : i32
      %lt3A_1875 = vector.broadcast %lt3A_1874 : i32 to vector<16xi32>
      %lt3A_1876 = arith.cmpi slt, %sub3A_1870, %lt3A_1875 : vector<16xi32>
      %and3A_1877 = arith.andi %ge3A_1873, %lt3A_1876 : vector<16xi1>
      %add3A_1878 = arith.constant 80 : i32
      %add3A_1879 = vector.broadcast %add3A_1878 : i32 to vector<16xi32>
      %add3A_1880 = arith.addi %iota3A, %add3A_1879 : vector<16xi32>
      tpu.vector_store_idx %arg8[%sub3A_1870, %add3A_1880], %broadcast_in_dim3A_5 masked %and3A_1877 : memref<200x128xi32, #tpu.memory_space<vmem>>[vector<16xi32>, vector<16xi32>], vector<16xi32>, vector<16xi1>
      %get3A_1881 = arith.index_cast %rem3A_821 : i32 to index
      %get3A_1882 = arith.constant 96 : index
      %get3A_1883 = tpu.vector_load %arg4[%get3A_1881, %get3A_1882] {strides = array<i32>} : memref<3x128xi32, #tpu.memory_space<vmem>>, vector<16xi32>,
      %sub3A_1884 = arith.constant 600 : i32
      %sub3A_1885 = vector.broadcast %sub3A_1884 : i32 to vector<16xi32>
      %sub3A_1886 = arith.subi %get3A_1883, %sub3A_1885 : vector<16xi32>
      %ge3A_1887 = arith.constant 0 : i32
      %ge3A_1888 = vector.broadcast %ge3A_1887 : i32 to vector<16xi32>
      %ge3A_1889 = arith.cmpi sge, %sub3A_1886, %ge3A_1888 : vector<16xi32>
      %lt3A_1890 = arith.constant 200 : i32
      %lt3A_1891 = vector.broadcast %lt3A_1890 : i32 to vector<16xi32>
      %lt3A_1892 = arith.cmpi slt, %sub3A_1886, %lt3A_1891 : vector<16xi32>
      %and3A_1893 = arith.andi %ge3A_1889, %lt3A_1892 : vector<16xi1>
      %add3A_1894 = arith.constant 96 : i32
      %add3A_1895 = vector.broadcast %add3A_1894 : i32 to vector<16xi32>
      %add3A_1896 = arith.addi %iota3A, %add3A_1895 : vector<16xi32>
      tpu.vector_store_idx %arg8[%sub3A_1886, %add3A_1896], %broadcast_in_dim3A_5 masked %and3A_1893 : memref<200x128xi32, #tpu.memory_space<vmem>>[vector<16xi32>, vector<16xi32>], vector<16xi32>, vector<16xi1>
      %get3A_1897 = arith.index_cast %rem3A_821 : i32 to index
      %get3A_1898 = arith.constant 112 : index
      %get3A_1899 = tpu.vector_load %arg4[%get3A_1897, %get3A_1898] {strides = array<i32>} : memref<3x128xi32, #tpu.memory_space<vmem>>, vector<16xi32>,
      %sub3A_1900 = arith.constant 600 : i32
      %sub3A_1901 = vector.broadcast %sub3A_1900 : i32 to vector<16xi32>
      %sub3A_1902 = arith.subi %get3A_1899, %sub3A_1901 : vector<16xi32>
      %ge3A_1903 = arith.constant 0 : i32
      %ge3A_1904 = vector.broadcast %ge3A_1903 : i32 to vector<16xi32>
      %ge3A_1905 = arith.cmpi sge, %sub3A_1902, %ge3A_1904 : vector<16xi32>
      %lt3A_1906 = arith.constant 200 : i32
      %lt3A_1907 = vector.broadcast %lt3A_1906 : i32 to vector<16xi32>
      %lt3A_1908 = arith.cmpi slt, %sub3A_1902, %lt3A_1907 : vector<16xi32>
      %and3A_1909 = arith.andi %ge3A_1905, %lt3A_1908 : vector<16xi1>
      %add3A_1910 = arith.constant 112 : i32
      %add3A_1911 = vector.broadcast %add3A_1910 : i32 to vector<16xi32>
      %add3A_1912 = arith.addi %iota3A, %add3A_1911 : vector<16xi32>
      tpu.vector_store_idx %arg8[%sub3A_1902, %add3A_1912], %broadcast_in_dim3A_5 masked %and3A_1909 : memref<200x128xi32, #tpu.memory_space<vmem>>[vector<16xi32>, vector<16xi32>], vector<16xi32>, vector<16xi1>
      %dma_start3A_1913 = arith.constant 600 : i32
      %dma_start3A_1914 = tpu.memref_slice %arg3[%scan3A_820, %dma_start3A_1913, %mul3A_2] : memref<26x1000x4096xi32, #tpu.memory_space<hbm>> -> memref<1x200x128xi32, #tpu.memory_space<hbm>>
      %dma_start3A_1915 = tpu.memref_squeeze %dma_start3A_1914 : memref<1x200x128xi32, #tpu.memory_space<hbm>> -> memref<200x128xi32, #tpu.memory_space<hbm>>
      %dma_start3A_1916 = arith.constant 600 : i32
      %dma_start3A_1917 = tpu.memref_slice %arg3[%scan3A_820, %dma_start3A_1916, %mul3A_2] : memref<26x1000x4096xi32, #tpu.memory_space<hbm>> -> memref<1x200x128xi32, #tpu.memory_space<hbm>>
      %dma_start3A_1918 = tpu.memref_squeeze %dma_start3A_1917 : memref<1x200x128xi32, #tpu.memory_space<hbm>> -> memref<200x128xi32, #tpu.memory_space<hbm>>
      tpu.enqueue_dma source(%arg8 : memref<200x128xi32, #tpu.memory_space<vmem>>) target(%dma_start3A_1918 : memref<200x128xi32, #tpu.memory_space<hbm>>) target_semaphore(%arg13 : memref<!tpu.dma_semaphore, #tpu.memory_space<semaphore_mem>>)
      %sub3A_1919 = arith.constant 1 : i32
      %sub3A_1920 = arith.subi %scan3A_820, %sub3A_1919 : i32
      %dma_wait3A_1921 = arith.constant 800 : i32
      %dma_wait3A_1922 = tpu.memref_slice %arg3[%sub3A_1920, %dma_wait3A_1921, %mul3A_2] : memref<26x1000x4096xi32, #tpu.memory_space<hbm>> -> memref<1x200x128xi32, #tpu.memory_space<hbm>>
      %dma_wait3A_1923 = tpu.memref_squeeze %dma_wait3A_1922 : memref<1x200x128xi32, #tpu.memory_space<hbm>> -> memref<200x128xi32, #tpu.memory_space<hbm>>
      %dma_wait3A_1924 = arith.constant 800 : i32
      %dma_wait3A_1925 = tpu.memref_slice %arg3[%sub3A_1920, %dma_wait3A_1924, %mul3A_2] : memref<26x1000x4096xi32, #tpu.memory_space<hbm>> -> memref<1x200x128xi32, #tpu.memory_space<hbm>>
      %dma_wait3A_1926 = tpu.memref_squeeze %dma_wait3A_1925 : memref<1x200x128xi32, #tpu.memory_space<hbm>> -> memref<200x128xi32, #tpu.memory_space<hbm>>
      tpu.wait_dma2 semaphore(%arg14 : memref<!tpu.dma_semaphore, #tpu.memory_space<semaphore_mem>>) src(%arg9 : memref<200x128xi32, #tpu.memory_space<vmem>>) dst(%dma_wait3A_1926 : memref<200x128xi32, #tpu.memory_space<hbm>>)
      %get3A_1927 = arith.index_cast %rem3A_825 : i32 to index
      %get3A_1928 = arith.constant 0 : index
      %get3A_1929 = tpu.vector_load %arg4[%get3A_1927, %get3A_1928] {strides = array<i32>} : memref<3x128xi32, #tpu.memory_space<vmem>>, vector<16xi32>,
      %sub3A_1930 = arith.constant 800 : i32
      %sub3A_1931 = vector.broadcast %sub3A_1930 : i32 to vector<16xi32>
      %sub3A_1932 = arith.subi %get3A_1929, %sub3A_1931 : vector<16xi32>
      %ge3A_1933 = arith.constant 0 : i32
      %ge3A_1934 = vector.broadcast %ge3A_1933 : i32 to vector<16xi32>
      %ge3A_1935 = arith.cmpi sge, %sub3A_1932, %ge3A_1934 : vector<16xi32>
      %lt3A_1936 = arith.constant 200 : i32
      %lt3A_1937 = vector.broadcast %lt3A_1936 : i32 to vector<16xi32>
      %lt3A_1938 = arith.cmpi slt, %sub3A_1932, %lt3A_1937 : vector<16xi32>
      %and3A_1939 = arith.andi %ge3A_1935, %lt3A_1938 : vector<16xi1>
      %add3A_1940 = arith.constant 0 : i32
      %add3A_1941 = vector.broadcast %add3A_1940 : i32 to vector<16xi32>
      %add3A_1942 = arith.addi %iota3A, %add3A_1941 : vector<16xi32>
      tpu.vector_store_idx %arg9[%sub3A_1932, %add3A_1942], %broadcast_in_dim3A_3 masked %and3A_1939 : memref<200x128xi32, #tpu.memory_space<vmem>>[vector<16xi32>, vector<16xi32>], vector<16xi32>, vector<16xi1>
      %get3A_1943 = arith.index_cast %rem3A_825 : i32 to index
      %get3A_1944 = arith.constant 16 : index
      %get3A_1945 = tpu.vector_load %arg4[%get3A_1943, %get3A_1944] {strides = array<i32>} : memref<3x128xi32, #tpu.memory_space<vmem>>, vector<16xi32>,
      %sub3A_1946 = arith.constant 800 : i32
      %sub3A_1947 = vector.broadcast %sub3A_1946 : i32 to vector<16xi32>
      %sub3A_1948 = arith.subi %get3A_1945, %sub3A_1947 : vector<16xi32>
      %ge3A_1949 = arith.constant 0 : i32
      %ge3A_1950 = vector.broadcast %ge3A_1949 : i32 to vector<16xi32>
      %ge3A_1951 = arith.cmpi sge, %sub3A_1948, %ge3A_1950 : vector<16xi32>
      %lt3A_1952 = arith.constant 200 : i32
      %lt3A_1953 = vector.broadcast %lt3A_1952 : i32 to vector<16xi32>
      %lt3A_1954 = arith.cmpi slt, %sub3A_1948, %lt3A_1953 : vector<16xi32>
      %and3A_1955 = arith.andi %ge3A_1951, %lt3A_1954 : vector<16xi1>
      %add3A_1956 = arith.constant 16 : i32
      %add3A_1957 = vector.broadcast %add3A_1956 : i32 to vector<16xi32>
      %add3A_1958 = arith.addi %iota3A, %add3A_1957 : vector<16xi32>
      tpu.vector_store_idx %arg9[%sub3A_1948, %add3A_1958], %broadcast_in_dim3A_3 masked %and3A_1955 : memref<200x128xi32, #tpu.memory_space<vmem>>[vector<16xi32>, vector<16xi32>], vector<16xi32>, vector<16xi1>
      %get3A_1959 = arith.index_cast %rem3A_825 : i32 to index
      %get3A_1960 = arith.constant 32 : index
      %get3A_1961 = tpu.vector_load %arg4[%get3A_1959, %get3A_1960] {strides = array<i32>} : memref<3x128xi32, #tpu.memory_space<vmem>>, vector<16xi32>,
      %sub3A_1962 = arith.constant 800 : i32
      %sub3A_1963 = vector.broadcast %sub3A_1962 : i32 to vector<16xi32>
      %sub3A_1964 = arith.subi %get3A_1961, %sub3A_1963 : vector<16xi32>
      %ge3A_1965 = arith.constant 0 : i32
      %ge3A_1966 = vector.broadcast %ge3A_1965 : i32 to vector<16xi32>
      %ge3A_1967 = arith.cmpi sge, %sub3A_1964, %ge3A_1966 : vector<16xi32>
      %lt3A_1968 = arith.constant 200 : i32
      %lt3A_1969 = vector.broadcast %lt3A_1968 : i32 to vector<16xi32>
      %lt3A_1970 = arith.cmpi slt, %sub3A_1964, %lt3A_1969 : vector<16xi32>
      %and3A_1971 = arith.andi %ge3A_1967, %lt3A_1970 : vector<16xi1>
      %add3A_1972 = arith.constant 32 : i32
      %add3A_1973 = vector.broadcast %add3A_1972 : i32 to vector<16xi32>
      %add3A_1974 = arith.addi %iota3A, %add3A_1973 : vector<16xi32>
      tpu.vector_store_idx %arg9[%sub3A_1964, %add3A_1974], %broadcast_in_dim3A_3 masked %and3A_1971 : memref<200x128xi32, #tpu.memory_space<vmem>>[vector<16xi32>, vector<16xi32>], vector<16xi32>, vector<16xi1>
      %get3A_1975 = arith.index_cast %rem3A_825 : i32 to index
      %get3A_1976 = arith.constant 48 : index
      %get3A_1977 = tpu.vector_load %arg4[%get3A_1975, %get3A_1976] {strides = array<i32>} : memref<3x128xi32, #tpu.memory_space<vmem>>, vector<16xi32>,
      %sub3A_1978 = arith.constant 800 : i32
      %sub3A_1979 = vector.broadcast %sub3A_1978 : i32 to vector<16xi32>
      %sub3A_1980 = arith.subi %get3A_1977, %sub3A_1979 : vector<16xi32>
      %ge3A_1981 = arith.constant 0 : i32
      %ge3A_1982 = vector.broadcast %ge3A_1981 : i32 to vector<16xi32>
      %ge3A_1983 = arith.cmpi sge, %sub3A_1980, %ge3A_1982 : vector<16xi32>
      %lt3A_1984 = arith.constant 200 : i32
      %lt3A_1985 = vector.broadcast %lt3A_1984 : i32 to vector<16xi32>
      %lt3A_1986 = arith.cmpi slt, %sub3A_1980, %lt3A_1985 : vector<16xi32>
      %and3A_1987 = arith.andi %ge3A_1983, %lt3A_1986 : vector<16xi1>
      %add3A_1988 = arith.constant 48 : i32
      %add3A_1989 = vector.broadcast %add3A_1988 : i32 to vector<16xi32>
      %add3A_1990 = arith.addi %iota3A, %add3A_1989 : vector<16xi32>
      tpu.vector_store_idx %arg9[%sub3A_1980, %add3A_1990], %broadcast_in_dim3A_3 masked %and3A_1987 : memref<200x128xi32, #tpu.memory_space<vmem>>[vector<16xi32>, vector<16xi32>], vector<16xi32>, vector<16xi1>
      %get3A_1991 = arith.index_cast %rem3A_825 : i32 to index
      %get3A_1992 = arith.constant 64 : index
      %get3A_1993 = tpu.vector_load %arg4[%get3A_1991, %get3A_1992] {strides = array<i32>} : memref<3x128xi32, #tpu.memory_space<vmem>>, vector<16xi32>,
      %sub3A_1994 = arith.constant 800 : i32
      %sub3A_1995 = vector.broadcast %sub3A_1994 : i32 to vector<16xi32>
      %sub3A_1996 = arith.subi %get3A_1993, %sub3A_1995 : vector<16xi32>
      %ge3A_1997 = arith.constant 0 : i32
      %ge3A_1998 = vector.broadcast %ge3A_1997 : i32 to vector<16xi32>
      %ge3A_1999 = arith.cmpi sge, %sub3A_1996, %ge3A_1998 : vector<16xi32>
      %lt3A_2000 = arith.constant 200 : i32
      %lt3A_2001 = vector.broadcast %lt3A_2000 : i32 to vector<16xi32>
      %lt3A_2002 = arith.cmpi slt, %sub3A_1996, %lt3A_2001 : vector<16xi32>
      %and3A_2003 = arith.andi %ge3A_1999, %lt3A_2002 : vector<16xi1>
      %add3A_2004 = arith.constant 64 : i32
      %add3A_2005 = vector.broadcast %add3A_2004 : i32 to vector<16xi32>
      %add3A_2006 = arith.addi %iota3A, %add3A_2005 : vector<16xi32>
      tpu.vector_store_idx %arg9[%sub3A_1996, %add3A_2006], %broadcast_in_dim3A_3 masked %and3A_2003 : memref<200x128xi32, #tpu.memory_space<vmem>>[vector<16xi32>, vector<16xi32>], vector<16xi32>, vector<16xi1>
      %get3A_2007 = arith.index_cast %rem3A_825 : i32 to index
      %get3A_2008 = arith.constant 80 : index
      %get3A_2009 = tpu.vector_load %arg4[%get3A_2007, %get3A_2008] {strides = array<i32>} : memref<3x128xi32, #tpu.memory_space<vmem>>, vector<16xi32>,
      %sub3A_2010 = arith.constant 800 : i32
      %sub3A_2011 = vector.broadcast %sub3A_2010 : i32 to vector<16xi32>
      %sub3A_2012 = arith.subi %get3A_2009, %sub3A_2011 : vector<16xi32>
      %ge3A_2013 = arith.constant 0 : i32
      %ge3A_2014 = vector.broadcast %ge3A_2013 : i32 to vector<16xi32>
      %ge3A_2015 = arith.cmpi sge, %sub3A_2012, %ge3A_2014 : vector<16xi32>
      %lt3A_2016 = arith.constant 200 : i32
      %lt3A_2017 = vector.broadcast %lt3A_2016 : i32 to vector<16xi32>
      %lt3A_2018 = arith.cmpi slt, %sub3A_2012, %lt3A_2017 : vector<16xi32>
      %and3A_2019 = arith.andi %ge3A_2015, %lt3A_2018 : vector<16xi1>
      %add3A_2020 = arith.constant 80 : i32
      %add3A_2021 = vector.broadcast %add3A_2020 : i32 to vector<16xi32>
      %add3A_2022 = arith.addi %iota3A, %add3A_2021 : vector<16xi32>
      tpu.vector_store_idx %arg9[%sub3A_2012, %add3A_2022], %broadcast_in_dim3A_3 masked %and3A_2019 : memref<200x128xi32, #tpu.memory_space<vmem>>[vector<16xi32>, vector<16xi32>], vector<16xi32>, vector<16xi1>
      %get3A_2023 = arith.index_cast %rem3A_825 : i32 to index
      %get3A_2024 = arith.constant 96 : index
      %get3A_2025 = tpu.vector_load %arg4[%get3A_2023, %get3A_2024] {strides = array<i32>} : memref<3x128xi32, #tpu.memory_space<vmem>>, vector<16xi32>,
      %sub3A_2026 = arith.constant 800 : i32
      %sub3A_2027 = vector.broadcast %sub3A_2026 : i32 to vector<16xi32>
      %sub3A_2028 = arith.subi %get3A_2025, %sub3A_2027 : vector<16xi32>
      %ge3A_2029 = arith.constant 0 : i32
      %ge3A_2030 = vector.broadcast %ge3A_2029 : i32 to vector<16xi32>
      %ge3A_2031 = arith.cmpi sge, %sub3A_2028, %ge3A_2030 : vector<16xi32>
      %lt3A_2032 = arith.constant 200 : i32
      %lt3A_2033 = vector.broadcast %lt3A_2032 : i32 to vector<16xi32>
      %lt3A_2034 = arith.cmpi slt, %sub3A_2028, %lt3A_2033 : vector<16xi32>
      %and3A_2035 = arith.andi %ge3A_2031, %lt3A_2034 : vector<16xi1>
      %add3A_2036 = arith.constant 96 : i32
      %add3A_2037 = vector.broadcast %add3A_2036 : i32 to vector<16xi32>
      %add3A_2038 = arith.addi %iota3A, %add3A_2037 : vector<16xi32>
      tpu.vector_store_idx %arg9[%sub3A_2028, %add3A_2038], %broadcast_in_dim3A_3 masked %and3A_2035 : memref<200x128xi32, #tpu.memory_space<vmem>>[vector<16xi32>, vector<16xi32>], vector<16xi32>, vector<16xi1>
      %get3A_2039 = arith.index_cast %rem3A_825 : i32 to index
      %get3A_2040 = arith.constant 112 : index
      %get3A_2041 = tpu.vector_load %arg4[%get3A_2039, %get3A_2040] {strides = array<i32>} : memref<3x128xi32, #tpu.memory_space<vmem>>, vector<16xi32>,
      %sub3A_2042 = arith.constant 800 : i32
      %sub3A_2043 = vector.broadcast %sub3A_2042 : i32 to vector<16xi32>
      %sub3A_2044 = arith.subi %get3A_2041, %sub3A_2043 : vector<16xi32>
      %ge3A_2045 = arith.constant 0 : i32
      %ge3A_2046 = vector.broadcast %ge3A_2045 : i32 to vector<16xi32>
      %ge3A_2047 = arith.cmpi sge, %sub3A_2044, %ge3A_2046 : vector<16xi32>
      %lt3A_2048 = arith.constant 200 : i32
      %lt3A_2049 = vector.broadcast %lt3A_2048 : i32 to vector<16xi32>
      %lt3A_2050 = arith.cmpi slt, %sub3A_2044, %lt3A_2049 : vector<16xi32>
      %and3A_2051 = arith.andi %ge3A_2047, %lt3A_2050 : vector<16xi1>
      %add3A_2052 = arith.constant 112 : i32
      %add3A_2053 = vector.broadcast %add3A_2052 : i32 to vector<16xi32>
      %add3A_2054 = arith.addi %iota3A, %add3A_2053 : vector<16xi32>
      tpu.vector_store_idx %arg9[%sub3A_2044, %add3A_2054], %broadcast_in_dim3A_3 masked %and3A_2051 : memref<200x128xi32, #tpu.memory_space<vmem>>[vector<16xi32>, vector<16xi32>], vector<16xi32>, vector<16xi1>
      %get3A_2055 = arith.index_cast %rem3A_821 : i32 to index
      %get3A_2056 = arith.constant 0 : index
      %get3A_2057 = tpu.vector_load %arg4[%get3A_2055, %get3A_2056] {strides = array<i32>} : memref<3x128xi32, #tpu.memory_space<vmem>>, vector<16xi32>,
      %sub3A_2058 = arith.constant 800 : i32
      %sub3A_2059 = vector.broadcast %sub3A_2058 : i32 to vector<16xi32>
      %sub3A_2060 = arith.subi %get3A_2057, %sub3A_2059 : vector<16xi32>
      %ge3A_2061 = arith.constant 0 : i32
      %ge3A_2062 = vector.broadcast %ge3A_2061 : i32 to vector<16xi32>
      %ge3A_2063 = arith.cmpi sge, %sub3A_2060, %ge3A_2062 : vector<16xi32>
      %lt3A_2064 = arith.constant 200 : i32
      %lt3A_2065 = vector.broadcast %lt3A_2064 : i32 to vector<16xi32>
      %lt3A_2066 = arith.cmpi slt, %sub3A_2060, %lt3A_2065 : vector<16xi32>
      %and3A_2067 = arith.andi %ge3A_2063, %lt3A_2066 : vector<16xi1>
      %add3A_2068 = arith.constant 0 : i32
      %add3A_2069 = vector.broadcast %add3A_2068 : i32 to vector<16xi32>
      %add3A_2070 = arith.addi %iota3A, %add3A_2069 : vector<16xi32>
      tpu.vector_store_idx %arg9[%sub3A_2060, %add3A_2070], %broadcast_in_dim3A_5 masked %and3A_2067 : memref<200x128xi32, #tpu.memory_space<vmem>>[vector<16xi32>, vector<16xi32>], vector<16xi32>, vector<16xi1>
      %get3A_2071 = arith.index_cast %rem3A_821 : i32 to index
      %get3A_2072 = arith.constant 16 : index
      %get3A_2073 = tpu.vector_load %arg4[%get3A_2071, %get3A_2072] {strides = array<i32>} : memref<3x128xi32, #tpu.memory_space<vmem>>, vector<16xi32>,
      %sub3A_2074 = arith.constant 800 : i32
      %sub3A_2075 = vector.broadcast %sub3A_2074 : i32 to vector<16xi32>
      %sub3A_2076 = arith.subi %get3A_2073, %sub3A_2075 : vector<16xi32>
      %ge3A_2077 = arith.constant 0 : i32
      %ge3A_2078 = vector.broadcast %ge3A_2077 : i32 to vector<16xi32>
      %ge3A_2079 = arith.cmpi sge, %sub3A_2076, %ge3A_2078 : vector<16xi32>
      %lt3A_2080 = arith.constant 200 : i32
      %lt3A_2081 = vector.broadcast %lt3A_2080 : i32 to vector<16xi32>
      %lt3A_2082 = arith.cmpi slt, %sub3A_2076, %lt3A_2081 : vector<16xi32>
      %and3A_2083 = arith.andi %ge3A_2079, %lt3A_2082 : vector<16xi1>
      %add3A_2084 = arith.constant 16 : i32
      %add3A_2085 = vector.broadcast %add3A_2084 : i32 to vector<16xi32>
      %add3A_2086 = arith.addi %iota3A, %add3A_2085 : vector<16xi32>
      tpu.vector_store_idx %arg9[%sub3A_2076, %add3A_2086], %broadcast_in_dim3A_5 masked %and3A_2083 : memref<200x128xi32, #tpu.memory_space<vmem>>[vector<16xi32>, vector<16xi32>], vector<16xi32>, vector<16xi1>
      %get3A_2087 = arith.index_cast %rem3A_821 : i32 to index
      %get3A_2088 = arith.constant 32 : index
      %get3A_2089 = tpu.vector_load %arg4[%get3A_2087, %get3A_2088] {strides = array<i32>} : memref<3x128xi32, #tpu.memory_space<vmem>>, vector<16xi32>,
      %sub3A_2090 = arith.constant 800 : i32
      %sub3A_2091 = vector.broadcast %sub3A_2090 : i32 to vector<16xi32>
      %sub3A_2092 = arith.subi %get3A_2089, %sub3A_2091 : vector<16xi32>
      %ge3A_2093 = arith.constant 0 : i32
      %ge3A_2094 = vector.broadcast %ge3A_2093 : i32 to vector<16xi32>
      %ge3A_2095 = arith.cmpi sge, %sub3A_2092, %ge3A_2094 : vector<16xi32>
      %lt3A_2096 = arith.constant 200 : i32
      %lt3A_2097 = vector.broadcast %lt3A_2096 : i32 to vector<16xi32>
      %lt3A_2098 = arith.cmpi slt, %sub3A_2092, %lt3A_2097 : vector<16xi32>
      %and3A_2099 = arith.andi %ge3A_2095, %lt3A_2098 : vector<16xi1>
      %add3A_2100 = arith.constant 32 : i32
      %add3A_2101 = vector.broadcast %add3A_2100 : i32 to vector<16xi32>
      %add3A_2102 = arith.addi %iota3A, %add3A_2101 : vector<16xi32>
      tpu.vector_store_idx %arg9[%sub3A_2092, %add3A_2102], %broadcast_in_dim3A_5 masked %and3A_2099 : memref<200x128xi32, #tpu.memory_space<vmem>>[vector<16xi32>, vector<16xi32>], vector<16xi32>, vector<16xi1>
      %get3A_2103 = arith.index_cast %rem3A_821 : i32 to index
      %get3A_2104 = arith.constant 48 : index
      %get3A_2105 = tpu.vector_load %arg4[%get3A_2103, %get3A_2104] {strides = array<i32>} : memref<3x128xi32, #tpu.memory_space<vmem>>, vector<16xi32>,
      %sub3A_2106 = arith.constant 800 : i32
      %sub3A_2107 = vector.broadcast %sub3A_2106 : i32 to vector<16xi32>
      %sub3A_2108 = arith.subi %get3A_2105, %sub3A_2107 : vector<16xi32>
      %ge3A_2109 = arith.constant 0 : i32
      %ge3A_2110 = vector.broadcast %ge3A_2109 : i32 to vector<16xi32>
      %ge3A_2111 = arith.cmpi sge, %sub3A_2108, %ge3A_2110 : vector<16xi32>
      %lt3A_2112 = arith.constant 200 : i32
      %lt3A_2113 = vector.broadcast %lt3A_2112 : i32 to vector<16xi32>
      %lt3A_2114 = arith.cmpi slt, %sub3A_2108, %lt3A_2113 : vector<16xi32>
      %and3A_2115 = arith.andi %ge3A_2111, %lt3A_2114 : vector<16xi1>
      %add3A_2116 = arith.constant 48 : i32
      %add3A_2117 = vector.broadcast %add3A_2116 : i32 to vector<16xi32>
      %add3A_2118 = arith.addi %iota3A, %add3A_2117 : vector<16xi32>
      tpu.vector_store_idx %arg9[%sub3A_2108, %add3A_2118], %broadcast_in_dim3A_5 masked %and3A_2115 : memref<200x128xi32, #tpu.memory_space<vmem>>[vector<16xi32>, vector<16xi32>], vector<16xi32>, vector<16xi1>
      %get3A_2119 = arith.index_cast %rem3A_821 : i32 to index
      %get3A_2120 = arith.constant 64 : index
      %get3A_2121 = tpu.vector_load %arg4[%get3A_2119, %get3A_2120] {strides = array<i32>} : memref<3x128xi32, #tpu.memory_space<vmem>>, vector<16xi32>,
      %sub3A_2122 = arith.constant 800 : i32
      %sub3A_2123 = vector.broadcast %sub3A_2122 : i32 to vector<16xi32>
      %sub3A_2124 = arith.subi %get3A_2121, %sub3A_2123 : vector<16xi32>
      %ge3A_2125 = arith.constant 0 : i32
      %ge3A_2126 = vector.broadcast %ge3A_2125 : i32 to vector<16xi32>
      %ge3A_2127 = arith.cmpi sge, %sub3A_2124, %ge3A_2126 : vector<16xi32>
      %lt3A_2128 = arith.constant 200 : i32
      %lt3A_2129 = vector.broadcast %lt3A_2128 : i32 to vector<16xi32>
      %lt3A_2130 = arith.cmpi slt, %sub3A_2124, %lt3A_2129 : vector<16xi32>
      %and3A_2131 = arith.andi %ge3A_2127, %lt3A_2130 : vector<16xi1>
      %add3A_2132 = arith.constant 64 : i32
      %add3A_2133 = vector.broadcast %add3A_2132 : i32 to vector<16xi32>
      %add3A_2134 = arith.addi %iota3A, %add3A_2133 : vector<16xi32>
      tpu.vector_store_idx %arg9[%sub3A_2124, %add3A_2134], %broadcast_in_dim3A_5 masked %and3A_2131 : memref<200x128xi32, #tpu.memory_space<vmem>>[vector<16xi32>, vector<16xi32>], vector<16xi32>, vector<16xi1>
      %get3A_2135 = arith.index_cast %rem3A_821 : i32 to index
      %get3A_2136 = arith.constant 80 : index
      %get3A_2137 = tpu.vector_load %arg4[%get3A_2135, %get3A_2136] {strides = array<i32>} : memref<3x128xi32, #tpu.memory_space<vmem>>, vector<16xi32>,
      %sub3A_2138 = arith.constant 800 : i32
      %sub3A_2139 = vector.broadcast %sub3A_2138 : i32 to vector<16xi32>
      %sub3A_2140 = arith.subi %get3A_2137, %sub3A_2139 : vector<16xi32>
      %ge3A_2141 = arith.constant 0 : i32
      %ge3A_2142 = vector.broadcast %ge3A_2141 : i32 to vector<16xi32>
      %ge3A_2143 = arith.cmpi sge, %sub3A_2140, %ge3A_2142 : vector<16xi32>
      %lt3A_2144 = arith.constant 200 : i32
      %lt3A_2145 = vector.broadcast %lt3A_2144 : i32 to vector<16xi32>
      %lt3A_2146 = arith.cmpi slt, %sub3A_2140, %lt3A_2145 : vector<16xi32>
      %and3A_2147 = arith.andi %ge3A_2143, %lt3A_2146 : vector<16xi1>
      %add3A_2148 = arith.constant 80 : i32
      %add3A_2149 = vector.broadcast %add3A_2148 : i32 to vector<16xi32>
      %add3A_2150 = arith.addi %iota3A, %add3A_2149 : vector<16xi32>
      tpu.vector_store_idx %arg9[%sub3A_2140, %add3A_2150], %broadcast_in_dim3A_5 masked %and3A_2147 : memref<200x128xi32, #tpu.memory_space<vmem>>[vector<16xi32>, vector<16xi32>], vector<16xi32>, vector<16xi1>
      %get3A_2151 = arith.index_cast %rem3A_821 : i32 to index
      %get3A_2152 = arith.constant 96 : index
      %get3A_2153 = tpu.vector_load %arg4[%get3A_2151, %get3A_2152] {strides = array<i32>} : memref<3x128xi32, #tpu.memory_space<vmem>>, vector<16xi32>,
      %sub3A_2154 = arith.constant 800 : i32
      %sub3A_2155 = vector.broadcast %sub3A_2154 : i32 to vector<16xi32>
      %sub3A_2156 = arith.subi %get3A_2153, %sub3A_2155 : vector<16xi32>
      %ge3A_2157 = arith.constant 0 : i32
      %ge3A_2158 = vector.broadcast %ge3A_2157 : i32 to vector<16xi32>
      %ge3A_2159 = arith.cmpi sge, %sub3A_2156, %ge3A_2158 : vector<16xi32>
      %lt3A_2160 = arith.constant 200 : i32
      %lt3A_2161 = vector.broadcast %lt3A_2160 : i32 to vector<16xi32>
      %lt3A_2162 = arith.cmpi slt, %sub3A_2156, %lt3A_2161 : vector<16xi32>
      %and3A_2163 = arith.andi %ge3A_2159, %lt3A_2162 : vector<16xi1>
      %add3A_2164 = arith.constant 96 : i32
      %add3A_2165 = vector.broadcast %add3A_2164 : i32 to vector<16xi32>
      %add3A_2166 = arith.addi %iota3A, %add3A_2165 : vector<16xi32>
      tpu.vector_store_idx %arg9[%sub3A_2156, %add3A_2166], %broadcast_in_dim3A_5 masked %and3A_2163 : memref<200x128xi32, #tpu.memory_space<vmem>>[vector<16xi32>, vector<16xi32>], vector<16xi32>, vector<16xi1>
      %get3A_2167 = arith.index_cast %rem3A_821 : i32 to index
      %get3A_2168 = arith.constant 112 : index
      %get3A_2169 = tpu.vector_load %arg4[%get3A_2167, %get3A_2168] {strides = array<i32>} : memref<3x128xi32, #tpu.memory_space<vmem>>, vector<16xi32>,
      %sub3A_2170 = arith.constant 800 : i32
      %sub3A_2171 = vector.broadcast %sub3A_2170 : i32 to vector<16xi32>
      %sub3A_2172 = arith.subi %get3A_2169, %sub3A_2171 : vector<16xi32>
      %ge3A_2173 = arith.constant 0 : i32
      %ge3A_2174 = vector.broadcast %ge3A_2173 : i32 to vector<16xi32>
      %ge3A_2175 = arith.cmpi sge, %sub3A_2172, %ge3A_2174 : vector<16xi32>
      %lt3A_2176 = arith.constant 200 : i32
      %lt3A_2177 = vector.broadcast %lt3A_2176 : i32 to vector<16xi32>
      %lt3A_2178 = arith.cmpi slt, %sub3A_2172, %lt3A_2177 : vector<16xi32>
      %and3A_2179 = arith.andi %ge3A_2175, %lt3A_2178 : vector<16xi1>
      %add3A_2180 = arith.constant 112 : i32
      %add3A_2181 = vector.broadcast %add3A_2180 : i32 to vector<16xi32>
      %add3A_2182 = arith.addi %iota3A, %add3A_2181 : vector<16xi32>
      tpu.vector_store_idx %arg9[%sub3A_2172, %add3A_2182], %broadcast_in_dim3A_5 masked %and3A_2179 : memref<200x128xi32, #tpu.memory_space<vmem>>[vector<16xi32>, vector<16xi32>], vector<16xi32>, vector<16xi1>
      %dma_start3A_2183 = arith.constant 800 : i32
      %dma_start3A_2184 = tpu.memref_slice %arg3[%scan3A_820, %dma_start3A_2183, %mul3A_2] : memref<26x1000x4096xi32, #tpu.memory_space<hbm>> -> memref<1x200x128xi32, #tpu.memory_space<hbm>>
      %dma_start3A_2185 = tpu.memref_squeeze %dma_start3A_2184 : memref<1x200x128xi32, #tpu.memory_space<hbm>> -> memref<200x128xi32, #tpu.memory_space<hbm>>
      %dma_start3A_2186 = arith.constant 800 : i32
      %dma_start3A_2187 = tpu.memref_slice %arg3[%scan3A_820, %dma_start3A_2186, %mul3A_2] : memref<26x1000x4096xi32, #tpu.memory_space<hbm>> -> memref<1x200x128xi32, #tpu.memory_space<hbm>>
      %dma_start3A_2188 = tpu.memref_squeeze %dma_start3A_2187 : memref<1x200x128xi32, #tpu.memory_space<hbm>> -> memref<200x128xi32, #tpu.memory_space<hbm>>
      tpu.enqueue_dma source(%arg9 : memref<200x128xi32, #tpu.memory_space<vmem>>) target(%dma_start3A_2188 : memref<200x128xi32, #tpu.memory_space<hbm>>) target_semaphore(%arg14 : memref<!tpu.dma_semaphore, #tpu.memory_space<semaphore_mem>>)
    }
    %scan3A_784 = arith.constant 25 : i32
    %dma_wait3A_785 = arith.constant 25 : i32
    %dma_wait3A_786 = arith.constant 0 : i32
    %dma_wait3A_787 = tpu.memref_slice %arg3[%dma_wait3A_785, %dma_wait3A_786, %mul3A_2] : memref<26x1000x4096xi32, #tpu.memory_space<hbm>> -> memref<1x200x128xi32, #tpu.memory_space<hbm>>
    %dma_wait3A_788 = tpu.memref_squeeze %dma_wait3A_787 : memref<1x200x128xi32, #tpu.memory_space<hbm>> -> memref<200x128xi32, #tpu.memory_space<hbm>>
    %dma_wait3A_789 = arith.constant 0 : i32
    %dma_wait3A_790 = tpu.memref_slice %arg3[%dma_wait3A_785, %dma_wait3A_789, %mul3A_2] : memref<26x1000x4096xi32, #tpu.memory_space<hbm>> -> memref<1x200x128xi32, #tpu.memory_space<hbm>>
    %dma_wait3A_791 = tpu.memref_squeeze %dma_wait3A_790 : memref<1x200x128xi32, #tpu.memory_space<hbm>> -> memref<200x128xi32, #tpu.memory_space<hbm>>
    tpu.wait_dma2 semaphore(%arg10 : memref<!tpu.dma_semaphore, #tpu.memory_space<semaphore_mem>>) src(%arg5 : memref<200x128xi32, #tpu.memory_space<vmem>>) dst(%dma_wait3A_791 : memref<200x128xi32, #tpu.memory_space<hbm>>)
    %dma_wait3A_792 = arith.constant 25 : i32
    %dma_wait3A_793 = arith.constant 200 : i32
    %dma_wait3A_794 = tpu.memref_slice %arg3[%dma_wait3A_792, %dma_wait3A_793, %mul3A_2] : memref<26x1000x4096xi32, #tpu.memory_space<hbm>> -> memref<1x200x128xi32, #tpu.memory_space<hbm>>
    %dma_wait3A_795 = tpu.memref_squeeze %dma_wait3A_794 : memref<1x200x128xi32, #tpu.memory_space<hbm>> -> memref<200x128xi32, #tpu.memory_space<hbm>>
    %dma_wait3A_796 = arith.constant 200 : i32
    %dma_wait3A_797 = tpu.memref_slice %arg3[%dma_wait3A_792, %dma_wait3A_796, %mul3A_2] : memref<26x1000x4096xi32, #tpu.memory_space<hbm>> -> memref<1x200x128xi32, #tpu.memory_space<hbm>>
    %dma_wait3A_798 = tpu.memref_squeeze %dma_wait3A_797 : memref<1x200x128xi32, #tpu.memory_space<hbm>> -> memref<200x128xi32, #tpu.memory_space<hbm>>
    tpu.wait_dma2 semaphore(%arg11 : memref<!tpu.dma_semaphore, #tpu.memory_space<semaphore_mem>>) src(%arg6 : memref<200x128xi32, #tpu.memory_space<vmem>>) dst(%dma_wait3A_798 : memref<200x128xi32, #tpu.memory_space<hbm>>)
    %dma_wait3A_799 = arith.constant 25 : i32
    %dma_wait3A_800 = arith.constant 400 : i32
    %dma_wait3A_801 = tpu.memref_slice %arg3[%dma_wait3A_799, %dma_wait3A_800, %mul3A_2] : memref<26x1000x4096xi32, #tpu.memory_space<hbm>> -> memref<1x200x128xi32, #tpu.memory_space<hbm>>
    %dma_wait3A_802 = tpu.memref_squeeze %dma_wait3A_801 : memref<1x200x128xi32, #tpu.memory_space<hbm>> -> memref<200x128xi32, #tpu.memory_space<hbm>>
    %dma_wait3A_803 = arith.constant 400 : i32
    %dma_wait3A_804 = tpu.memref_slice %arg3[%dma_wait3A_799, %dma_wait3A_803, %mul3A_2] : memref<26x1000x4096xi32, #tpu.memory_space<hbm>> -> memref<1x200x128xi32, #tpu.memory_space<hbm>>
    %dma_wait3A_805 = tpu.memref_squeeze %dma_wait3A_804 : memref<1x200x128xi32, #tpu.memory_space<hbm>> -> memref<200x128xi32, #tpu.memory_space<hbm>>
    tpu.wait_dma2 semaphore(%arg12 : memref<!tpu.dma_semaphore, #tpu.memory_space<semaphore_mem>>) src(%arg7 : memref<200x128xi32, #tpu.memory_space<vmem>>) dst(%dma_wait3A_805 : memref<200x128xi32, #tpu.memory_space<hbm>>)
    %dma_wait3A_806 = arith.constant 25 : i32
    %dma_wait3A_807 = arith.constant 600 : i32
    %dma_wait3A_808 = tpu.memref_slice %arg3[%dma_wait3A_806, %dma_wait3A_807, %mul3A_2] : memref<26x1000x4096xi32, #tpu.memory_space<hbm>> -> memref<1x200x128xi32, #tpu.memory_space<hbm>>
    %dma_wait3A_809 = tpu.memref_squeeze %dma_wait3A_808 : memref<1x200x128xi32, #tpu.memory_space<hbm>> -> memref<200x128xi32, #tpu.memory_space<hbm>>
    %dma_wait3A_810 = arith.constant 600 : i32
    %dma_wait3A_811 = tpu.memref_slice %arg3[%dma_wait3A_806, %dma_wait3A_810, %mul3A_2] : memref<26x1000x4096xi32, #tpu.memory_space<hbm>> -> memref<1x200x128xi32, #tpu.memory_space<hbm>>
    %dma_wait3A_812 = tpu.memref_squeeze %dma_wait3A_811 : memref<1x200x128xi32, #tpu.memory_space<hbm>> -> memref<200x128xi32, #tpu.memory_space<hbm>>
    tpu.wait_dma2 semaphore(%arg13 : memref<!tpu.dma_semaphore, #tpu.memory_space<semaphore_mem>>) src(%arg8 : memref<200x128xi32, #tpu.memory_space<vmem>>) dst(%dma_wait3A_812 : memref<200x128xi32, #tpu.memory_space<hbm>>)
    %dma_wait3A_813 = arith.constant 25 : i32
    %dma_wait3A_814 = arith.constant 800 : i32
    %dma_wait3A_815 = tpu.memref_slice %arg3[%dma_wait3A_813, %dma_wait3A_814, %mul3A_2] : memref<26x1000x4096xi32, #tpu.memory_space<hbm>> -> memref<1x200x128xi32, #tpu.memory_space<hbm>>
    %dma_wait3A_816 = tpu.memref_squeeze %dma_wait3A_815 : memref<1x200x128xi32, #tpu.memory_space<hbm>> -> memref<200x128xi32, #tpu.memory_space<hbm>>
    %dma_wait3A_817 = arith.constant 800 : i32
    %dma_wait3A_818 = tpu.memref_slice %arg3[%dma_wait3A_813, %dma_wait3A_817, %mul3A_2] : memref<26x1000x4096xi32, #tpu.memory_space<hbm>> -> memref<1x200x128xi32, #tpu.memory_space<hbm>>
    %dma_wait3A_819 = tpu.memref_squeeze %dma_wait3A_818 : memref<1x200x128xi32, #tpu.memory_space<hbm>> -> memref<200x128xi32, #tpu.memory_space<hbm>>
    tpu.wait_dma2 semaphore(%arg14 : memref<!tpu.dma_semaphore, #tpu.memory_space<semaphore_mem>>) src(%arg9 : memref<200x128xi32, #tpu.memory_space<vmem>>) dst(%dma_wait3A_819 : memref<200x128xi32, #tpu.memory_space<hbm>>)
    return
  }
}

</mosaic_0001>

<sc_bundles>
// kernel: kernel.3.cloned.1.call-start
scs
__scs_entry_jumppad:
0x0: {  	(pc) =	sbr.rel $0x88, $3  }
0x1: {  	(tag) =	ssettag $0x0;
	lr =	simm.s32 $0x1  }
0x2: {  	[smem:$0x3FA0] =	sst lr;
	_ =	strace $0xD0000000  }
0x3: {  	_ = 	snop  }
0x4: {  	_ = 	snop  }
0x5: {  	_ = 	snop  }
0x6: {  	_ = 	snop  }
0x7: {  	_ = 	snop  }
__scs_overlays_trampoline_lowered:
0x8: {  	[smem:$0x3FAF] =	sst s0  }
0x9: {  	[smem:$0x3FB0] =	sst s1  }
0xa: {  	[smem:$0x3FB1] =	sst s2  }
0xb: {  	[smem:$0x3FB2] =	sst s3  }
0xc: {  	[smem:$0x3FB3] =	sst s4  }
0xd: {  	[smem:$0x3FB4] =	sst s5  }
0xe: {  	[smem:$0x3FB5] =	sst s6  }
0xf: {  	[smem:$0x3FB6] =	sst s7  }
0x10: {  	[smem:$0x3FB7] =	sst s8  }
0x11: {  	[smem:$0x3FB8] =	sst s9;
	s0 =	simm.s32 @!p0 $0x0  }
0x12: {  	s1 =	sld [smem:$0x3F9E];
	s0 =	simm.s32 @p0 $0x1  }
0x13: {  	[smem:$0x3FB9] =	sst s0;
	s0 =	simm.s32 @!p1 $0x0  }
0x14: {  	s2 =	sld [smem:$0x3F9D];
	s0 =	simm.s32 @p1 $0x1  }
0x15: {  	[smem:$0x3FBA] =	sst s0;
	s0 =	simm.s32 @!p2 $0x0  }
0x16: {  	s3 =	sld [smem:$0x3FDB];
	s0 =	simm.s32 @p2 $0x1  }
0x17: {  	s4 =	simm.s32 $0x1BF5;
	[smem:$0x3FBC] =	sst s0  }
0x18: {  	s0 =	sld [smem:$0x3F9F];
	_ =	swait.ge [sflag:s4], $0x0  }
0x19: {  	s7 =	sld [smem:$0x3FA0]  }
0x1a: {  	s8 =	sadd.s32 $0xFFFFE003, lr  }
0x1b: {  	s9 =	sadd.s32 $0xFFFFFEF7, lr;
	s5 =	simm.s32 $0xFFFFFFFF;
	p2 =	slt.u32 s8, $0xFFFFF086  }
0x1c: {  	p1 =	slt.u32 s9, $0xF7A;
	s5 =	simm.s32 @!p2 $0x0  }
0x1d: {  	s5 =	simm.s32 @p1 $0x1;
	p0 =	seq.s32 s7, s2  }
0x1e: {  	s7 =	smul.u32 @!p0 $0xF7A, s2;
	p2 =	seq.s32 @!p0 s5, $0x0  }
0x1f: {  	s9 =	smul.u32 $0xF7A, s1;
	s8 =	simm.s32 @!p0 $0x1BF5;
	p2 =	por !p2, p0  }
0x20: {  	[sflag:s8] =	ssyncset.s32 @!p0 $0xFFFFF086;
	s6 =	sadd.s32 @!p0 s3, s7;
	s7 =	simm.s32 @!p0 $0x108  }
0x21: {  	s3 =	sadd.s32 s3, s9;
	s6 =	sadd.s32 @!p0 $0x88, s6;
	s7 =	simm.s32 @p2 $0x1082  }
0x22: {  	[simem:s7], [sflag:s8] =	dma.local @!p0 [hbm:s6], $0xF7A  }
0x23: {  	s9 =	sor.u32 $0xD0000000, s2;
	s6 =	simm.s32 $0x108;
	_ =	swait.ge @!p0 [sflag:s8], $0x0  }
0x24: {  	s3 =	sadd.s32 $0x88, s3;
	s6 =	simm.s32 @!p1 $0x1082;
	[sflag:s4] =	ssyncset.s32 $0xFFFFF086  }
0x25: {  	[simem:s6], [sflag:s4] =	dma.local [hbm:s3], $0xF7A  }
0x26: {  	[smem:$0x3FA0] =	sst s1;
	(tag) =	ssettag s2;
	_ =	strace s9  }
0x27: {  	s1 =	sld [smem:$0x3FB0]  }
0x28: {  	s2 =	sld [smem:$0x3FB1]  }
0x29: {  	s4 =	sld [smem:$0x3FB3]  }
0x2a: {  	p0 =	seq.s32 s5, $0x0;
	s5 =	sld [smem:$0x3FB4]  }
0x2b: {  	s6 =	sld [smem:$0x3FB5]  }
0x2c: {  	s7 =	sld [smem:$0x3FB6]  }
0x2d: {  	s3 =	simm.s32 $0x108;
	s8 =	sld [smem:$0x3FB7]  }
0x2e: {  	s3 =	simm.s32 @!p0 $0x1082;
	s9 =	sld [smem:$0x3FB8]  }
0x2f: {  	lr =	sadd.s32 s0, s3;
	s0 =	sld [smem:$0x3FAF]  }
0x30: {  	s3 =	sld [smem:$0x3FB2]  }
0x31: {  	[smem:$0x3FBB] =	sst s10  }
0x32: {  	s10 =	sld [smem:$0x3FB9];
	_ =	sdelay $0x3  }
0x33: {  	p0 =	seq.s32 s10, $0x1;
	s10 =	sld [smem:$0x3FBB];
	_ =	sdelay $0x3  }
0x34: {  	[smem:$0x3FBB] =	sst s10  }
0x35: {  	s10 =	sld [smem:$0x3FBA];
	_ =	sdelay $0x3  }
0x36: {  	p1 =	seq.s32 s10, $0x1;
	s10 =	sld [smem:$0x3FBB];
	_ =	sdelay $0x3  }
0x37: {  	[smem:$0x3FBB] =	sst s10  }
0x38: {  	s10 =	sld [smem:$0x3FBC]  }
0x39: {  	_ = 	snop;
	(pc) =	sbr.ind lr, $3  }
0x3a: {  	_ = 	snop  }
0x3b: {  	_ = 	snop  }
0x3c: {  	p2 =	seq.s32 s10, $0x1;
	s10 =	sld [smem:$0x3FBB]  }
0x3d: {  	_ =	shalt  }
0x3e: {  	_ =	shalt  }
0x3f: {  	_ =	shalt  }
0x40: {  	_ =	shalt  }
0x41: {  	_ =	shalt  }
0x42: {  	_ =	shalt  }
0x43: {  	_ =	shalt  }
0x44: {  	_ =	shalt  }
0x45: {  	_ =	shalt  }
0x46: {  	_ =	shalt  }
0x47: {  	_ =	shalt  }
0x48: {  	_ =	shalt  }
0x49: {  	_ =	shalt  }
0x4a: {  	_ =	shalt  }
0x4b: {  	_ =	shalt  }
0x4c: {  	_ =	shalt  }
0x4d: {  	_ =	shalt  }
0x4e: {  	_ =	shalt  }
0x4f: {  	_ =	shalt  }
0x50: {  	_ =	shalt  }
0x51: {  	_ =	shalt  }
0x52: {  	_ =	shalt  }
0x53: {  	_ =	shalt  }
0x54: {  	_ =	shalt  }
0x55: {  	_ =	shalt  }
0x56: {  	_ =	shalt  }
0x57: {  	_ =	shalt  }
0x58: {  	_ =	shalt  }
0x59: {  	_ =	shalt  }
0x5a: {  	_ =	shalt  }
0x5b: {  	_ =	shalt  }
0x5c: {  	_ =	shalt  }
0x5d: {  	_ =	shalt  }
0x5e: {  	_ =	shalt  }
0x5f: {  	_ =	shalt  }
0x60: {  	_ =	shalt  }
0x61: {  	_ =	shalt  }
0x62: {  	_ =	shalt  }
0x63: {  	_ =	shalt  }
0x64: {  	_ =	shalt  }
0x65: {  	_ =	shalt  }
0x66: {  	_ =	shalt  }
0x67: {  	_ =	shalt  }
0x68: {  	_ =	shalt  }
0x69: {  	_ =	shalt  }
0x6a: {  	_ =	shalt  }
0x6b: {  	_ =	shalt  }
0x6c: {  	_ =	shalt  }
0x6d: {  	_ =	shalt  }
0x6e: {  	_ =	shalt  }
0x6f: {  	_ =	shalt  }
0x70: {  	_ =	shalt  }
0x71: {  	_ =	shalt  }
0x72: {  	_ =	shalt  }
0x73: {  	_ =	shalt  }
0x74: {  	_ =	shalt  }
0x75: {  	_ =	shalt  }
0x76: {  	_ =	shalt  }
0x77: {  	_ =	shalt  }
0x78: {  	_ =	shalt  }
0x79: {  	_ =	shalt  }
0x7a: {  	_ =	shalt  }
0x7b: {  	_ =	shalt  }
0x7c: {  	_ =	shalt  }
0x7d: {  	_ =	shalt  }
0x7e: {  	_ =	shalt  }
0x7f: {  	_ =	shalt  }
0x80: {  	_ =	shalt  }
0x81: {  	_ =	shalt  }
0x82: {  	_ =	shalt  }
0x83: {  	_ =	shalt  }
0x84: {  	_ =	shalt  }
0x85: {  	_ =	shalt  }
0x86: {  	_ =	shalt  }
0x87: {  	_ =	shalt  }
.Lfunc_end0:
.L_simem_size_0:
called_computation_lowered:
.L_overlay_start_0:
0x88: {  	s2 =	sld [smem:$0x3FD9]  }
0x89: {  	s3 =	sld [smem:$0x3FFE];
	_ =	sdelay $0x1  }
0x8a: {  	s1 =	srdreg.scid  }
0x8b: {  	s0 =	sand.u32 $0x1, s1  }
0x8c: {  	s18 =	sshll.u32 s0, $0xA;
	s2 =	sadd.s32 s3, s2  }
0x8d: {  	s2 =	sadd.s32 s2, s18  }
0x8e: {  	[smem:$0x3FC7] =	sst s2  }
0x8f: {  	_ = 	snop  }
0x90: {  	s2 =	sld [smem:$0x3FC9]  }
0x91: {  	s19 =	sld [smem:$0x3FD0];
	(tm) =	ssettm $0x1  }
0x92: {  	s4 =	sld [smem:$0x3FFB];
	_ =	sdelay $0x3  }
0x93: {  	_ =	strace s4  }
0x94: {  	s4 =	sld [smem:$0x3FFC];
	_ =	sdelay $0x3  }
0x95: {  	_ =	strace s4  }
0x96: {  	s4 =	sld [smem:$0x3FFD];
	_ =	sdelay $0x3  }
0x97: {  	_ =	strace s4  }
0x98: {  	_ =	strace $0x8FFFFFFF  }
0x99: {  	s20 =	sld [smem:$0x3FDB];
	_ =	sdelay $0x1  }
0x9a: {  	s5 =	simm.s32 $_scs_section_size  }
0x9b: {  	s6 =	simm.s32 $_size__tile_overlayer_lowered;
	s7 =	simm.s32 $_tile_overlayer_lowered  }
0x9c: {  	s23 =	simm.s32 $0x1BFF;
	s22 =	sshll.u32 s7, $0x1;
	s4 =	sadd.s32 s5, s20  }
0x9d: {  	s8 =	simm.s32 $0x0;
	s21 =	sshll.u32 s6, $0x1;
	s6 =	sadd.s32 s22, s4  }
0x9e: {  	[timem:s8], [sflag:s23] =	dma.local [hbm:s6], s21  }
0x9f: {  	_ =	swait.ge [sflag:s23], s21  }
0xa0: {  	s5 =	ssub.s32 $0x0, s21;
	[sflag:s23] =	ssyncset.done $0x0  }
0xa1: {  	[sflag:s23] =	ssyncadd.s32 s5;
	_ =	sdelay $0x1  }
0xa2: {  	s24 =	simm.s32 $0x1B8B  }
0xa3: {  	_ =	swait.ge [sflag:s24], $0x1  }
0xa4: {  	[sflag:s24] =	ssyncset.done $0x0  }
0xa5: {  	s25 =	simm.s32 $0x1B8E;
	[sflag:s24] =	ssyncadd.s32 $0xFFFFFFFF  }
0xa6: {  	s26 =	simm.s32 $execute0_lowered;
	[smem:$0x3FD2] =	sst s25  }
0xa7: {  	s5 =	sshll.u32 s26, $0x1;
	_ =	strace $0x80000046;
	[dreg:$0x1] =	wrdreg $0xFFFFFFFF  }
0xa8: {  	s28 =	simm.s32 $_size_execute0_lowered;
	s4 =	sadd.s32 s4, s5;
	[dreg:$0x0] =	wrdreg $0x0  }
0xa9: {  	s5 =	sshll.u32 s28, $0x1;
	[dreg:$0x2] =	wrdreg s4  }
0xaa: {  	[dreg:$0x3] =	wrdreg s5  }
0xab: {  	[dreg:$0x4] =	wrdreg $0xC0  }
0xac: {  	_ =	task [dreg:s8], $0x5FFFF  }
0xad: {  	[dreg:$0x1] =	wrdreg $0xFFFFFFFF  }
0xae: {  	[dreg:$0x0] =	wrdreg $0x60  }
0xaf: {  	[dreg:$0x2] =	wrdreg s2  }
0xb0: {  	[dreg:$0x3] =	wrdreg s19  }
0xb1: {  	[dreg:$0x4] =	wrdreg $0x9  }
0xb2: {  	_ =	task.clear_ibuf [dreg:s8], $0x5FFFF;
	_ =	strace $0x90000046  }
0xb3: {  	s29 =	simm.s32 $0x9;
	_ =	strace $0x80000048  }
0xb4: {  	_ =	swait.ge [sflag:s29], $0x1  }
0xb5: {  	[sflag:s29] =	ssyncadd.s32 $0xFFFFFFFF  }
0xb6: {  	_ =	strace $0x90000048  }
0xb7: {  	_ =	sfence  }
0xb8: {  	s30 =	sld [smem:$0x0];
	_ =	sdelay $0x2  }
0xb9: {  	s31 =	sshll.u32 s1, $0xD;
	s1 =	sshrl.u32 s1, $0x2  }
0xba: {  	s3 =	sand.u32 $0x4000, s31;
	s1 =	sadd.s32 s1, s30  }
0xbb: {  	s0 =	sor.u32 s3, s0;
	s1 =	sshll.u32 s1, $0x11  }
0xbc: {  	s0 =	sor.u32 s1, s0  }
0xbd: {  	s0 =	sadd.s32 $0x8F2B, s0  }
0xbe: {  	[sflag:s0] =	ssyncadd.remote.s32 $0x1  }
0xbf: {  	_ =	sfence.sel $0xFFFF  }
0xc0: {  	[dreg:$0x0] =	wrdreg $0xFFFFFFFF;
	(pc) =	sbr.abs _section_cstart, $3  }
0xc1: {  	[dreg:$0x1] =	wrdreg $0xFFFFFFFF  }
0xc2: {  	_ =	task.clear_ibuf [dreg:s8], $0x2FFFF;
	_ =	strace $0x9FFFFFFF  }
0xc3: {  	(tm) =	ssettm $0x7FFFFFFF  }
tec
execute0_lowered:
.L_overlay_start_1:
0x0: {  	(tag) =	ssettag $0x1  }
0x1: {  	s0 =	rddreg [dreg:$0x0];
	v0 =	vimm.s32 $0x0;
	v1 =	vlaneseq.u32;
	v2 =	vimm.s32 $0x1  }
0x2: {  	s2 =	rddreg [dreg:$0x1];
	v3 =	vor.u32 $0x10, v1;
	v4 =	vor.u32 $0x20, v1;
	v5 =	vor.u32 $0x30, v1  }
0x3: {  	s1 =	srdreg.scid;
	s3 =	stileid.u32;
	s4 =	simm.s32 $0x0;
	v6 =	vor.u32 $0x40, v1;
	v7 =	vor.u32 $0x50, v1;
	v8 =	vor.u32 $0x60, v1  }
0x4: {  	s14 =	simm.s32 $0x6;
	s15 =	simm.s32 $0x200;
	s16 =	simm.s32 $0x400;
	v9 =	vor.u32 $0x70, v1;
	v10 =	vor.u32 $0xFFFF9C00, v1;
	v11 =	vor.u32 $0xFFFF9C10, v1  }
0x5: {  	s17 =	simm.s32 $0x8000;
	s18 =	simm.s32 $0x6600;
	s19 =	simm.s32 $0xCA00;
	v12 =	vor.u32 $0xFFFF9C20, v1;
	v13 =	vor.u32 $0xFFFF9C30, v1;
	v14 =	vor.u32 $0xFFFF9C40, v1  }
0x6: {  	s20 =	simm.s32 $0x12E00;
	s21 =	simm.s32 $0x19200;
	s23 =	simm.s32 $0x1;
	v15 =	vor.u32 $0xFFFF9C50, v1;
	v16 =	vor.u32 $0xFFFF9C60, v1;
	v17 =	vor.u32 $0xFFFF9C70, v1  }
0x7: {  	s24 =	simm.s32 $0x2;
	s25 =	simm.s32 $0x3;
	s26 =	simm.s32 $0x4;
	v18 =	vor.u32 $0xFFFF3800, v1;
	v19 =	vor.u32 $0xFFFF3810, v1;
	v20 =	vor.u32 $0xFFFF3820, v1  }
0x8: {  	s28 =	simm.s32 $0x5;
	s29 =	simm.s32 $0x0;
	s1 =	sand.u32 $0x1, s1;
	v21 =	vor.u32 $0xFFFF3830, v1;
	v22 =	vor.u32 $0xFFFF3840, v1;
	v23 =	vor.u32 $0xFFFF3850, v1  }
0x9: {  	s3 =	sshll.u32 s3, $0xB;
	v24 =	vor.u32 $0xFFFF3860, v1;
	v25 =	vor.u32 $0xFFFF3870, v1;
	v26 =	vor.u32 $0xFFFED400, v1;
	s5 =	sshll.u32 s1, $0xA;
	s1 =	ssub.s32 $0x2, s1  }
0xa: {  	[smem:$0x7FF] =	sst s4;
	v27 =	vor.u32 $0xFFFED410, v1;
	v28 =	vor.u32 $0xFFFED420, v1;
	v29 =	vor.u32 $0xFFFED430, v1;
	s5 =	sor.u32 s5, s3;
	s30 =	sshrl.u32 s1, $0x1  }
0xb: {  	v30 =	vor.u32 $0xFFFED440, v1;
	v31 =	vor.u32 $0xFFFED450, v1;
	v32 =	vor.u32 $0xFFFED460, v1;
	_ =	strace $0x80000047;
	s7 =	sshrl.u32 s5, $0x3;
	s1 =	ssub.s32 s1, s30  }
0xc: {  	v33 =	vor.u32 $0xFFFED470, v1;
	v34 =	vor.u32 $0xFFFE7000, v1;
	v35 =	vor.u32 $0xFFFE7010, v1;
	s6 =	sadd.s32 s0, s7;
	s7 =	sadd.s32 s2, s7;
	s13 =	smax.u32 s1, $0x1  }
0xd: {  	v36 =	vor.u32 $0xFFFE7020, v1;
	v37 =	vor.u32 $0xFFFE7030, v1;
	v38 =	vor.u32 $0xFFFE7040, v1;
	s31 =	sadd.s32 $0x19000, s7;
	s9 =	sadd.s32 $0x32000, s7;
	s10 =	sadd.s32 $0x4B000, s7  }
0xe: {  	v39 =	vor.u32 $0xFFFE7050, v1;
	v40 =	vor.u32 $0xFFFE7060, v1;
	v41 =	vor.u32 $0xFFFE7070, v1;
	s11 =	sadd.s32 $0x64000, s7;
	s12 =	sadd.s32 $0x10, s6;
	[dreg:$0x3] =	wrdreg s31  }
.LBB2_1:
0xf: {  	[tilespmem:s4], [sflag:$0x6] =	stream.linear.gather [hbm4b:s6+s4], $0x80, $0x38;
	[tilespmem:$0x1F600] =	vst v63  }
0x10: {  	s1 =	simm.s32 $0x240  }
0x11: {  	[tilespmem:s1+$0xFFFFFFC0] =	vst v0  }
0x12: {  	[tilespmem:s1+$0x30] =	vst v0  }
0x13: {  	[tilespmem:s1+$0x20] =	vst v0  }
0x14: {  	[tilespmem:s1+$0x10] =	vst v0  }
0x15: {  	[tilespmem:s1+$0x0] =	vst v0  }
0x16: {  	[tilespmem:s1+$0xFFFFFFF0] =	vst v0  }
0x17: {  	s3 =	simm.s32 $0x0;
	[tilespmem:s1+$0xFFFFFFE0] =	vst v0  }
.LBB2_2:
0x18: {  	s3 =	sadd.s32 $0x8, s3;
	[tilespmem:s1+$0xFFFFFFD0] =	vst v0;
	s1 =	sadd.s32 $0x80, s1  }
0x19: {  	[tilespmem:s1+$0xFFFFFFC0] =	vst v0;
	p0 =	slt.u32 s3, $0x638  }
0x1a: {  	[tilespmem:s1+$0x30] =	vst v0  }
.Ltmp0:
0x1b: {  	[tilespmem:s1+$0x20] =	vst v0;
	(pc) =	sbr.rel @p0 .LBB2_2-.Ltmp0, $4  }
0x1c: {  	[tilespmem:s1+$0x10] =	vst v0  }
0x1d: {  	[tilespmem:s1+$0x0] =	vst v0  }
0x1e: {  	[tilespmem:s1+$0xFFFFFFF0] =	vst v0  }
0x1f: {  	[tilespmem:s1+$0xFFFFFFE0] =	vst v0  }
0x20: {  	[tilespmem:s1+$0xFFFFFFD0] =	vst v0  }
0x21: {  	_ =	swait.ge [sflag:s14], $0x80  }
0x22: {  	[sflag:s14] =	ssyncset.done $0x0  }
0x23: {  	[sflag:s14] =	ssyncadd.s32 $0xFFFFFF80  }
0x24: {  	v42 =	vld [tilespmem:$0x0];
	_ =	sdelay $0x4  }
0x25: {  	vm0 =	vlt.u32 v42, $0xC8;
	v42 =	vshll.u32 v42, $0x7  }
0x26: {  	v42 =	vor.u32 v1, v42;
	_ =	sdelay $0x4  }
0x27: {  	[tilespmem:v42+s15+$0x0] =	vst.idx.msk vm0, v2  }
0x28: {  	v42 =	vld [tilespmem:$0x10];
	_ =	sdelay $0x4  }
0x29: {  	vm9 =	vlt.u32 v42, $0xC8;
	v42 =	vshll.u32 v42, $0x7  }
0x2a: {  	v42 =	vor.u32 v3, v42;
	_ =	sdelay $0x4  }
0x2b: {  	[tilespmem:v42+s15+$0x0] =	vst.idx.msk vm9, v2  }
0x2c: {  	v42 =	vld [tilespmem:$0x20];
	_ =	sdelay $0x4  }
0x2d: {  	vm10 =	vlt.u32 v42, $0xC8;
	v42 =	vshll.u32 v42, $0x7  }
0x2e: {  	v42 =	vor.u32 v4, v42;
	_ =	sdelay $0x4  }
0x2f: {  	[tilespmem:v42+s15+$0x0] =	vst.idx.msk vm10, v2  }
0x30: {  	v42 =	vld [tilespmem:$0x30];
	_ =	sdelay $0x4  }
0x31: {  	vm11 =	vlt.u32 v42, $0xC8;
	v42 =	vshll.u32 v42, $0x7  }
0x32: {  	v42 =	vor.u32 v5, v42;
	_ =	sdelay $0x4  }
0x33: {  	[tilespmem:v42+s15+$0x0] =	vst.idx.msk vm11, v2  }
0x34: {  	v42 =	vld [tilespmem:$0x40];
	_ =	sdelay $0x4  }
0x35: {  	vm12 =	vlt.u32 v42, $0xC8;
	v42 =	vshll.u32 v42, $0x7  }
0x36: {  	v42 =	vor.u32 v6, v42;
	_ =	sdelay $0x4  }
0x37: {  	[tilespmem:v42+s15+$0x0] =	vst.idx.msk vm12, v2  }
0x38: {  	v42 =	vld [tilespmem:$0x50];
	_ =	sdelay $0x4  }
0x39: {  	vm13 =	vlt.u32 v42, $0xC8;
	v42 =	vshll.u32 v42, $0x7  }
0x3a: {  	v42 =	vor.u32 v7, v42;
	_ =	sdelay $0x4  }
0x3b: {  	[tilespmem:v42+s15+$0x0] =	vst.idx.msk vm13, v2  }
0x3c: {  	v42 =	vld [tilespmem:$0x60];
	_ =	sdelay $0x4  }
0x3d: {  	vm14 =	vlt.u32 v42, $0xC8;
	v42 =	vshll.u32 v42, $0x7  }
0x3e: {  	v42 =	vor.u32 v8, v42;
	_ =	sdelay $0x4  }
0x3f: {  	[tilespmem:v42+s15+$0x0] =	vst.idx.msk vm14, v2  }
0x40: {  	v42 =	vld [tilespmem:$0x70];
	_ =	sdelay $0x4  }
0x41: {  	vm15 =	vlt.u32 v42, $0xC8;
	v42 =	vshll.u32 v42, $0x7  }
0x42: {  	v42 =	vor.u32 v9, v42;
	_ =	sdelay $0x4  }
0x43: {  	s1 =	simm.s32 $0x6640;
	[tilespmem:v42+s15+$0x0] =	vst.idx.msk vm15, v2  }
0x44: {  	[hbm4b:s7+s16] =	stream.strided.scatter [tilespmem:s15], [sflag:$0x1], $0x6400, s17, s16, $0x38;
	[tilespmem:$0x1F600] =	vst v63  }
0x45: {  	[tilespmem:s1+$0xFFFFFFC0] =	vst v0  }
0x46: {  	[tilespmem:s1+$0x30] =	vst v0  }
0x47: {  	[tilespmem:s1+$0x20] =	vst v0  }
0x48: {  	[tilespmem:s1+$0x10] =	vst v0  }
0x49: {  	[tilespmem:s1+$0x0] =	vst v0  }
0x4a: {  	[tilespmem:s1+$0xFFFFFFF0] =	vst v0  }
0x4b: {  	s3 =	simm.s32 $0x0;
	[tilespmem:s1+$0xFFFFFFE0] =	vst v0  }
.LBB2_4:
0x4c: {  	s3 =	sadd.s32 $0x8, s3;
	[tilespmem:s1+$0xFFFFFFD0] =	vst v0;
	s1 =	sadd.s32 $0x80, s1  }
0x4d: {  	[tilespmem:s1+$0xFFFFFFC0] =	vst v0;
	p0 =	slt.u32 s3, $0x638  }
0x4e: {  	[tilespmem:s1+$0x30] =	vst v0  }
.Ltmp1:
0x4f: {  	[tilespmem:s1+$0x20] =	vst v0;
	(pc) =	sbr.rel @p0 .LBB2_4-.Ltmp1, $4  }
0x50: {  	[tilespmem:s1+$0x10] =	vst v0  }
0x51: {  	[tilespmem:s1+$0x0] =	vst v0  }
0x52: {  	[tilespmem:s1+$0xFFFFFFF0] =	vst v0  }
0x53: {  	[tilespmem:s1+$0xFFFFFFE0] =	vst v0  }
0x54: {  	[tilespmem:s1+$0xFFFFFFD0] =	vst v0  }
0x55: {  	v42 =	vld [tilespmem:$0x0];
	_ =	sdelay $0x4  }
0x56: {  	v43 =	vadd.s32 $0xFFFFFF38, v42  }
0x57: {  	v42 =	vshll.u32 v42, $0x7;
	vm0 =	vlt.u32 v43, $0xC8  }
0x58: {  	v42 =	vadd.s32 v10, v42;
	_ =	sdelay $0x4  }
0x59: {  	[tilespmem:v42+s18+$0x0] =	vst.idx.msk vm0, v2  }
0x5a: {  	v42 =	vld [tilespmem:$0x10];
	_ =	sdelay $0x4  }
0x5b: {  	v57 =	vadd.s32 $0xFFFFFF38, v42  }
0x5c: {  	v42 =	vshll.u32 v42, $0x7;
	vm9 =	vlt.u32 v57, $0xC8  }
0x5d: {  	v42 =	vadd.s32 v11, v42;
	_ =	sdelay $0x4  }
0x5e: {  	[tilespmem:v42+s18+$0x0] =	vst.idx.msk vm9, v2  }
0x5f: {  	v42 =	vld [tilespmem:$0x20];
	_ =	sdelay $0x4  }
0x60: {  	v58 =	vadd.s32 $0xFFFFFF38, v42  }
0x61: {  	v42 =	vshll.u32 v42, $0x7;
	vm10 =	vlt.u32 v58, $0xC8  }
0x62: {  	v42 =	vadd.s32 v12, v42;
	_ =	sdelay $0x4  }
0x63: {  	[tilespmem:v42+s18+$0x0] =	vst.idx.msk vm10, v2  }
0x64: {  	v42 =	vld [tilespmem:$0x30];
	_ =	sdelay $0x4  }
0x65: {  	v59 =	vadd.s32 $0xFFFFFF38, v42  }
0x66: {  	v42 =	vshll.u32 v42, $0x7;
	vm11 =	vlt.u32 v59, $0xC8  }
0x67: {  	v42 =	vadd.s32 v13, v42;
	_ =	sdelay $0x4  }
0x68: {  	[tilespmem:v42+s18+$0x0] =	vst.idx.msk vm11, v2  }
0x69: {  	v42 =	vld [tilespmem:$0x40];
	_ =	sdelay $0x4  }
0x6a: {  	v60 =	vadd.s32 $0xFFFFFF38, v42  }
0x6b: {  	v42 =	vshll.u32 v42, $0x7;
	vm12 =	vlt.u32 v60, $0xC8  }
0x6c: {  	v42 =	vadd.s32 v14, v42;
	_ =	sdelay $0x4  }
0x6d: {  	[tilespmem:v42+s18+$0x0] =	vst.idx.msk vm12, v2  }
0x6e: {  	v42 =	vld [tilespmem:$0x50];
	_ =	sdelay $0x4  }
0x6f: {  	v61 =	vadd.s32 $0xFFFFFF38, v42  }
0x70: {  	v42 =	vshll.u32 v42, $0x7;
	vm13 =	vlt.u32 v61, $0xC8  }
0x71: {  	v42 =	vadd.s32 v15, v42;
	_ =	sdelay $0x4  }
0x72: {  	[tilespmem:v42+s18+$0x0] =	vst.idx.msk vm13, v2  }
0x73: {  	v42 =	vld [tilespmem:$0x60];
	_ =	sdelay $0x4  }
0x74: {  	v62 =	vadd.s32 $0xFFFFFF38, v42  }
0x75: {  	v42 =	vshll.u32 v42, $0x7;
	vm14 =	vlt.u32 v62, $0xC8  }
0x76: {  	v42 =	vadd.s32 v16, v42;
	_ =	sdelay $0x4  }
0x77: {  	[tilespmem:v42+s18+$0x0] =	vst.idx.msk vm14, v2  }
0x78: {  	v42 =	vld [tilespmem:$0x70];
	_ =	sdelay $0x4  }
0x79: {  	v63 =	vadd.s32 $0xFFFFFF38, v42  }
0x7a: {  	v42 =	vshll.u32 v42, $0x7;
	vm15 =	vlt.u32 v63, $0xC8  }
0x7b: {  	v42 =	vadd.s32 v17, v42;
	_ =	sdelay $0x4  }
0x7c: {  	s31 =	rddreg [dreg:$0x3];
	s1 =	simm.s32 $0xCA40;
	[tilespmem:v42+s18+$0x0] =	vst.idx.msk vm15, v2  }
0x7d: {  	[hbm4b:s31+s16] =	stream.strided.scatter [tilespmem:s18], [sflag:$0x2], $0x6400, s17, s16, $0x38;
	[tilespmem:$0x1F600] =	vst v63  }
0x7e: {  	[tilespmem:s1+$0xFFFFFFC0] =	vst v0  }
0x7f: {  	[tilespmem:s1+$0x30] =	vst v0  }
0x80: {  	[tilespmem:s1+$0x20] =	vst v0  }
0x81: {  	[tilespmem:s1+$0x10] =	vst v0  }
0x82: {  	[tilespmem:s1+$0x0] =	vst v0  }
0x83: {  	[tilespmem:s1+$0xFFFFFFF0] =	vst v0  }
0x84: {  	s3 =	simm.s32 $0x0;
	[tilespmem:s1+$0xFFFFFFE0] =	vst v0  }
.LBB2_6:
0x85: {  	s3 =	sadd.s32 $0x8, s3;
	[tilespmem:s1+$0xFFFFFFD0] =	vst v0;
	s1 =	sadd.s32 $0x80, s1  }
0x86: {  	[tilespmem:s1+$0xFFFFFFC0] =	vst v0;
	p0 =	slt.u32 s3, $0x638  }
0x87: {  	[tilespmem:s1+$0x30] =	vst v0  }
.Ltmp2:
0x88: {  	[tilespmem:s1+$0x20] =	vst v0;
	(pc) =	sbr.rel @p0 .LBB2_6-.Ltmp2, $4  }
0x89: {  	[tilespmem:s1+$0x10] =	vst v0  }
0x8a: {  	[tilespmem:s1+$0x0] =	vst v0  }
0x8b: {  	[tilespmem:s1+$0xFFFFFFF0] =	vst v0  }
0x8c: {  	[tilespmem:s1+$0xFFFFFFE0] =	vst v0  }
0x8d: {  	[tilespmem:s1+$0xFFFFFFD0] =	vst v0  }
0x8e: {  	v42 =	vld [tilespmem:$0x0];
	_ =	sdelay $0x4  }
0x8f: {  	v43 =	vadd.s32 $0xFFFFFE70, v42  }
0x90: {  	v42 =	vshll.u32 v42, $0x7;
	vm0 =	vlt.u32 v43, $0xC8  }
0x91: {  	v42 =	vadd.s32 v18, v42;
	_ =	sdelay $0x4  }
0x92: {  	[tilespmem:v42+s19+$0x0] =	vst.idx.msk vm0, v2  }
0x93: {  	v42 =	vld [tilespmem:$0x10];
	_ =	sdelay $0x4  }
0x94: {  	v57 =	vadd.s32 $0xFFFFFE70, v42  }
0x95: {  	v42 =	vshll.u32 v42, $0x7;
	vm9 =	vlt.u32 v57, $0xC8  }
0x96: {  	v42 =	vadd.s32 v19, v42;
	_ =	sdelay $0x4  }
0x97: {  	[tilespmem:v42+s19+$0x0] =	vst.idx.msk vm9, v2  }
0x98: {  	v42 =	vld [tilespmem:$0x20];
	_ =	sdelay $0x4  }
0x99: {  	v58 =	vadd.s32 $0xFFFFFE70, v42  }
0x9a: {  	v42 =	vshll.u32 v42, $0x7;
	vm10 =	vlt.u32 v58, $0xC8  }
0x9b: {  	v42 =	vadd.s32 v20, v42;
	_ =	sdelay $0x4  }
0x9c: {  	[tilespmem:v42+s19+$0x0] =	vst.idx.msk vm10, v2  }
0x9d: {  	v42 =	vld [tilespmem:$0x30];
	_ =	sdelay $0x4  }
0x9e: {  	v59 =	vadd.s32 $0xFFFFFE70, v42  }
0x9f: {  	v42 =	vshll.u32 v42, $0x7;
	vm11 =	vlt.u32 v59, $0xC8  }
0xa0: {  	v42 =	vadd.s32 v21, v42;
	_ =	sdelay $0x4  }
0xa1: {  	[tilespmem:v42+s19+$0x0] =	vst.idx.msk vm11, v2  }
0xa2: {  	v42 =	vld [tilespmem:$0x40];
	_ =	sdelay $0x4  }
0xa3: {  	v60 =	vadd.s32 $0xFFFFFE70, v42  }
0xa4: {  	v42 =	vshll.u32 v42, $0x7;
	vm12 =	vlt.u32 v60, $0xC8  }
0xa5: {  	v42 =	vadd.s32 v22, v42;
	_ =	sdelay $0x4  }
0xa6: {  	[tilespmem:v42+s19+$0x0] =	vst.idx.msk vm12, v2  }
0xa7: {  	v42 =	vld [tilespmem:$0x50];
	_ =	sdelay $0x4  }
0xa8: {  	v61 =	vadd.s32 $0xFFFFFE70, v42  }
0xa9: {  	v42 =	vshll.u32 v42, $0x7;
	vm13 =	vlt.u32 v61, $0xC8  }
0xaa: {  	v42 =	vadd.s32 v23, v42;
	_ =	sdelay $0x4  }
0xab: {  	[tilespmem:v42+s19+$0x0] =	vst.idx.msk vm13, v2  }
0xac: {  	v42 =	vld [tilespmem:$0x60];
	_ =	sdelay $0x4  }
0xad: {  	v62 =	vadd.s32 $0xFFFFFE70, v42  }
0xae: {  	v42 =	vshll.u32 v42, $0x7;
	vm14 =	vlt.u32 v62, $0xC8  }
0xaf: {  	v42 =	vadd.s32 v24, v42;
	_ =	sdelay $0x4  }
0xb0: {  	[tilespmem:v42+s19+$0x0] =	vst.idx.msk vm14, v2  }
0xb1: {  	v42 =	vld [tilespmem:$0x70];
	_ =	sdelay $0x4  }
0xb2: {  	v63 =	vadd.s32 $0xFFFFFE70, v42  }
0xb3: {  	v42 =	vshll.u32 v42, $0x7;
	vm15 =	vlt.u32 v63, $0xC8  }
0xb4: {  	v42 =	vadd.s32 v25, v42;
	_ =	sdelay $0x4  }
0xb5: {  	s1 =	simm.s32 $0x12E40;
	[tilespmem:v42+s19+$0x0] =	vst.idx.msk vm15, v2  }
0xb6: {  	[hbm4b:s9+s16] =	stream.strided.scatter [tilespmem:s19], [sflag:$0x3], $0x6400, s17, s16, $0x38;
	[tilespmem:$0x1F600] =	vst v63  }
0xb7: {  	[tilespmem:s1+$0xFFFFFFC0] =	vst v0  }
0xb8: {  	[tilespmem:s1+$0x30] =	vst v0  }
0xb9: {  	[tilespmem:s1+$0x20] =	vst v0  }
0xba: {  	[tilespmem:s1+$0x10] =	vst v0  }
0xbb: {  	[tilespmem:s1+$0x0] =	vst v0  }
0xbc: {  	[tilespmem:s1+$0xFFFFFFF0] =	vst v0  }
0xbd: {  	s3 =	simm.s32 $0x0;
	[tilespmem:s1+$0xFFFFFFE0] =	vst v0  }
.LBB2_8:
0xbe: {  	s3 =	sadd.s32 $0x8, s3;
	[tilespmem:s1+$0xFFFFFFD0] =	vst v0;
	s1 =	sadd.s32 $0x80, s1  }
0xbf: {  	[tilespmem:s1+$0xFFFFFFC0] =	vst v0;
	p0 =	slt.u32 s3, $0x638  }
0xc0: {  	[tilespmem:s1+$0x30] =	vst v0  }
.Ltmp3:
0xc1: {  	[tilespmem:s1+$0x20] =	vst v0;
	(pc) =	sbr.rel @p0 .LBB2_8-.Ltmp3, $4  }
0xc2: {  	[tilespmem:s1+$0x10] =	vst v0  }
0xc3: {  	[tilespmem:s1+$0x0] =	vst v0  }
0xc4: {  	[tilespmem:s1+$0xFFFFFFF0] =	vst v0  }
0xc5: {  	[tilespmem:s1+$0xFFFFFFE0] =	vst v0  }
0xc6: {  	[tilespmem:s1+$0xFFFFFFD0] =	vst v0  }
0xc7: {  	v42 =	vld [tilespmem:$0x0];
	_ =	sdelay $0x4  }
0xc8: {  	v43 =	vadd.s32 $0xFFFFFDA8, v42  }
0xc9: {  	v42 =	vshll.u32 v42, $0x7;
	vm0 =	vlt.u32 v43, $0xC8  }
0xca: {  	v42 =	vadd.s32 v26, v42;
	_ =	sdelay $0x4  }
0xcb: {  	[tilespmem:v42+s20+$0x0] =	vst.idx.msk vm0, v2  }
0xcc: {  	v42 =	vld [tilespmem:$0x10];
	_ =	sdelay $0x4  }
0xcd: {  	v57 =	vadd.s32 $0xFFFFFDA8, v42  }
0xce: {  	v42 =	vshll.u32 v42, $0x7;
	vm9 =	vlt.u32 v57, $0xC8  }
0xcf: {  	v42 =	vadd.s32 v27, v42;
	_ =	sdelay $0x4  }
0xd0: {  	[tilespmem:v42+s20+$0x0] =	vst.idx.msk vm9, v2  }
0xd1: {  	v42 =	vld [tilespmem:$0x20];
	_ =	sdelay $0x4  }
0xd2: {  	v58 =	vadd.s32 $0xFFFFFDA8, v42  }
0xd3: {  	v42 =	vshll.u32 v42, $0x7;
	vm10 =	vlt.u32 v58, $0xC8  }
0xd4: {  	v42 =	vadd.s32 v28, v42;
	_ =	sdelay $0x4  }
0xd5: {  	[tilespmem:v42+s20+$0x0] =	vst.idx.msk vm10, v2  }
0xd6: {  	v42 =	vld [tilespmem:$0x30];
	_ =	sdelay $0x4  }
0xd7: {  	v59 =	vadd.s32 $0xFFFFFDA8, v42  }
0xd8: {  	v42 =	vshll.u32 v42, $0x7;
	vm11 =	vlt.u32 v59, $0xC8  }
0xd9: {  	v42 =	vadd.s32 v29, v42;
	_ =	sdelay $0x4  }
0xda: {  	[tilespmem:v42+s20+$0x0] =	vst.idx.msk vm11, v2  }
0xdb: {  	v42 =	vld [tilespmem:$0x40];
	_ =	sdelay $0x4  }
0xdc: {  	v60 =	vadd.s32 $0xFFFFFDA8, v42  }
0xdd: {  	v42 =	vshll.u32 v42, $0x7;
	vm12 =	vlt.u32 v60, $0xC8  }
0xde: {  	v42 =	vadd.s32 v30, v42;
	_ =	sdelay $0x4  }
0xdf: {  	[tilespmem:v42+s20+$0x0] =	vst.idx.msk vm12, v2  }
0xe0: {  	v42 =	vld [tilespmem:$0x50];
	_ =	sdelay $0x4  }
0xe1: {  	v61 =	vadd.s32 $0xFFFFFDA8, v42  }
0xe2: {  	v42 =	vshll.u32 v42, $0x7;
	vm13 =	vlt.u32 v61, $0xC8  }
0xe3: {  	v42 =	vadd.s32 v31, v42;
	_ =	sdelay $0x4  }
0xe4: {  	[tilespmem:v42+s20+$0x0] =	vst.idx.msk vm13, v2  }
0xe5: {  	v42 =	vld [tilespmem:$0x60];
	_ =	sdelay $0x4  }
0xe6: {  	v62 =	vadd.s32 $0xFFFFFDA8, v42  }
0xe7: {  	v42 =	vshll.u32 v42, $0x7;
	vm14 =	vlt.u32 v62, $0xC8  }
0xe8: {  	v42 =	vadd.s32 v32, v42;
	_ =	sdelay $0x4  }
0xe9: {  	[tilespmem:v42+s20+$0x0] =	vst.idx.msk vm14, v2  }
0xea: {  	v42 =	vld [tilespmem:$0x70];
	_ =	sdelay $0x4  }
0xeb: {  	v63 =	vadd.s32 $0xFFFFFDA8, v42  }
0xec: {  	v42 =	vshll.u32 v42, $0x7;
	vm15 =	vlt.u32 v63, $0xC8  }
0xed: {  	v42 =	vadd.s32 v33, v42;
	_ =	sdelay $0x4  }
0xee: {  	s1 =	simm.s32 $0x19240;
	[tilespmem:v42+s20+$0x0] =	vst.idx.msk vm15, v2  }
0xef: {  	[hbm4b:s10+s16] =	stream.strided.scatter [tilespmem:s20], [sflag:$0x4], $0x6400, s17, s16, $0x38;
	[tilespmem:$0x1F600] =	vst v63  }
0xf0: {  	[tilespmem:s1+$0xFFFFFFC0] =	vst v0  }
0xf1: {  	[tilespmem:s1+$0x30] =	vst v0  }
0xf2: {  	[tilespmem:s1+$0x20] =	vst v0  }
0xf3: {  	[tilespmem:s1+$0x10] =	vst v0  }
0xf4: {  	[tilespmem:s1+$0x0] =	vst v0  }
0xf5: {  	[tilespmem:s1+$0xFFFFFFF0] =	vst v0  }
0xf6: {  	s3 =	simm.s32 $0x0;
	[tilespmem:s1+$0xFFFFFFE0] =	vst v0  }
.LBB2_10:
0xf7: {  	s3 =	sadd.s32 $0x8, s3;
	[tilespmem:s1+$0xFFFFFFD0] =	vst v0;
	s1 =	sadd.s32 $0x80, s1  }
0xf8: {  	[tilespmem:s1+$0xFFFFFFC0] =	vst v0;
	p0 =	slt.u32 s3, $0x638  }
0xf9: {  	[tilespmem:s1+$0x30] =	vst v0  }
.Ltmp4:
0xfa: {  	[tilespmem:s1+$0x20] =	vst v0;
	(pc) =	sbr.rel @p0 .LBB2_10-.Ltmp4, $4  }
0xfb: {  	[tilespmem:s1+$0x10] =	vst v0  }
0xfc: {  	[tilespmem:s1+$0x0] =	vst v0  }
0xfd: {  	[tilespmem:s1+$0xFFFFFFF0] =	vst v0  }
0xfe: {  	[tilespmem:s1+$0xFFFFFFE0] =	vst v0  }
0xff: {  	[tilespmem:s1+$0xFFFFFFD0] =	vst v0  }
0x100: {  	v42 =	vld [tilespmem:$0x0];
	_ =	sdelay $0x4  }
0x101: {  	v43 =	vadd.s32 $0xFFFFFCE0, v42  }
0x102: {  	v42 =	vshll.u32 v42, $0x7;
	vm0 =	vlt.u32 v43, $0xC8  }
0x103: {  	v42 =	vadd.s32 v34, v42;
	_ =	sdelay $0x4  }
0x104: {  	[tilespmem:v42+s21+$0x0] =	vst.idx.msk vm0, v2  }
0x105: {  	v42 =	vld [tilespmem:$0x10];
	_ =	sdelay $0x4  }
0x106: {  	v57 =	vadd.s32 $0xFFFFFCE0, v42  }
0x107: {  	v42 =	vshll.u32 v42, $0x7;
	vm9 =	vlt.u32 v57, $0xC8  }
0x108: {  	v42 =	vadd.s32 v35, v42;
	_ =	sdelay $0x4  }
0x109: {  	[tilespmem:v42+s21+$0x0] =	vst.idx.msk vm9, v2  }
0x10a: {  	v42 =	vld [tilespmem:$0x20];
	_ =	sdelay $0x4  }
0x10b: {  	v58 =	vadd.s32 $0xFFFFFCE0, v42  }
0x10c: {  	v42 =	vshll.u32 v42, $0x7;
	vm10 =	vlt.u32 v58, $0xC8  }
0x10d: {  	v42 =	vadd.s32 v36, v42;
	_ =	sdelay $0x4  }
0x10e: {  	[tilespmem:v42+s21+$0x0] =	vst.idx.msk vm10, v2  }
0x10f: {  	v42 =	vld [tilespmem:$0x30];
	_ =	sdelay $0x4  }
0x110: {  	v59 =	vadd.s32 $0xFFFFFCE0, v42  }
0x111: {  	v42 =	vshll.u32 v42, $0x7;
	vm11 =	vlt.u32 v59, $0xC8  }
0x112: {  	v42 =	vadd.s32 v37, v42;
	_ =	sdelay $0x4  }
0x113: {  	[tilespmem:v42+s21+$0x0] =	vst.idx.msk vm11, v2  }
0x114: {  	v42 =	vld [tilespmem:$0x40];
	_ =	sdelay $0x4  }
0x115: {  	v60 =	vadd.s32 $0xFFFFFCE0, v42  }
0x116: {  	v42 =	vshll.u32 v42, $0x7;
	vm12 =	vlt.u32 v60, $0xC8  }
0x117: {  	v42 =	vadd.s32 v38, v42;
	_ =	sdelay $0x4  }
0x118: {  	[tilespmem:v42+s21+$0x0] =	vst.idx.msk vm12, v2  }
0x119: {  	v42 =	vld [tilespmem:$0x50];
	_ =	sdelay $0x4  }
0x11a: {  	v61 =	vadd.s32 $0xFFFFFCE0, v42  }
0x11b: {  	v42 =	vshll.u32 v42, $0x7;
	vm13 =	vlt.u32 v61, $0xC8  }
0x11c: {  	v42 =	vadd.s32 v39, v42;
	_ =	sdelay $0x4  }
0x11d: {  	[tilespmem:v42+s21+$0x0] =	vst.idx.msk vm13, v2  }
0x11e: {  	v42 =	vld [tilespmem:$0x60];
	_ =	sdelay $0x4  }
0x11f: {  	v62 =	vadd.s32 $0xFFFFFCE0, v42  }
0x120: {  	v42 =	vshll.u32 v42, $0x7;
	vm14 =	vlt.u32 v62, $0xC8  }
0x121: {  	v42 =	vadd.s32 v40, v42;
	_ =	sdelay $0x4  }
0x122: {  	[tilespmem:v42+s21+$0x0] =	vst.idx.msk vm14, v2  }
0x123: {  	v42 =	vld [tilespmem:$0x70];
	_ =	sdelay $0x4  }
0x124: {  	v63 =	vadd.s32 $0xFFFFFCE0, v42  }
0x125: {  	v42 =	vshll.u32 v42, $0x7;
	vm15 =	vlt.u32 v63, $0xC8  }
0x126: {  	v42 =	vadd.s32 v41, v42;
	_ =	sdelay $0x4  }
0x127: {  	[tilespmem:v42+s21+$0x0] =	vst.idx.msk vm15, v2  }
0x128: {  	[hbm4b:s11+s16] =	stream.strided.scatter [tilespmem:s21], [sflag:$0x5], $0x6400, s17, s16, $0x38;
	[tilespmem:$0x1F600] =	vst v63  }
0x129: {  	s31 =	simm.s32 $0x80;
	s30 =	simm.s32 $0x1  }
0x12a: {  	[tilespmem:s31], [sflag:$0x6] =	stream.linear.gather [hbm4b:s12+s4], $0x80, $0x38;
	[tilespmem:$0x1F600] =	vst v63  }
.LBB2_12:
0x12b: {  	p0 =	seq.s32 s30, $0x19  }
0x12c: {  	s3 =	smov.u32 s30;
	s1 =	sadd.s32 $0xFFFFFFFF, s30;
	s30 =	sadd.s32 @!p0 $0x1, s30  }
0x12d: {  	s22 =	smul.u32 @!p0 $0xAB, s30  }
0x12e: {  	s31 =	sshll.u32 s1, $0x18  }
0x12f: {  	s31 =	sshra.s32 s31, $0x18;
	s4 =	sshll.u32 @!p0 s30, $0x7;
	s22 =	sshrl.u32 @!p0 s22, $0x9  }
0x130: {  	s8 =	sshll.u32 @!p0 s30, $0xC;
	s31 =	smul.u32 $0x56, s31;
	s22 =	sand.u32 @!p0 $0x7F, s22  }
0x131: {  	s4 =	sand.u32 @!p0 $0x380, s4;
	s8 =	sand.u32 @!p0 $0x38000, s8;
	s22 =	smul.u32 @!p0 $0x3, s22  }
0x132: {  	s4 =	sor.u32 @!p0 s8, s4;
	s8 =	sshrl.u32 s31, $0x1F;
	s31 =	sshrl.u32 s31, $0x8  }
0x133: {  	s4 =	sor.u32 @!p0 s5, s4;
	s8 =	sadd.s32 s8, s31;
	s22 =	ssub.s32 @!p0 s30, s22  }
0x134: {  	s4 =	sshrl.u32 @!p0 s4, $0x3;
	s31 =	simm.s32 @!p0 $0x0;
	s22 =	sand.u32 @!p0 $0xFF, s22  }
0x135: {  	s8 =	smul.u32 $0x3, s8;
	s4 =	sadd.s32 @!p0 s0, s4;
	s22 =	sshll.u32 @!p0 s22, $0x7  }
0x136: {  	[tilespmem:s22], [sflag:$0x6] =	stream.linear.gather @!p0 [hbm4b:s4+s31], $0x80, $0x38;
	[tilespmem:$0x1F600] =	vst v63  }
0x137: {  	_ =	swait.ge [sflag:s14], $0x80  }
0x138: {  	s1 =	ssub.s32 s1, s8;
	[sflag:s14] =	ssyncset.done $0x0  }
0x139: {  	s1 =	sshll.u32 s1, $0x18;
	[sflag:s14] =	ssyncadd.s32 $0xFFFFFF80  }
0x13a: {  	s1 =	sshra.s32 s1, $0x18;
	_ =	swait.ge [sflag:s23], $0x6400  }
0x13b: {  	s1 =	sshll.u32 s1, $0x9;
	[sflag:s23] =	ssyncset.done $0x0  }
0x13c: {  	s1 =	sshra.s32 s1, $0x2;
	[sflag:s23] =	ssyncadd.s32 $0xFFFF9C00  }
0x13d: {  	v42 =	vld [tilespmem:s1+$0x0];
	_ =	sdelay $0x4  }
0x13e: {  	vm0 =	vlt.u32 v42, $0xC8;
	v42 =	vshll.u32 v42, $0x7  }
0x13f: {  	v42 =	vor.u32 v1, v42;
	_ =	sdelay $0x4  }
0x140: {  	[tilespmem:v42+s15+$0x0] =	vst.idx.msk vm0, v0  }
0x141: {  	v42 =	vld [tilespmem:s1+$0x10];
	_ =	sdelay $0x4  }
0x142: {  	vm9 =	vlt.u32 v42, $0xC8;
	v42 =	vshll.u32 v42, $0x7  }
0x143: {  	v42 =	vor.u32 v3, v42;
	_ =	sdelay $0x4  }
0x144: {  	[tilespmem:v42+s15+$0x0] =	vst.idx.msk vm9, v0  }
0x145: {  	v42 =	vld [tilespmem:s1+$0x20];
	_ =	sdelay $0x4  }
0x146: {  	vm10 =	vlt.u32 v42, $0xC8;
	v42 =	vshll.u32 v42, $0x7  }
0x147: {  	v42 =	vor.u32 v4, v42;
	_ =	sdelay $0x4  }
0x148: {  	[tilespmem:v42+s15+$0x0] =	vst.idx.msk vm10, v0  }
0x149: {  	v42 =	vld [tilespmem:s1+$0x30];
	_ =	sdelay $0x4  }
0x14a: {  	vm11 =	vlt.u32 v42, $0xC8;
	v42 =	vshll.u32 v42, $0x7  }
0x14b: {  	v42 =	vor.u32 v5, v42;
	_ =	sdelay $0x4  }
0x14c: {  	[tilespmem:v42+s15+$0x0] =	vst.idx.msk vm11, v0  }
0x14d: {  	v42 =	vld [tilespmem:s1+$0x40];
	_ =	sdelay $0x4  }
0x14e: {  	vm12 =	vlt.u32 v42, $0xC8;
	v42 =	vshll.u32 v42, $0x7  }
0x14f: {  	v42 =	vor.u32 v6, v42;
	_ =	sdelay $0x4  }
0x150: {  	[tilespmem:v42+s15+$0x0] =	vst.idx.msk vm12, v0  }
0x151: {  	v42 =	vld [tilespmem:s1+$0x50];
	_ =	sdelay $0x4  }
0x152: {  	vm13 =	vlt.u32 v42, $0xC8;
	v42 =	vshll.u32 v42, $0x7  }
0x153: {  	v42 =	vor.u32 v7, v42;
	_ =	sdelay $0x4  }
0x154: {  	[tilespmem:v42+s15+$0x0] =	vst.idx.msk vm13, v0  }
0x155: {  	v42 =	vld [tilespmem:s1+$0x60];
	_ =	sdelay $0x4  }
0x156: {  	vm14 =	vlt.u32 v42, $0xC8;
	v42 =	vshll.u32 v42, $0x7  }
0x157: {  	v42 =	vor.u32 v8, v42;
	_ =	sdelay $0x4  }
0x158: {  	[tilespmem:v42+s15+$0x0] =	vst.idx.msk vm14, v0  }
0x159: {  	v42 =	vld [tilespmem:s1+$0x70];
	_ =	sdelay $0x2  }
0x15a: {  	s8 =	smul.u32 $0xAB, s3;
	_ =	sdelay $0x1  }
0x15b: {  	s4 =	sshrl.u32 s8, $0x9;
	vm15 =	vlt.u32 v42, $0xC8;
	v42 =	vshll.u32 v42, $0x7  }
0x15c: {  	s4 =	sand.u32 $0x7F, s4;
	v42 =	vor.u32 v9, v42  }
0x15d: {  	s4 =	smul.u32 $0x3, s4;
	_ =	sdelay $0x1  }
0x15e: {  	s4 =	ssub.s32 s3, s4  }
0x15f: {  	s4 =	sand.u32 $0xFF, s4  }
0x160: {  	s31 =	sshll.u32 s4, $0x7;
	[tilespmem:v42+s15+$0x0] =	vst.idx.msk vm15, v0  }
0x161: {  	v42 =	vld [tilespmem:s31+$0x0];
	_ =	sdelay $0x4  }
0x162: {  	vm4 =	vlt.u32 v42, $0xC8;
	v42 =	vshll.u32 v42, $0x7  }
0x163: {  	v42 =	vor.u32 v1, v42;
	_ =	sdelay $0x4  }
0x164: {  	[tilespmem:v42+s15+$0x0] =	vst.idx.msk vm4, v2  }
0x165: {  	v42 =	vld [tilespmem:s31+$0x10];
	_ =	sdelay $0x4  }
0x166: {  	vm5 =	vlt.u32 v42, $0xC8;
	v42 =	vshll.u32 v42, $0x7  }
0x167: {  	v42 =	vor.u32 v3, v42;
	_ =	sdelay $0x4  }
0x168: {  	[tilespmem:v42+s15+$0x0] =	vst.idx.msk vm5, v2  }
0x169: {  	v42 =	vld [tilespmem:s31+$0x20];
	_ =	sdelay $0x4  }
0x16a: {  	vm6 =	vlt.u32 v42, $0xC8;
	v42 =	vshll.u32 v42, $0x7  }
0x16b: {  	v42 =	vor.u32 v4, v42;
	_ =	sdelay $0x4  }
0x16c: {  	[tilespmem:v42+s15+$0x0] =	vst.idx.msk vm6, v2  }
0x16d: {  	v42 =	vld [tilespmem:s31+$0x30];
	_ =	sdelay $0x4  }
0x16e: {  	vm7 =	vlt.u32 v42, $0xC8;
	v42 =	vshll.u32 v42, $0x7  }
0x16f: {  	v42 =	vor.u32 v5, v42;
	_ =	sdelay $0x4  }
0x170: {  	[tilespmem:v42+s15+$0x0] =	vst.idx.msk vm7, v2  }
0x171: {  	v42 =	vld [tilespmem:s31+$0x40];
	_ =	sdelay $0x4  }
0x172: {  	vm8 =	vlt.u32 v42, $0xC8;
	v42 =	vshll.u32 v42, $0x7  }
0x173: {  	v42 =	vor.u32 v6, v42;
	_ =	sdelay $0x4  }
0x174: {  	[tilespmem:v42+s15+$0x0] =	vst.idx.msk vm8, v2  }
0x175: {  	v42 =	vld [tilespmem:s31+$0x50];
	_ =	sdelay $0x4  }
0x176: {  	vm9 =	vlt.u32 v42, $0xC8;
	v42 =	vshll.u32 v42, $0x7  }
0x177: {  	v42 =	vor.u32 v7, v42;
	_ =	sdelay $0x4  }
0x178: {  	[tilespmem:v42+s15+$0x0] =	vst.idx.msk vm9, v2  }
0x179: {  	v42 =	vld [tilespmem:s31+$0x60];
	_ =	sdelay $0x4  }
0x17a: {  	vm10 =	vlt.u32 v42, $0xC8;
	v42 =	vshll.u32 v42, $0x7  }
0x17b: {  	v42 =	vor.u32 v8, v42;
	_ =	sdelay $0x4  }
0x17c: {  	[tilespmem:v42+s15+$0x0] =	vst.idx.msk vm10, v2  }
0x17d: {  	v42 =	vld [tilespmem:s31+$0x70];
	_ =	sdelay $0x4  }
0x17e: {  	vm11 =	vlt.u32 v42, $0xC8;
	v42 =	vshll.u32 v42, $0x7  }
0x17f: {  	v42 =	vor.u32 v9, v42  }
0x180: {  	s3 =	smul.u32 $0x3E8000, s3;
	_ =	sdelay $0x1  }
0x181: {  	s3 =	sor.u32 s5, s3  }
0x182: {  	s3 =	sshrl.u32 s3, $0x3  }
0x183: {  	s3 =	sadd.s32 s2, s3;
	[tilespmem:v42+s15+$0x0] =	vst.idx.msk vm11, v2  }
0x184: {  	[hbm4b:s3+s16] =	stream.strided.scatter [tilespmem:s15], [sflag:$0x1], $0x6400, s17, s16, $0x38;
	[tilespmem:$0x1F600] =	vst v63  }
0x185: {  	_ =	swait.ge [sflag:s24], $0x6400  }
0x186: {  	[sflag:s24] =	ssyncset.done $0x0  }
0x187: {  	[sflag:s24] =	ssyncadd.s32 $0xFFFF9C00  }
0x188: {  	v54 =	vld [tilespmem:s1+$0x0];
	_ =	sdelay $0x4  }
0x189: {  	v43 =	vadd.s32 $0xFFFFFF38, v54  }
0x18a: {  	v42 =	vshll.u32 v54, $0x7;
	vm12 =	vlt.u32 v43, $0xC8  }
0x18b: {  	v42 =	vadd.s32 v10, v42;
	_ =	sdelay $0x4  }
0x18c: {  	[tilespmem:v42+s18+$0x0] =	vst.idx.msk vm12, v0  }
0x18d: {  	v42 =	vld [tilespmem:s1+$0x10];
	_ =	sdelay $0x4  }
0x18e: {  	v55 =	vadd.s32 $0xFFFFFF38, v42  }
0x18f: {  	v42 =	vshll.u32 v42, $0x7;
	vm13 =	vlt.u32 v55, $0xC8  }
0x190: {  	v42 =	vadd.s32 v11, v42;
	_ =	sdelay $0x4  }
0x191: {  	[tilespmem:v42+s18+$0x0] =	vst.idx.msk vm13, v0  }
0x192: {  	v42 =	vld [tilespmem:s1+$0x20];
	_ =	sdelay $0x4  }
0x193: {  	v56 =	vadd.s32 $0xFFFFFF38, v42  }
0x194: {  	v42 =	vshll.u32 v42, $0x7;
	vm14 =	vlt.u32 v56, $0xC8  }
0x195: {  	v42 =	vadd.s32 v12, v42;
	_ =	sdelay $0x4  }
0x196: {  	[tilespmem:v42+s18+$0x0] =	vst.idx.msk vm14, v0  }
0x197: {  	v42 =	vld [tilespmem:s1+$0x30];
	_ =	sdelay $0x4  }
0x198: {  	v57 =	vadd.s32 $0xFFFFFF38, v42  }
0x199: {  	v42 =	vshll.u32 v42, $0x7;
	vm15 =	vlt.u32 v57, $0xC8  }
0x19a: {  	v42 =	vadd.s32 v13, v42;
	_ =	sdelay $0x4  }
0x19b: {  	[tilespmem:v42+s18+$0x0] =	vst.idx.msk vm15, v0  }
0x19c: {  	v42 =	vld [tilespmem:s1+$0x40];
	_ =	sdelay $0x4  }
0x19d: {  	v58 =	vadd.s32 $0xFFFFFF38, v42  }
0x19e: {  	v42 =	vshll.u32 v42, $0x7;
	vm4 =	vlt.u32 v58, $0xC8  }
0x19f: {  	v42 =	vadd.s32 v14, v42;
	_ =	sdelay $0x4  }
0x1a0: {  	[tilespmem:v42+s18+$0x0] =	vst.idx.msk vm4, v0  }
0x1a1: {  	v42 =	vld [tilespmem:s1+$0x50];
	_ =	sdelay $0x4  }
0x1a2: {  	v59 =	vadd.s32 $0xFFFFFF38, v42  }
0x1a3: {  	v42 =	vshll.u32 v42, $0x7;
	vm5 =	vlt.u32 v59, $0xC8  }
0x1a4: {  	v42 =	vadd.s32 v15, v42;
	_ =	sdelay $0x4  }
0x1a5: {  	[tilespmem:v42+s18+$0x0] =	vst.idx.msk vm5, v0  }
0x1a6: {  	v42 =	vld [tilespmem:s1+$0x60];
	_ =	sdelay $0x4  }
0x1a7: {  	v60 =	vadd.s32 $0xFFFFFF38, v42  }
0x1a8: {  	v42 =	vshll.u32 v42, $0x7;
	vm6 =	vlt.u32 v60, $0xC8  }
0x1a9: {  	v42 =	vadd.s32 v16, v42;
	_ =	sdelay $0x4  }
0x1aa: {  	[tilespmem:v42+s18+$0x0] =	vst.idx.msk vm6, v0  }
0x1ab: {  	v42 =	vld [tilespmem:s1+$0x70];
	_ =	sdelay $0x4  }
0x1ac: {  	v61 =	vadd.s32 $0xFFFFFF38, v42  }
0x1ad: {  	v42 =	vshll.u32 v42, $0x7;
	vm7 =	vlt.u32 v61, $0xC8  }
0x1ae: {  	v42 =	vadd.s32 v17, v42;
	_ =	sdelay $0x4  }
0x1af: {  	[tilespmem:v42+s18+$0x0] =	vst.idx.msk vm7, v0  }
0x1b0: {  	v42 =	vld [tilespmem:s31+$0x0];
	_ =	sdelay $0x4  }
0x1b1: {  	v62 =	vadd.s32 $0xFFFFFF38, v42  }
0x1b2: {  	v42 =	vshll.u32 v42, $0x7;
	vm8 =	vlt.u32 v62, $0xC8  }
0x1b3: {  	v42 =	vadd.s32 v10, v42;
	_ =	sdelay $0x4  }
0x1b4: {  	[tilespmem:v42+s18+$0x0] =	vst.idx.msk vm8, v2  }
0x1b5: {  	v42 =	vld [tilespmem:s31+$0x10];
	_ =	sdelay $0x4  }
0x1b6: {  	v63 =	vadd.s32 $0xFFFFFF38, v42  }
0x1b7: {  	v42 =	vshll.u32 v42, $0x7;
	vm9 =	vlt.u32 v63, $0xC8  }
0x1b8: {  	v42 =	vadd.s32 v11, v42;
	_ =	sdelay $0x4  }
0x1b9: {  	[tilespmem:v42+s18+$0x0] =	vst.idx.msk vm9, v2  }
0x1ba: {  	v42 =	vld [tilespmem:s31+$0x20];
	_ =	sdelay $0x4  }
0x1bb: {  	v45 =	vadd.s32 $0xFFFFFF38, v42  }
0x1bc: {  	v42 =	vshll.u32 v42, $0x7;
	vm10 =	vlt.u32 v45, $0xC8  }
0x1bd: {  	v42 =	vadd.s32 v12, v42;
	_ =	sdelay $0x4  }
0x1be: {  	[tilespmem:v42+s18+$0x0] =	vst.idx.msk vm10, v2  }
0x1bf: {  	v42 =	vld [tilespmem:s31+$0x30];
	_ =	sdelay $0x4  }
0x1c0: {  	v46 =	vadd.s32 $0xFFFFFF38, v42  }
0x1c1: {  	v42 =	vshll.u32 v42, $0x7;
	vm11 =	vlt.u32 v46, $0xC8  }
0x1c2: {  	v42 =	vadd.s32 v13, v42;
	_ =	sdelay $0x4  }
0x1c3: {  	[tilespmem:v42+s18+$0x0] =	vst.idx.msk vm11, v2  }
0x1c4: {  	v42 =	vld [tilespmem:s31+$0x40];
	_ =	sdelay $0x4  }
0x1c5: {  	v47 =	vadd.s32 $0xFFFFFF38, v42  }
0x1c6: {  	v42 =	vshll.u32 v42, $0x7;
	vm12 =	vlt.u32 v47, $0xC8  }
0x1c7: {  	v42 =	vadd.s32 v14, v42;
	_ =	sdelay $0x4  }
0x1c8: {  	[tilespmem:v42+s18+$0x0] =	vst.idx.msk vm12, v2  }
0x1c9: {  	v42 =	vld [tilespmem:s31+$0x50];
	_ =	sdelay $0x4  }
0x1ca: {  	v48 =	vadd.s32 $0xFFFFFF38, v42  }
0x1cb: {  	v42 =	vshll.u32 v42, $0x7;
	vm13 =	vlt.u32 v48, $0xC8  }
0x1cc: {  	v42 =	vadd.s32 v15, v42;
	_ =	sdelay $0x4  }
0x1cd: {  	[tilespmem:v42+s18+$0x0] =	vst.idx.msk vm13, v2  }
0x1ce: {  	v42 =	vld [tilespmem:s31+$0x60];
	_ =	sdelay $0x4  }
0x1cf: {  	v49 =	vadd.s32 $0xFFFFFF38, v42  }
0x1d0: {  	v42 =	vshll.u32 v42, $0x7;
	vm14 =	vlt.u32 v49, $0xC8  }
0x1d1: {  	v42 =	vadd.s32 v16, v42;
	_ =	sdelay $0x4  }
0x1d2: {  	[tilespmem:v42+s18+$0x0] =	vst.idx.msk vm14, v2  }
0x1d3: {  	v42 =	vld [tilespmem:s31+$0x70];
	_ =	sdelay $0x4  }
0x1d4: {  	v50 =	vadd.s32 $0xFFFFFF38, v42  }
0x1d5: {  	v42 =	vshll.u32 v42, $0x7;
	vm15 =	vlt.u32 v50, $0xC8  }
0x1d6: {  	v42 =	vadd.s32 v17, v42;
	_ =	sdelay $0x4  }
0x1d7: {  	s22 =	sadd.s32 $0x19000, s3;
	[tilespmem:v42+s18+$0x0] =	vst.idx.msk vm15, v2  }
0x1d8: {  	[hbm4b:s22+s16] =	stream.strided.scatter [tilespmem:s18], [sflag:$0x2], $0x6400, s17, s16, $0x38;
	[tilespmem:$0x1F600] =	vst v63  }
0x1d9: {  	_ =	swait.ge [sflag:s25], $0x6400  }
0x1da: {  	[sflag:s25] =	ssyncset.done $0x0  }
0x1db: {  	[sflag:s25] =	ssyncadd.s32 $0xFFFF9C00  }
0x1dc: {  	v51 =	vld [tilespmem:s1+$0x0];
	_ =	sdelay $0x4  }
0x1dd: {  	v52 =	vadd.s32 $0xFFFFFE70, v51  }
0x1de: {  	v42 =	vshll.u32 v51, $0x7;
	vm4 =	vlt.u32 v52, $0xC8  }
0x1df: {  	v42 =	vadd.s32 v18, v42;
	_ =	sdelay $0x4  }
0x1e0: {  	[tilespmem:v42+s19+$0x0] =	vst.idx.msk vm4, v0  }
0x1e1: {  	v42 =	vld [tilespmem:s1+$0x10];
	_ =	sdelay $0x4  }
0x1e2: {  	v53 =	vadd.s32 $0xFFFFFE70, v42  }
0x1e3: {  	v42 =	vshll.u32 v42, $0x7;
	vm5 =	vlt.u32 v53, $0xC8  }
0x1e4: {  	v42 =	vadd.s32 v19, v42;
	_ =	sdelay $0x4  }
0x1e5: {  	[tilespmem:v42+s19+$0x0] =	vst.idx.msk vm5, v0  }
0x1e6: {  	v42 =	vld [tilespmem:s1+$0x20];
	_ =	sdelay $0x4  }
0x1e7: {  	v54 =	vadd.s32 $0xFFFFFE70, v42  }
0x1e8: {  	v42 =	vshll.u32 v42, $0x7;
	vm6 =	vlt.u32 v54, $0xC8  }
0x1e9: {  	v42 =	vadd.s32 v20, v42;
	_ =	sdelay $0x4  }
0x1ea: {  	[tilespmem:v42+s19+$0x0] =	vst.idx.msk vm6, v0  }
0x1eb: {  	v42 =	vld [tilespmem:s1+$0x30];
	_ =	sdelay $0x4  }
0x1ec: {  	v55 =	vadd.s32 $0xFFFFFE70, v42  }
0x1ed: {  	v42 =	vshll.u32 v42, $0x7;
	vm7 =	vlt.u32 v55, $0xC8  }
0x1ee: {  	v42 =	vadd.s32 v21, v42;
	_ =	sdelay $0x4  }
0x1ef: {  	[tilespmem:v42+s19+$0x0] =	vst.idx.msk vm7, v0  }
0x1f0: {  	v42 =	vld [tilespmem:s1+$0x40];
	_ =	sdelay $0x4  }
0x1f1: {  	v56 =	vadd.s32 $0xFFFFFE70, v42  }
0x1f2: {  	v42 =	vshll.u32 v42, $0x7;
	vm8 =	vlt.u32 v56, $0xC8  }
0x1f3: {  	v42 =	vadd.s32 v22, v42;
	_ =	sdelay $0x4  }
0x1f4: {  	[tilespmem:v42+s19+$0x0] =	vst.idx.msk vm8, v0  }
0x1f5: {  	v42 =	vld [tilespmem:s1+$0x50];
	_ =	sdelay $0x4  }
0x1f6: {  	v57 =	vadd.s32 $0xFFFFFE70, v42  }
0x1f7: {  	v42 =	vshll.u32 v42, $0x7;
	vm9 =	vlt.u32 v57, $0xC8  }
0x1f8: {  	v42 =	vadd.s32 v23, v42;
	_ =	sdelay $0x4  }
0x1f9: {  	[tilespmem:v42+s19+$0x0] =	vst.idx.msk vm9, v0  }
0x1fa: {  	v42 =	vld [tilespmem:s1+$0x60];
	_ =	sdelay $0x4  }
0x1fb: {  	v58 =	vadd.s32 $0xFFFFFE70, v42  }
0x1fc: {  	v42 =	vshll.u32 v42, $0x7;
	vm10 =	vlt.u32 v58, $0xC8  }
0x1fd: {  	v42 =	vadd.s32 v24, v42;
	_ =	sdelay $0x4  }
0x1fe: {  	[tilespmem:v42+s19+$0x0] =	vst.idx.msk vm10, v0  }
0x1ff: {  	v42 =	vld [tilespmem:s1+$0x70];
	_ =	sdelay $0x4  }
0x200: {  	v59 =	vadd.s32 $0xFFFFFE70, v42  }
0x201: {  	v42 =	vshll.u32 v42, $0x7;
	vm11 =	vlt.u32 v59, $0xC8  }
0x202: {  	v42 =	vadd.s32 v25, v42;
	_ =	sdelay $0x4  }
0x203: {  	[tilespmem:v42+s19+$0x0] =	vst.idx.msk vm11, v0  }
0x204: {  	v42 =	vld [tilespmem:s31+$0x0];
	_ =	sdelay $0x4  }
0x205: {  	v60 =	vadd.s32 $0xFFFFFE70, v42  }
0x206: {  	v42 =	vshll.u32 v42, $0x7;
	vm12 =	vlt.u32 v60, $0xC8  }
0x207: {  	v42 =	vadd.s32 v18, v42;
	_ =	sdelay $0x4  }
0x208: {  	[tilespmem:v42+s19+$0x0] =	vst.idx.msk vm12, v2  }
0x209: {  	v42 =	vld [tilespmem:s31+$0x10];
	_ =	sdelay $0x4  }
0x20a: {  	v61 =	vadd.s32 $0xFFFFFE70, v42  }
0x20b: {  	v42 =	vshll.u32 v42, $0x7;
	vm13 =	vlt.u32 v61, $0xC8  }
0x20c: {  	v42 =	vadd.s32 v19, v42;
	_ =	sdelay $0x4  }
0x20d: {  	[tilespmem:v42+s19+$0x0] =	vst.idx.msk vm13, v2  }
0x20e: {  	v42 =	vld [tilespmem:s31+$0x20];
	_ =	sdelay $0x4  }
0x20f: {  	v62 =	vadd.s32 $0xFFFFFE70, v42  }
0x210: {  	v42 =	vshll.u32 v42, $0x7;
	vm14 =	vlt.u32 v62, $0xC8  }
0x211: {  	v42 =	vadd.s32 v20, v42;
	_ =	sdelay $0x4  }
0x212: {  	[tilespmem:v42+s19+$0x0] =	vst.idx.msk vm14, v2  }
0x213: {  	v42 =	vld [tilespmem:s31+$0x30];
	_ =	sdelay $0x4  }
0x214: {  	v63 =	vadd.s32 $0xFFFFFE70, v42  }
0x215: {  	v42 =	vshll.u32 v42, $0x7;
	vm15 =	vlt.u32 v63, $0xC8  }
0x216: {  	v42 =	vadd.s32 v21, v42;
	_ =	sdelay $0x4  }
0x217: {  	[tilespmem:v42+s19+$0x0] =	vst.idx.msk vm15, v2  }
0x218: {  	v42 =	vld [tilespmem:s31+$0x40];
	_ =	sdelay $0x4  }
0x219: {  	v45 =	vadd.s32 $0xFFFFFE70, v42  }
0x21a: {  	v42 =	vshll.u32 v42, $0x7;
	vm4 =	vlt.u32 v45, $0xC8  }
0x21b: {  	v42 =	vadd.s32 v22, v42;
	_ =	sdelay $0x4  }
0x21c: {  	[tilespmem:v42+s19+$0x0] =	vst.idx.msk vm4, v2  }
0x21d: {  	v42 =	vld [tilespmem:s31+$0x50];
	_ =	sdelay $0x4  }
0x21e: {  	v46 =	vadd.s32 $0xFFFFFE70, v42  }
0x21f: {  	v42 =	vshll.u32 v42, $0x7;
	vm5 =	vlt.u32 v46, $0xC8  }
0x220: {  	v42 =	vadd.s32 v23, v42;
	_ =	sdelay $0x4  }
0x221: {  	[tilespmem:v42+s19+$0x0] =	vst.idx.msk vm5, v2  }
0x222: {  	v42 =	vld [tilespmem:s31+$0x60];
	_ =	sdelay $0x4  }
0x223: {  	v47 =	vadd.s32 $0xFFFFFE70, v42  }
0x224: {  	v42 =	vshll.u32 v42, $0x7;
	vm6 =	vlt.u32 v47, $0xC8  }
0x225: {  	v42 =	vadd.s32 v24, v42;
	_ =	sdelay $0x4  }
0x226: {  	[tilespmem:v42+s19+$0x0] =	vst.idx.msk vm6, v2  }
0x227: {  	v42 =	vld [tilespmem:s31+$0x70];
	_ =	sdelay $0x4  }
0x228: {  	v48 =	vadd.s32 $0xFFFFFE70, v42  }
0x229: {  	v42 =	vshll.u32 v42, $0x7;
	vm7 =	vlt.u32 v48, $0xC8  }
0x22a: {  	v42 =	vadd.s32 v25, v42;
	_ =	sdelay $0x4  }
0x22b: {  	s8 =	sadd.s32 $0x32000, s3;
	[tilespmem:v42+s19+$0x0] =	vst.idx.msk vm7, v2  }
0x22c: {  	[hbm4b:s8+s16] =	stream.strided.scatter [tilespmem:s19], [sflag:$0x3], $0x6400, s17, s16, $0x38;
	[tilespmem:$0x1F600] =	vst v63  }
0x22d: {  	_ =	swait.ge [sflag:s26], $0x6400  }
0x22e: {  	[sflag:s26] =	ssyncset.done $0x0  }
0x22f: {  	[sflag:s26] =	ssyncadd.s32 $0xFFFF9C00  }
0x230: {  	v49 =	vld [tilespmem:s1+$0x0];
	_ =	sdelay $0x4  }
0x231: {  	v50 =	vadd.s32 $0xFFFFFDA8, v49  }
0x232: {  	v42 =	vshll.u32 v49, $0x7;
	vm8 =	vlt.u32 v50, $0xC8  }
0x233: {  	v42 =	vadd.s32 v26, v42;
	_ =	sdelay $0x4  }
0x234: {  	[tilespmem:v42+s20+$0x0] =	vst.idx.msk vm8, v0  }
0x235: {  	v42 =	vld [tilespmem:s1+$0x10];
	_ =	sdelay $0x4  }
0x236: {  	v51 =	vadd.s32 $0xFFFFFDA8, v42  }
0x237: {  	v42 =	vshll.u32 v42, $0x7;
	vm9 =	vlt.u32 v51, $0xC8  }
0x238: {  	v42 =	vadd.s32 v27, v42;
	_ =	sdelay $0x4  }
0x239: {  	[tilespmem:v42+s20+$0x0] =	vst.idx.msk vm9, v0  }
0x23a: {  	v42 =	vld [tilespmem:s1+$0x20];
	_ =	sdelay $0x4  }
0x23b: {  	v52 =	vadd.s32 $0xFFFFFDA8, v42  }
0x23c: {  	v42 =	vshll.u32 v42, $0x7;
	vm10 =	vlt.u32 v52, $0xC8  }
0x23d: {  	v42 =	vadd.s32 v28, v42;
	_ =	sdelay $0x4  }
0x23e: {  	[tilespmem:v42+s20+$0x0] =	vst.idx.msk vm10, v0  }
0x23f: {  	v42 =	vld [tilespmem:s1+$0x30];
	_ =	sdelay $0x4  }
0x240: {  	v53 =	vadd.s32 $0xFFFFFDA8, v42  }
0x241: {  	v42 =	vshll.u32 v42, $0x7;
	vm11 =	vlt.u32 v53, $0xC8  }
0x242: {  	v42 =	vadd.s32 v29, v42;
	_ =	sdelay $0x4  }
0x243: {  	[tilespmem:v42+s20+$0x0] =	vst.idx.msk vm11, v0  }
0x244: {  	v42 =	vld [tilespmem:s1+$0x40];
	_ =	sdelay $0x4  }
0x245: {  	v54 =	vadd.s32 $0xFFFFFDA8, v42  }
0x246: {  	v42 =	vshll.u32 v42, $0x7;
	vm12 =	vlt.u32 v54, $0xC8  }
0x247: {  	v42 =	vadd.s32 v30, v42;
	_ =	sdelay $0x4  }
0x248: {  	[tilespmem:v42+s20+$0x0] =	vst.idx.msk vm12, v0  }
0x249: {  	v42 =	vld [tilespmem:s1+$0x50];
	_ =	sdelay $0x4  }
0x24a: {  	v55 =	vadd.s32 $0xFFFFFDA8, v42  }
0x24b: {  	v42 =	vshll.u32 v42, $0x7;
	vm13 =	vlt.u32 v55, $0xC8  }
0x24c: {  	v42 =	vadd.s32 v31, v42;
	_ =	sdelay $0x4  }
0x24d: {  	[tilespmem:v42+s20+$0x0] =	vst.idx.msk vm13, v0  }
0x24e: {  	v42 =	vld [tilespmem:s1+$0x60];
	_ =	sdelay $0x4  }
0x24f: {  	v56 =	vadd.s32 $0xFFFFFDA8, v42  }
0x250: {  	v42 =	vshll.u32 v42, $0x7;
	vm14 =	vlt.u32 v56, $0xC8  }
0x251: {  	v42 =	vadd.s32 v32, v42;
	_ =	sdelay $0x4  }
0x252: {  	[tilespmem:v42+s20+$0x0] =	vst.idx.msk vm14, v0  }
0x253: {  	v42 =	vld [tilespmem:s1+$0x70];
	_ =	sdelay $0x4  }
0x254: {  	v57 =	vadd.s32 $0xFFFFFDA8, v42  }
0x255: {  	v42 =	vshll.u32 v42, $0x7;
	vm15 =	vlt.u32 v57, $0xC8  }
0x256: {  	v42 =	vadd.s32 v33, v42;
	_ =	sdelay $0x4  }
0x257: {  	[tilespmem:v42+s20+$0x0] =	vst.idx.msk vm15, v0  }
0x258: {  	v42 =	vld [tilespmem:s31+$0x0];
	_ =	sdelay $0x4  }
0x259: {  	v58 =	vadd.s32 $0xFFFFFDA8, v42  }
0x25a: {  	v42 =	vshll.u32 v42, $0x7;
	vm4 =	vlt.u32 v58, $0xC8  }
0x25b: {  	v42 =	vadd.s32 v26, v42;
	_ =	sdelay $0x4  }
0x25c: {  	[tilespmem:v42+s20+$0x0] =	vst.idx.msk vm4, v2  }
0x25d: {  	v42 =	vld [tilespmem:s31+$0x10];
	_ =	sdelay $0x4  }
0x25e: {  	v59 =	vadd.s32 $0xFFFFFDA8, v42  }
0x25f: {  	v42 =	vshll.u32 v42, $0x7;
	vm5 =	vlt.u32 v59, $0xC8  }
0x260: {  	v42 =	vadd.s32 v27, v42;
	_ =	sdelay $0x4  }
0x261: {  	[tilespmem:v42+s20+$0x0] =	vst.idx.msk vm5, v2  }
0x262: {  	v42 =	vld [tilespmem:s31+$0x20];
	_ =	sdelay $0x4  }
0x263: {  	v60 =	vadd.s32 $0xFFFFFDA8, v42  }
0x264: {  	v42 =	vshll.u32 v42, $0x7;
	vm6 =	vlt.u32 v60, $0xC8  }
0x265: {  	v42 =	vadd.s32 v28, v42;
	_ =	sdelay $0x4  }
0x266: {  	[tilespmem:v42+s20+$0x0] =	vst.idx.msk vm6, v2  }
0x267: {  	v42 =	vld [tilespmem:s31+$0x30];
	_ =	sdelay $0x4  }
0x268: {  	v61 =	vadd.s32 $0xFFFFFDA8, v42  }
0x269: {  	v42 =	vshll.u32 v42, $0x7;
	vm7 =	vlt.u32 v61, $0xC8  }
0x26a: {  	v42 =	vadd.s32 v29, v42;
	_ =	sdelay $0x4  }
0x26b: {  	[tilespmem:v42+s20+$0x0] =	vst.idx.msk vm7, v2  }
0x26c: {  	v42 =	vld [tilespmem:s31+$0x40];
	_ =	sdelay $0x4  }
0x26d: {  	v62 =	vadd.s32 $0xFFFFFDA8, v42  }
0x26e: {  	v42 =	vshll.u32 v42, $0x7;
	vm8 =	vlt.u32 v62, $0xC8  }
0x26f: {  	v42 =	vadd.s32 v30, v42;
	_ =	sdelay $0x4  }
0x270: {  	[tilespmem:v42+s20+$0x0] =	vst.idx.msk vm8, v2  }
0x271: {  	v42 =	vld [tilespmem:s31+$0x50];
	_ =	sdelay $0x4  }
0x272: {  	v63 =	vadd.s32 $0xFFFFFDA8, v42  }
0x273: {  	v42 =	vshll.u32 v42, $0x7;
	vm9 =	vlt.u32 v63, $0xC8  }
0x274: {  	v42 =	vadd.s32 v31, v42;
	_ =	sdelay $0x4  }
0x275: {  	[tilespmem:v42+s20+$0x0] =	vst.idx.msk vm9, v2  }
0x276: {  	v42 =	vld [tilespmem:s31+$0x60];
	_ =	sdelay $0x4  }
0x277: {  	v45 =	vadd.s32 $0xFFFFFDA8, v42  }
0x278: {  	v42 =	vshll.u32 v42, $0x7;
	vm10 =	vlt.u32 v45, $0xC8  }
0x279: {  	v42 =	vadd.s32 v32, v42;
	_ =	sdelay $0x4  }
0x27a: {  	[tilespmem:v42+s20+$0x0] =	vst.idx.msk vm10, v2  }
0x27b: {  	v42 =	vld [tilespmem:s31+$0x70];
	_ =	sdelay $0x4  }
0x27c: {  	v46 =	vadd.s32 $0xFFFFFDA8, v42  }
0x27d: {  	v42 =	vshll.u32 v42, $0x7;
	vm11 =	vlt.u32 v46, $0xC8  }
0x27e: {  	v42 =	vadd.s32 v33, v42;
	_ =	sdelay $0x4  }
0x27f: {  	s22 =	sadd.s32 $0x4B000, s3;
	[tilespmem:v42+s20+$0x0] =	vst.idx.msk vm11, v2  }
0x280: {  	[hbm4b:s22+s16] =	stream.strided.scatter [tilespmem:s20], [sflag:$0x4], $0x6400, s17, s16, $0x38;
	[tilespmem:$0x1F600] =	vst v63  }
0x281: {  	_ =	swait.ge [sflag:s28], $0x6400  }
0x282: {  	[sflag:s28] =	ssyncset.done $0x0  }
0x283: {  	[sflag:s28] =	ssyncadd.s32 $0xFFFF9C00  }
0x284: {  	v47 =	vld [tilespmem:s1+$0x0];
	_ =	sdelay $0x4  }
0x285: {  	v48 =	vadd.s32 $0xFFFFFCE0, v47  }
0x286: {  	v42 =	vshll.u32 v47, $0x7;
	vm12 =	vlt.u32 v48, $0xC8  }
0x287: {  	v42 =	vadd.s32 v34, v42;
	_ =	sdelay $0x4  }
0x288: {  	[tilespmem:v42+s21+$0x0] =	vst.idx.msk vm12, v0  }
0x289: {  	v42 =	vld [tilespmem:s1+$0x10];
	_ =	sdelay $0x4  }
0x28a: {  	v49 =	vadd.s32 $0xFFFFFCE0, v42  }
0x28b: {  	v42 =	vshll.u32 v42, $0x7;
	vm13 =	vlt.u32 v49, $0xC8  }
0x28c: {  	v42 =	vadd.s32 v35, v42;
	_ =	sdelay $0x4  }
0x28d: {  	[tilespmem:v42+s21+$0x0] =	vst.idx.msk vm13, v0  }
0x28e: {  	v42 =	vld [tilespmem:s1+$0x20];
	_ =	sdelay $0x4  }
0x28f: {  	v50 =	vadd.s32 $0xFFFFFCE0, v42  }
0x290: {  	v42 =	vshll.u32 v42, $0x7;
	vm14 =	vlt.u32 v50, $0xC8  }
0x291: {  	v42 =	vadd.s32 v36, v42;
	_ =	sdelay $0x4  }
0x292: {  	[tilespmem:v42+s21+$0x0] =	vst.idx.msk vm14, v0  }
0x293: {  	v42 =	vld [tilespmem:s1+$0x30];
	_ =	sdelay $0x4  }
0x294: {  	v51 =	vadd.s32 $0xFFFFFCE0, v42  }
0x295: {  	v42 =	vshll.u32 v42, $0x7;
	vm15 =	vlt.u32 v51, $0xC8  }
0x296: {  	v42 =	vadd.s32 v37, v42;
	_ =	sdelay $0x4  }
0x297: {  	[tilespmem:v42+s21+$0x0] =	vst.idx.msk vm15, v0  }
0x298: {  	v42 =	vld [tilespmem:s1+$0x40];
	_ =	sdelay $0x4  }
0x299: {  	v52 =	vadd.s32 $0xFFFFFCE0, v42  }
0x29a: {  	v42 =	vshll.u32 v42, $0x7;
	vm4 =	vlt.u32 v52, $0xC8  }
0x29b: {  	v42 =	vadd.s32 v38, v42;
	_ =	sdelay $0x4  }
0x29c: {  	[tilespmem:v42+s21+$0x0] =	vst.idx.msk vm4, v0  }
0x29d: {  	v42 =	vld [tilespmem:s1+$0x50];
	_ =	sdelay $0x4  }
0x29e: {  	v53 =	vadd.s32 $0xFFFFFCE0, v42  }
0x29f: {  	v42 =	vshll.u32 v42, $0x7;
	vm5 =	vlt.u32 v53, $0xC8  }
0x2a0: {  	v42 =	vadd.s32 v39, v42;
	_ =	sdelay $0x4  }
0x2a1: {  	[tilespmem:v42+s21+$0x0] =	vst.idx.msk vm5, v0  }
0x2a2: {  	v42 =	vld [tilespmem:s1+$0x60];
	_ =	sdelay $0x4  }
0x2a3: {  	v54 =	vadd.s32 $0xFFFFFCE0, v42  }
0x2a4: {  	v42 =	vshll.u32 v42, $0x7;
	vm6 =	vlt.u32 v54, $0xC8  }
0x2a5: {  	v42 =	vadd.s32 v40, v42;
	_ =	sdelay $0x4  }
0x2a6: {  	[tilespmem:v42+s21+$0x0] =	vst.idx.msk vm6, v0  }
0x2a7: {  	v42 =	vld [tilespmem:s1+$0x70];
	_ =	sdelay $0x4  }
0x2a8: {  	v55 =	vadd.s32 $0xFFFFFCE0, v42  }
0x2a9: {  	v42 =	vshll.u32 v42, $0x7;
	vm7 =	vlt.u32 v55, $0xC8  }
0x2aa: {  	v42 =	vadd.s32 v41, v42;
	_ =	sdelay $0x4  }
0x2ab: {  	[tilespmem:v42+s21+$0x0] =	vst.idx.msk vm7, v0  }
0x2ac: {  	v42 =	vld [tilespmem:s31+$0x0];
	_ =	sdelay $0x4  }
0x2ad: {  	v56 =	vadd.s32 $0xFFFFFCE0, v42  }
0x2ae: {  	v42 =	vshll.u32 v42, $0x7;
	vm8 =	vlt.u32 v56, $0xC8  }
0x2af: {  	v42 =	vadd.s32 v34, v42;
	_ =	sdelay $0x4  }
0x2b0: {  	[tilespmem:v42+s21+$0x0] =	vst.idx.msk vm8, v2  }
0x2b1: {  	v42 =	vld [tilespmem:s31+$0x10];
	_ =	sdelay $0x4  }
0x2b2: {  	v57 =	vadd.s32 $0xFFFFFCE0, v42  }
0x2b3: {  	v42 =	vshll.u32 v42, $0x7;
	vm9 =	vlt.u32 v57, $0xC8  }
0x2b4: {  	v42 =	vadd.s32 v35, v42;
	_ =	sdelay $0x4  }
0x2b5: {  	[tilespmem:v42+s21+$0x0] =	vst.idx.msk vm9, v2  }
0x2b6: {  	v42 =	vld [tilespmem:s31+$0x20];
	_ =	sdelay $0x4  }
0x2b7: {  	v58 =	vadd.s32 $0xFFFFFCE0, v42  }
0x2b8: {  	v42 =	vshll.u32 v42, $0x7;
	vm10 =	vlt.u32 v58, $0xC8  }
0x2b9: {  	v42 =	vadd.s32 v36, v42;
	_ =	sdelay $0x4  }
0x2ba: {  	[tilespmem:v42+s21+$0x0] =	vst.idx.msk vm10, v2  }
0x2bb: {  	v42 =	vld [tilespmem:s31+$0x30];
	_ =	sdelay $0x4  }
0x2bc: {  	v59 =	vadd.s32 $0xFFFFFCE0, v42  }
0x2bd: {  	v42 =	vshll.u32 v42, $0x7;
	vm11 =	vlt.u32 v59, $0xC8  }
0x2be: {  	v42 =	vadd.s32 v37, v42;
	_ =	sdelay $0x4  }
0x2bf: {  	[tilespmem:v42+s21+$0x0] =	vst.idx.msk vm11, v2  }
0x2c0: {  	v42 =	vld [tilespmem:s31+$0x40];
	_ =	sdelay $0x4  }
0x2c1: {  	v60 =	vadd.s32 $0xFFFFFCE0, v42  }
0x2c2: {  	v42 =	vshll.u32 v42, $0x7;
	vm12 =	vlt.u32 v60, $0xC8  }
0x2c3: {  	v42 =	vadd.s32 v38, v42;
	_ =	sdelay $0x4  }
0x2c4: {  	[tilespmem:v42+s21+$0x0] =	vst.idx.msk vm12, v2  }
0x2c5: {  	v42 =	vld [tilespmem:s31+$0x50];
	_ =	sdelay $0x4  }
0x2c6: {  	v61 =	vadd.s32 $0xFFFFFCE0, v42  }
0x2c7: {  	v42 =	vshll.u32 v42, $0x7;
	vm13 =	vlt.u32 v61, $0xC8  }
0x2c8: {  	v42 =	vadd.s32 v39, v42;
	_ =	sdelay $0x4  }
0x2c9: {  	[tilespmem:v42+s21+$0x0] =	vst.idx.msk vm13, v2  }
0x2ca: {  	v42 =	vld [tilespmem:s31+$0x60];
	_ =	sdelay $0x4  }
0x2cb: {  	v62 =	vadd.s32 $0xFFFFFCE0, v42  }
0x2cc: {  	v42 =	vshll.u32 v42, $0x7;
	vm14 =	vlt.u32 v62, $0xC8  }
0x2cd: {  	v42 =	vadd.s32 v40, v42;
	_ =	sdelay $0x4  }
0x2ce: {  	[tilespmem:v42+s21+$0x0] =	vst.idx.msk vm14, v2  }
0x2cf: {  	v42 =	vld [tilespmem:s31+$0x70];
	_ =	sdelay $0x4  }
0x2d0: {  	v63 =	vadd.s32 $0xFFFFFCE0, v42  }
0x2d1: {  	v42 =	vshll.u32 v42, $0x7;
	vm15 =	vlt.u32 v63, $0xC8  }
0x2d2: {  	s30 =	simm.s32 @p0 $0x1A;
	v42 =	vadd.s32 v41, v42  }
0x2d3: {  	p0 =	sne.s32 s30, $0x1A  }
.Ltmp5:
0x2d4: {  	_ = 	snop;
	(pc) =	sbr.rel @p0 .LBB2_12-.Ltmp5, $3  }
0x2d5: {  	_ =	sdelay $0x1  }
0x2d6: {  	s31 =	sadd.s32 $0x64000, s3;
	[tilespmem:v42+s21+$0x0] =	vst.idx.msk vm15, v2  }
0x2d7: {  	[hbm4b:s31+s16] =	stream.strided.scatter [tilespmem:s21], [sflag:$0x5], $0x6400, s17, s16, $0x38;
	[tilespmem:$0x1F600] =	vst v63  }
0x2d8: {  	_ =	swait.ge [sflag:s23], $0x6400  }
0x2d9: {  	[sflag:s23] =	ssyncset.done $0x0  }
0x2da: {  	[sflag:s23] =	ssyncadd.s32 $0xFFFF9C00  }
0x2db: {  	_ =	swait.ge [sflag:s24], $0x6400  }
0x2dc: {  	[sflag:s24] =	ssyncset.done $0x0  }
0x2dd: {  	[sflag:s24] =	ssyncadd.s32 $0xFFFF9C00  }
0x2de: {  	_ =	swait.ge [sflag:s25], $0x6400  }
0x2df: {  	[sflag:s25] =	ssyncset.done $0x0  }
0x2e0: {  	s29 =	sadd.s32 $0x1, s29;
	[sflag:s25] =	ssyncadd.s32 $0xFFFF9C00  }
0x2e1: {  	p0 =	sne.s32 s29, s13;
	_ =	swait.ge [sflag:s26], $0x6400  }
.Ltmp6:
0x2e2: {  	[sflag:s26] =	ssyncset.done $0x0;
	(pc) =	sbr.rel @p0 .LBB2_1-.Ltmp6, $4  }
0x2e3: {  	[sflag:s26] =	ssyncadd.s32 $0xFFFF9C00  }
0x2e4: {  	_ =	swait.ge [sflag:s28], $0x6400  }
0x2e5: {  	[sflag:s28] =	ssyncset.done $0x0  }
0x2e6: {  	s4 =	simm.s32 $0x0;
	[sflag:s28] =	ssyncadd.s32 $0xFFFF9C00  }
0x2e7: {  	_ =	sfence.sel $0x180000  }
0x2e8: {  	[bflag:$0x0] =	sbarrier.arrive $0xFFFF  }
0x2e9: {  	_ =	strace $0x90000047  }
0x2ea: {  	s0 =	stileid.u32;
	[bflag:$0x2] =	sbarrier.arrive $0xFFFF  }
0x2eb: {  	p0 =	sne.s32 s0, $0x0;
	s0 =	rddreg [dreg:$0x2]  }
0x2ec: {  	s0 =	sadd.s32 @!p0 $0x100000, s0  }
0x2ed: {  	[sflag:s0] =	ssyncadd.tile.s32 @!p0 $0x1;
	_ =	shalt  }
.Lfunc_end2:
_tile_overlayer_lowered:
.L_overlay_start_2:
0x2ee: {  	(tag) =	ssettag $0x2  }
0x2ef: {  	s0 =	rddreg [dreg:$0x0];
	s2 =	stileid.u32  }
0x2f0: {  	s1 =	rddreg [dreg:$0x1];
	p0 =	sne.s32 s2, $0x0  }
0x2f1: {  	s3 =	rddreg [dreg:$0x2];
	[bflag:$0x3] =	sbarrier.arrive $0xFFFF;
	s2 =	simm.s32 @!p0 $0x1C07  }
0x2f2: {  	[timem:s3], [sflag:s2] =	dma.local @!p0 [hbm:s0], s1  }
0x2f3: {  	s0 =	simm.s32 @!p0 $0x7  }
0x2f4: {  	_ =	swait.ge @!p0 [sflag:s0], s1  }
0x2f5: {  	s1 =	ssub.s32 @!p0 $0x0, s1;
	[sflag:s0] =	ssyncset.done @!p0 $0x0  }
0x2f6: {  	[sflag:s0] =	ssyncadd.s32 @!p0 s1  }
0x2f7: {  	[bflag:$0x3] =	sbarrier.arrive $0xFFFF  }
0x2f8: {  	_ =	shalt  }

</sc_bundles>
